<compile_context>
chip_gen: v7x
topology: tpu7x:2x2x1
jax: 0.10.2.dev20260603
libtpu: 0.0.44.dev20260713+nightly
codegen_flags: <defaults>
</compile_context>

<pallas_src>
import functools

import jax
import jax.numpy as jnp
from jax import lax
from jax.experimental import pallas as pl
from jax.experimental.pallas import tpu as pltpu
from jax.experimental.pallas import tpu_sc as plsc

N_VIEWS = 2048
N_POINTS = 200000
N_OBS = 2000000
CX, CY = 512.0, 512.0

CHUNK = 3200
N_CHUNKS = N_OBS // CHUNK
N_WORKERS = 32
GROUPS = CHUNK // 16
NBUF = 3

_RSQRT_MAGIC = 0x5F3759DF


def _view_table_body(eulerT_ref, transT_ref, focal_ref, out_ref):
    f = focal_ref[0, 0]
    a0 = eulerT_ref[0:1, :]
    a1 = eulerT_ref[1:2, :]
    a2 = eulerT_ref[2:3, :]
    c0, s0 = jnp.cos(a0), jnp.sin(a0)
    c1, s1 = jnp.cos(a1), jnp.sin(a1)
    c2, s2 = jnp.cos(a2), jnp.sin(a2)
    t0 = transT_ref[0:1, :]
    t1 = transT_ref[1:2, :]
    t2 = transT_ref[2:3, :]
    r00 = c1 * c2
    r01 = -(c1 * s2)
    r02 = s1
    r10 = s0 * s1 * c2 + c0 * s2
    r11 = -(s0 * s1 * s2) + c0 * c2
    r12 = -(s0 * c1)
    r20 = -(c0 * s1 * c2) + s0 * s2
    r21 = c0 * s1 * s2 + s0 * c2
    r22 = c0 * c1
    out_ref[...] = jnp.concatenate(
        [
            -f * r00, -f * r01, -f * r02, -f * t0,
            f * r10, f * r11, f * r12, f * t1,
            r20, r21, r22, t2,
        ],
        axis=0,
    )


def _build_view_table(euler_angles, translations, focal):
    return pl.pallas_call(
        _view_table_body,
        out_shape=jax.ShapeDtypeStruct((12, N_VIEWS), jnp.float32),
    )(euler_angles.T, translations.T, focal.reshape(1, 1))


def _pack_bf16_pair(hi, lo):
    hi_u = jax.lax.bitcast_convert_type(
        hi.astype(jnp.bfloat16), jnp.uint16).astype(jnp.uint32)
    lo_u = jax.lax.bitcast_convert_type(
        lo.astype(jnp.bfloat16), jnp.uint16).astype(jnp.uint32)
    return jax.lax.bitcast_convert_type((hi_u << 16) | lo_u, jnp.int32)


def _make_sc_kernel():
    mesh = plsc.VectorSubcoreMesh(core_axis_name="c", subcore_axis_name="s")

    scratch = [pltpu.VMEM((N_VIEWS,), jnp.float32) for _ in range(12)]
    for _ in range(NBUF):
        scratch += [
            pltpu.VMEM((CHUNK,), jnp.int32),
            pltpu.VMEM((CHUNK,), jnp.int32),
            pltpu.VMEM((CHUNK,), jnp.int32),
            pltpu.VMEM((CHUNK,), jnp.int32),
            pltpu.VMEM((CHUNK,), jnp.float32),
            pltpu.VMEM((CHUNK,), jnp.float32),
        ]
    scratch += [
        pltpu.VMEM_SHARED((N_POINTS,), jnp.int32),
        pltpu.VMEM_SHARED((N_POINTS,), jnp.float32),
        pltpu.SemaphoreType.DMA((NBUF,)),
        pltpu.SemaphoreType.DMA((NBUF,)),
        pltpu.SemaphoreType.DMA((NBUF,)),
    ]

    @functools.partial(
        pl.kernel,
        mesh=mesh,
        out_type=jax.ShapeDtypeStruct((N_OBS,), jnp.float32),
        compiler_params=pltpu.CompilerParams(needs_layout_passes=False),
        scratch_types=scratch,
    )
    def sc_kernel(viewtab_hbm, vids_hbm, pids_hbm, obs_hbm,
                  pxy_hbm, pz_hbm, out_hbm, *scr):
        vt = scr[0:12]
        scr = scr[12:]
        bufs = [scr[6 * b:6 * (b + 1)] for b in range(NBUF)]
        pxy_sh, pz_sh = scr[6 * NBUF:6 * NBUF + 2]
        sem_in, sem_g, sem_out = scr[6 * NBUF + 2:6 * NBUF + 5]
        w = lax.axis_index("s") * 2 + lax.axis_index("c")

        @pl.when(lax.axis_index("s") == 0)
        def _():
            pltpu.sync_copy(pxy_hbm, pxy_sh)
            pltpu.sync_copy(pz_hbm, pz_sh)

        for jj in range(12):
            pltpu.sync_copy(viewtab_hbm.at[pl.ds(jj * N_VIEWS, N_VIEWS)],
                            vt[jj])
        n_my = (N_CHUNKS - 1 - w) // N_WORKERS + 1

        def base_of(j):
            return (w + j * N_WORKERS) * CHUNK

        def load(j, b):
            base = base_of(j)
            pid_v, vid_v, obs_v = bufs[b][0], bufs[b][1], bufs[b][2]
            pltpu.async_copy(pids_hbm.at[pl.ds(base, CHUNK)], pid_v,
                             sem_in.at[b])
            pltpu.async_copy(vids_hbm.at[pl.ds(base, CHUNK)], vid_v,
                             sem_in.at[b])
            pltpu.async_copy(obs_hbm.at[pl.ds(base, CHUNK)], obs_v,
                             sem_in.at[b])

        def wait_load(b):
            pid_v, vid_v, obs_v = bufs[b][0], bufs[b][1], bufs[b][2]
            pltpu.make_async_copy(pids_hbm.at[pl.ds(0, CHUNK)], pid_v,
                                  sem_in.at[b]).wait()
            pltpu.make_async_copy(vids_hbm.at[pl.ds(0, CHUNK)], vid_v,
                                  sem_in.at[b]).wait()
            pltpu.make_async_copy(obs_hbm.at[pl.ds(0, CHUNK)], obs_v,
                                  sem_in.at[b]).wait()

        def gather(b):
            pid_v = bufs[b][0]
            pltpu.async_copy(pxy_sh.at[pid_v], bufs[b][3], sem_g.at[b])
            pltpu.async_copy(pz_sh.at[pid_v], bufs[b][4], sem_g.at[b])

        def wait_gather(b):
            pid_v = bufs[b][0]
            pltpu.make_async_copy(pxy_sh.at[pid_v], bufs[b][3],
                                  sem_g.at[b]).wait()
            pltpu.make_async_copy(pz_sh.at[pid_v], bufs[b][4],
                                  sem_g.at[b]).wait()

        def wait_out(b):
            out_v = bufs[b][5]
            pltpu.make_async_copy(out_v, out_hbm.at[pl.ds(0, CHUNK)],
                                  sem_out.at[b]).wait()

        def compute(j, b):
            vid_v, obs_v = bufs[b][1], bufs[b][2]
            pxy_v, pz_v, out_v = bufs[b][3], bufs[b][4], bufs[b][5]

            @pl.loop(0, GROUPS, unroll=8)
            def group_body(g):
                off = g * 16
                vid16 = vid_v[pl.ds(off, 16)]
                cf = [plsc.load_gather(vt[jj], [vid16]) for jj in range(12)]
                pw = pxy_v[pl.ds(off, 16)]
                X = plsc.bitcast(pw, jnp.float32)
                Y = plsc.bitcast(lax.shift_left(pw, 16), jnp.float32)
                Z = pz_v[pl.ds(off, 16)]
                ow = obs_v[pl.ds(off, 16)]
                ou = plsc.bitcast(ow, jnp.float32)
                ov = plsc.bitcast(lax.shift_left(ow, 16), jnp.float32)
                xn = cf[0] * X + cf[1] * Y + cf[2] * Z + cf[3]
                yn = cf[4] * X + cf[5] * Y + cf[6] * Z + cf[7]
                zc = cf[8] * X + cf[9] * Y + cf[10] * Z + cf[11]
                du = xn - (ou - CX) * zc
                dv = yn - (ov - CY) * zc
                g2 = du * du + dv * dv
                z2 = zc * zc
                magic = jnp.asarray(_RSQRT_MAGIC, jnp.int32)
                yg = plsc.bitcast(
                    magic
                    - lax.shift_right_logical(plsc.bitcast(g2, jnp.int32), 1),
                    jnp.float32)
                yz = plsc.bitcast(
                    magic
                    - lax.shift_right_logical(plsc.bitcast(z2, jnp.int32), 1),
                    jnp.float32)
                hg = 0.5 * g2
                hz = 0.5 * z2
                yg = yg * (1.5 - hg * yg * yg)
                yz = yz * (1.5 - hz * yz * yz)
                yg = yg * (1.5 - hg * yg * yg)
                yz = yz * (1.5 - hz * yz * yz)
                out_v[pl.ds(off, 16)] = g2 * yg * yz

            pltpu.async_copy(out_v, out_hbm.at[pl.ds(base_of(j), CHUNK)],
                             sem_out.at[b])

        load(0, 0)
        load(1, 1)
        plsc.subcore_barrier()
        wait_load(0)
        gather(0)

        @pl.loop(0, (N_CHUNKS // N_WORKERS + NBUF) // NBUF + 1, step=1)
        def outer(k):
            kk = k * NBUF
            for db in range(NBUF):
                j = kk + db

                @pl.when(j < n_my)
                def _():
                    b = db
                    b1 = (db + 1) % NBUF
                    b2 = (db + 2) % NBUF

                    @pl.when(j + 2 < n_my)
                    def _():
                        load(j + 2, b2)

                    @pl.when(j + 1 < n_my)
                    def _():
                        wait_load(b1)
                        gather(b1)

                    wait_gather(b)

                    @pl.when(j >= NBUF)
                    def _():
                        wait_out(b)

                    compute(j, b)

        for db in range(NBUF):
            wait_out(db)

    return sc_kernel


_sc_kernel = _make_sc_kernel()


@jax.jit
def _run(viewpoint_ids, point_ids, observed_pts, focal, euler_angles,
         translations, points_3d):
    viewtab = _build_view_table(euler_angles, translations, focal)
    pts_t = points_3d.T
    return _sc_kernel(
        viewtab.reshape(12 * N_VIEWS),
        viewpoint_ids.astype(jnp.int32),
        point_ids.astype(jnp.int32),
        _pack_bf16_pair(observed_pts[:, 0], observed_pts[:, 1]),
        _pack_bf16_pair(pts_t[0], pts_t[1]),
        pts_t[2],
    )


def kernel(viewpoint_ids, point_ids, observed_pts, focal, euler_angles,
           translations, points_3d):
    return _run(viewpoint_ids, point_ids, observed_pts, focal,
                euler_angles, translations, points_3d)

# --- scband reference (transcript-rebuilt; emitter-appended) ---
"""Pipeline reference for scband-bundle-adjustment-30648886624448 (READ-ONLY COPY).

The authoritative reference and input builder live on the scoring server;
editing this copy changes nothing except your own understanding.
"""

import jax, jax.numpy as jnp
import numpy as np

N_VIEWS = 2048
N_POINTS = 200000
N_OBS = 2000000
CX, CY = 512.0, 512.0


def setup_inputs(seed: int = 0) -> dict:
    key = jax.random.key(seed)
    k1, k2, k3, k4 = jax.random.split(key, 4)
    viewpoint_ids = jax.random.randint(k1, (N_OBS,), 0, N_VIEWS, dtype=jnp.int64 if jax.config.jax_enable_x64 else jnp.int32)
    point_ids = jax.random.randint(k2, (N_OBS,), 0, N_POINTS, dtype=jnp.int64 if jax.config.jax_enable_x64 else jnp.int32)
    observed_pts = jax.random.uniform(k3, (N_OBS, 2), dtype=jnp.float32)
    focal = jnp.array([1000.0], dtype=jnp.float32)
    euler_angles = jnp.zeros((N_VIEWS, 3), dtype=jnp.float32)
    translations = jnp.zeros((N_VIEWS, 3), dtype=jnp.float32).at[:, 2].set(-2.5)
    points_3d = jax.random.normal(k4, (N_POINTS, 3), dtype=jnp.float32) * 0.1
    return {
        "viewpoint_ids": viewpoint_ids,
        "point_ids": point_ids,
        "observed_pts": observed_pts,
        "focal": focal,
        "euler_angles": euler_angles,
        "translations": translations,
        "points_3d": points_3d,
    }


def _axis_rot(axis, angle):
    c = jnp.cos(angle)
    s = jnp.sin(angle)
    o = jnp.ones_like(angle)
    z = jnp.zeros_like(angle)
    if axis == "X":
        flat = (o, z, z, z, c, -s, z, s, c)
    elif axis == "Y":
        flat = (c, z, s, z, o, z, -s, z, c)
    else:
        flat = (c, -s, z, s, c, z, z, z, o)
    return jnp.stack(flat, axis=-1).reshape(angle.shape + (3, 3))


def euler_angles_to_matrix(euler_angles):
    # convention 'XYZ': R = R_X(a0) @ R_Y(a1) @ R_Z(a2)
    Rx = _axis_rot("X", euler_angles[..., 0])
    Ry = _axis_rot("Y", euler_angles[..., 1])
    Rz = _axis_rot("Z", euler_angles[..., 2])
    return jnp.matmul(jnp.matmul(Rx, Ry), Rz)


def reference(viewpoint_ids, point_ids, observed_pts, focal, euler_angles, translations, points_3d):
    R_all = euler_angles_to_matrix(euler_angles)          # (n_views, 3, 3)
    R = jnp.take(R_all, viewpoint_ids, axis=0)            # (N, 3, 3) gather
    T = jnp.take(translations, viewpoint_ids, axis=0)     # (N, 3) gather
    pts_3d = jnp.take(points_3d, point_ids, axis=0)       # (N, 3) gather
    points_cam = jnp.einsum("nij,nj->ni", R, pts_3d) + T  # bmm equivalent
    Xc = points_cam[:, 0]
    Yc = points_cam[:, 1]
    Zc = points_cam[:, 2]
    u = -focal[0] * Xc / Zc + CX
    v = focal[0] * Yc / Zc + CY
    errors = jnp.sqrt((u - observed_pts[:, 0]) ** 2 + (v - observed_pts[:, 1]) ** 2)
    return errors

if __name__ == "__main__":
    import jax
    _d = setup_inputs()
    print(jax.jit(kernel)(*tuple(_d.values())))

</pallas_src>

<mosaic_0001>
#map = affine_map<(d0, d1) -> (0)>
module attributes {stable_mosaic.version = 14 : i64} {
  func.func @sc_kernel(%arg0: i32, %arg1: i32, %arg2: memref<24576xf32, #tpu.memory_space<hbm>>, %arg3: memref<2000000xi32, #tpu.memory_space<hbm>>, %arg4: memref<2000000xi32, #tpu.memory_space<hbm>>, %arg5: memref<2000000xi32, #tpu.memory_space<hbm>>, %arg6: memref<200000xi32, #tpu.memory_space<hbm>>, %arg7: memref<200000xf32, #tpu.memory_space<hbm>>, %arg8: memref<2000000xf32, #tpu.memory_space<hbm>>, %arg9: memref<2048xf32, #tpu.memory_space<vmem>>, %arg10: memref<2048xf32, #tpu.memory_space<vmem>>, %arg11: memref<2048xf32, #tpu.memory_space<vmem>>, %arg12: memref<2048xf32, #tpu.memory_space<vmem>>, %arg13: memref<2048xf32, #tpu.memory_space<vmem>>, %arg14: memref<2048xf32, #tpu.memory_space<vmem>>, %arg15: memref<2048xf32, #tpu.memory_space<vmem>>, %arg16: memref<2048xf32, #tpu.memory_space<vmem>>, %arg17: memref<2048xf32, #tpu.memory_space<vmem>>, %arg18: memref<2048xf32, #tpu.memory_space<vmem>>, %arg19: memref<2048xf32, #tpu.memory_space<vmem>>, %arg20: memref<2048xf32, #tpu.memory_space<vmem>>, %arg21: memref<3200xi32, #tpu.memory_space<vmem>>, %arg22: memref<3200xi32, #tpu.memory_space<vmem>>, %arg23: memref<3200xi32, #tpu.memory_space<vmem>>, %arg24: memref<3200xi32, #tpu.memory_space<vmem>>, %arg25: memref<3200xf32, #tpu.memory_space<vmem>>, %arg26: memref<3200xf32, #tpu.memory_space<vmem>>, %arg27: memref<3200xi32, #tpu.memory_space<vmem>>, %arg28: memref<3200xi32, #tpu.memory_space<vmem>>, %arg29: memref<3200xi32, #tpu.memory_space<vmem>>, %arg30: memref<3200xi32, #tpu.memory_space<vmem>>, %arg31: memref<3200xf32, #tpu.memory_space<vmem>>, %arg32: memref<3200xf32, #tpu.memory_space<vmem>>, %arg33: memref<3200xi32, #tpu.memory_space<vmem>>, %arg34: memref<3200xi32, #tpu.memory_space<vmem>>, %arg35: memref<3200xi32, #tpu.memory_space<vmem>>, %arg36: memref<3200xi32, #tpu.memory_space<vmem>>, %arg37: memref<3200xf32, #tpu.memory_space<vmem>>, %arg38: memref<3200xf32, #tpu.memory_space<vmem>>, %arg39: memref<200000xi32, #tpu.memory_space<vmem_shared>>, %arg40: memref<200000xf32, #tpu.memory_space<vmem_shared>>, %arg41: memref<3x!tpu.dma_semaphore, #tpu.memory_space<semaphore_mem>>, %arg42: memref<3x!tpu.dma_semaphore, #tpu.memory_space<semaphore_mem>>, %arg43: memref<3x!tpu.dma_semaphore, #tpu.memory_space<semaphore_mem>>) attributes {dimension_semantics = [#tpu.dimension_semantics<core_parallel>, #tpu.dimension_semantics<subcore_parallel>], iteration_bounds = array<i64: 2, 16>, scalar_prefetch = 0 : i64, scratch_operands = 35 : i64, tpu.core_type = #tpu.core_type<sc_vector_subcore>, window_params = [{transform_indices = #map}, {transform_indices = #map}, {transform_indices = #map}, {transform_indices = #map}, {transform_indices = #map}, {transform_indices = #map}, {transform_indices = #map}]} {
    %mul3A = arith.constant 2 : i32
    %mul3A_0 = arith.muli %arg1, %mul3A : i32
    %add3A = arith.addi %mul3A_0, %arg0 : i32
    %eq3A = arith.constant 0 : i32
    %eq3A_1 = arith.cmpi eq, %arg1, %eq3A : i32
    %convert_element_type3A = arith.extui %eq3A_1 : i1 to i32
    %cond3A = arith.constant 0 : i32
    %cond3A_2 = arith.cmpi ne, %convert_element_type3A, %cond3A : i32
    scf.if %cond3A_2 {
      "tpu.region"() ({
        %run_scoped3A = tpu.sem_alloc : memref<!tpu.dma_semaphore, #tpu.memory_space<semaphore_mem>>
        tpu.enqueue_dma source(%arg6 : memref<200000xi32, #tpu.memory_space<hbm>>) target(%arg39 : memref<200000xi32, #tpu.memory_space<vmem_shared>>) target_semaphore(%run_scoped3A : memref<!tpu.dma_semaphore, #tpu.memory_space<semaphore_mem>>)
        tpu.wait_dma2 semaphore(%run_scoped3A : memref<!tpu.dma_semaphore, #tpu.memory_space<semaphore_mem>>) src(%arg6 : memref<200000xi32, #tpu.memory_space<hbm>>) dst(%arg39 : memref<200000xi32, #tpu.memory_space<vmem_shared>>)
        tpu.yield
      }) : () -> ()
      "tpu.region"() ({
        %run_scoped3A = tpu.sem_alloc : memref<!tpu.dma_semaphore, #tpu.memory_space<semaphore_mem>>
        tpu.enqueue_dma source(%arg7 : memref<200000xf32, #tpu.memory_space<hbm>>) target(%arg40 : memref<200000xf32, #tpu.memory_space<vmem_shared>>) target_semaphore(%run_scoped3A : memref<!tpu.dma_semaphore, #tpu.memory_space<semaphore_mem>>)
        tpu.wait_dma2 semaphore(%run_scoped3A : memref<!tpu.dma_semaphore, #tpu.memory_space<semaphore_mem>>) src(%arg7 : memref<200000xf32, #tpu.memory_space<hbm>>) dst(%arg40 : memref<200000xf32, #tpu.memory_space<vmem_shared>>)
        tpu.yield
      }) : () -> ()
    } else {
    }
    "tpu.region"() ({
      %run_scoped3A = tpu.sem_alloc : memref<!tpu.dma_semaphore, #tpu.memory_space<semaphore_mem>>
      %dma_start3A_115 = arith.constant 0 : i32
      %dma_start3A_116 = tpu.memref_slice %arg2[%dma_start3A_115] : memref<24576xf32, #tpu.memory_space<hbm>> -> memref<2048xf32, #tpu.memory_space<hbm>>
      %dma_start3A_117 = arith.constant 0 : i32
      %dma_start3A_118 = tpu.memref_slice %arg2[%dma_start3A_117] : memref<24576xf32, #tpu.memory_space<hbm>> -> memref<2048xf32, #tpu.memory_space<hbm>>
      tpu.enqueue_dma source(%dma_start3A_118 : memref<2048xf32, #tpu.memory_space<hbm>>) target(%arg9 : memref<2048xf32, #tpu.memory_space<vmem>>) target_semaphore(%run_scoped3A : memref<!tpu.dma_semaphore, #tpu.memory_space<semaphore_mem>>)
      %dma_wait3A_119 = arith.constant 0 : i32
      %dma_wait3A_120 = tpu.memref_slice %arg2[%dma_wait3A_119] : memref<24576xf32, #tpu.memory_space<hbm>> -> memref<2048xf32, #tpu.memory_space<hbm>>
      %dma_wait3A_121 = arith.constant 0 : i32
      %dma_wait3A_122 = tpu.memref_slice %arg2[%dma_wait3A_121] : memref<24576xf32, #tpu.memory_space<hbm>> -> memref<2048xf32, #tpu.memory_space<hbm>>
      tpu.wait_dma2 semaphore(%run_scoped3A : memref<!tpu.dma_semaphore, #tpu.memory_space<semaphore_mem>>) src(%dma_wait3A_122 : memref<2048xf32, #tpu.memory_space<hbm>>) dst(%arg9 : memref<2048xf32, #tpu.memory_space<vmem>>)
      tpu.yield
    }) : () -> ()
    "tpu.region"() ({
      %run_scoped3A = tpu.sem_alloc : memref<!tpu.dma_semaphore, #tpu.memory_space<semaphore_mem>>
      %dma_start3A_115 = arith.constant 2048 : i32
      %dma_start3A_116 = tpu.memref_slice %arg2[%dma_start3A_115] : memref<24576xf32, #tpu.memory_space<hbm>> -> memref<2048xf32, #tpu.memory_space<hbm>>
      %dma_start3A_117 = arith.constant 2048 : i32
      %dma_start3A_118 = tpu.memref_slice %arg2[%dma_start3A_117] : memref<24576xf32, #tpu.memory_space<hbm>> -> memref<2048xf32, #tpu.memory_space<hbm>>
      tpu.enqueue_dma source(%dma_start3A_118 : memref<2048xf32, #tpu.memory_space<hbm>>) target(%arg10 : memref<2048xf32, #tpu.memory_space<vmem>>) target_semaphore(%run_scoped3A : memref<!tpu.dma_semaphore, #tpu.memory_space<semaphore_mem>>)
      %dma_wait3A_119 = arith.constant 2048 : i32
      %dma_wait3A_120 = tpu.memref_slice %arg2[%dma_wait3A_119] : memref<24576xf32, #tpu.memory_space<hbm>> -> memref<2048xf32, #tpu.memory_space<hbm>>
      %dma_wait3A_121 = arith.constant 2048 : i32
      %dma_wait3A_122 = tpu.memref_slice %arg2[%dma_wait3A_121] : memref<24576xf32, #tpu.memory_space<hbm>> -> memref<2048xf32, #tpu.memory_space<hbm>>
      tpu.wait_dma2 semaphore(%run_scoped3A : memref<!tpu.dma_semaphore, #tpu.memory_space<semaphore_mem>>) src(%dma_wait3A_122 : memref<2048xf32, #tpu.memory_space<hbm>>) dst(%arg10 : memref<2048xf32, #tpu.memory_space<vmem>>)
      tpu.yield
    }) : () -> ()
    "tpu.region"() ({
      %run_scoped3A = tpu.sem_alloc : memref<!tpu.dma_semaphore, #tpu.memory_space<semaphore_mem>>
      %dma_start3A_115 = arith.constant 4096 : i32
      %dma_start3A_116 = tpu.memref_slice %arg2[%dma_start3A_115] : memref<24576xf32, #tpu.memory_space<hbm>> -> memref<2048xf32, #tpu.memory_space<hbm>>
      %dma_start3A_117 = arith.constant 4096 : i32
      %dma_start3A_118 = tpu.memref_slice %arg2[%dma_start3A_117] : memref<24576xf32, #tpu.memory_space<hbm>> -> memref<2048xf32, #tpu.memory_space<hbm>>
      tpu.enqueue_dma source(%dma_start3A_118 : memref<2048xf32, #tpu.memory_space<hbm>>) target(%arg11 : memref<2048xf32, #tpu.memory_space<vmem>>) target_semaphore(%run_scoped3A : memref<!tpu.dma_semaphore, #tpu.memory_space<semaphore_mem>>)
      %dma_wait3A_119 = arith.constant 4096 : i32
      %dma_wait3A_120 = tpu.memref_slice %arg2[%dma_wait3A_119] : memref<24576xf32, #tpu.memory_space<hbm>> -> memref<2048xf32, #tpu.memory_space<hbm>>
      %dma_wait3A_121 = arith.constant 4096 : i32
      %dma_wait3A_122 = tpu.memref_slice %arg2[%dma_wait3A_121] : memref<24576xf32, #tpu.memory_space<hbm>> -> memref<2048xf32, #tpu.memory_space<hbm>>
      tpu.wait_dma2 semaphore(%run_scoped3A : memref<!tpu.dma_semaphore, #tpu.memory_space<semaphore_mem>>) src(%dma_wait3A_122 : memref<2048xf32, #tpu.memory_space<hbm>>) dst(%arg11 : memref<2048xf32, #tpu.memory_space<vmem>>)
      tpu.yield
    }) : () -> ()
    "tpu.region"() ({
      %run_scoped3A = tpu.sem_alloc : memref<!tpu.dma_semaphore, #tpu.memory_space<semaphore_mem>>
      %dma_start3A_115 = arith.constant 6144 : i32
      %dma_start3A_116 = tpu.memref_slice %arg2[%dma_start3A_115] : memref<24576xf32, #tpu.memory_space<hbm>> -> memref<2048xf32, #tpu.memory_space<hbm>>
      %dma_start3A_117 = arith.constant 6144 : i32
      %dma_start3A_118 = tpu.memref_slice %arg2[%dma_start3A_117] : memref<24576xf32, #tpu.memory_space<hbm>> -> memref<2048xf32, #tpu.memory_space<hbm>>
      tpu.enqueue_dma source(%dma_start3A_118 : memref<2048xf32, #tpu.memory_space<hbm>>) target(%arg12 : memref<2048xf32, #tpu.memory_space<vmem>>) target_semaphore(%run_scoped3A : memref<!tpu.dma_semaphore, #tpu.memory_space<semaphore_mem>>)
      %dma_wait3A_119 = arith.constant 6144 : i32
      %dma_wait3A_120 = tpu.memref_slice %arg2[%dma_wait3A_119] : memref<24576xf32, #tpu.memory_space<hbm>> -> memref<2048xf32, #tpu.memory_space<hbm>>
      %dma_wait3A_121 = arith.constant 6144 : i32
      %dma_wait3A_122 = tpu.memref_slice %arg2[%dma_wait3A_121] : memref<24576xf32, #tpu.memory_space<hbm>> -> memref<2048xf32, #tpu.memory_space<hbm>>
      tpu.wait_dma2 semaphore(%run_scoped3A : memref<!tpu.dma_semaphore, #tpu.memory_space<semaphore_mem>>) src(%dma_wait3A_122 : memref<2048xf32, #tpu.memory_space<hbm>>) dst(%arg12 : memref<2048xf32, #tpu.memory_space<vmem>>)
      tpu.yield
    }) : () -> ()
    "tpu.region"() ({
      %run_scoped3A = tpu.sem_alloc : memref<!tpu.dma_semaphore, #tpu.memory_space<semaphore_mem>>
      %dma_start3A_115 = arith.constant 8192 : i32
      %dma_start3A_116 = tpu.memref_slice %arg2[%dma_start3A_115] : memref<24576xf32, #tpu.memory_space<hbm>> -> memref<2048xf32, #tpu.memory_space<hbm>>
      %dma_start3A_117 = arith.constant 8192 : i32
      %dma_start3A_118 = tpu.memref_slice %arg2[%dma_start3A_117] : memref<24576xf32, #tpu.memory_space<hbm>> -> memref<2048xf32, #tpu.memory_space<hbm>>
      tpu.enqueue_dma source(%dma_start3A_118 : memref<2048xf32, #tpu.memory_space<hbm>>) target(%arg13 : memref<2048xf32, #tpu.memory_space<vmem>>) target_semaphore(%run_scoped3A : memref<!tpu.dma_semaphore, #tpu.memory_space<semaphore_mem>>)
      %dma_wait3A_119 = arith.constant 8192 : i32
      %dma_wait3A_120 = tpu.memref_slice %arg2[%dma_wait3A_119] : memref<24576xf32, #tpu.memory_space<hbm>> -> memref<2048xf32, #tpu.memory_space<hbm>>
      %dma_wait3A_121 = arith.constant 8192 : i32
      %dma_wait3A_122 = tpu.memref_slice %arg2[%dma_wait3A_121] : memref<24576xf32, #tpu.memory_space<hbm>> -> memref<2048xf32, #tpu.memory_space<hbm>>
      tpu.wait_dma2 semaphore(%run_scoped3A : memref<!tpu.dma_semaphore, #tpu.memory_space<semaphore_mem>>) src(%dma_wait3A_122 : memref<2048xf32, #tpu.memory_space<hbm>>) dst(%arg13 : memref<2048xf32, #tpu.memory_space<vmem>>)
      tpu.yield
    }) : () -> ()
    "tpu.region"() ({
      %run_scoped3A = tpu.sem_alloc : memref<!tpu.dma_semaphore, #tpu.memory_space<semaphore_mem>>
      %dma_start3A_115 = arith.constant 10240 : i32
      %dma_start3A_116 = tpu.memref_slice %arg2[%dma_start3A_115] : memref<24576xf32, #tpu.memory_space<hbm>> -> memref<2048xf32, #tpu.memory_space<hbm>>
      %dma_start3A_117 = arith.constant 10240 : i32
      %dma_start3A_118 = tpu.memref_slice %arg2[%dma_start3A_117] : memref<24576xf32, #tpu.memory_space<hbm>> -> memref<2048xf32, #tpu.memory_space<hbm>>
      tpu.enqueue_dma source(%dma_start3A_118 : memref<2048xf32, #tpu.memory_space<hbm>>) target(%arg14 : memref<2048xf32, #tpu.memory_space<vmem>>) target_semaphore(%run_scoped3A : memref<!tpu.dma_semaphore, #tpu.memory_space<semaphore_mem>>)
      %dma_wait3A_119 = arith.constant 10240 : i32
      %dma_wait3A_120 = tpu.memref_slice %arg2[%dma_wait3A_119] : memref<24576xf32, #tpu.memory_space<hbm>> -> memref<2048xf32, #tpu.memory_space<hbm>>
      %dma_wait3A_121 = arith.constant 10240 : i32
      %dma_wait3A_122 = tpu.memref_slice %arg2[%dma_wait3A_121] : memref<24576xf32, #tpu.memory_space<hbm>> -> memref<2048xf32, #tpu.memory_space<hbm>>
      tpu.wait_dma2 semaphore(%run_scoped3A : memref<!tpu.dma_semaphore, #tpu.memory_space<semaphore_mem>>) src(%dma_wait3A_122 : memref<2048xf32, #tpu.memory_space<hbm>>) dst(%arg14 : memref<2048xf32, #tpu.memory_space<vmem>>)
      tpu.yield
    }) : () -> ()
    "tpu.region"() ({
      %run_scoped3A = tpu.sem_alloc : memref<!tpu.dma_semaphore, #tpu.memory_space<semaphore_mem>>
      %dma_start3A_115 = arith.constant 12288 : i32
      %dma_start3A_116 = tpu.memref_slice %arg2[%dma_start3A_115] : memref<24576xf32, #tpu.memory_space<hbm>> -> memref<2048xf32, #tpu.memory_space<hbm>>
      %dma_start3A_117 = arith.constant 12288 : i32
      %dma_start3A_118 = tpu.memref_slice %arg2[%dma_start3A_117] : memref<24576xf32, #tpu.memory_space<hbm>> -> memref<2048xf32, #tpu.memory_space<hbm>>
      tpu.enqueue_dma source(%dma_start3A_118 : memref<2048xf32, #tpu.memory_space<hbm>>) target(%arg15 : memref<2048xf32, #tpu.memory_space<vmem>>) target_semaphore(%run_scoped3A : memref<!tpu.dma_semaphore, #tpu.memory_space<semaphore_mem>>)
      %dma_wait3A_119 = arith.constant 12288 : i32
      %dma_wait3A_120 = tpu.memref_slice %arg2[%dma_wait3A_119] : memref<24576xf32, #tpu.memory_space<hbm>> -> memref<2048xf32, #tpu.memory_space<hbm>>
      %dma_wait3A_121 = arith.constant 12288 : i32
      %dma_wait3A_122 = tpu.memref_slice %arg2[%dma_wait3A_121] : memref<24576xf32, #tpu.memory_space<hbm>> -> memref<2048xf32, #tpu.memory_space<hbm>>
      tpu.wait_dma2 semaphore(%run_scoped3A : memref<!tpu.dma_semaphore, #tpu.memory_space<semaphore_mem>>) src(%dma_wait3A_122 : memref<2048xf32, #tpu.memory_space<hbm>>) dst(%arg15 : memref<2048xf32, #tpu.memory_space<vmem>>)
      tpu.yield
    }) : () -> ()
    "tpu.region"() ({
      %run_scoped3A = tpu.sem_alloc : memref<!tpu.dma_semaphore, #tpu.memory_space<semaphore_mem>>
      %dma_start3A_115 = arith.constant 14336 : i32
      %dma_start3A_116 = tpu.memref_slice %arg2[%dma_start3A_115] : memref<24576xf32, #tpu.memory_space<hbm>> -> memref<2048xf32, #tpu.memory_space<hbm>>
      %dma_start3A_117 = arith.constant 14336 : i32
      %dma_start3A_118 = tpu.memref_slice %arg2[%dma_start3A_117] : memref<24576xf32, #tpu.memory_space<hbm>> -> memref<2048xf32, #tpu.memory_space<hbm>>
      tpu.enqueue_dma source(%dma_start3A_118 : memref<2048xf32, #tpu.memory_space<hbm>>) target(%arg16 : memref<2048xf32, #tpu.memory_space<vmem>>) target_semaphore(%run_scoped3A : memref<!tpu.dma_semaphore, #tpu.memory_space<semaphore_mem>>)
      %dma_wait3A_119 = arith.constant 14336 : i32
      %dma_wait3A_120 = tpu.memref_slice %arg2[%dma_wait3A_119] : memref<24576xf32, #tpu.memory_space<hbm>> -> memref<2048xf32, #tpu.memory_space<hbm>>
      %dma_wait3A_121 = arith.constant 14336 : i32
      %dma_wait3A_122 = tpu.memref_slice %arg2[%dma_wait3A_121] : memref<24576xf32, #tpu.memory_space<hbm>> -> memref<2048xf32, #tpu.memory_space<hbm>>
      tpu.wait_dma2 semaphore(%run_scoped3A : memref<!tpu.dma_semaphore, #tpu.memory_space<semaphore_mem>>) src(%dma_wait3A_122 : memref<2048xf32, #tpu.memory_space<hbm>>) dst(%arg16 : memref<2048xf32, #tpu.memory_space<vmem>>)
      tpu.yield
    }) : () -> ()
    "tpu.region"() ({
      %run_scoped3A = tpu.sem_alloc : memref<!tpu.dma_semaphore, #tpu.memory_space<semaphore_mem>>
      %dma_start3A_115 = arith.constant 16384 : i32
      %dma_start3A_116 = tpu.memref_slice %arg2[%dma_start3A_115] : memref<24576xf32, #tpu.memory_space<hbm>> -> memref<2048xf32, #tpu.memory_space<hbm>>
      %dma_start3A_117 = arith.constant 16384 : i32
      %dma_start3A_118 = tpu.memref_slice %arg2[%dma_start3A_117] : memref<24576xf32, #tpu.memory_space<hbm>> -> memref<2048xf32, #tpu.memory_space<hbm>>
      tpu.enqueue_dma source(%dma_start3A_118 : memref<2048xf32, #tpu.memory_space<hbm>>) target(%arg17 : memref<2048xf32, #tpu.memory_space<vmem>>) target_semaphore(%run_scoped3A : memref<!tpu.dma_semaphore, #tpu.memory_space<semaphore_mem>>)
      %dma_wait3A_119 = arith.constant 16384 : i32
      %dma_wait3A_120 = tpu.memref_slice %arg2[%dma_wait3A_119] : memref<24576xf32, #tpu.memory_space<hbm>> -> memref<2048xf32, #tpu.memory_space<hbm>>
      %dma_wait3A_121 = arith.constant 16384 : i32
      %dma_wait3A_122 = tpu.memref_slice %arg2[%dma_wait3A_121] : memref<24576xf32, #tpu.memory_space<hbm>> -> memref<2048xf32, #tpu.memory_space<hbm>>
      tpu.wait_dma2 semaphore(%run_scoped3A : memref<!tpu.dma_semaphore, #tpu.memory_space<semaphore_mem>>) src(%dma_wait3A_122 : memref<2048xf32, #tpu.memory_space<hbm>>) dst(%arg17 : memref<2048xf32, #tpu.memory_space<vmem>>)
      tpu.yield
    }) : () -> ()
    "tpu.region"() ({
      %run_scoped3A = tpu.sem_alloc : memref<!tpu.dma_semaphore, #tpu.memory_space<semaphore_mem>>
      %dma_start3A_115 = arith.constant 18432 : i32
      %dma_start3A_116 = tpu.memref_slice %arg2[%dma_start3A_115] : memref<24576xf32, #tpu.memory_space<hbm>> -> memref<2048xf32, #tpu.memory_space<hbm>>
      %dma_start3A_117 = arith.constant 18432 : i32
      %dma_start3A_118 = tpu.memref_slice %arg2[%dma_start3A_117] : memref<24576xf32, #tpu.memory_space<hbm>> -> memref<2048xf32, #tpu.memory_space<hbm>>
      tpu.enqueue_dma source(%dma_start3A_118 : memref<2048xf32, #tpu.memory_space<hbm>>) target(%arg18 : memref<2048xf32, #tpu.memory_space<vmem>>) target_semaphore(%run_scoped3A : memref<!tpu.dma_semaphore, #tpu.memory_space<semaphore_mem>>)
      %dma_wait3A_119 = arith.constant 18432 : i32
      %dma_wait3A_120 = tpu.memref_slice %arg2[%dma_wait3A_119] : memref<24576xf32, #tpu.memory_space<hbm>> -> memref<2048xf32, #tpu.memory_space<hbm>>
      %dma_wait3A_121 = arith.constant 18432 : i32
      %dma_wait3A_122 = tpu.memref_slice %arg2[%dma_wait3A_121] : memref<24576xf32, #tpu.memory_space<hbm>> -> memref<2048xf32, #tpu.memory_space<hbm>>
      tpu.wait_dma2 semaphore(%run_scoped3A : memref<!tpu.dma_semaphore, #tpu.memory_space<semaphore_mem>>) src(%dma_wait3A_122 : memref<2048xf32, #tpu.memory_space<hbm>>) dst(%arg18 : memref<2048xf32, #tpu.memory_space<vmem>>)
      tpu.yield
    }) : () -> ()
    "tpu.region"() ({
      %run_scoped3A = tpu.sem_alloc : memref<!tpu.dma_semaphore, #tpu.memory_space<semaphore_mem>>
      %dma_start3A_115 = arith.constant 20480 : i32
      %dma_start3A_116 = tpu.memref_slice %arg2[%dma_start3A_115] : memref<24576xf32, #tpu.memory_space<hbm>> -> memref<2048xf32, #tpu.memory_space<hbm>>
      %dma_start3A_117 = arith.constant 20480 : i32
      %dma_start3A_118 = tpu.memref_slice %arg2[%dma_start3A_117] : memref<24576xf32, #tpu.memory_space<hbm>> -> memref<2048xf32, #tpu.memory_space<hbm>>
      tpu.enqueue_dma source(%dma_start3A_118 : memref<2048xf32, #tpu.memory_space<hbm>>) target(%arg19 : memref<2048xf32, #tpu.memory_space<vmem>>) target_semaphore(%run_scoped3A : memref<!tpu.dma_semaphore, #tpu.memory_space<semaphore_mem>>)
      %dma_wait3A_119 = arith.constant 20480 : i32
      %dma_wait3A_120 = tpu.memref_slice %arg2[%dma_wait3A_119] : memref<24576xf32, #tpu.memory_space<hbm>> -> memref<2048xf32, #tpu.memory_space<hbm>>
      %dma_wait3A_121 = arith.constant 20480 : i32
      %dma_wait3A_122 = tpu.memref_slice %arg2[%dma_wait3A_121] : memref<24576xf32, #tpu.memory_space<hbm>> -> memref<2048xf32, #tpu.memory_space<hbm>>
      tpu.wait_dma2 semaphore(%run_scoped3A : memref<!tpu.dma_semaphore, #tpu.memory_space<semaphore_mem>>) src(%dma_wait3A_122 : memref<2048xf32, #tpu.memory_space<hbm>>) dst(%arg19 : memref<2048xf32, #tpu.memory_space<vmem>>)
      tpu.yield
    }) : () -> ()
    "tpu.region"() ({
      %run_scoped3A = tpu.sem_alloc : memref<!tpu.dma_semaphore, #tpu.memory_space<semaphore_mem>>
      %dma_start3A_115 = arith.constant 22528 : i32
      %dma_start3A_116 = tpu.memref_slice %arg2[%dma_start3A_115] : memref<24576xf32, #tpu.memory_space<hbm>> -> memref<2048xf32, #tpu.memory_space<hbm>>
      %dma_start3A_117 = arith.constant 22528 : i32
      %dma_start3A_118 = tpu.memref_slice %arg2[%dma_start3A_117] : memref<24576xf32, #tpu.memory_space<hbm>> -> memref<2048xf32, #tpu.memory_space<hbm>>
      tpu.enqueue_dma source(%dma_start3A_118 : memref<2048xf32, #tpu.memory_space<hbm>>) target(%arg20 : memref<2048xf32, #tpu.memory_space<vmem>>) target_semaphore(%run_scoped3A : memref<!tpu.dma_semaphore, #tpu.memory_space<semaphore_mem>>)
      %dma_wait3A_119 = arith.constant 22528 : i32
      %dma_wait3A_120 = tpu.memref_slice %arg2[%dma_wait3A_119] : memref<24576xf32, #tpu.memory_space<hbm>> -> memref<2048xf32, #tpu.memory_space<hbm>>
      %dma_wait3A_121 = arith.constant 22528 : i32
      %dma_wait3A_122 = tpu.memref_slice %arg2[%dma_wait3A_121] : memref<24576xf32, #tpu.memory_space<hbm>> -> memref<2048xf32, #tpu.memory_space<hbm>>
      tpu.wait_dma2 semaphore(%run_scoped3A : memref<!tpu.dma_semaphore, #tpu.memory_space<semaphore_mem>>) src(%dma_wait3A_122 : memref<2048xf32, #tpu.memory_space<hbm>>) dst(%arg20 : memref<2048xf32, #tpu.memory_space<vmem>>)
      tpu.yield
    }) : () -> ()
    %sub3A = arith.constant 624 : i32
    %sub3A_3 = arith.subi %sub3A, %add3A : i32
    %jit3A = arith.constant 32 : i32
    %div3A = arith.divsi %sub3A_3, %jit3A : i32
    %sign3A = arith.constant 0 : i32
    %sign3A_4 = arith.cmpi sgt, %sub3A_3, %sign3A : i32
    %sign3A_5 = arith.extui %sign3A_4 : i1 to i32
    %sign3A_6 = arith.constant 0 : i32
    %sign3A_7 = arith.cmpi slt, %sub3A_3, %sign3A_6 : i32
    %sign3A_8 = arith.extui %sign3A_7 : i1 to i32
    %sign3A_9 = arith.subi %sign3A_5, %sign3A_8 : i32
    %sign3A_10 = arith.constant 0 : i32
    %sign3A_11 = arith.cmpi sgt, %jit3A, %sign3A_10 : i32
    %sign3A_12 = arith.extui %sign3A_11 : i1 to i32
    %sign3A_13 = arith.constant 0 : i32
    %sign3A_14 = arith.cmpi slt, %jit3A, %sign3A_13 : i32
    %sign3A_15 = arith.extui %sign3A_14 : i1 to i32
    %sign3A_16 = arith.subi %sign3A_12, %sign3A_15 : i32
    %ne3A = arith.cmpi ne, %sign3A_9, %sign3A_16 : i32
    %rem3A = arith.remsi %sub3A_3, %jit3A : i32
    %ne3A_17 = arith.constant 0 : i32
    %ne3A_18 = arith.cmpi ne, %rem3A, %ne3A_17 : i32
    %and3A = arith.andi %ne3A, %ne3A_18 : i1
    %sub3A_19 = arith.constant 1 : i32
    %sub3A_20 = arith.subi %div3A, %sub3A_19 : i32
    %select_n3A = arith.select %and3A, %sub3A_20, %div3A : i32
    %add3A_21 = arith.constant 1 : i32
    %add3A_22 = arith.addi %select_n3A, %add3A_21 : i32
    %add3A_23 = arith.constant 0 : i32
    %add3A_24 = arith.addi %add3A, %add3A_23 : i32
    %mul3A_25 = arith.constant 3200 : i32
    %mul3A_26 = arith.muli %add3A_24, %mul3A_25 : i32
    %dma_start3A = arith.constant 0 : i32
    %dma_start3A_27 = tpu.memref_slice %arg4[%mul3A_26] : memref<2000000xi32, #tpu.memory_space<hbm>> -> memref<3200xi32, #tpu.memory_space<hbm>>
    %dma_start3A_28 = tpu.memref_slice %arg41[%dma_start3A] : memref<3x!tpu.dma_semaphore, #tpu.memory_space<semaphore_mem>> -> memref<1x!tpu.dma_semaphore, #tpu.memory_space<semaphore_mem>>
    %dma_start3A_29 = tpu.memref_squeeze %dma_start3A_28 : memref<1x!tpu.dma_semaphore, #tpu.memory_space<semaphore_mem>> -> memref<!tpu.dma_semaphore, #tpu.memory_space<semaphore_mem>>
    %dma_start3A_30 = tpu.memref_slice %arg4[%mul3A_26] : memref<2000000xi32, #tpu.memory_space<hbm>> -> memref<3200xi32, #tpu.memory_space<hbm>>
    tpu.enqueue_dma source(%dma_start3A_30 : memref<3200xi32, #tpu.memory_space<hbm>>) target(%arg21 : memref<3200xi32, #tpu.memory_space<vmem>>) target_semaphore(%dma_start3A_29 : memref<!tpu.dma_semaphore, #tpu.memory_space<semaphore_mem>>)
    %dma_start3A_31 = arith.constant 0 : i32
    %dma_start3A_32 = tpu.memref_slice %arg3[%mul3A_26] : memref<2000000xi32, #tpu.memory_space<hbm>> -> memref<3200xi32, #tpu.memory_space<hbm>>
    %dma_start3A_33 = tpu.memref_slice %arg41[%dma_start3A_31] : memref<3x!tpu.dma_semaphore, #tpu.memory_space<semaphore_mem>> -> memref<1x!tpu.dma_semaphore, #tpu.memory_space<semaphore_mem>>
    %dma_start3A_34 = tpu.memref_squeeze %dma_start3A_33 : memref<1x!tpu.dma_semaphore, #tpu.memory_space<semaphore_mem>> -> memref<!tpu.dma_semaphore, #tpu.memory_space<semaphore_mem>>
    %dma_start3A_35 = tpu.memref_slice %arg3[%mul3A_26] : memref<2000000xi32, #tpu.memory_space<hbm>> -> memref<3200xi32, #tpu.memory_space<hbm>>
    tpu.enqueue_dma source(%dma_start3A_35 : memref<3200xi32, #tpu.memory_space<hbm>>) target(%arg22 : memref<3200xi32, #tpu.memory_space<vmem>>) target_semaphore(%dma_start3A_34 : memref<!tpu.dma_semaphore, #tpu.memory_space<semaphore_mem>>)
    %dma_start3A_36 = arith.constant 0 : i32
    %dma_start3A_37 = tpu.memref_slice %arg5[%mul3A_26] : memref<2000000xi32, #tpu.memory_space<hbm>> -> memref<3200xi32, #tpu.memory_space<hbm>>
    %dma_start3A_38 = tpu.memref_slice %arg41[%dma_start3A_36] : memref<3x!tpu.dma_semaphore, #tpu.memory_space<semaphore_mem>> -> memref<1x!tpu.dma_semaphore, #tpu.memory_space<semaphore_mem>>
    %dma_start3A_39 = tpu.memref_squeeze %dma_start3A_38 : memref<1x!tpu.dma_semaphore, #tpu.memory_space<semaphore_mem>> -> memref<!tpu.dma_semaphore, #tpu.memory_space<semaphore_mem>>
    %dma_start3A_40 = tpu.memref_slice %arg5[%mul3A_26] : memref<2000000xi32, #tpu.memory_space<hbm>> -> memref<3200xi32, #tpu.memory_space<hbm>>
    tpu.enqueue_dma source(%dma_start3A_40 : memref<3200xi32, #tpu.memory_space<hbm>>) target(%arg23 : memref<3200xi32, #tpu.memory_space<vmem>>) target_semaphore(%dma_start3A_39 : memref<!tpu.dma_semaphore, #tpu.memory_space<semaphore_mem>>)
    %add3A_41 = arith.constant 32 : i32
    %add3A_42 = arith.addi %add3A, %add3A_41 : i32
    %mul3A_43 = arith.constant 3200 : i32
    %mul3A_44 = arith.muli %add3A_42, %mul3A_43 : i32
    %dma_start3A_45 = arith.constant 1 : i32
    %dma_start3A_46 = tpu.memref_slice %arg4[%mul3A_44] : memref<2000000xi32, #tpu.memory_space<hbm>> -> memref<3200xi32, #tpu.memory_space<hbm>>
    %dma_start3A_47 = tpu.memref_slice %arg41[%dma_start3A_45] : memref<3x!tpu.dma_semaphore, #tpu.memory_space<semaphore_mem>> -> memref<1x!tpu.dma_semaphore, #tpu.memory_space<semaphore_mem>>
    %dma_start3A_48 = tpu.memref_squeeze %dma_start3A_47 : memref<1x!tpu.dma_semaphore, #tpu.memory_space<semaphore_mem>> -> memref<!tpu.dma_semaphore, #tpu.memory_space<semaphore_mem>>
    %dma_start3A_49 = tpu.memref_slice %arg4[%mul3A_44] : memref<2000000xi32, #tpu.memory_space<hbm>> -> memref<3200xi32, #tpu.memory_space<hbm>>
    tpu.enqueue_dma source(%dma_start3A_49 : memref<3200xi32, #tpu.memory_space<hbm>>) target(%arg27 : memref<3200xi32, #tpu.memory_space<vmem>>) target_semaphore(%dma_start3A_48 : memref<!tpu.dma_semaphore, #tpu.memory_space<semaphore_mem>>)
    %dma_start3A_50 = arith.constant 1 : i32
    %dma_start3A_51 = tpu.memref_slice %arg3[%mul3A_44] : memref<2000000xi32, #tpu.memory_space<hbm>> -> memref<3200xi32, #tpu.memory_space<hbm>>
    %dma_start3A_52 = tpu.memref_slice %arg41[%dma_start3A_50] : memref<3x!tpu.dma_semaphore, #tpu.memory_space<semaphore_mem>> -> memref<1x!tpu.dma_semaphore, #tpu.memory_space<semaphore_mem>>
    %dma_start3A_53 = tpu.memref_squeeze %dma_start3A_52 : memref<1x!tpu.dma_semaphore, #tpu.memory_space<semaphore_mem>> -> memref<!tpu.dma_semaphore, #tpu.memory_space<semaphore_mem>>
    %dma_start3A_54 = tpu.memref_slice %arg3[%mul3A_44] : memref<2000000xi32, #tpu.memory_space<hbm>> -> memref<3200xi32, #tpu.memory_space<hbm>>
    tpu.enqueue_dma source(%dma_start3A_54 : memref<3200xi32, #tpu.memory_space<hbm>>) target(%arg28 : memref<3200xi32, #tpu.memory_space<vmem>>) target_semaphore(%dma_start3A_53 : memref<!tpu.dma_semaphore, #tpu.memory_space<semaphore_mem>>)
    %dma_start3A_55 = arith.constant 1 : i32
    %dma_start3A_56 = tpu.memref_slice %arg5[%mul3A_44] : memref<2000000xi32, #tpu.memory_space<hbm>> -> memref<3200xi32, #tpu.memory_space<hbm>>
    %dma_start3A_57 = tpu.memref_slice %arg41[%dma_start3A_55] : memref<3x!tpu.dma_semaphore, #tpu.memory_space<semaphore_mem>> -> memref<1x!tpu.dma_semaphore, #tpu.memory_space<semaphore_mem>>
    %dma_start3A_58 = tpu.memref_squeeze %dma_start3A_57 : memref<1x!tpu.dma_semaphore, #tpu.memory_space<semaphore_mem>> -> memref<!tpu.dma_semaphore, #tpu.memory_space<semaphore_mem>>
    %dma_start3A_59 = tpu.memref_slice %arg5[%mul3A_44] : memref<2000000xi32, #tpu.memory_space<hbm>> -> memref<3200xi32, #tpu.memory_space<hbm>>
    tpu.enqueue_dma source(%dma_start3A_59 : memref<3200xi32, #tpu.memory_space<hbm>>) target(%arg29 : memref<3200xi32, #tpu.memory_space<vmem>>) target_semaphore(%dma_start3A_58 : memref<!tpu.dma_semaphore, #tpu.memory_space<semaphore_mem>>)
    %barrier3A = arith.constant 0 : index
    tpu.barrier barrier_id(%barrier3A)
    %dma_wait3A = arith.constant 0 : i32
    %dma_wait3A_60 = arith.constant 0 : i32
    %dma_wait3A_61 = tpu.memref_slice %arg4[%dma_wait3A_60] : memref<2000000xi32, #tpu.memory_space<hbm>> -> memref<3200xi32, #tpu.memory_space<hbm>>
    %dma_wait3A_62 = tpu.memref_slice %arg41[%dma_wait3A] : memref<3x!tpu.dma_semaphore, #tpu.memory_space<semaphore_mem>> -> memref<1x!tpu.dma_semaphore, #tpu.memory_space<semaphore_mem>>
    %dma_wait3A_63 = tpu.memref_squeeze %dma_wait3A_62 : memref<1x!tpu.dma_semaphore, #tpu.memory_space<semaphore_mem>> -> memref<!tpu.dma_semaphore, #tpu.memory_space<semaphore_mem>>
    %dma_wait3A_64 = arith.constant 0 : i32
    %dma_wait3A_65 = tpu.memref_slice %arg4[%dma_wait3A_64] : memref<2000000xi32, #tpu.memory_space<hbm>> -> memref<3200xi32, #tpu.memory_space<hbm>>
    tpu.wait_dma2 semaphore(%dma_wait3A_63 : memref<!tpu.dma_semaphore, #tpu.memory_space<semaphore_mem>>) src(%dma_wait3A_65 : memref<3200xi32, #tpu.memory_space<hbm>>) dst(%arg21 : memref<3200xi32, #tpu.memory_space<vmem>>)
    %dma_wait3A_66 = arith.constant 0 : i32
    %dma_wait3A_67 = arith.constant 0 : i32
    %dma_wait3A_68 = tpu.memref_slice %arg3[%dma_wait3A_67] : memref<2000000xi32, #tpu.memory_space<hbm>> -> memref<3200xi32, #tpu.memory_space<hbm>>
    %dma_wait3A_69 = tpu.memref_slice %arg41[%dma_wait3A_66] : memref<3x!tpu.dma_semaphore, #tpu.memory_space<semaphore_mem>> -> memref<1x!tpu.dma_semaphore, #tpu.memory_space<semaphore_mem>>
    %dma_wait3A_70 = tpu.memref_squeeze %dma_wait3A_69 : memref<1x!tpu.dma_semaphore, #tpu.memory_space<semaphore_mem>> -> memref<!tpu.dma_semaphore, #tpu.memory_space<semaphore_mem>>
    %dma_wait3A_71 = arith.constant 0 : i32
    %dma_wait3A_72 = tpu.memref_slice %arg3[%dma_wait3A_71] : memref<2000000xi32, #tpu.memory_space<hbm>> -> memref<3200xi32, #tpu.memory_space<hbm>>
    tpu.wait_dma2 semaphore(%dma_wait3A_70 : memref<!tpu.dma_semaphore, #tpu.memory_space<semaphore_mem>>) src(%dma_wait3A_72 : memref<3200xi32, #tpu.memory_space<hbm>>) dst(%arg22 : memref<3200xi32, #tpu.memory_space<vmem>>)
    %dma_wait3A_73 = arith.constant 0 : i32
    %dma_wait3A_74 = arith.constant 0 : i32
    %dma_wait3A_75 = tpu.memref_slice %arg5[%dma_wait3A_74] : memref<2000000xi32, #tpu.memory_space<hbm>> -> memref<3200xi32, #tpu.memory_space<hbm>>
    %dma_wait3A_76 = tpu.memref_slice %arg41[%dma_wait3A_73] : memref<3x!tpu.dma_semaphore, #tpu.memory_space<semaphore_mem>> -> memref<1x!tpu.dma_semaphore, #tpu.memory_space<semaphore_mem>>
    %dma_wait3A_77 = tpu.memref_squeeze %dma_wait3A_76 : memref<1x!tpu.dma_semaphore, #tpu.memory_space<semaphore_mem>> -> memref<!tpu.dma_semaphore, #tpu.memory_space<semaphore_mem>>
    %dma_wait3A_78 = arith.constant 0 : i32
    %dma_wait3A_79 = tpu.memref_slice %arg5[%dma_wait3A_78] : memref<2000000xi32, #tpu.memory_space<hbm>> -> memref<3200xi32, #tpu.memory_space<hbm>>
    tpu.wait_dma2 semaphore(%dma_wait3A_77 : memref<!tpu.dma_semaphore, #tpu.memory_space<semaphore_mem>>) src(%dma_wait3A_79 : memref<3200xi32, #tpu.memory_space<hbm>>) dst(%arg23 : memref<3200xi32, #tpu.memory_space<vmem>>)
    %dma_start3A_80 = arith.constant 0 : i32
    %dma_start3A_81 = arith.constant 0 : i32
    %dma_start3A_82 = tpu.memref_slice %arg39[%dma_start3A_81] : memref<200000xi32, #tpu.memory_space<vmem_shared>> -> memref<200000xi32, #tpu.memory_space<vmem_shared>>
    %dma_start3A_83 = tpu.memref_slice %arg42[%dma_start3A_80] : memref<3x!tpu.dma_semaphore, #tpu.memory_space<semaphore_mem>> -> memref<1x!tpu.dma_semaphore, #tpu.memory_space<semaphore_mem>>
    %dma_start3A_84 = tpu.memref_squeeze %dma_start3A_83 : memref<1x!tpu.dma_semaphore, #tpu.memory_space<semaphore_mem>> -> memref<!tpu.dma_semaphore, #tpu.memory_space<semaphore_mem>>
    tpu.enqueue_indirect_dma source(%dma_start3A_82 : memref<200000xi32, #tpu.memory_space<vmem_shared>>) target(%arg24 : memref<3200xi32, #tpu.memory_space<vmem>>) offsets(%arg21 : memref<3200xi32, #tpu.memory_space<vmem>>) semaphore(%dma_start3A_84 : memref<!tpu.dma_semaphore, #tpu.memory_space<semaphore_mem>>)
    %dma_start3A_85 = arith.constant 0 : i32
    %dma_start3A_86 = arith.constant 0 : i32
    %dma_start3A_87 = tpu.memref_slice %arg40[%dma_start3A_86] : memref<200000xf32, #tpu.memory_space<vmem_shared>> -> memref<200000xf32, #tpu.memory_space<vmem_shared>>
    %dma_start3A_88 = tpu.memref_slice %arg42[%dma_start3A_85] : memref<3x!tpu.dma_semaphore, #tpu.memory_space<semaphore_mem>> -> memref<1x!tpu.dma_semaphore, #tpu.memory_space<semaphore_mem>>
    %dma_start3A_89 = tpu.memref_squeeze %dma_start3A_88 : memref<1x!tpu.dma_semaphore, #tpu.memory_space<semaphore_mem>> -> memref<!tpu.dma_semaphore, #tpu.memory_space<semaphore_mem>>
    tpu.enqueue_indirect_dma source(%dma_start3A_87 : memref<200000xf32, #tpu.memory_space<vmem_shared>>) target(%arg25 : memref<3200xf32, #tpu.memory_space<vmem>>) offsets(%arg21 : memref<3200xi32, #tpu.memory_space<vmem>>) semaphore(%dma_start3A_89 : memref<!tpu.dma_semaphore, #tpu.memory_space<semaphore_mem>>)
    %scan3A = arith.constant 0 : i32
    %scan3A_90 = arith.constant 8 : i32
    %scan3A_91 = arith.addi %scan3A, %scan3A_90 : i32
    %scan3A_92 = arith.constant 1 : i32
    scf.for %scan3A_115 = %scan3A to %scan3A_91 step %scan3A_92  : i32 {
      %mul3A_116 = arith.constant 1 : i32
      %mul3A_117 = arith.muli %scan3A_115, %mul3A_116 : i32
      %add3A_118 = arith.constant 0 : i32
      %add3A_119 = arith.addi %add3A_118, %mul3A_117 : i32
      %mul3A_120 = arith.constant 3 : i32
      %mul3A_121 = arith.muli %add3A_119, %mul3A_120 : i32
      %add3A_122 = arith.constant 0 : i32
      %add3A_123 = arith.addi %mul3A_121, %add3A_122 : i32
      %lt3A = arith.cmpi slt, %add3A_123, %add3A_22 : i32
      %convert_element_type3A_124 = arith.extui %lt3A : i1 to i32
      %cond3A_125 = arith.constant 0 : i32
      %cond3A_126 = arith.cmpi ne, %convert_element_type3A_124, %cond3A_125 : i32
      scf.if %cond3A_126 {
        %add3A_139 = arith.constant 2 : i32
        %add3A_140 = arith.addi %add3A_123, %add3A_139 : i32
        %lt3A_141 = arith.cmpi slt, %add3A_140, %add3A_22 : i32
        %convert_element_type3A_142 = arith.extui %lt3A_141 : i1 to i32
        %cond3A_143 = arith.constant 0 : i32
        %cond3A_144 = arith.cmpi ne, %convert_element_type3A_142, %cond3A_143 : i32
        scf.if %cond3A_144 {
          %add3A_180 = arith.constant 2 : i32
          %add3A_181 = arith.addi %add3A_123, %add3A_180 : i32
          %mul3A_182 = arith.constant 32 : i32
          %mul3A_183 = arith.muli %add3A_181, %mul3A_182 : i32
          %add3A_184 = arith.addi %add3A, %mul3A_183 : i32
          %mul3A_185 = arith.constant 3200 : i32
          %mul3A_186 = arith.muli %add3A_184, %mul3A_185 : i32
          %dma_start3A_187 = arith.constant 2 : i32
          %dma_start3A_188 = tpu.memref_slice %arg4[%mul3A_186] : memref<2000000xi32, #tpu.memory_space<hbm>> -> memref<3200xi32, #tpu.memory_space<hbm>>
          %dma_start3A_189 = tpu.memref_slice %arg41[%dma_start3A_187] : memref<3x!tpu.dma_semaphore, #tpu.memory_space<semaphore_mem>> -> memref<1x!tpu.dma_semaphore, #tpu.memory_space<semaphore_mem>>
          %dma_start3A_190 = tpu.memref_squeeze %dma_start3A_189 : memref<1x!tpu.dma_semaphore, #tpu.memory_space<semaphore_mem>> -> memref<!tpu.dma_semaphore, #tpu.memory_space<semaphore_mem>>
          %dma_start3A_191 = tpu.memref_slice %arg4[%mul3A_186] : memref<2000000xi32, #tpu.memory_space<hbm>> -> memref<3200xi32, #tpu.memory_space<hbm>>
          tpu.enqueue_dma source(%dma_start3A_191 : memref<3200xi32, #tpu.memory_space<hbm>>) target(%arg33 : memref<3200xi32, #tpu.memory_space<vmem>>) target_semaphore(%dma_start3A_190 : memref<!tpu.dma_semaphore, #tpu.memory_space<semaphore_mem>>)
          %dma_start3A_192 = arith.constant 2 : i32
          %dma_start3A_193 = tpu.memref_slice %arg3[%mul3A_186] : memref<2000000xi32, #tpu.memory_space<hbm>> -> memref<3200xi32, #tpu.memory_space<hbm>>
          %dma_start3A_194 = tpu.memref_slice %arg41[%dma_start3A_192] : memref<3x!tpu.dma_semaphore, #tpu.memory_space<semaphore_mem>> -> memref<1x!tpu.dma_semaphore, #tpu.memory_space<semaphore_mem>>
          %dma_start3A_195 = tpu.memref_squeeze %dma_start3A_194 : memref<1x!tpu.dma_semaphore, #tpu.memory_space<semaphore_mem>> -> memref<!tpu.dma_semaphore, #tpu.memory_space<semaphore_mem>>
          %dma_start3A_196 = tpu.memref_slice %arg3[%mul3A_186] : memref<2000000xi32, #tpu.memory_space<hbm>> -> memref<3200xi32, #tpu.memory_space<hbm>>
          tpu.enqueue_dma source(%dma_start3A_196 : memref<3200xi32, #tpu.memory_space<hbm>>) target(%arg34 : memref<3200xi32, #tpu.memory_space<vmem>>) target_semaphore(%dma_start3A_195 : memref<!tpu.dma_semaphore, #tpu.memory_space<semaphore_mem>>)
          %dma_start3A_197 = arith.constant 2 : i32
          %dma_start3A_198 = tpu.memref_slice %arg5[%mul3A_186] : memref<2000000xi32, #tpu.memory_space<hbm>> -> memref<3200xi32, #tpu.memory_space<hbm>>
          %dma_start3A_199 = tpu.memref_slice %arg41[%dma_start3A_197] : memref<3x!tpu.dma_semaphore, #tpu.memory_space<semaphore_mem>> -> memref<1x!tpu.dma_semaphore, #tpu.memory_space<semaphore_mem>>
          %dma_start3A_200 = tpu.memref_squeeze %dma_start3A_199 : memref<1x!tpu.dma_semaphore, #tpu.memory_space<semaphore_mem>> -> memref<!tpu.dma_semaphore, #tpu.memory_space<semaphore_mem>>
          %dma_start3A_201 = tpu.memref_slice %arg5[%mul3A_186] : memref<2000000xi32, #tpu.memory_space<hbm>> -> memref<3200xi32, #tpu.memory_space<hbm>>
          tpu.enqueue_dma source(%dma_start3A_201 : memref<3200xi32, #tpu.memory_space<hbm>>) target(%arg35 : memref<3200xi32, #tpu.memory_space<vmem>>) target_semaphore(%dma_start3A_200 : memref<!tpu.dma_semaphore, #tpu.memory_space<semaphore_mem>>)
        } else {
        }
        %add3A_145 = arith.constant 1 : i32
        %add3A_146 = arith.addi %add3A_123, %add3A_145 : i32
        %lt3A_147 = arith.cmpi slt, %add3A_146, %add3A_22 : i32
        %convert_element_type3A_148 = arith.extui %lt3A_147 : i1 to i32
        %cond3A_149 = arith.constant 0 : i32
        %cond3A_150 = arith.cmpi ne, %convert_element_type3A_148, %cond3A_149 : i32
        scf.if %cond3A_150 {
          %dma_wait3A_180 = arith.constant 1 : i32
          %dma_wait3A_181 = arith.constant 0 : i32
          %dma_wait3A_182 = tpu.memref_slice %arg4[%dma_wait3A_181] : memref<2000000xi32, #tpu.memory_space<hbm>> -> memref<3200xi32, #tpu.memory_space<hbm>>
          %dma_wait3A_183 = tpu.memref_slice %arg41[%dma_wait3A_180] : memref<3x!tpu.dma_semaphore, #tpu.memory_space<semaphore_mem>> -> memref<1x!tpu.dma_semaphore, #tpu.memory_space<semaphore_mem>>
          %dma_wait3A_184 = tpu.memref_squeeze %dma_wait3A_183 : memref<1x!tpu.dma_semaphore, #tpu.memory_space<semaphore_mem>> -> memref<!tpu.dma_semaphore, #tpu.memory_space<semaphore_mem>>
          %dma_wait3A_185 = arith.constant 0 : i32
          %dma_wait3A_186 = tpu.memref_slice %arg4[%dma_wait3A_185] : memref<2000000xi32, #tpu.memory_space<hbm>> -> memref<3200xi32, #tpu.memory_space<hbm>>
          tpu.wait_dma2 semaphore(%dma_wait3A_184 : memref<!tpu.dma_semaphore, #tpu.memory_space<semaphore_mem>>) src(%dma_wait3A_186 : memref<3200xi32, #tpu.memory_space<hbm>>) dst(%arg27 : memref<3200xi32, #tpu.memory_space<vmem>>)
          %dma_wait3A_187 = arith.constant 1 : i32
          %dma_wait3A_188 = arith.constant 0 : i32
          %dma_wait3A_189 = tpu.memref_slice %arg3[%dma_wait3A_188] : memref<2000000xi32, #tpu.memory_space<hbm>> -> memref<3200xi32, #tpu.memory_space<hbm>>
          %dma_wait3A_190 = tpu.memref_slice %arg41[%dma_wait3A_187] : memref<3x!tpu.dma_semaphore, #tpu.memory_space<semaphore_mem>> -> memref<1x!tpu.dma_semaphore, #tpu.memory_space<semaphore_mem>>
          %dma_wait3A_191 = tpu.memref_squeeze %dma_wait3A_190 : memref<1x!tpu.dma_semaphore, #tpu.memory_space<semaphore_mem>> -> memref<!tpu.dma_semaphore, #tpu.memory_space<semaphore_mem>>
          %dma_wait3A_192 = arith.constant 0 : i32
          %dma_wait3A_193 = tpu.memref_slice %arg3[%dma_wait3A_192] : memref<2000000xi32, #tpu.memory_space<hbm>> -> memref<3200xi32, #tpu.memory_space<hbm>>
          tpu.wait_dma2 semaphore(%dma_wait3A_191 : memref<!tpu.dma_semaphore, #tpu.memory_space<semaphore_mem>>) src(%dma_wait3A_193 : memref<3200xi32, #tpu.memory_space<hbm>>) dst(%arg28 : memref<3200xi32, #tpu.memory_space<vmem>>)
          %dma_wait3A_194 = arith.constant 1 : i32
          %dma_wait3A_195 = arith.constant 0 : i32
          %dma_wait3A_196 = tpu.memref_slice %arg5[%dma_wait3A_195] : memref<2000000xi32, #tpu.memory_space<hbm>> -> memref<3200xi32, #tpu.memory_space<hbm>>
          %dma_wait3A_197 = tpu.memref_slice %arg41[%dma_wait3A_194] : memref<3x!tpu.dma_semaphore, #tpu.memory_space<semaphore_mem>> -> memref<1x!tpu.dma_semaphore, #tpu.memory_space<semaphore_mem>>
          %dma_wait3A_198 = tpu.memref_squeeze %dma_wait3A_197 : memref<1x!tpu.dma_semaphore, #tpu.memory_space<semaphore_mem>> -> memref<!tpu.dma_semaphore, #tpu.memory_space<semaphore_mem>>
          %dma_wait3A_199 = arith.constant 0 : i32
          %dma_wait3A_200 = tpu.memref_slice %arg5[%dma_wait3A_199] : memref<2000000xi32, #tpu.memory_space<hbm>> -> memref<3200xi32, #tpu.memory_space<hbm>>
          tpu.wait_dma2 semaphore(%dma_wait3A_198 : memref<!tpu.dma_semaphore, #tpu.memory_space<semaphore_mem>>) src(%dma_wait3A_200 : memref<3200xi32, #tpu.memory_space<hbm>>) dst(%arg29 : memref<3200xi32, #tpu.memory_space<vmem>>)
          %dma_start3A_201 = arith.constant 1 : i32
          %dma_start3A_202 = arith.constant 0 : i32
          %dma_start3A_203 = tpu.memref_slice %arg39[%dma_start3A_202] : memref<200000xi32, #tpu.memory_space<vmem_shared>> -> memref<200000xi32, #tpu.memory_space<vmem_shared>>
          %dma_start3A_204 = tpu.memref_slice %arg42[%dma_start3A_201] : memref<3x!tpu.dma_semaphore, #tpu.memory_space<semaphore_mem>> -> memref<1x!tpu.dma_semaphore, #tpu.memory_space<semaphore_mem>>
          %dma_start3A_205 = tpu.memref_squeeze %dma_start3A_204 : memref<1x!tpu.dma_semaphore, #tpu.memory_space<semaphore_mem>> -> memref<!tpu.dma_semaphore, #tpu.memory_space<semaphore_mem>>
          tpu.enqueue_indirect_dma source(%dma_start3A_203 : memref<200000xi32, #tpu.memory_space<vmem_shared>>) target(%arg30 : memref<3200xi32, #tpu.memory_space<vmem>>) offsets(%arg27 : memref<3200xi32, #tpu.memory_space<vmem>>) semaphore(%dma_start3A_205 : memref<!tpu.dma_semaphore, #tpu.memory_space<semaphore_mem>>)
          %dma_start3A_206 = arith.constant 1 : i32
          %dma_start3A_207 = arith.constant 0 : i32
          %dma_start3A_208 = tpu.memref_slice %arg40[%dma_start3A_207] : memref<200000xf32, #tpu.memory_space<vmem_shared>> -> memref<200000xf32, #tpu.memory_space<vmem_shared>>
          %dma_start3A_209 = tpu.memref_slice %arg42[%dma_start3A_206] : memref<3x!tpu.dma_semaphore, #tpu.memory_space<semaphore_mem>> -> memref<1x!tpu.dma_semaphore, #tpu.memory_space<semaphore_mem>>
          %dma_start3A_210 = tpu.memref_squeeze %dma_start3A_209 : memref<1x!tpu.dma_semaphore, #tpu.memory_space<semaphore_mem>> -> memref<!tpu.dma_semaphore, #tpu.memory_space<semaphore_mem>>
          tpu.enqueue_indirect_dma source(%dma_start3A_208 : memref<200000xf32, #tpu.memory_space<vmem_shared>>) target(%arg31 : memref<3200xf32, #tpu.memory_space<vmem>>) offsets(%arg27 : memref<3200xi32, #tpu.memory_space<vmem>>) semaphore(%dma_start3A_210 : memref<!tpu.dma_semaphore, #tpu.memory_space<semaphore_mem>>)
        } else {
        }
        %dma_wait3A_151 = arith.constant 0 : i32
        %dma_wait3A_152 = arith.constant 0 : i32
        %dma_wait3A_153 = tpu.memref_slice %arg39[%dma_wait3A_152] : memref<200000xi32, #tpu.memory_space<vmem_shared>> -> memref<200000xi32, #tpu.memory_space<vmem_shared>>
        %dma_wait3A_154 = tpu.memref_slice %arg42[%dma_wait3A_151] : memref<3x!tpu.dma_semaphore, #tpu.memory_space<semaphore_mem>> -> memref<1x!tpu.dma_semaphore, #tpu.memory_space<semaphore_mem>>
        %dma_wait3A_155 = tpu.memref_squeeze %dma_wait3A_154 : memref<1x!tpu.dma_semaphore, #tpu.memory_space<semaphore_mem>> -> memref<!tpu.dma_semaphore, #tpu.memory_space<semaphore_mem>>
        tpu.wait_indirect_dma semaphore(%dma_wait3A_155 : memref<!tpu.dma_semaphore, #tpu.memory_space<semaphore_mem>>) src(%dma_wait3A_153 : memref<200000xi32, #tpu.memory_space<vmem_shared>>) dst(%arg24 : memref<3200xi32, #tpu.memory_space<vmem>>)
        %dma_wait3A_156 = arith.constant 0 : i32
        %dma_wait3A_157 = arith.constant 0 : i32
        %dma_wait3A_158 = tpu.memref_slice %arg40[%dma_wait3A_157] : memref<200000xf32, #tpu.memory_space<vmem_shared>> -> memref<200000xf32, #tpu.memory_space<vmem_shared>>
        %dma_wait3A_159 = tpu.memref_slice %arg42[%dma_wait3A_156] : memref<3x!tpu.dma_semaphore, #tpu.memory_space<semaphore_mem>> -> memref<1x!tpu.dma_semaphore, #tpu.memory_space<semaphore_mem>>
        %dma_wait3A_160 = tpu.memref_squeeze %dma_wait3A_159 : memref<1x!tpu.dma_semaphore, #tpu.memory_space<semaphore_mem>> -> memref<!tpu.dma_semaphore, #tpu.memory_space<semaphore_mem>>
        tpu.wait_indirect_dma semaphore(%dma_wait3A_160 : memref<!tpu.dma_semaphore, #tpu.memory_space<semaphore_mem>>) src(%dma_wait3A_158 : memref<200000xf32, #tpu.memory_space<vmem_shared>>) dst(%arg25 : memref<3200xf32, #tpu.memory_space<vmem>>)
        %ge3A = arith.constant 3 : i32
        %ge3A_161 = arith.cmpi sge, %add3A_123, %ge3A : i32
        %convert_element_type3A_162 = arith.extui %ge3A_161 : i1 to i32
        %cond3A_163 = arith.constant 0 : i32
        %cond3A_164 = arith.cmpi ne, %convert_element_type3A_162, %cond3A_163 : i32
        scf.if %cond3A_164 {
          %dma_wait3A_180 = arith.constant 0 : i32
          %dma_wait3A_181 = arith.constant 0 : i32
          %dma_wait3A_182 = tpu.memref_slice %arg8[%dma_wait3A_181] : memref<2000000xf32, #tpu.memory_space<hbm>> -> memref<3200xf32, #tpu.memory_space<hbm>>
          %dma_wait3A_183 = tpu.memref_slice %arg43[%dma_wait3A_180] : memref<3x!tpu.dma_semaphore, #tpu.memory_space<semaphore_mem>> -> memref<1x!tpu.dma_semaphore, #tpu.memory_space<semaphore_mem>>
          %dma_wait3A_184 = tpu.memref_squeeze %dma_wait3A_183 : memref<1x!tpu.dma_semaphore, #tpu.memory_space<semaphore_mem>> -> memref<!tpu.dma_semaphore, #tpu.memory_space<semaphore_mem>>
          %dma_wait3A_185 = arith.constant 0 : i32
          %dma_wait3A_186 = tpu.memref_slice %arg8[%dma_wait3A_185] : memref<2000000xf32, #tpu.memory_space<hbm>> -> memref<3200xf32, #tpu.memory_space<hbm>>
          tpu.wait_dma2 semaphore(%dma_wait3A_184 : memref<!tpu.dma_semaphore, #tpu.memory_space<semaphore_mem>>) src(%arg26 : memref<3200xf32, #tpu.memory_space<vmem>>) dst(%dma_wait3A_186 : memref<3200xf32, #tpu.memory_space<hbm>>)
        } else {
        }
        %scan3A_165 = arith.constant 0 : i32
        %scan3A_166 = arith.constant 200 : i32
        %scan3A_167 = arith.addi %scan3A_165, %scan3A_166 : i32
        %scan3A_168 = arith.constant 8 : i32
        scf.for %scan3A_180 = %scan3A_165 to %scan3A_167 step %scan3A_168  : i32 {
          %mul3A_181 = arith.constant 1 : i32
          %mul3A_182 = arith.muli %scan3A_180, %mul3A_181 : i32
          %add3A_183 = arith.constant 0 : i32
          %add3A_184 = arith.addi %add3A_183, %mul3A_182 : i32
          %mul3A_185 = arith.constant 16 : i32
          %mul3A_186 = arith.muli %add3A_184, %mul3A_185 : i32
          %get3A = arith.index_cast %mul3A_186 : i32 to index
          %get3A_187 = tpu.vector_load %arg22[%get3A] {strides = array<i32>} : memref<3200xi32, #tpu.memory_space<vmem>>, vector<16xi32>,
          %gather3A = tpu.vector_load_idx %arg9[%get3A_187] : memref<2048xf32, #tpu.memory_space<vmem>>[vector<16xi32>], vector<16xf32>,
          %gather3A_188 = tpu.vector_load_idx %arg10[%get3A_187] : memref<2048xf32, #tpu.memory_space<vmem>>[vector<16xi32>], vector<16xf32>,
          %gather3A_189 = tpu.vector_load_idx %arg11[%get3A_187] : memref<2048xf32, #tpu.memory_space<vmem>>[vector<16xi32>], vector<16xf32>,
          %gather3A_190 = tpu.vector_load_idx %arg12[%get3A_187] : memref<2048xf32, #tpu.memory_space<vmem>>[vector<16xi32>], vector<16xf32>,
          %gather3A_191 = tpu.vector_load_idx %arg13[%get3A_187] : memref<2048xf32, #tpu.memory_space<vmem>>[vector<16xi32>], vector<16xf32>,
          %gather3A_192 = tpu.vector_load_idx %arg14[%get3A_187] : memref<2048xf32, #tpu.memory_space<vmem>>[vector<16xi32>], vector<16xf32>,
          %gather3A_193 = tpu.vector_load_idx %arg15[%get3A_187] : memref<2048xf32, #tpu.memory_space<vmem>>[vector<16xi32>], vector<16xf32>,
          %gather3A_194 = tpu.vector_load_idx %arg16[%get3A_187] : memref<2048xf32, #tpu.memory_space<vmem>>[vector<16xi32>], vector<16xf32>,
          %gather3A_195 = tpu.vector_load_idx %arg17[%get3A_187] : memref<2048xf32, #tpu.memory_space<vmem>>[vector<16xi32>], vector<16xf32>,
          %gather3A_196 = tpu.vector_load_idx %arg18[%get3A_187] : memref<2048xf32, #tpu.memory_space<vmem>>[vector<16xi32>], vector<16xf32>,
          %gather3A_197 = tpu.vector_load_idx %arg19[%get3A_187] : memref<2048xf32, #tpu.memory_space<vmem>>[vector<16xi32>], vector<16xf32>,
          %gather3A_198 = tpu.vector_load_idx %arg20[%get3A_187] : memref<2048xf32, #tpu.memory_space<vmem>>[vector<16xi32>], vector<16xf32>,
          %get3A_199 = arith.index_cast %mul3A_186 : i32 to index
          %get3A_200 = tpu.vector_load %arg24[%get3A_199] {strides = array<i32>} : memref<3200xi32, #tpu.memory_space<vmem>>, vector<16xi32>,
          %bitcast3A = vector.bitcast %get3A_200 : vector<16xi32> to vector<16xf32>
          %shift_left3A = arith.constant 16 : i32
          %shift_left3A_201 = vector.broadcast %shift_left3A : i32 to vector<16xi32>
          %shift_left3A_202 = arith.shli %get3A_200, %shift_left3A_201 : vector<16xi32>
          %bitcast3A_203 = vector.bitcast %shift_left3A_202 : vector<16xi32> to vector<16xf32>
          %get3A_204 = arith.index_cast %mul3A_186 : i32 to index
          %get3A_205 = tpu.vector_load %arg25[%get3A_204] {strides = array<i32>} : memref<3200xf32, #tpu.memory_space<vmem>>, vector<16xf32>,
          %get3A_206 = arith.index_cast %mul3A_186 : i32 to index
          %get3A_207 = tpu.vector_load %arg23[%get3A_206] {strides = array<i32>} : memref<3200xi32, #tpu.memory_space<vmem>>, vector<16xi32>,
          %bitcast3A_208 = vector.bitcast %get3A_207 : vector<16xi32> to vector<16xf32>
          %shift_left3A_209 = arith.constant 16 : i32
          %shift_left3A_210 = vector.broadcast %shift_left3A_209 : i32 to vector<16xi32>
          %shift_left3A_211 = arith.shli %get3A_207, %shift_left3A_210 : vector<16xi32>
          %bitcast3A_212 = vector.bitcast %shift_left3A_211 : vector<16xi32> to vector<16xf32>
          %mul3A_213 = arith.mulf %gather3A, %bitcast3A : vector<16xf32>
          %mul3A_214 = arith.mulf %gather3A_188, %bitcast3A_203 : vector<16xf32>
          %add3A_215 = arith.addf %mul3A_213, %mul3A_214 : vector<16xf32>
          %mul3A_216 = arith.mulf %gather3A_189, %get3A_205 : vector<16xf32>
          %add3A_217 = arith.addf %add3A_215, %mul3A_216 : vector<16xf32>
          %add3A_218 = arith.addf %add3A_217, %gather3A_190 : vector<16xf32>
          %mul3A_219 = arith.mulf %gather3A_191, %bitcast3A : vector<16xf32>
          %mul3A_220 = arith.mulf %gather3A_192, %bitcast3A_203 : vector<16xf32>
          %add3A_221 = arith.addf %mul3A_219, %mul3A_220 : vector<16xf32>
          %mul3A_222 = arith.mulf %gather3A_193, %get3A_205 : vector<16xf32>
          %add3A_223 = arith.addf %add3A_221, %mul3A_222 : vector<16xf32>
          %add3A_224 = arith.addf %add3A_223, %gather3A_194 : vector<16xf32>
          %mul3A_225 = arith.mulf %gather3A_195, %bitcast3A : vector<16xf32>
          %mul3A_226 = arith.mulf %gather3A_196, %bitcast3A_203 : vector<16xf32>
          %add3A_227 = arith.addf %mul3A_225, %mul3A_226 : vector<16xf32>
          %mul3A_228 = arith.mulf %gather3A_197, %get3A_205 : vector<16xf32>
          %add3A_229 = arith.addf %add3A_227, %mul3A_228 : vector<16xf32>
          %add3A_230 = arith.addf %add3A_229, %gather3A_198 : vector<16xf32>
          %sub3A_231 = arith.constant 5.120000e+02 : f32
          %sub3A_232 = vector.broadcast %sub3A_231 : f32 to vector<16xf32>
          %sub3A_233 = arith.subf %bitcast3A_208, %sub3A_232 : vector<16xf32>
          %mul3A_234 = arith.mulf %sub3A_233, %add3A_230 : vector<16xf32>
          %sub3A_235 = arith.subf %add3A_218, %mul3A_234 : vector<16xf32>
          %sub3A_236 = arith.constant 5.120000e+02 : f32
          %sub3A_237 = vector.broadcast %sub3A_236 : f32 to vector<16xf32>
          %sub3A_238 = arith.subf %bitcast3A_212, %sub3A_237 : vector<16xf32>
          %mul3A_239 = arith.mulf %sub3A_238, %add3A_230 : vector<16xf32>
          %sub3A_240 = arith.subf %add3A_224, %mul3A_239 : vector<16xf32>
          %mul3A_241 = arith.mulf %sub3A_235, %sub3A_235 : vector<16xf32>
          %mul3A_242 = arith.mulf %sub3A_240, %sub3A_240 : vector<16xf32>
          %add3A_243 = arith.addf %mul3A_241, %mul3A_242 : vector<16xf32>
          %mul3A_244 = arith.mulf %add3A_230, %add3A_230 : vector<16xf32>
          %bitcast3A_245 = vector.bitcast %add3A_243 : vector<16xf32> to vector<16xi32>
          %shift_right_logical3A = arith.constant 1 : i32
          %shift_right_logical3A_246 = vector.broadcast %shift_right_logical3A : i32 to vector<16xi32>
          %shift_right_logical3A_247 = arith.shrui %bitcast3A_245, %shift_right_logical3A_246 : vector<16xi32>
          %sub3A_248 = arith.constant 1597463007 : i32
          %sub3A_249 = vector.broadcast %sub3A_248 : i32 to vector<16xi32>
          %sub3A_250 = arith.subi %sub3A_249, %shift_right_logical3A_247 : vector<16xi32>
          %bitcast3A_251 = vector.bitcast %sub3A_250 : vector<16xi32> to vector<16xf32>
          %bitcast3A_252 = vector.bitcast %mul3A_244 : vector<16xf32> to vector<16xi32>
          %shift_right_logical3A_253 = arith.constant 1 : i32
          %shift_right_logical3A_254 = vector.broadcast %shift_right_logical3A_253 : i32 to vector<16xi32>
          %shift_right_logical3A_255 = arith.shrui %bitcast3A_252, %shift_right_logical3A_254 : vector<16xi32>
          %sub3A_256 = arith.constant 1597463007 : i32
          %sub3A_257 = vector.broadcast %sub3A_256 : i32 to vector<16xi32>
          %sub3A_258 = arith.subi %sub3A_257, %shift_right_logical3A_255 : vector<16xi32>
          %bitcast3A_259 = vector.bitcast %sub3A_258 : vector<16xi32> to vector<16xf32>
          %mul3A_260 = arith.constant 5.000000e-01 : f32
          %mul3A_261 = vector.broadcast %mul3A_260 : f32 to vector<16xf32>
          %mul3A_262 = arith.mulf %mul3A_261, %add3A_243 : vector<16xf32>
          %mul3A_263 = arith.constant 5.000000e-01 : f32
          %mul3A_264 = vector.broadcast %mul3A_263 : f32 to vector<16xf32>
          %mul3A_265 = arith.mulf %mul3A_264, %mul3A_244 : vector<16xf32>
          %mul3A_266 = arith.mulf %mul3A_262, %bitcast3A_251 : vector<16xf32>
          %mul3A_267 = arith.mulf %mul3A_266, %bitcast3A_251 : vector<16xf32>
          %sub3A_268 = arith.constant 1.500000e+00 : f32
          %sub3A_269 = vector.broadcast %sub3A_268 : f32 to vector<16xf32>
          %sub3A_270 = arith.subf %sub3A_269, %mul3A_267 : vector<16xf32>
          %mul3A_271 = arith.mulf %bitcast3A_251, %sub3A_270 : vector<16xf32>
          %mul3A_272 = arith.mulf %mul3A_265, %bitcast3A_259 : vector<16xf32>
          %mul3A_273 = arith.mulf %mul3A_272, %bitcast3A_259 : vector<16xf32>
          %sub3A_274 = arith.constant 1.500000e+00 : f32
          %sub3A_275 = vector.broadcast %sub3A_274 : f32 to vector<16xf32>
          %sub3A_276 = arith.subf %sub3A_275, %mul3A_273 : vector<16xf32>
          %mul3A_277 = arith.mulf %bitcast3A_259, %sub3A_276 : vector<16xf32>
          %mul3A_278 = arith.mulf %mul3A_262, %mul3A_271 : vector<16xf32>
          %mul3A_279 = arith.mulf %mul3A_278, %mul3A_271 : vector<16xf32>
          %sub3A_280 = arith.constant 1.500000e+00 : f32
          %sub3A_281 = vector.broadcast %sub3A_280 : f32 to vector<16xf32>
          %sub3A_282 = arith.subf %sub3A_281, %mul3A_279 : vector<16xf32>
          %mul3A_283 = arith.mulf %mul3A_271, %sub3A_282 : vector<16xf32>
          %mul3A_284 = arith.mulf %mul3A_265, %mul3A_277 : vector<16xf32>
          %mul3A_285 = arith.mulf %mul3A_284, %mul3A_277 : vector<16xf32>
          %sub3A_286 = arith.constant 1.500000e+00 : f32
          %sub3A_287 = vector.broadcast %sub3A_286 : f32 to vector<16xf32>
          %sub3A_288 = arith.subf %sub3A_287, %mul3A_285 : vector<16xf32>
          %mul3A_289 = arith.mulf %mul3A_277, %sub3A_288 : vector<16xf32>
          %mul3A_290 = arith.mulf %add3A_243, %mul3A_283 : vector<16xf32>
          %mul3A_291 = arith.mulf %mul3A_290, %mul3A_289 : vector<16xf32>
          %swap3A = arith.index_cast %mul3A_186 : i32 to index
          %swap3A_292 = tpu.vector_load %arg26[%swap3A] {strides = array<i32>} : memref<3200xf32, #tpu.memory_space<vmem>>, vector<16xf32>,
          tpu.vector_store %arg26[%swap3A], %mul3A_291 {strides = array<i32>} : memref<3200xf32, #tpu.memory_space<vmem>>, vector<16xf32>,
          %scan3A_293 = arith.constant 1 : i32
          %scan3A_294 = arith.addi %scan3A_180, %scan3A_293 : i32
          %mul3A_295 = arith.constant 1 : i32
          %mul3A_296 = arith.muli %scan3A_294, %mul3A_295 : i32
          %add3A_297 = arith.constant 0 : i32
          %add3A_298 = arith.addi %add3A_297, %mul3A_296 : i32
          %mul3A_299 = arith.constant 16 : i32
          %mul3A_300 = arith.muli %add3A_298, %mul3A_299 : i32
          %get3A_301 = arith.index_cast %mul3A_300 : i32 to index
          %get3A_302 = tpu.vector_load %arg22[%get3A_301] {strides = array<i32>} : memref<3200xi32, #tpu.memory_space<vmem>>, vector<16xi32>,
          %gather3A_303 = tpu.vector_load_idx %arg9[%get3A_302] : memref<2048xf32, #tpu.memory_space<vmem>>[vector<16xi32>], vector<16xf32>,
          %gather3A_304 = tpu.vector_load_idx %arg10[%get3A_302] : memref<2048xf32, #tpu.memory_space<vmem>>[vector<16xi32>], vector<16xf32>,
          %gather3A_305 = tpu.vector_load_idx %arg11[%get3A_302] : memref<2048xf32, #tpu.memory_space<vmem>>[vector<16xi32>], vector<16xf32>,
          %gather3A_306 = tpu.vector_load_idx %arg12[%get3A_302] : memref<2048xf32, #tpu.memory_space<vmem>>[vector<16xi32>], vector<16xf32>,
          %gather3A_307 = tpu.vector_load_idx %arg13[%get3A_302] : memref<2048xf32, #tpu.memory_space<vmem>>[vector<16xi32>], vector<16xf32>,
          %gather3A_308 = tpu.vector_load_idx %arg14[%get3A_302] : memref<2048xf32, #tpu.memory_space<vmem>>[vector<16xi32>], vector<16xf32>,
          %gather3A_309 = tpu.vector_load_idx %arg15[%get3A_302] : memref<2048xf32, #tpu.memory_space<vmem>>[vector<16xi32>], vector<16xf32>,
          %gather3A_310 = tpu.vector_load_idx %arg16[%get3A_302] : memref<2048xf32, #tpu.memory_space<vmem>>[vector<16xi32>], vector<16xf32>,
          %gather3A_311 = tpu.vector_load_idx %arg17[%get3A_302] : memref<2048xf32, #tpu.memory_space<vmem>>[vector<16xi32>], vector<16xf32>,
          %gather3A_312 = tpu.vector_load_idx %arg18[%get3A_302] : memref<2048xf32, #tpu.memory_space<vmem>>[vector<16xi32>], vector<16xf32>,
          %gather3A_313 = tpu.vector_load_idx %arg19[%get3A_302] : memref<2048xf32, #tpu.memory_space<vmem>>[vector<16xi32>], vector<16xf32>,
          %gather3A_314 = tpu.vector_load_idx %arg20[%get3A_302] : memref<2048xf32, #tpu.memory_space<vmem>>[vector<16xi32>], vector<16xf32>,
          %get3A_315 = arith.index_cast %mul3A_300 : i32 to index
          %get3A_316 = tpu.vector_load %arg24[%get3A_315] {strides = array<i32>} : memref<3200xi32, #tpu.memory_space<vmem>>, vector<16xi32>,
          %bitcast3A_317 = vector.bitcast %get3A_316 : vector<16xi32> to vector<16xf32>
          %shift_left3A_318 = arith.constant 16 : i32
          %shift_left3A_319 = vector.broadcast %shift_left3A_318 : i32 to vector<16xi32>
          %shift_left3A_320 = arith.shli %get3A_316, %shift_left3A_319 : vector<16xi32>
          %bitcast3A_321 = vector.bitcast %shift_left3A_320 : vector<16xi32> to vector<16xf32>
          %get3A_322 = arith.index_cast %mul3A_300 : i32 to index
          %get3A_323 = tpu.vector_load %arg25[%get3A_322] {strides = array<i32>} : memref<3200xf32, #tpu.memory_space<vmem>>, vector<16xf32>,
          %get3A_324 = arith.index_cast %mul3A_300 : i32 to index
          %get3A_325 = tpu.vector_load %arg23[%get3A_324] {strides = array<i32>} : memref<3200xi32, #tpu.memory_space<vmem>>, vector<16xi32>,
          %bitcast3A_326 = vector.bitcast %get3A_325 : vector<16xi32> to vector<16xf32>
          %shift_left3A_327 = arith.constant 16 : i32
          %shift_left3A_328 = vector.broadcast %shift_left3A_327 : i32 to vector<16xi32>
          %shift_left3A_329 = arith.shli %get3A_325, %shift_left3A_328 : vector<16xi32>
          %bitcast3A_330 = vector.bitcast %shift_left3A_329 : vector<16xi32> to vector<16xf32>
          %mul3A_331 = arith.mulf %gather3A_303, %bitcast3A_317 : vector<16xf32>
          %mul3A_332 = arith.mulf %gather3A_304, %bitcast3A_321 : vector<16xf32>
          %add3A_333 = arith.addf %mul3A_331, %mul3A_332 : vector<16xf32>
          %mul3A_334 = arith.mulf %gather3A_305, %get3A_323 : vector<16xf32>
          %add3A_335 = arith.addf %add3A_333, %mul3A_334 : vector<16xf32>
          %add3A_336 = arith.addf %add3A_335, %gather3A_306 : vector<16xf32>
          %mul3A_337 = arith.mulf %gather3A_307, %bitcast3A_317 : vector<16xf32>
          %mul3A_338 = arith.mulf %gather3A_308, %bitcast3A_321 : vector<16xf32>
          %add3A_339 = arith.addf %mul3A_337, %mul3A_338 : vector<16xf32>
          %mul3A_340 = arith.mulf %gather3A_309, %get3A_323 : vector<16xf32>
          %add3A_341 = arith.addf %add3A_339, %mul3A_340 : vector<16xf32>
          %add3A_342 = arith.addf %add3A_341, %gather3A_310 : vector<16xf32>
          %mul3A_343 = arith.mulf %gather3A_311, %bitcast3A_317 : vector<16xf32>
          %mul3A_344 = arith.mulf %gather3A_312, %bitcast3A_321 : vector<16xf32>
          %add3A_345 = arith.addf %mul3A_343, %mul3A_344 : vector<16xf32>
          %mul3A_346 = arith.mulf %gather3A_313, %get3A_323 : vector<16xf32>
          %add3A_347 = arith.addf %add3A_345, %mul3A_346 : vector<16xf32>
          %add3A_348 = arith.addf %add3A_347, %gather3A_314 : vector<16xf32>
          %sub3A_349 = arith.constant 5.120000e+02 : f32
          %sub3A_350 = vector.broadcast %sub3A_349 : f32 to vector<16xf32>
          %sub3A_351 = arith.subf %bitcast3A_326, %sub3A_350 : vector<16xf32>
          %mul3A_352 = arith.mulf %sub3A_351, %add3A_348 : vector<16xf32>
          %sub3A_353 = arith.subf %add3A_336, %mul3A_352 : vector<16xf32>
          %sub3A_354 = arith.constant 5.120000e+02 : f32
          %sub3A_355 = vector.broadcast %sub3A_354 : f32 to vector<16xf32>
          %sub3A_356 = arith.subf %bitcast3A_330, %sub3A_355 : vector<16xf32>
          %mul3A_357 = arith.mulf %sub3A_356, %add3A_348 : vector<16xf32>
          %sub3A_358 = arith.subf %add3A_342, %mul3A_357 : vector<16xf32>
          %mul3A_359 = arith.mulf %sub3A_353, %sub3A_353 : vector<16xf32>
          %mul3A_360 = arith.mulf %sub3A_358, %sub3A_358 : vector<16xf32>
          %add3A_361 = arith.addf %mul3A_359, %mul3A_360 : vector<16xf32>
          %mul3A_362 = arith.mulf %add3A_348, %add3A_348 : vector<16xf32>
          %bitcast3A_363 = vector.bitcast %add3A_361 : vector<16xf32> to vector<16xi32>
          %shift_right_logical3A_364 = arith.constant 1 : i32
          %shift_right_logical3A_365 = vector.broadcast %shift_right_logical3A_364 : i32 to vector<16xi32>
          %shift_right_logical3A_366 = arith.shrui %bitcast3A_363, %shift_right_logical3A_365 : vector<16xi32>
          %sub3A_367 = arith.constant 1597463007 : i32
          %sub3A_368 = vector.broadcast %sub3A_367 : i32 to vector<16xi32>
          %sub3A_369 = arith.subi %sub3A_368, %shift_right_logical3A_366 : vector<16xi32>
          %bitcast3A_370 = vector.bitcast %sub3A_369 : vector<16xi32> to vector<16xf32>
          %bitcast3A_371 = vector.bitcast %mul3A_362 : vector<16xf32> to vector<16xi32>
          %shift_right_logical3A_372 = arith.constant 1 : i32
          %shift_right_logical3A_373 = vector.broadcast %shift_right_logical3A_372 : i32 to vector<16xi32>
          %shift_right_logical3A_374 = arith.shrui %bitcast3A_371, %shift_right_logical3A_373 : vector<16xi32>
          %sub3A_375 = arith.constant 1597463007 : i32
          %sub3A_376 = vector.broadcast %sub3A_375 : i32 to vector<16xi32>
          %sub3A_377 = arith.subi %sub3A_376, %shift_right_logical3A_374 : vector<16xi32>
          %bitcast3A_378 = vector.bitcast %sub3A_377 : vector<16xi32> to vector<16xf32>
          %mul3A_379 = arith.constant 5.000000e-01 : f32
          %mul3A_380 = vector.broadcast %mul3A_379 : f32 to vector<16xf32>
          %mul3A_381 = arith.mulf %mul3A_380, %add3A_361 : vector<16xf32>
          %mul3A_382 = arith.constant 5.000000e-01 : f32
          %mul3A_383 = vector.broadcast %mul3A_382 : f32 to vector<16xf32>
          %mul3A_384 = arith.mulf %mul3A_383, %mul3A_362 : vector<16xf32>
          %mul3A_385 = arith.mulf %mul3A_381, %bitcast3A_370 : vector<16xf32>
          %mul3A_386 = arith.mulf %mul3A_385, %bitcast3A_370 : vector<16xf32>
          %sub3A_387 = arith.constant 1.500000e+00 : f32
          %sub3A_388 = vector.broadcast %sub3A_387 : f32 to vector<16xf32>
          %sub3A_389 = arith.subf %sub3A_388, %mul3A_386 : vector<16xf32>
          %mul3A_390 = arith.mulf %bitcast3A_370, %sub3A_389 : vector<16xf32>
          %mul3A_391 = arith.mulf %mul3A_384, %bitcast3A_378 : vector<16xf32>
          %mul3A_392 = arith.mulf %mul3A_391, %bitcast3A_378 : vector<16xf32>
          %sub3A_393 = arith.constant 1.500000e+00 : f32
          %sub3A_394 = vector.broadcast %sub3A_393 : f32 to vector<16xf32>
          %sub3A_395 = arith.subf %sub3A_394, %mul3A_392 : vector<16xf32>
          %mul3A_396 = arith.mulf %bitcast3A_378, %sub3A_395 : vector<16xf32>
          %mul3A_397 = arith.mulf %mul3A_381, %mul3A_390 : vector<16xf32>
          %mul3A_398 = arith.mulf %mul3A_397, %mul3A_390 : vector<16xf32>
          %sub3A_399 = arith.constant 1.500000e+00 : f32
          %sub3A_400 = vector.broadcast %sub3A_399 : f32 to vector<16xf32>
          %sub3A_401 = arith.subf %sub3A_400, %mul3A_398 : vector<16xf32>
          %mul3A_402 = arith.mulf %mul3A_390, %sub3A_401 : vector<16xf32>
          %mul3A_403 = arith.mulf %mul3A_384, %mul3A_396 : vector<16xf32>
          %mul3A_404 = arith.mulf %mul3A_403, %mul3A_396 : vector<16xf32>
          %sub3A_405 = arith.constant 1.500000e+00 : f32
          %sub3A_406 = vector.broadcast %sub3A_405 : f32 to vector<16xf32>
          %sub3A_407 = arith.subf %sub3A_406, %mul3A_404 : vector<16xf32>
          %mul3A_408 = arith.mulf %mul3A_396, %sub3A_407 : vector<16xf32>
          %mul3A_409 = arith.mulf %add3A_361, %mul3A_402 : vector<16xf32>
          %mul3A_410 = arith.mulf %mul3A_409, %mul3A_408 : vector<16xf32>
          %swap3A_411 = arith.index_cast %mul3A_300 : i32 to index
          %swap3A_412 = tpu.vector_load %arg26[%swap3A_411] {strides = array<i32>} : memref<3200xf32, #tpu.memory_space<vmem>>, vector<16xf32>,
          tpu.vector_store %arg26[%swap3A_411], %mul3A_410 {strides = array<i32>} : memref<3200xf32, #tpu.memory_space<vmem>>, vector<16xf32>,
          %scan3A_413 = arith.constant 2 : i32
          %scan3A_414 = arith.addi %scan3A_180, %scan3A_413 : i32
          %mul3A_415 = arith.constant 1 : i32
          %mul3A_416 = arith.muli %scan3A_414, %mul3A_415 : i32
          %add3A_417 = arith.constant 0 : i32
          %add3A_418 = arith.addi %add3A_417, %mul3A_416 : i32
          %mul3A_419 = arith.constant 16 : i32
          %mul3A_420 = arith.muli %add3A_418, %mul3A_419 : i32
          %get3A_421 = arith.index_cast %mul3A_420 : i32 to index
          %get3A_422 = tpu.vector_load %arg22[%get3A_421] {strides = array<i32>} : memref<3200xi32, #tpu.memory_space<vmem>>, vector<16xi32>,
          %gather3A_423 = tpu.vector_load_idx %arg9[%get3A_422] : memref<2048xf32, #tpu.memory_space<vmem>>[vector<16xi32>], vector<16xf32>,
          %gather3A_424 = tpu.vector_load_idx %arg10[%get3A_422] : memref<2048xf32, #tpu.memory_space<vmem>>[vector<16xi32>], vector<16xf32>,
          %gather3A_425 = tpu.vector_load_idx %arg11[%get3A_422] : memref<2048xf32, #tpu.memory_space<vmem>>[vector<16xi32>], vector<16xf32>,
          %gather3A_426 = tpu.vector_load_idx %arg12[%get3A_422] : memref<2048xf32, #tpu.memory_space<vmem>>[vector<16xi32>], vector<16xf32>,
          %gather3A_427 = tpu.vector_load_idx %arg13[%get3A_422] : memref<2048xf32, #tpu.memory_space<vmem>>[vector<16xi32>], vector<16xf32>,
          %gather3A_428 = tpu.vector_load_idx %arg14[%get3A_422] : memref<2048xf32, #tpu.memory_space<vmem>>[vector<16xi32>], vector<16xf32>,
          %gather3A_429 = tpu.vector_load_idx %arg15[%get3A_422] : memref<2048xf32, #tpu.memory_space<vmem>>[vector<16xi32>], vector<16xf32>,
          %gather3A_430 = tpu.vector_load_idx %arg16[%get3A_422] : memref<2048xf32, #tpu.memory_space<vmem>>[vector<16xi32>], vector<16xf32>,
          %gather3A_431 = tpu.vector_load_idx %arg17[%get3A_422] : memref<2048xf32, #tpu.memory_space<vmem>>[vector<16xi32>], vector<16xf32>,
          %gather3A_432 = tpu.vector_load_idx %arg18[%get3A_422] : memref<2048xf32, #tpu.memory_space<vmem>>[vector<16xi32>], vector<16xf32>,
          %gather3A_433 = tpu.vector_load_idx %arg19[%get3A_422] : memref<2048xf32, #tpu.memory_space<vmem>>[vector<16xi32>], vector<16xf32>,
          %gather3A_434 = tpu.vector_load_idx %arg20[%get3A_422] : memref<2048xf32, #tpu.memory_space<vmem>>[vector<16xi32>], vector<16xf32>,
          %get3A_435 = arith.index_cast %mul3A_420 : i32 to index
          %get3A_436 = tpu.vector_load %arg24[%get3A_435] {strides = array<i32>} : memref<3200xi32, #tpu.memory_space<vmem>>, vector<16xi32>,
          %bitcast3A_437 = vector.bitcast %get3A_436 : vector<16xi32> to vector<16xf32>
          %shift_left3A_438 = arith.constant 16 : i32
          %shift_left3A_439 = vector.broadcast %shift_left3A_438 : i32 to vector<16xi32>
          %shift_left3A_440 = arith.shli %get3A_436, %shift_left3A_439 : vector<16xi32>
          %bitcast3A_441 = vector.bitcast %shift_left3A_440 : vector<16xi32> to vector<16xf32>
          %get3A_442 = arith.index_cast %mul3A_420 : i32 to index
          %get3A_443 = tpu.vector_load %arg25[%get3A_442] {strides = array<i32>} : memref<3200xf32, #tpu.memory_space<vmem>>, vector<16xf32>,
          %get3A_444 = arith.index_cast %mul3A_420 : i32 to index
          %get3A_445 = tpu.vector_load %arg23[%get3A_444] {strides = array<i32>} : memref<3200xi32, #tpu.memory_space<vmem>>, vector<16xi32>,
          %bitcast3A_446 = vector.bitcast %get3A_445 : vector<16xi32> to vector<16xf32>
          %shift_left3A_447 = arith.constant 16 : i32
          %shift_left3A_448 = vector.broadcast %shift_left3A_447 : i32 to vector<16xi32>
          %shift_left3A_449 = arith.shli %get3A_445, %shift_left3A_448 : vector<16xi32>
          %bitcast3A_450 = vector.bitcast %shift_left3A_449 : vector<16xi32> to vector<16xf32>
          %mul3A_451 = arith.mulf %gather3A_423, %bitcast3A_437 : vector<16xf32>
          %mul3A_452 = arith.mulf %gather3A_424, %bitcast3A_441 : vector<16xf32>
          %add3A_453 = arith.addf %mul3A_451, %mul3A_452 : vector<16xf32>
          %mul3A_454 = arith.mulf %gather3A_425, %get3A_443 : vector<16xf32>
          %add3A_455 = arith.addf %add3A_453, %mul3A_454 : vector<16xf32>
          %add3A_456 = arith.addf %add3A_455, %gather3A_426 : vector<16xf32>
          %mul3A_457 = arith.mulf %gather3A_427, %bitcast3A_437 : vector<16xf32>
          %mul3A_458 = arith.mulf %gather3A_428, %bitcast3A_441 : vector<16xf32>
          %add3A_459 = arith.addf %mul3A_457, %mul3A_458 : vector<16xf32>
          %mul3A_460 = arith.mulf %gather3A_429, %get3A_443 : vector<16xf32>
          %add3A_461 = arith.addf %add3A_459, %mul3A_460 : vector<16xf32>
          %add3A_462 = arith.addf %add3A_461, %gather3A_430 : vector<16xf32>
          %mul3A_463 = arith.mulf %gather3A_431, %bitcast3A_437 : vector<16xf32>
          %mul3A_464 = arith.mulf %gather3A_432, %bitcast3A_441 : vector<16xf32>
          %add3A_465 = arith.addf %mul3A_463, %mul3A_464 : vector<16xf32>
          %mul3A_466 = arith.mulf %gather3A_433, %get3A_443 : vector<16xf32>
          %add3A_467 = arith.addf %add3A_465, %mul3A_466 : vector<16xf32>
          %add3A_468 = arith.addf %add3A_467, %gather3A_434 : vector<16xf32>
          %sub3A_469 = arith.constant 5.120000e+02 : f32
          %sub3A_470 = vector.broadcast %sub3A_469 : f32 to vector<16xf32>
          %sub3A_471 = arith.subf %bitcast3A_446, %sub3A_470 : vector<16xf32>
          %mul3A_472 = arith.mulf %sub3A_471, %add3A_468 : vector<16xf32>
          %sub3A_473 = arith.subf %add3A_456, %mul3A_472 : vector<16xf32>
          %sub3A_474 = arith.constant 5.120000e+02 : f32
          %sub3A_475 = vector.broadcast %sub3A_474 : f32 to vector<16xf32>
          %sub3A_476 = arith.subf %bitcast3A_450, %sub3A_475 : vector<16xf32>
          %mul3A_477 = arith.mulf %sub3A_476, %add3A_468 : vector<16xf32>
          %sub3A_478 = arith.subf %add3A_462, %mul3A_477 : vector<16xf32>
          %mul3A_479 = arith.mulf %sub3A_473, %sub3A_473 : vector<16xf32>
          %mul3A_480 = arith.mulf %sub3A_478, %sub3A_478 : vector<16xf32>
          %add3A_481 = arith.addf %mul3A_479, %mul3A_480 : vector<16xf32>
          %mul3A_482 = arith.mulf %add3A_468, %add3A_468 : vector<16xf32>
          %bitcast3A_483 = vector.bitcast %add3A_481 : vector<16xf32> to vector<16xi32>
          %shift_right_logical3A_484 = arith.constant 1 : i32
          %shift_right_logical3A_485 = vector.broadcast %shift_right_logical3A_484 : i32 to vector<16xi32>
          %shift_right_logical3A_486 = arith.shrui %bitcast3A_483, %shift_right_logical3A_485 : vector<16xi32>
          %sub3A_487 = arith.constant 1597463007 : i32
          %sub3A_488 = vector.broadcast %sub3A_487 : i32 to vector<16xi32>
          %sub3A_489 = arith.subi %sub3A_488, %shift_right_logical3A_486 : vector<16xi32>
          %bitcast3A_490 = vector.bitcast %sub3A_489 : vector<16xi32> to vector<16xf32>
          %bitcast3A_491 = vector.bitcast %mul3A_482 : vector<16xf32> to vector<16xi32>
          %shift_right_logical3A_492 = arith.constant 1 : i32
          %shift_right_logical3A_493 = vector.broadcast %shift_right_logical3A_492 : i32 to vector<16xi32>
          %shift_right_logical3A_494 = arith.shrui %bitcast3A_491, %shift_right_logical3A_493 : vector<16xi32>
          %sub3A_495 = arith.constant 1597463007 : i32
          %sub3A_496 = vector.broadcast %sub3A_495 : i32 to vector<16xi32>
          %sub3A_497 = arith.subi %sub3A_496, %shift_right_logical3A_494 : vector<16xi32>
          %bitcast3A_498 = vector.bitcast %sub3A_497 : vector<16xi32> to vector<16xf32>
          %mul3A_499 = arith.constant 5.000000e-01 : f32
          %mul3A_500 = vector.broadcast %mul3A_499 : f32 to vector<16xf32>
          %mul3A_501 = arith.mulf %mul3A_500, %add3A_481 : vector<16xf32>
          %mul3A_502 = arith.constant 5.000000e-01 : f32
          %mul3A_503 = vector.broadcast %mul3A_502 : f32 to vector<16xf32>
          %mul3A_504 = arith.mulf %mul3A_503, %mul3A_482 : vector<16xf32>
          %mul3A_505 = arith.mulf %mul3A_501, %bitcast3A_490 : vector<16xf32>
          %mul3A_506 = arith.mulf %mul3A_505, %bitcast3A_490 : vector<16xf32>
          %sub3A_507 = arith.constant 1.500000e+00 : f32
          %sub3A_508 = vector.broadcast %sub3A_507 : f32 to vector<16xf32>
          %sub3A_509 = arith.subf %sub3A_508, %mul3A_506 : vector<16xf32>
          %mul3A_510 = arith.mulf %bitcast3A_490, %sub3A_509 : vector<16xf32>
          %mul3A_511 = arith.mulf %mul3A_504, %bitcast3A_498 : vector<16xf32>
          %mul3A_512 = arith.mulf %mul3A_511, %bitcast3A_498 : vector<16xf32>
          %sub3A_513 = arith.constant 1.500000e+00 : f32
          %sub3A_514 = vector.broadcast %sub3A_513 : f32 to vector<16xf32>
          %sub3A_515 = arith.subf %sub3A_514, %mul3A_512 : vector<16xf32>
          %mul3A_516 = arith.mulf %bitcast3A_498, %sub3A_515 : vector<16xf32>
          %mul3A_517 = arith.mulf %mul3A_501, %mul3A_510 : vector<16xf32>
          %mul3A_518 = arith.mulf %mul3A_517, %mul3A_510 : vector<16xf32>
          %sub3A_519 = arith.constant 1.500000e+00 : f32
          %sub3A_520 = vector.broadcast %sub3A_519 : f32 to vector<16xf32>
          %sub3A_521 = arith.subf %sub3A_520, %mul3A_518 : vector<16xf32>
          %mul3A_522 = arith.mulf %mul3A_510, %sub3A_521 : vector<16xf32>
          %mul3A_523 = arith.mulf %mul3A_504, %mul3A_516 : vector<16xf32>
          %mul3A_524 = arith.mulf %mul3A_523, %mul3A_516 : vector<16xf32>
          %sub3A_525 = arith.constant 1.500000e+00 : f32
          %sub3A_526 = vector.broadcast %sub3A_525 : f32 to vector<16xf32>
          %sub3A_527 = arith.subf %sub3A_526, %mul3A_524 : vector<16xf32>
          %mul3A_528 = arith.mulf %mul3A_516, %sub3A_527 : vector<16xf32>
          %mul3A_529 = arith.mulf %add3A_481, %mul3A_522 : vector<16xf32>
          %mul3A_530 = arith.mulf %mul3A_529, %mul3A_528 : vector<16xf32>
          %swap3A_531 = arith.index_cast %mul3A_420 : i32 to index
          %swap3A_532 = tpu.vector_load %arg26[%swap3A_531] {strides = array<i32>} : memref<3200xf32, #tpu.memory_space<vmem>>, vector<16xf32>,
          tpu.vector_store %arg26[%swap3A_531], %mul3A_530 {strides = array<i32>} : memref<3200xf32, #tpu.memory_space<vmem>>, vector<16xf32>,
          %scan3A_533 = arith.constant 3 : i32
          %scan3A_534 = arith.addi %scan3A_180, %scan3A_533 : i32
          %mul3A_535 = arith.constant 1 : i32
          %mul3A_536 = arith.muli %scan3A_534, %mul3A_535 : i32
          %add3A_537 = arith.constant 0 : i32
          %add3A_538 = arith.addi %add3A_537, %mul3A_536 : i32
          %mul3A_539 = arith.constant 16 : i32
          %mul3A_540 = arith.muli %add3A_538, %mul3A_539 : i32
          %get3A_541 = arith.index_cast %mul3A_540 : i32 to index
          %get3A_542 = tpu.vector_load %arg22[%get3A_541] {strides = array<i32>} : memref<3200xi32, #tpu.memory_space<vmem>>, vector<16xi32>,
          %gather3A_543 = tpu.vector_load_idx %arg9[%get3A_542] : memref<2048xf32, #tpu.memory_space<vmem>>[vector<16xi32>], vector<16xf32>,
          %gather3A_544 = tpu.vector_load_idx %arg10[%get3A_542] : memref<2048xf32, #tpu.memory_space<vmem>>[vector<16xi32>], vector<16xf32>,
          %gather3A_545 = tpu.vector_load_idx %arg11[%get3A_542] : memref<2048xf32, #tpu.memory_space<vmem>>[vector<16xi32>], vector<16xf32>,
          %gather3A_546 = tpu.vector_load_idx %arg12[%get3A_542] : memref<2048xf32, #tpu.memory_space<vmem>>[vector<16xi32>], vector<16xf32>,
          %gather3A_547 = tpu.vector_load_idx %arg13[%get3A_542] : memref<2048xf32, #tpu.memory_space<vmem>>[vector<16xi32>], vector<16xf32>,
          %gather3A_548 = tpu.vector_load_idx %arg14[%get3A_542] : memref<2048xf32, #tpu.memory_space<vmem>>[vector<16xi32>], vector<16xf32>,
          %gather3A_549 = tpu.vector_load_idx %arg15[%get3A_542] : memref<2048xf32, #tpu.memory_space<vmem>>[vector<16xi32>], vector<16xf32>,
          %gather3A_550 = tpu.vector_load_idx %arg16[%get3A_542] : memref<2048xf32, #tpu.memory_space<vmem>>[vector<16xi32>], vector<16xf32>,
          %gather3A_551 = tpu.vector_load_idx %arg17[%get3A_542] : memref<2048xf32, #tpu.memory_space<vmem>>[vector<16xi32>], vector<16xf32>,
          %gather3A_552 = tpu.vector_load_idx %arg18[%get3A_542] : memref<2048xf32, #tpu.memory_space<vmem>>[vector<16xi32>], vector<16xf32>,
          %gather3A_553 = tpu.vector_load_idx %arg19[%get3A_542] : memref<2048xf32, #tpu.memory_space<vmem>>[vector<16xi32>], vector<16xf32>,
          %gather3A_554 = tpu.vector_load_idx %arg20[%get3A_542] : memref<2048xf32, #tpu.memory_space<vmem>>[vector<16xi32>], vector<16xf32>,
          %get3A_555 = arith.index_cast %mul3A_540 : i32 to index
          %get3A_556 = tpu.vector_load %arg24[%get3A_555] {strides = array<i32>} : memref<3200xi32, #tpu.memory_space<vmem>>, vector<16xi32>,
          %bitcast3A_557 = vector.bitcast %get3A_556 : vector<16xi32> to vector<16xf32>
          %shift_left3A_558 = arith.constant 16 : i32
          %shift_left3A_559 = vector.broadcast %shift_left3A_558 : i32 to vector<16xi32>
          %shift_left3A_560 = arith.shli %get3A_556, %shift_left3A_559 : vector<16xi32>
          %bitcast3A_561 = vector.bitcast %shift_left3A_560 : vector<16xi32> to vector<16xf32>
          %get3A_562 = arith.index_cast %mul3A_540 : i32 to index
          %get3A_563 = tpu.vector_load %arg25[%get3A_562] {strides = array<i32>} : memref<3200xf32, #tpu.memory_space<vmem>>, vector<16xf32>,
          %get3A_564 = arith.index_cast %mul3A_540 : i32 to index
          %get3A_565 = tpu.vector_load %arg23[%get3A_564] {strides = array<i32>} : memref<3200xi32, #tpu.memory_space<vmem>>, vector<16xi32>,
          %bitcast3A_566 = vector.bitcast %get3A_565 : vector<16xi32> to vector<16xf32>
          %shift_left3A_567 = arith.constant 16 : i32
          %shift_left3A_568 = vector.broadcast %shift_left3A_567 : i32 to vector<16xi32>
          %shift_left3A_569 = arith.shli %get3A_565, %shift_left3A_568 : vector<16xi32>
          %bitcast3A_570 = vector.bitcast %shift_left3A_569 : vector<16xi32> to vector<16xf32>
          %mul3A_571 = arith.mulf %gather3A_543, %bitcast3A_557 : vector<16xf32>
          %mul3A_572 = arith.mulf %gather3A_544, %bitcast3A_561 : vector<16xf32>
          %add3A_573 = arith.addf %mul3A_571, %mul3A_572 : vector<16xf32>
          %mul3A_574 = arith.mulf %gather3A_545, %get3A_563 : vector<16xf32>
          %add3A_575 = arith.addf %add3A_573, %mul3A_574 : vector<16xf32>
          %add3A_576 = arith.addf %add3A_575, %gather3A_546 : vector<16xf32>
          %mul3A_577 = arith.mulf %gather3A_547, %bitcast3A_557 : vector<16xf32>
          %mul3A_578 = arith.mulf %gather3A_548, %bitcast3A_561 : vector<16xf32>
          %add3A_579 = arith.addf %mul3A_577, %mul3A_578 : vector<16xf32>
          %mul3A_580 = arith.mulf %gather3A_549, %get3A_563 : vector<16xf32>
          %add3A_581 = arith.addf %add3A_579, %mul3A_580 : vector<16xf32>
          %add3A_582 = arith.addf %add3A_581, %gather3A_550 : vector<16xf32>
          %mul3A_583 = arith.mulf %gather3A_551, %bitcast3A_557 : vector<16xf32>
          %mul3A_584 = arith.mulf %gather3A_552, %bitcast3A_561 : vector<16xf32>
          %add3A_585 = arith.addf %mul3A_583, %mul3A_584 : vector<16xf32>
          %mul3A_586 = arith.mulf %gather3A_553, %get3A_563 : vector<16xf32>
          %add3A_587 = arith.addf %add3A_585, %mul3A_586 : vector<16xf32>
          %add3A_588 = arith.addf %add3A_587, %gather3A_554 : vector<16xf32>
          %sub3A_589 = arith.constant 5.120000e+02 : f32
          %sub3A_590 = vector.broadcast %sub3A_589 : f32 to vector<16xf32>
          %sub3A_591 = arith.subf %bitcast3A_566, %sub3A_590 : vector<16xf32>
          %mul3A_592 = arith.mulf %sub3A_591, %add3A_588 : vector<16xf32>
          %sub3A_593 = arith.subf %add3A_576, %mul3A_592 : vector<16xf32>
          %sub3A_594 = arith.constant 5.120000e+02 : f32
          %sub3A_595 = vector.broadcast %sub3A_594 : f32 to vector<16xf32>
          %sub3A_596 = arith.subf %bitcast3A_570, %sub3A_595 : vector<16xf32>
          %mul3A_597 = arith.mulf %sub3A_596, %add3A_588 : vector<16xf32>
          %sub3A_598 = arith.subf %add3A_582, %mul3A_597 : vector<16xf32>
          %mul3A_599 = arith.mulf %sub3A_593, %sub3A_593 : vector<16xf32>
          %mul3A_600 = arith.mulf %sub3A_598, %sub3A_598 : vector<16xf32>
          %add3A_601 = arith.addf %mul3A_599, %mul3A_600 : vector<16xf32>
          %mul3A_602 = arith.mulf %add3A_588, %add3A_588 : vector<16xf32>
          %bitcast3A_603 = vector.bitcast %add3A_601 : vector<16xf32> to vector<16xi32>
          %shift_right_logical3A_604 = arith.constant 1 : i32
          %shift_right_logical3A_605 = vector.broadcast %shift_right_logical3A_604 : i32 to vector<16xi32>
          %shift_right_logical3A_606 = arith.shrui %bitcast3A_603, %shift_right_logical3A_605 : vector<16xi32>
          %sub3A_607 = arith.constant 1597463007 : i32
          %sub3A_608 = vector.broadcast %sub3A_607 : i32 to vector<16xi32>
          %sub3A_609 = arith.subi %sub3A_608, %shift_right_logical3A_606 : vector<16xi32>
          %bitcast3A_610 = vector.bitcast %sub3A_609 : vector<16xi32> to vector<16xf32>
          %bitcast3A_611 = vector.bitcast %mul3A_602 : vector<16xf32> to vector<16xi32>
          %shift_right_logical3A_612 = arith.constant 1 : i32
          %shift_right_logical3A_613 = vector.broadcast %shift_right_logical3A_612 : i32 to vector<16xi32>
          %shift_right_logical3A_614 = arith.shrui %bitcast3A_611, %shift_right_logical3A_613 : vector<16xi32>
          %sub3A_615 = arith.constant 1597463007 : i32
          %sub3A_616 = vector.broadcast %sub3A_615 : i32 to vector<16xi32>
          %sub3A_617 = arith.subi %sub3A_616, %shift_right_logical3A_614 : vector<16xi32>
          %bitcast3A_618 = vector.bitcast %sub3A_617 : vector<16xi32> to vector<16xf32>
          %mul3A_619 = arith.constant 5.000000e-01 : f32
          %mul3A_620 = vector.broadcast %mul3A_619 : f32 to vector<16xf32>
          %mul3A_621 = arith.mulf %mul3A_620, %add3A_601 : vector<16xf32>
          %mul3A_622 = arith.constant 5.000000e-01 : f32
          %mul3A_623 = vector.broadcast %mul3A_622 : f32 to vector<16xf32>
          %mul3A_624 = arith.mulf %mul3A_623, %mul3A_602 : vector<16xf32>
          %mul3A_625 = arith.mulf %mul3A_621, %bitcast3A_610 : vector<16xf32>
          %mul3A_626 = arith.mulf %mul3A_625, %bitcast3A_610 : vector<16xf32>
          %sub3A_627 = arith.constant 1.500000e+00 : f32
          %sub3A_628 = vector.broadcast %sub3A_627 : f32 to vector<16xf32>
          %sub3A_629 = arith.subf %sub3A_628, %mul3A_626 : vector<16xf32>
          %mul3A_630 = arith.mulf %bitcast3A_610, %sub3A_629 : vector<16xf32>
          %mul3A_631 = arith.mulf %mul3A_624, %bitcast3A_618 : vector<16xf32>
          %mul3A_632 = arith.mulf %mul3A_631, %bitcast3A_618 : vector<16xf32>
          %sub3A_633 = arith.constant 1.500000e+00 : f32
          %sub3A_634 = vector.broadcast %sub3A_633 : f32 to vector<16xf32>
          %sub3A_635 = arith.subf %sub3A_634, %mul3A_632 : vector<16xf32>
          %mul3A_636 = arith.mulf %bitcast3A_618, %sub3A_635 : vector<16xf32>
          %mul3A_637 = arith.mulf %mul3A_621, %mul3A_630 : vector<16xf32>
          %mul3A_638 = arith.mulf %mul3A_637, %mul3A_630 : vector<16xf32>
          %sub3A_639 = arith.constant 1.500000e+00 : f32
          %sub3A_640 = vector.broadcast %sub3A_639 : f32 to vector<16xf32>
          %sub3A_641 = arith.subf %sub3A_640, %mul3A_638 : vector<16xf32>
          %mul3A_642 = arith.mulf %mul3A_630, %sub3A_641 : vector<16xf32>
          %mul3A_643 = arith.mulf %mul3A_624, %mul3A_636 : vector<16xf32>
          %mul3A_644 = arith.mulf %mul3A_643, %mul3A_636 : vector<16xf32>
          %sub3A_645 = arith.constant 1.500000e+00 : f32
          %sub3A_646 = vector.broadcast %sub3A_645 : f32 to vector<16xf32>
          %sub3A_647 = arith.subf %sub3A_646, %mul3A_644 : vector<16xf32>
          %mul3A_648 = arith.mulf %mul3A_636, %sub3A_647 : vector<16xf32>
          %mul3A_649 = arith.mulf %add3A_601, %mul3A_642 : vector<16xf32>
          %mul3A_650 = arith.mulf %mul3A_649, %mul3A_648 : vector<16xf32>
          %swap3A_651 = arith.index_cast %mul3A_540 : i32 to index
          %swap3A_652 = tpu.vector_load %arg26[%swap3A_651] {strides = array<i32>} : memref<3200xf32, #tpu.memory_space<vmem>>, vector<16xf32>,
          tpu.vector_store %arg26[%swap3A_651], %mul3A_650 {strides = array<i32>} : memref<3200xf32, #tpu.memory_space<vmem>>, vector<16xf32>,
          %scan3A_653 = arith.constant 4 : i32
          %scan3A_654 = arith.addi %scan3A_180, %scan3A_653 : i32
          %mul3A_655 = arith.constant 1 : i32
          %mul3A_656 = arith.muli %scan3A_654, %mul3A_655 : i32
          %add3A_657 = arith.constant 0 : i32
          %add3A_658 = arith.addi %add3A_657, %mul3A_656 : i32
          %mul3A_659 = arith.constant 16 : i32
          %mul3A_660 = arith.muli %add3A_658, %mul3A_659 : i32
          %get3A_661 = arith.index_cast %mul3A_660 : i32 to index
          %get3A_662 = tpu.vector_load %arg22[%get3A_661] {strides = array<i32>} : memref<3200xi32, #tpu.memory_space<vmem>>, vector<16xi32>,
          %gather3A_663 = tpu.vector_load_idx %arg9[%get3A_662] : memref<2048xf32, #tpu.memory_space<vmem>>[vector<16xi32>], vector<16xf32>,
          %gather3A_664 = tpu.vector_load_idx %arg10[%get3A_662] : memref<2048xf32, #tpu.memory_space<vmem>>[vector<16xi32>], vector<16xf32>,
          %gather3A_665 = tpu.vector_load_idx %arg11[%get3A_662] : memref<2048xf32, #tpu.memory_space<vmem>>[vector<16xi32>], vector<16xf32>,
          %gather3A_666 = tpu.vector_load_idx %arg12[%get3A_662] : memref<2048xf32, #tpu.memory_space<vmem>>[vector<16xi32>], vector<16xf32>,
          %gather3A_667 = tpu.vector_load_idx %arg13[%get3A_662] : memref<2048xf32, #tpu.memory_space<vmem>>[vector<16xi32>], vector<16xf32>,
          %gather3A_668 = tpu.vector_load_idx %arg14[%get3A_662] : memref<2048xf32, #tpu.memory_space<vmem>>[vector<16xi32>], vector<16xf32>,
          %gather3A_669 = tpu.vector_load_idx %arg15[%get3A_662] : memref<2048xf32, #tpu.memory_space<vmem>>[vector<16xi32>], vector<16xf32>,
          %gather3A_670 = tpu.vector_load_idx %arg16[%get3A_662] : memref<2048xf32, #tpu.memory_space<vmem>>[vector<16xi32>], vector<16xf32>,
          %gather3A_671 = tpu.vector_load_idx %arg17[%get3A_662] : memref<2048xf32, #tpu.memory_space<vmem>>[vector<16xi32>], vector<16xf32>,
          %gather3A_672 = tpu.vector_load_idx %arg18[%get3A_662] : memref<2048xf32, #tpu.memory_space<vmem>>[vector<16xi32>], vector<16xf32>,
          %gather3A_673 = tpu.vector_load_idx %arg19[%get3A_662] : memref<2048xf32, #tpu.memory_space<vmem>>[vector<16xi32>], vector<16xf32>,
          %gather3A_674 = tpu.vector_load_idx %arg20[%get3A_662] : memref<2048xf32, #tpu.memory_space<vmem>>[vector<16xi32>], vector<16xf32>,
          %get3A_675 = arith.index_cast %mul3A_660 : i32 to index
          %get3A_676 = tpu.vector_load %arg24[%get3A_675] {strides = array<i32>} : memref<3200xi32, #tpu.memory_space<vmem>>, vector<16xi32>,
          %bitcast3A_677 = vector.bitcast %get3A_676 : vector<16xi32> to vector<16xf32>
          %shift_left3A_678 = arith.constant 16 : i32
          %shift_left3A_679 = vector.broadcast %shift_left3A_678 : i32 to vector<16xi32>
          %shift_left3A_680 = arith.shli %get3A_676, %shift_left3A_679 : vector<16xi32>
          %bitcast3A_681 = vector.bitcast %shift_left3A_680 : vector<16xi32> to vector<16xf32>
          %get3A_682 = arith.index_cast %mul3A_660 : i32 to index
          %get3A_683 = tpu.vector_load %arg25[%get3A_682] {strides = array<i32>} : memref<3200xf32, #tpu.memory_space<vmem>>, vector<16xf32>,
          %get3A_684 = arith.index_cast %mul3A_660 : i32 to index
          %get3A_685 = tpu.vector_load %arg23[%get3A_684] {strides = array<i32>} : memref<3200xi32, #tpu.memory_space<vmem>>, vector<16xi32>,
          %bitcast3A_686 = vector.bitcast %get3A_685 : vector<16xi32> to vector<16xf32>
          %shift_left3A_687 = arith.constant 16 : i32
          %shift_left3A_688 = vector.broadcast %shift_left3A_687 : i32 to vector<16xi32>
          %shift_left3A_689 = arith.shli %get3A_685, %shift_left3A_688 : vector<16xi32>
          %bitcast3A_690 = vector.bitcast %shift_left3A_689 : vector<16xi32> to vector<16xf32>
          %mul3A_691 = arith.mulf %gather3A_663, %bitcast3A_677 : vector<16xf32>
          %mul3A_692 = arith.mulf %gather3A_664, %bitcast3A_681 : vector<16xf32>
          %add3A_693 = arith.addf %mul3A_691, %mul3A_692 : vector<16xf32>
          %mul3A_694 = arith.mulf %gather3A_665, %get3A_683 : vector<16xf32>
          %add3A_695 = arith.addf %add3A_693, %mul3A_694 : vector<16xf32>
          %add3A_696 = arith.addf %add3A_695, %gather3A_666 : vector<16xf32>
          %mul3A_697 = arith.mulf %gather3A_667, %bitcast3A_677 : vector<16xf32>
          %mul3A_698 = arith.mulf %gather3A_668, %bitcast3A_681 : vector<16xf32>
          %add3A_699 = arith.addf %mul3A_697, %mul3A_698 : vector<16xf32>
          %mul3A_700 = arith.mulf %gather3A_669, %get3A_683 : vector<16xf32>
          %add3A_701 = arith.addf %add3A_699, %mul3A_700 : vector<16xf32>
          %add3A_702 = arith.addf %add3A_701, %gather3A_670 : vector<16xf32>
          %mul3A_703 = arith.mulf %gather3A_671, %bitcast3A_677 : vector<16xf32>
          %mul3A_704 = arith.mulf %gather3A_672, %bitcast3A_681 : vector<16xf32>
          %add3A_705 = arith.addf %mul3A_703, %mul3A_704 : vector<16xf32>
          %mul3A_706 = arith.mulf %gather3A_673, %get3A_683 : vector<16xf32>
          %add3A_707 = arith.addf %add3A_705, %mul3A_706 : vector<16xf32>
          %add3A_708 = arith.addf %add3A_707, %gather3A_674 : vector<16xf32>
          %sub3A_709 = arith.constant 5.120000e+02 : f32
          %sub3A_710 = vector.broadcast %sub3A_709 : f32 to vector<16xf32>
          %sub3A_711 = arith.subf %bitcast3A_686, %sub3A_710 : vector<16xf32>
          %mul3A_712 = arith.mulf %sub3A_711, %add3A_708 : vector<16xf32>
          %sub3A_713 = arith.subf %add3A_696, %mul3A_712 : vector<16xf32>
          %sub3A_714 = arith.constant 5.120000e+02 : f32
          %sub3A_715 = vector.broadcast %sub3A_714 : f32 to vector<16xf32>
          %sub3A_716 = arith.subf %bitcast3A_690, %sub3A_715 : vector<16xf32>
          %mul3A_717 = arith.mulf %sub3A_716, %add3A_708 : vector<16xf32>
          %sub3A_718 = arith.subf %add3A_702, %mul3A_717 : vector<16xf32>
          %mul3A_719 = arith.mulf %sub3A_713, %sub3A_713 : vector<16xf32>
          %mul3A_720 = arith.mulf %sub3A_718, %sub3A_718 : vector<16xf32>
          %add3A_721 = arith.addf %mul3A_719, %mul3A_720 : vector<16xf32>
          %mul3A_722 = arith.mulf %add3A_708, %add3A_708 : vector<16xf32>
          %bitcast3A_723 = vector.bitcast %add3A_721 : vector<16xf32> to vector<16xi32>
          %shift_right_logical3A_724 = arith.constant 1 : i32
          %shift_right_logical3A_725 = vector.broadcast %shift_right_logical3A_724 : i32 to vector<16xi32>
          %shift_right_logical3A_726 = arith.shrui %bitcast3A_723, %shift_right_logical3A_725 : vector<16xi32>
          %sub3A_727 = arith.constant 1597463007 : i32
          %sub3A_728 = vector.broadcast %sub3A_727 : i32 to vector<16xi32>
          %sub3A_729 = arith.subi %sub3A_728, %shift_right_logical3A_726 : vector<16xi32>
          %bitcast3A_730 = vector.bitcast %sub3A_729 : vector<16xi32> to vector<16xf32>
          %bitcast3A_731 = vector.bitcast %mul3A_722 : vector<16xf32> to vector<16xi32>
          %shift_right_logical3A_732 = arith.constant 1 : i32
          %shift_right_logical3A_733 = vector.broadcast %shift_right_logical3A_732 : i32 to vector<16xi32>
          %shift_right_logical3A_734 = arith.shrui %bitcast3A_731, %shift_right_logical3A_733 : vector<16xi32>
          %sub3A_735 = arith.constant 1597463007 : i32
          %sub3A_736 = vector.broadcast %sub3A_735 : i32 to vector<16xi32>
          %sub3A_737 = arith.subi %sub3A_736, %shift_right_logical3A_734 : vector<16xi32>
          %bitcast3A_738 = vector.bitcast %sub3A_737 : vector<16xi32> to vector<16xf32>
          %mul3A_739 = arith.constant 5.000000e-01 : f32
          %mul3A_740 = vector.broadcast %mul3A_739 : f32 to vector<16xf32>
          %mul3A_741 = arith.mulf %mul3A_740, %add3A_721 : vector<16xf32>
          %mul3A_742 = arith.constant 5.000000e-01 : f32
          %mul3A_743 = vector.broadcast %mul3A_742 : f32 to vector<16xf32>
          %mul3A_744 = arith.mulf %mul3A_743, %mul3A_722 : vector<16xf32>
          %mul3A_745 = arith.mulf %mul3A_741, %bitcast3A_730 : vector<16xf32>
          %mul3A_746 = arith.mulf %mul3A_745, %bitcast3A_730 : vector<16xf32>
          %sub3A_747 = arith.constant 1.500000e+00 : f32
          %sub3A_748 = vector.broadcast %sub3A_747 : f32 to vector<16xf32>
          %sub3A_749 = arith.subf %sub3A_748, %mul3A_746 : vector<16xf32>
          %mul3A_750 = arith.mulf %bitcast3A_730, %sub3A_749 : vector<16xf32>
          %mul3A_751 = arith.mulf %mul3A_744, %bitcast3A_738 : vector<16xf32>
          %mul3A_752 = arith.mulf %mul3A_751, %bitcast3A_738 : vector<16xf32>
          %sub3A_753 = arith.constant 1.500000e+00 : f32
          %sub3A_754 = vector.broadcast %sub3A_753 : f32 to vector<16xf32>
          %sub3A_755 = arith.subf %sub3A_754, %mul3A_752 : vector<16xf32>
          %mul3A_756 = arith.mulf %bitcast3A_738, %sub3A_755 : vector<16xf32>
          %mul3A_757 = arith.mulf %mul3A_741, %mul3A_750 : vector<16xf32>
          %mul3A_758 = arith.mulf %mul3A_757, %mul3A_750 : vector<16xf32>
          %sub3A_759 = arith.constant 1.500000e+00 : f32
          %sub3A_760 = vector.broadcast %sub3A_759 : f32 to vector<16xf32>
          %sub3A_761 = arith.subf %sub3A_760, %mul3A_758 : vector<16xf32>
          %mul3A_762 = arith.mulf %mul3A_750, %sub3A_761 : vector<16xf32>
          %mul3A_763 = arith.mulf %mul3A_744, %mul3A_756 : vector<16xf32>
          %mul3A_764 = arith.mulf %mul3A_763, %mul3A_756 : vector<16xf32>
          %sub3A_765 = arith.constant 1.500000e+00 : f32
          %sub3A_766 = vector.broadcast %sub3A_765 : f32 to vector<16xf32>
          %sub3A_767 = arith.subf %sub3A_766, %mul3A_764 : vector<16xf32>
          %mul3A_768 = arith.mulf %mul3A_756, %sub3A_767 : vector<16xf32>
          %mul3A_769 = arith.mulf %add3A_721, %mul3A_762 : vector<16xf32>
          %mul3A_770 = arith.mulf %mul3A_769, %mul3A_768 : vector<16xf32>
          %swap3A_771 = arith.index_cast %mul3A_660 : i32 to index
          %swap3A_772 = tpu.vector_load %arg26[%swap3A_771] {strides = array<i32>} : memref<3200xf32, #tpu.memory_space<vmem>>, vector<16xf32>,
          tpu.vector_store %arg26[%swap3A_771], %mul3A_770 {strides = array<i32>} : memref<3200xf32, #tpu.memory_space<vmem>>, vector<16xf32>,
          %scan3A_773 = arith.constant 5 : i32
          %scan3A_774 = arith.addi %scan3A_180, %scan3A_773 : i32
          %mul3A_775 = arith.constant 1 : i32
          %mul3A_776 = arith.muli %scan3A_774, %mul3A_775 : i32
          %add3A_777 = arith.constant 0 : i32
          %add3A_778 = arith.addi %add3A_777, %mul3A_776 : i32
          %mul3A_779 = arith.constant 16 : i32
          %mul3A_780 = arith.muli %add3A_778, %mul3A_779 : i32
          %get3A_781 = arith.index_cast %mul3A_780 : i32 to index
          %get3A_782 = tpu.vector_load %arg22[%get3A_781] {strides = array<i32>} : memref<3200xi32, #tpu.memory_space<vmem>>, vector<16xi32>,
          %gather3A_783 = tpu.vector_load_idx %arg9[%get3A_782] : memref<2048xf32, #tpu.memory_space<vmem>>[vector<16xi32>], vector<16xf32>,
          %gather3A_784 = tpu.vector_load_idx %arg10[%get3A_782] : memref<2048xf32, #tpu.memory_space<vmem>>[vector<16xi32>], vector<16xf32>,
          %gather3A_785 = tpu.vector_load_idx %arg11[%get3A_782] : memref<2048xf32, #tpu.memory_space<vmem>>[vector<16xi32>], vector<16xf32>,
          %gather3A_786 = tpu.vector_load_idx %arg12[%get3A_782] : memref<2048xf32, #tpu.memory_space<vmem>>[vector<16xi32>], vector<16xf32>,
          %gather3A_787 = tpu.vector_load_idx %arg13[%get3A_782] : memref<2048xf32, #tpu.memory_space<vmem>>[vector<16xi32>], vector<16xf32>,
          %gather3A_788 = tpu.vector_load_idx %arg14[%get3A_782] : memref<2048xf32, #tpu.memory_space<vmem>>[vector<16xi32>], vector<16xf32>,
          %gather3A_789 = tpu.vector_load_idx %arg15[%get3A_782] : memref<2048xf32, #tpu.memory_space<vmem>>[vector<16xi32>], vector<16xf32>,
          %gather3A_790 = tpu.vector_load_idx %arg16[%get3A_782] : memref<2048xf32, #tpu.memory_space<vmem>>[vector<16xi32>], vector<16xf32>,
          %gather3A_791 = tpu.vector_load_idx %arg17[%get3A_782] : memref<2048xf32, #tpu.memory_space<vmem>>[vector<16xi32>], vector<16xf32>,
          %gather3A_792 = tpu.vector_load_idx %arg18[%get3A_782] : memref<2048xf32, #tpu.memory_space<vmem>>[vector<16xi32>], vector<16xf32>,
          %gather3A_793 = tpu.vector_load_idx %arg19[%get3A_782] : memref<2048xf32, #tpu.memory_space<vmem>>[vector<16xi32>], vector<16xf32>,
          %gather3A_794 = tpu.vector_load_idx %arg20[%get3A_782] : memref<2048xf32, #tpu.memory_space<vmem>>[vector<16xi32>], vector<16xf32>,
          %get3A_795 = arith.index_cast %mul3A_780 : i32 to index
          %get3A_796 = tpu.vector_load %arg24[%get3A_795] {strides = array<i32>} : memref<3200xi32, #tpu.memory_space<vmem>>, vector<16xi32>,
          %bitcast3A_797 = vector.bitcast %get3A_796 : vector<16xi32> to vector<16xf32>
          %shift_left3A_798 = arith.constant 16 : i32
          %shift_left3A_799 = vector.broadcast %shift_left3A_798 : i32 to vector<16xi32>
          %shift_left3A_800 = arith.shli %get3A_796, %shift_left3A_799 : vector<16xi32>
          %bitcast3A_801 = vector.bitcast %shift_left3A_800 : vector<16xi32> to vector<16xf32>
          %get3A_802 = arith.index_cast %mul3A_780 : i32 to index
          %get3A_803 = tpu.vector_load %arg25[%get3A_802] {strides = array<i32>} : memref<3200xf32, #tpu.memory_space<vmem>>, vector<16xf32>,
          %get3A_804 = arith.index_cast %mul3A_780 : i32 to index
          %get3A_805 = tpu.vector_load %arg23[%get3A_804] {strides = array<i32>} : memref<3200xi32, #tpu.memory_space<vmem>>, vector<16xi32>,
          %bitcast3A_806 = vector.bitcast %get3A_805 : vector<16xi32> to vector<16xf32>
          %shift_left3A_807 = arith.constant 16 : i32
          %shift_left3A_808 = vector.broadcast %shift_left3A_807 : i32 to vector<16xi32>
          %shift_left3A_809 = arith.shli %get3A_805, %shift_left3A_808 : vector<16xi32>
          %bitcast3A_810 = vector.bitcast %shift_left3A_809 : vector<16xi32> to vector<16xf32>
          %mul3A_811 = arith.mulf %gather3A_783, %bitcast3A_797 : vector<16xf32>
          %mul3A_812 = arith.mulf %gather3A_784, %bitcast3A_801 : vector<16xf32>
          %add3A_813 = arith.addf %mul3A_811, %mul3A_812 : vector<16xf32>
          %mul3A_814 = arith.mulf %gather3A_785, %get3A_803 : vector<16xf32>
          %add3A_815 = arith.addf %add3A_813, %mul3A_814 : vector<16xf32>
          %add3A_816 = arith.addf %add3A_815, %gather3A_786 : vector<16xf32>
          %mul3A_817 = arith.mulf %gather3A_787, %bitcast3A_797 : vector<16xf32>
          %mul3A_818 = arith.mulf %gather3A_788, %bitcast3A_801 : vector<16xf32>
          %add3A_819 = arith.addf %mul3A_817, %mul3A_818 : vector<16xf32>
          %mul3A_820 = arith.mulf %gather3A_789, %get3A_803 : vector<16xf32>
          %add3A_821 = arith.addf %add3A_819, %mul3A_820 : vector<16xf32>
          %add3A_822 = arith.addf %add3A_821, %gather3A_790 : vector<16xf32>
          %mul3A_823 = arith.mulf %gather3A_791, %bitcast3A_797 : vector<16xf32>
          %mul3A_824 = arith.mulf %gather3A_792, %bitcast3A_801 : vector<16xf32>
          %add3A_825 = arith.addf %mul3A_823, %mul3A_824 : vector<16xf32>
          %mul3A_826 = arith.mulf %gather3A_793, %get3A_803 : vector<16xf32>
          %add3A_827 = arith.addf %add3A_825, %mul3A_826 : vector<16xf32>
          %add3A_828 = arith.addf %add3A_827, %gather3A_794 : vector<16xf32>
          %sub3A_829 = arith.constant 5.120000e+02 : f32
          %sub3A_830 = vector.broadcast %sub3A_829 : f32 to vector<16xf32>
          %sub3A_831 = arith.subf %bitcast3A_806, %sub3A_830 : vector<16xf32>
          %mul3A_832 = arith.mulf %sub3A_831, %add3A_828 : vector<16xf32>
          %sub3A_833 = arith.subf %add3A_816, %mul3A_832 : vector<16xf32>
          %sub3A_834 = arith.constant 5.120000e+02 : f32
          %sub3A_835 = vector.broadcast %sub3A_834 : f32 to vector<16xf32>
          %sub3A_836 = arith.subf %bitcast3A_810, %sub3A_835 : vector<16xf32>
          %mul3A_837 = arith.mulf %sub3A_836, %add3A_828 : vector<16xf32>
          %sub3A_838 = arith.subf %add3A_822, %mul3A_837 : vector<16xf32>
          %mul3A_839 = arith.mulf %sub3A_833, %sub3A_833 : vector<16xf32>
          %mul3A_840 = arith.mulf %sub3A_838, %sub3A_838 : vector<16xf32>
          %add3A_841 = arith.addf %mul3A_839, %mul3A_840 : vector<16xf32>
          %mul3A_842 = arith.mulf %add3A_828, %add3A_828 : vector<16xf32>
          %bitcast3A_843 = vector.bitcast %add3A_841 : vector<16xf32> to vector<16xi32>
          %shift_right_logical3A_844 = arith.constant 1 : i32
          %shift_right_logical3A_845 = vector.broadcast %shift_right_logical3A_844 : i32 to vector<16xi32>
          %shift_right_logical3A_846 = arith.shrui %bitcast3A_843, %shift_right_logical3A_845 : vector<16xi32>
          %sub3A_847 = arith.constant 1597463007 : i32
          %sub3A_848 = vector.broadcast %sub3A_847 : i32 to vector<16xi32>
          %sub3A_849 = arith.subi %sub3A_848, %shift_right_logical3A_846 : vector<16xi32>
          %bitcast3A_850 = vector.bitcast %sub3A_849 : vector<16xi32> to vector<16xf32>
          %bitcast3A_851 = vector.bitcast %mul3A_842 : vector<16xf32> to vector<16xi32>
          %shift_right_logical3A_852 = arith.constant 1 : i32
          %shift_right_logical3A_853 = vector.broadcast %shift_right_logical3A_852 : i32 to vector<16xi32>
          %shift_right_logical3A_854 = arith.shrui %bitcast3A_851, %shift_right_logical3A_853 : vector<16xi32>
          %sub3A_855 = arith.constant 1597463007 : i32
          %sub3A_856 = vector.broadcast %sub3A_855 : i32 to vector<16xi32>
          %sub3A_857 = arith.subi %sub3A_856, %shift_right_logical3A_854 : vector<16xi32>
          %bitcast3A_858 = vector.bitcast %sub3A_857 : vector<16xi32> to vector<16xf32>
          %mul3A_859 = arith.constant 5.000000e-01 : f32
          %mul3A_860 = vector.broadcast %mul3A_859 : f32 to vector<16xf32>
          %mul3A_861 = arith.mulf %mul3A_860, %add3A_841 : vector<16xf32>
          %mul3A_862 = arith.constant 5.000000e-01 : f32
          %mul3A_863 = vector.broadcast %mul3A_862 : f32 to vector<16xf32>
          %mul3A_864 = arith.mulf %mul3A_863, %mul3A_842 : vector<16xf32>
          %mul3A_865 = arith.mulf %mul3A_861, %bitcast3A_850 : vector<16xf32>
          %mul3A_866 = arith.mulf %mul3A_865, %bitcast3A_850 : vector<16xf32>
          %sub3A_867 = arith.constant 1.500000e+00 : f32
          %sub3A_868 = vector.broadcast %sub3A_867 : f32 to vector<16xf32>
          %sub3A_869 = arith.subf %sub3A_868, %mul3A_866 : vector<16xf32>
          %mul3A_870 = arith.mulf %bitcast3A_850, %sub3A_869 : vector<16xf32>
          %mul3A_871 = arith.mulf %mul3A_864, %bitcast3A_858 : vector<16xf32>
          %mul3A_872 = arith.mulf %mul3A_871, %bitcast3A_858 : vector<16xf32>
          %sub3A_873 = arith.constant 1.500000e+00 : f32
          %sub3A_874 = vector.broadcast %sub3A_873 : f32 to vector<16xf32>
          %sub3A_875 = arith.subf %sub3A_874, %mul3A_872 : vector<16xf32>
          %mul3A_876 = arith.mulf %bitcast3A_858, %sub3A_875 : vector<16xf32>
          %mul3A_877 = arith.mulf %mul3A_861, %mul3A_870 : vector<16xf32>
          %mul3A_878 = arith.mulf %mul3A_877, %mul3A_870 : vector<16xf32>
          %sub3A_879 = arith.constant 1.500000e+00 : f32
          %sub3A_880 = vector.broadcast %sub3A_879 : f32 to vector<16xf32>
          %sub3A_881 = arith.subf %sub3A_880, %mul3A_878 : vector<16xf32>
          %mul3A_882 = arith.mulf %mul3A_870, %sub3A_881 : vector<16xf32>
          %mul3A_883 = arith.mulf %mul3A_864, %mul3A_876 : vector<16xf32>
          %mul3A_884 = arith.mulf %mul3A_883, %mul3A_876 : vector<16xf32>
          %sub3A_885 = arith.constant 1.500000e+00 : f32
          %sub3A_886 = vector.broadcast %sub3A_885 : f32 to vector<16xf32>
          %sub3A_887 = arith.subf %sub3A_886, %mul3A_884 : vector<16xf32>
          %mul3A_888 = arith.mulf %mul3A_876, %sub3A_887 : vector<16xf32>
          %mul3A_889 = arith.mulf %add3A_841, %mul3A_882 : vector<16xf32>
          %mul3A_890 = arith.mulf %mul3A_889, %mul3A_888 : vector<16xf32>
          %swap3A_891 = arith.index_cast %mul3A_780 : i32 to index
          %swap3A_892 = tpu.vector_load %arg26[%swap3A_891] {strides = array<i32>} : memref<3200xf32, #tpu.memory_space<vmem>>, vector<16xf32>,
          tpu.vector_store %arg26[%swap3A_891], %mul3A_890 {strides = array<i32>} : memref<3200xf32, #tpu.memory_space<vmem>>, vector<16xf32>,
          %scan3A_893 = arith.constant 6 : i32
          %scan3A_894 = arith.addi %scan3A_180, %scan3A_893 : i32
          %mul3A_895 = arith.constant 1 : i32
          %mul3A_896 = arith.muli %scan3A_894, %mul3A_895 : i32
          %add3A_897 = arith.constant 0 : i32
          %add3A_898 = arith.addi %add3A_897, %mul3A_896 : i32
          %mul3A_899 = arith.constant 16 : i32
          %mul3A_900 = arith.muli %add3A_898, %mul3A_899 : i32
          %get3A_901 = arith.index_cast %mul3A_900 : i32 to index
          %get3A_902 = tpu.vector_load %arg22[%get3A_901] {strides = array<i32>} : memref<3200xi32, #tpu.memory_space<vmem>>, vector<16xi32>,
          %gather3A_903 = tpu.vector_load_idx %arg9[%get3A_902] : memref<2048xf32, #tpu.memory_space<vmem>>[vector<16xi32>], vector<16xf32>,
          %gather3A_904 = tpu.vector_load_idx %arg10[%get3A_902] : memref<2048xf32, #tpu.memory_space<vmem>>[vector<16xi32>], vector<16xf32>,
          %gather3A_905 = tpu.vector_load_idx %arg11[%get3A_902] : memref<2048xf32, #tpu.memory_space<vmem>>[vector<16xi32>], vector<16xf32>,
          %gather3A_906 = tpu.vector_load_idx %arg12[%get3A_902] : memref<2048xf32, #tpu.memory_space<vmem>>[vector<16xi32>], vector<16xf32>,
          %gather3A_907 = tpu.vector_load_idx %arg13[%get3A_902] : memref<2048xf32, #tpu.memory_space<vmem>>[vector<16xi32>], vector<16xf32>,
          %gather3A_908 = tpu.vector_load_idx %arg14[%get3A_902] : memref<2048xf32, #tpu.memory_space<vmem>>[vector<16xi32>], vector<16xf32>,
          %gather3A_909 = tpu.vector_load_idx %arg15[%get3A_902] : memref<2048xf32, #tpu.memory_space<vmem>>[vector<16xi32>], vector<16xf32>,
          %gather3A_910 = tpu.vector_load_idx %arg16[%get3A_902] : memref<2048xf32, #tpu.memory_space<vmem>>[vector<16xi32>], vector<16xf32>,
          %gather3A_911 = tpu.vector_load_idx %arg17[%get3A_902] : memref<2048xf32, #tpu.memory_space<vmem>>[vector<16xi32>], vector<16xf32>,
          %gather3A_912 = tpu.vector_load_idx %arg18[%get3A_902] : memref<2048xf32, #tpu.memory_space<vmem>>[vector<16xi32>], vector<16xf32>,
          %gather3A_913 = tpu.vector_load_idx %arg19[%get3A_902] : memref<2048xf32, #tpu.memory_space<vmem>>[vector<16xi32>], vector<16xf32>,
          %gather3A_914 = tpu.vector_load_idx %arg20[%get3A_902] : memref<2048xf32, #tpu.memory_space<vmem>>[vector<16xi32>], vector<16xf32>,
          %get3A_915 = arith.index_cast %mul3A_900 : i32 to index
          %get3A_916 = tpu.vector_load %arg24[%get3A_915] {strides = array<i32>} : memref<3200xi32, #tpu.memory_space<vmem>>, vector<16xi32>,
          %bitcast3A_917 = vector.bitcast %get3A_916 : vector<16xi32> to vector<16xf32>
          %shift_left3A_918 = arith.constant 16 : i32
          %shift_left3A_919 = vector.broadcast %shift_left3A_918 : i32 to vector<16xi32>
          %shift_left3A_920 = arith.shli %get3A_916, %shift_left3A_919 : vector<16xi32>
          %bitcast3A_921 = vector.bitcast %shift_left3A_920 : vector<16xi32> to vector<16xf32>
          %get3A_922 = arith.index_cast %mul3A_900 : i32 to index
          %get3A_923 = tpu.vector_load %arg25[%get3A_922] {strides = array<i32>} : memref<3200xf32, #tpu.memory_space<vmem>>, vector<16xf32>,
          %get3A_924 = arith.index_cast %mul3A_900 : i32 to index
          %get3A_925 = tpu.vector_load %arg23[%get3A_924] {strides = array<i32>} : memref<3200xi32, #tpu.memory_space<vmem>>, vector<16xi32>,
          %bitcast3A_926 = vector.bitcast %get3A_925 : vector<16xi32> to vector<16xf32>
          %shift_left3A_927 = arith.constant 16 : i32
          %shift_left3A_928 = vector.broadcast %shift_left3A_927 : i32 to vector<16xi32>
          %shift_left3A_929 = arith.shli %get3A_925, %shift_left3A_928 : vector<16xi32>
          %bitcast3A_930 = vector.bitcast %shift_left3A_929 : vector<16xi32> to vector<16xf32>
          %mul3A_931 = arith.mulf %gather3A_903, %bitcast3A_917 : vector<16xf32>
          %mul3A_932 = arith.mulf %gather3A_904, %bitcast3A_921 : vector<16xf32>
          %add3A_933 = arith.addf %mul3A_931, %mul3A_932 : vector<16xf32>
          %mul3A_934 = arith.mulf %gather3A_905, %get3A_923 : vector<16xf32>
          %add3A_935 = arith.addf %add3A_933, %mul3A_934 : vector<16xf32>
          %add3A_936 = arith.addf %add3A_935, %gather3A_906 : vector<16xf32>
          %mul3A_937 = arith.mulf %gather3A_907, %bitcast3A_917 : vector<16xf32>
          %mul3A_938 = arith.mulf %gather3A_908, %bitcast3A_921 : vector<16xf32>
          %add3A_939 = arith.addf %mul3A_937, %mul3A_938 : vector<16xf32>
          %mul3A_940 = arith.mulf %gather3A_909, %get3A_923 : vector<16xf32>
          %add3A_941 = arith.addf %add3A_939, %mul3A_940 : vector<16xf32>
          %add3A_942 = arith.addf %add3A_941, %gather3A_910 : vector<16xf32>
          %mul3A_943 = arith.mulf %gather3A_911, %bitcast3A_917 : vector<16xf32>
          %mul3A_944 = arith.mulf %gather3A_912, %bitcast3A_921 : vector<16xf32>
          %add3A_945 = arith.addf %mul3A_943, %mul3A_944 : vector<16xf32>
          %mul3A_946 = arith.mulf %gather3A_913, %get3A_923 : vector<16xf32>
          %add3A_947 = arith.addf %add3A_945, %mul3A_946 : vector<16xf32>
          %add3A_948 = arith.addf %add3A_947, %gather3A_914 : vector<16xf32>
          %sub3A_949 = arith.constant 5.120000e+02 : f32
          %sub3A_950 = vector.broadcast %sub3A_949 : f32 to vector<16xf32>
          %sub3A_951 = arith.subf %bitcast3A_926, %sub3A_950 : vector<16xf32>
          %mul3A_952 = arith.mulf %sub3A_951, %add3A_948 : vector<16xf32>
          %sub3A_953 = arith.subf %add3A_936, %mul3A_952 : vector<16xf32>
          %sub3A_954 = arith.constant 5.120000e+02 : f32
          %sub3A_955 = vector.broadcast %sub3A_954 : f32 to vector<16xf32>
          %sub3A_956 = arith.subf %bitcast3A_930, %sub3A_955 : vector<16xf32>
          %mul3A_957 = arith.mulf %sub3A_956, %add3A_948 : vector<16xf32>
          %sub3A_958 = arith.subf %add3A_942, %mul3A_957 : vector<16xf32>
          %mul3A_959 = arith.mulf %sub3A_953, %sub3A_953 : vector<16xf32>
          %mul3A_960 = arith.mulf %sub3A_958, %sub3A_958 : vector<16xf32>
          %add3A_961 = arith.addf %mul3A_959, %mul3A_960 : vector<16xf32>
          %mul3A_962 = arith.mulf %add3A_948, %add3A_948 : vector<16xf32>
          %bitcast3A_963 = vector.bitcast %add3A_961 : vector<16xf32> to vector<16xi32>
          %shift_right_logical3A_964 = arith.constant 1 : i32
          %shift_right_logical3A_965 = vector.broadcast %shift_right_logical3A_964 : i32 to vector<16xi32>
          %shift_right_logical3A_966 = arith.shrui %bitcast3A_963, %shift_right_logical3A_965 : vector<16xi32>
          %sub3A_967 = arith.constant 1597463007 : i32
          %sub3A_968 = vector.broadcast %sub3A_967 : i32 to vector<16xi32>
          %sub3A_969 = arith.subi %sub3A_968, %shift_right_logical3A_966 : vector<16xi32>
          %bitcast3A_970 = vector.bitcast %sub3A_969 : vector<16xi32> to vector<16xf32>
          %bitcast3A_971 = vector.bitcast %mul3A_962 : vector<16xf32> to vector<16xi32>
          %shift_right_logical3A_972 = arith.constant 1 : i32
          %shift_right_logical3A_973 = vector.broadcast %shift_right_logical3A_972 : i32 to vector<16xi32>
          %shift_right_logical3A_974 = arith.shrui %bitcast3A_971, %shift_right_logical3A_973 : vector<16xi32>
          %sub3A_975 = arith.constant 1597463007 : i32
          %sub3A_976 = vector.broadcast %sub3A_975 : i32 to vector<16xi32>
          %sub3A_977 = arith.subi %sub3A_976, %shift_right_logical3A_974 : vector<16xi32>
          %bitcast3A_978 = vector.bitcast %sub3A_977 : vector<16xi32> to vector<16xf32>
          %mul3A_979 = arith.constant 5.000000e-01 : f32
          %mul3A_980 = vector.broadcast %mul3A_979 : f32 to vector<16xf32>
          %mul3A_981 = arith.mulf %mul3A_980, %add3A_961 : vector<16xf32>
          %mul3A_982 = arith.constant 5.000000e-01 : f32
          %mul3A_983 = vector.broadcast %mul3A_982 : f32 to vector<16xf32>
          %mul3A_984 = arith.mulf %mul3A_983, %mul3A_962 : vector<16xf32>
          %mul3A_985 = arith.mulf %mul3A_981, %bitcast3A_970 : vector<16xf32>
          %mul3A_986 = arith.mulf %mul3A_985, %bitcast3A_970 : vector<16xf32>
          %sub3A_987 = arith.constant 1.500000e+00 : f32
          %sub3A_988 = vector.broadcast %sub3A_987 : f32 to vector<16xf32>
          %sub3A_989 = arith.subf %sub3A_988, %mul3A_986 : vector<16xf32>
          %mul3A_990 = arith.mulf %bitcast3A_970, %sub3A_989 : vector<16xf32>
          %mul3A_991 = arith.mulf %mul3A_984, %bitcast3A_978 : vector<16xf32>
          %mul3A_992 = arith.mulf %mul3A_991, %bitcast3A_978 : vector<16xf32>
          %sub3A_993 = arith.constant 1.500000e+00 : f32
          %sub3A_994 = vector.broadcast %sub3A_993 : f32 to vector<16xf32>
          %sub3A_995 = arith.subf %sub3A_994, %mul3A_992 : vector<16xf32>
          %mul3A_996 = arith.mulf %bitcast3A_978, %sub3A_995 : vector<16xf32>
          %mul3A_997 = arith.mulf %mul3A_981, %mul3A_990 : vector<16xf32>
          %mul3A_998 = arith.mulf %mul3A_997, %mul3A_990 : vector<16xf32>
          %sub3A_999 = arith.constant 1.500000e+00 : f32
          %sub3A_1000 = vector.broadcast %sub3A_999 : f32 to vector<16xf32>
          %sub3A_1001 = arith.subf %sub3A_1000, %mul3A_998 : vector<16xf32>
          %mul3A_1002 = arith.mulf %mul3A_990, %sub3A_1001 : vector<16xf32>
          %mul3A_1003 = arith.mulf %mul3A_984, %mul3A_996 : vector<16xf32>
          %mul3A_1004 = arith.mulf %mul3A_1003, %mul3A_996 : vector<16xf32>
          %sub3A_1005 = arith.constant 1.500000e+00 : f32
          %sub3A_1006 = vector.broadcast %sub3A_1005 : f32 to vector<16xf32>
          %sub3A_1007 = arith.subf %sub3A_1006, %mul3A_1004 : vector<16xf32>
          %mul3A_1008 = arith.mulf %mul3A_996, %sub3A_1007 : vector<16xf32>
          %mul3A_1009 = arith.mulf %add3A_961, %mul3A_1002 : vector<16xf32>
          %mul3A_1010 = arith.mulf %mul3A_1009, %mul3A_1008 : vector<16xf32>
          %swap3A_1011 = arith.index_cast %mul3A_900 : i32 to index
          %swap3A_1012 = tpu.vector_load %arg26[%swap3A_1011] {strides = array<i32>} : memref<3200xf32, #tpu.memory_space<vmem>>, vector<16xf32>,
          tpu.vector_store %arg26[%swap3A_1011], %mul3A_1010 {strides = array<i32>} : memref<3200xf32, #tpu.memory_space<vmem>>, vector<16xf32>,
          %scan3A_1013 = arith.constant 7 : i32
          %scan3A_1014 = arith.addi %scan3A_180, %scan3A_1013 : i32
          %mul3A_1015 = arith.constant 1 : i32
          %mul3A_1016 = arith.muli %scan3A_1014, %mul3A_1015 : i32
          %add3A_1017 = arith.constant 0 : i32
          %add3A_1018 = arith.addi %add3A_1017, %mul3A_1016 : i32
          %mul3A_1019 = arith.constant 16 : i32
          %mul3A_1020 = arith.muli %add3A_1018, %mul3A_1019 : i32
          %get3A_1021 = arith.index_cast %mul3A_1020 : i32 to index
          %get3A_1022 = tpu.vector_load %arg22[%get3A_1021] {strides = array<i32>} : memref<3200xi32, #tpu.memory_space<vmem>>, vector<16xi32>,
          %gather3A_1023 = tpu.vector_load_idx %arg9[%get3A_1022] : memref<2048xf32, #tpu.memory_space<vmem>>[vector<16xi32>], vector<16xf32>,
          %gather3A_1024 = tpu.vector_load_idx %arg10[%get3A_1022] : memref<2048xf32, #tpu.memory_space<vmem>>[vector<16xi32>], vector<16xf32>,
          %gather3A_1025 = tpu.vector_load_idx %arg11[%get3A_1022] : memref<2048xf32, #tpu.memory_space<vmem>>[vector<16xi32>], vector<16xf32>,
          %gather3A_1026 = tpu.vector_load_idx %arg12[%get3A_1022] : memref<2048xf32, #tpu.memory_space<vmem>>[vector<16xi32>], vector<16xf32>,
          %gather3A_1027 = tpu.vector_load_idx %arg13[%get3A_1022] : memref<2048xf32, #tpu.memory_space<vmem>>[vector<16xi32>], vector<16xf32>,
          %gather3A_1028 = tpu.vector_load_idx %arg14[%get3A_1022] : memref<2048xf32, #tpu.memory_space<vmem>>[vector<16xi32>], vector<16xf32>,
          %gather3A_1029 = tpu.vector_load_idx %arg15[%get3A_1022] : memref<2048xf32, #tpu.memory_space<vmem>>[vector<16xi32>], vector<16xf32>,
          %gather3A_1030 = tpu.vector_load_idx %arg16[%get3A_1022] : memref<2048xf32, #tpu.memory_space<vmem>>[vector<16xi32>], vector<16xf32>,
          %gather3A_1031 = tpu.vector_load_idx %arg17[%get3A_1022] : memref<2048xf32, #tpu.memory_space<vmem>>[vector<16xi32>], vector<16xf32>,
          %gather3A_1032 = tpu.vector_load_idx %arg18[%get3A_1022] : memref<2048xf32, #tpu.memory_space<vmem>>[vector<16xi32>], vector<16xf32>,
          %gather3A_1033 = tpu.vector_load_idx %arg19[%get3A_1022] : memref<2048xf32, #tpu.memory_space<vmem>>[vector<16xi32>], vector<16xf32>,
          %gather3A_1034 = tpu.vector_load_idx %arg20[%get3A_1022] : memref<2048xf32, #tpu.memory_space<vmem>>[vector<16xi32>], vector<16xf32>,
          %get3A_1035 = arith.index_cast %mul3A_1020 : i32 to index
          %get3A_1036 = tpu.vector_load %arg24[%get3A_1035] {strides = array<i32>} : memref<3200xi32, #tpu.memory_space<vmem>>, vector<16xi32>,
          %bitcast3A_1037 = vector.bitcast %get3A_1036 : vector<16xi32> to vector<16xf32>
          %shift_left3A_1038 = arith.constant 16 : i32
          %shift_left3A_1039 = vector.broadcast %shift_left3A_1038 : i32 to vector<16xi32>
          %shift_left3A_1040 = arith.shli %get3A_1036, %shift_left3A_1039 : vector<16xi32>
          %bitcast3A_1041 = vector.bitcast %shift_left3A_1040 : vector<16xi32> to vector<16xf32>
          %get3A_1042 = arith.index_cast %mul3A_1020 : i32 to index
          %get3A_1043 = tpu.vector_load %arg25[%get3A_1042] {strides = array<i32>} : memref<3200xf32, #tpu.memory_space<vmem>>, vector<16xf32>,
          %get3A_1044 = arith.index_cast %mul3A_1020 : i32 to index
          %get3A_1045 = tpu.vector_load %arg23[%get3A_1044] {strides = array<i32>} : memref<3200xi32, #tpu.memory_space<vmem>>, vector<16xi32>,
          %bitcast3A_1046 = vector.bitcast %get3A_1045 : vector<16xi32> to vector<16xf32>
          %shift_left3A_1047 = arith.constant 16 : i32
          %shift_left3A_1048 = vector.broadcast %shift_left3A_1047 : i32 to vector<16xi32>
          %shift_left3A_1049 = arith.shli %get3A_1045, %shift_left3A_1048 : vector<16xi32>
          %bitcast3A_1050 = vector.bitcast %shift_left3A_1049 : vector<16xi32> to vector<16xf32>
          %mul3A_1051 = arith.mulf %gather3A_1023, %bitcast3A_1037 : vector<16xf32>
          %mul3A_1052 = arith.mulf %gather3A_1024, %bitcast3A_1041 : vector<16xf32>
          %add3A_1053 = arith.addf %mul3A_1051, %mul3A_1052 : vector<16xf32>
          %mul3A_1054 = arith.mulf %gather3A_1025, %get3A_1043 : vector<16xf32>
          %add3A_1055 = arith.addf %add3A_1053, %mul3A_1054 : vector<16xf32>
          %add3A_1056 = arith.addf %add3A_1055, %gather3A_1026 : vector<16xf32>
          %mul3A_1057 = arith.mulf %gather3A_1027, %bitcast3A_1037 : vector<16xf32>
          %mul3A_1058 = arith.mulf %gather3A_1028, %bitcast3A_1041 : vector<16xf32>
          %add3A_1059 = arith.addf %mul3A_1057, %mul3A_1058 : vector<16xf32>
          %mul3A_1060 = arith.mulf %gather3A_1029, %get3A_1043 : vector<16xf32>
          %add3A_1061 = arith.addf %add3A_1059, %mul3A_1060 : vector<16xf32>
          %add3A_1062 = arith.addf %add3A_1061, %gather3A_1030 : vector<16xf32>
          %mul3A_1063 = arith.mulf %gather3A_1031, %bitcast3A_1037 : vector<16xf32>
          %mul3A_1064 = arith.mulf %gather3A_1032, %bitcast3A_1041 : vector<16xf32>
          %add3A_1065 = arith.addf %mul3A_1063, %mul3A_1064 : vector<16xf32>
          %mul3A_1066 = arith.mulf %gather3A_1033, %get3A_1043 : vector<16xf32>
          %add3A_1067 = arith.addf %add3A_1065, %mul3A_1066 : vector<16xf32>
          %add3A_1068 = arith.addf %add3A_1067, %gather3A_1034 : vector<16xf32>
          %sub3A_1069 = arith.constant 5.120000e+02 : f32
          %sub3A_1070 = vector.broadcast %sub3A_1069 : f32 to vector<16xf32>
          %sub3A_1071 = arith.subf %bitcast3A_1046, %sub3A_1070 : vector<16xf32>
          %mul3A_1072 = arith.mulf %sub3A_1071, %add3A_1068 : vector<16xf32>
          %sub3A_1073 = arith.subf %add3A_1056, %mul3A_1072 : vector<16xf32>
          %sub3A_1074 = arith.constant 5.120000e+02 : f32
          %sub3A_1075 = vector.broadcast %sub3A_1074 : f32 to vector<16xf32>
          %sub3A_1076 = arith.subf %bitcast3A_1050, %sub3A_1075 : vector<16xf32>
          %mul3A_1077 = arith.mulf %sub3A_1076, %add3A_1068 : vector<16xf32>
          %sub3A_1078 = arith.subf %add3A_1062, %mul3A_1077 : vector<16xf32>
          %mul3A_1079 = arith.mulf %sub3A_1073, %sub3A_1073 : vector<16xf32>
          %mul3A_1080 = arith.mulf %sub3A_1078, %sub3A_1078 : vector<16xf32>
          %add3A_1081 = arith.addf %mul3A_1079, %mul3A_1080 : vector<16xf32>
          %mul3A_1082 = arith.mulf %add3A_1068, %add3A_1068 : vector<16xf32>
          %bitcast3A_1083 = vector.bitcast %add3A_1081 : vector<16xf32> to vector<16xi32>
          %shift_right_logical3A_1084 = arith.constant 1 : i32
          %shift_right_logical3A_1085 = vector.broadcast %shift_right_logical3A_1084 : i32 to vector<16xi32>
          %shift_right_logical3A_1086 = arith.shrui %bitcast3A_1083, %shift_right_logical3A_1085 : vector<16xi32>
          %sub3A_1087 = arith.constant 1597463007 : i32
          %sub3A_1088 = vector.broadcast %sub3A_1087 : i32 to vector<16xi32>
          %sub3A_1089 = arith.subi %sub3A_1088, %shift_right_logical3A_1086 : vector<16xi32>
          %bitcast3A_1090 = vector.bitcast %sub3A_1089 : vector<16xi32> to vector<16xf32>
          %bitcast3A_1091 = vector.bitcast %mul3A_1082 : vector<16xf32> to vector<16xi32>
          %shift_right_logical3A_1092 = arith.constant 1 : i32
          %shift_right_logical3A_1093 = vector.broadcast %shift_right_logical3A_1092 : i32 to vector<16xi32>
          %shift_right_logical3A_1094 = arith.shrui %bitcast3A_1091, %shift_right_logical3A_1093 : vector<16xi32>
          %sub3A_1095 = arith.constant 1597463007 : i32
          %sub3A_1096 = vector.broadcast %sub3A_1095 : i32 to vector<16xi32>
          %sub3A_1097 = arith.subi %sub3A_1096, %shift_right_logical3A_1094 : vector<16xi32>
          %bitcast3A_1098 = vector.bitcast %sub3A_1097 : vector<16xi32> to vector<16xf32>
          %mul3A_1099 = arith.constant 5.000000e-01 : f32
          %mul3A_1100 = vector.broadcast %mul3A_1099 : f32 to vector<16xf32>
          %mul3A_1101 = arith.mulf %mul3A_1100, %add3A_1081 : vector<16xf32>
          %mul3A_1102 = arith.constant 5.000000e-01 : f32
          %mul3A_1103 = vector.broadcast %mul3A_1102 : f32 to vector<16xf32>
          %mul3A_1104 = arith.mulf %mul3A_1103, %mul3A_1082 : vector<16xf32>
          %mul3A_1105 = arith.mulf %mul3A_1101, %bitcast3A_1090 : vector<16xf32>
          %mul3A_1106 = arith.mulf %mul3A_1105, %bitcast3A_1090 : vector<16xf32>
          %sub3A_1107 = arith.constant 1.500000e+00 : f32
          %sub3A_1108 = vector.broadcast %sub3A_1107 : f32 to vector<16xf32>
          %sub3A_1109 = arith.subf %sub3A_1108, %mul3A_1106 : vector<16xf32>
          %mul3A_1110 = arith.mulf %bitcast3A_1090, %sub3A_1109 : vector<16xf32>
          %mul3A_1111 = arith.mulf %mul3A_1104, %bitcast3A_1098 : vector<16xf32>
          %mul3A_1112 = arith.mulf %mul3A_1111, %bitcast3A_1098 : vector<16xf32>
          %sub3A_1113 = arith.constant 1.500000e+00 : f32
          %sub3A_1114 = vector.broadcast %sub3A_1113 : f32 to vector<16xf32>
          %sub3A_1115 = arith.subf %sub3A_1114, %mul3A_1112 : vector<16xf32>
          %mul3A_1116 = arith.mulf %bitcast3A_1098, %sub3A_1115 : vector<16xf32>
          %mul3A_1117 = arith.mulf %mul3A_1101, %mul3A_1110 : vector<16xf32>
          %mul3A_1118 = arith.mulf %mul3A_1117, %mul3A_1110 : vector<16xf32>
          %sub3A_1119 = arith.constant 1.500000e+00 : f32
          %sub3A_1120 = vector.broadcast %sub3A_1119 : f32 to vector<16xf32>
          %sub3A_1121 = arith.subf %sub3A_1120, %mul3A_1118 : vector<16xf32>
          %mul3A_1122 = arith.mulf %mul3A_1110, %sub3A_1121 : vector<16xf32>
          %mul3A_1123 = arith.mulf %mul3A_1104, %mul3A_1116 : vector<16xf32>
          %mul3A_1124 = arith.mulf %mul3A_1123, %mul3A_1116 : vector<16xf32>
          %sub3A_1125 = arith.constant 1.500000e+00 : f32
          %sub3A_1126 = vector.broadcast %sub3A_1125 : f32 to vector<16xf32>
          %sub3A_1127 = arith.subf %sub3A_1126, %mul3A_1124 : vector<16xf32>
          %mul3A_1128 = arith.mulf %mul3A_1116, %sub3A_1127 : vector<16xf32>
          %mul3A_1129 = arith.mulf %add3A_1081, %mul3A_1122 : vector<16xf32>
          %mul3A_1130 = arith.mulf %mul3A_1129, %mul3A_1128 : vector<16xf32>
          %swap3A_1131 = arith.index_cast %mul3A_1020 : i32 to index
          %swap3A_1132 = tpu.vector_load %arg26[%swap3A_1131] {strides = array<i32>} : memref<3200xf32, #tpu.memory_space<vmem>>, vector<16xf32>,
          tpu.vector_store %arg26[%swap3A_1131], %mul3A_1130 {strides = array<i32>} : memref<3200xf32, #tpu.memory_space<vmem>>, vector<16xf32>,
        }
        %scan3A_169 = arith.constant 200 : i32
        %mul3A_170 = arith.constant 32 : i32
        %mul3A_171 = arith.muli %add3A_123, %mul3A_170 : i32
        %add3A_172 = arith.addi %add3A, %mul3A_171 : i32
        %mul3A_173 = arith.constant 3200 : i32
        %mul3A_174 = arith.muli %add3A_172, %mul3A_173 : i32
        %dma_start3A_175 = arith.constant 0 : i32
        %dma_start3A_176 = tpu.memref_slice %arg8[%mul3A_174] : memref<2000000xf32, #tpu.memory_space<hbm>> -> memref<3200xf32, #tpu.memory_space<hbm>>
        %dma_start3A_177 = tpu.memref_slice %arg43[%dma_start3A_175] : memref<3x!tpu.dma_semaphore, #tpu.memory_space<semaphore_mem>> -> memref<1x!tpu.dma_semaphore, #tpu.memory_space<semaphore_mem>>
        %dma_start3A_178 = tpu.memref_squeeze %dma_start3A_177 : memref<1x!tpu.dma_semaphore, #tpu.memory_space<semaphore_mem>> -> memref<!tpu.dma_semaphore, #tpu.memory_space<semaphore_mem>>
        %dma_start3A_179 = tpu.memref_slice %arg8[%mul3A_174] : memref<2000000xf32, #tpu.memory_space<hbm>> -> memref<3200xf32, #tpu.memory_space<hbm>>
        tpu.enqueue_dma source(%arg26 : memref<3200xf32, #tpu.memory_space<vmem>>) target(%dma_start3A_179 : memref<3200xf32, #tpu.memory_space<hbm>>) target_semaphore(%dma_start3A_178 : memref<!tpu.dma_semaphore, #tpu.memory_space<semaphore_mem>>)
      } else {
      }
      %add3A_127 = arith.constant 1 : i32
      %add3A_128 = arith.addi %mul3A_121, %add3A_127 : i32
      %lt3A_129 = arith.cmpi slt, %add3A_128, %add3A_22 : i32
      %convert_element_type3A_130 = arith.extui %lt3A_129 : i1 to i32
      %cond3A_131 = arith.constant 0 : i32
      %cond3A_132 = arith.cmpi ne, %convert_element_type3A_130, %cond3A_131 : i32
      scf.if %cond3A_132 {
        %add3A_139 = arith.constant 2 : i32
        %add3A_140 = arith.addi %add3A_128, %add3A_139 : i32
        %lt3A_141 = arith.cmpi slt, %add3A_140, %add3A_22 : i32
        %convert_element_type3A_142 = arith.extui %lt3A_141 : i1 to i32
        %cond3A_143 = arith.constant 0 : i32
        %cond3A_144 = arith.cmpi ne, %convert_element_type3A_142, %cond3A_143 : i32
        scf.if %cond3A_144 {
          %add3A_180 = arith.constant 2 : i32
          %add3A_181 = arith.addi %add3A_128, %add3A_180 : i32
          %mul3A_182 = arith.constant 32 : i32
          %mul3A_183 = arith.muli %add3A_181, %mul3A_182 : i32
          %add3A_184 = arith.addi %add3A, %mul3A_183 : i32
          %mul3A_185 = arith.constant 3200 : i32
          %mul3A_186 = arith.muli %add3A_184, %mul3A_185 : i32
          %dma_start3A_187 = arith.constant 0 : i32
          %dma_start3A_188 = tpu.memref_slice %arg4[%mul3A_186] : memref<2000000xi32, #tpu.memory_space<hbm>> -> memref<3200xi32, #tpu.memory_space<hbm>>
          %dma_start3A_189 = tpu.memref_slice %arg41[%dma_start3A_187] : memref<3x!tpu.dma_semaphore, #tpu.memory_space<semaphore_mem>> -> memref<1x!tpu.dma_semaphore, #tpu.memory_space<semaphore_mem>>
          %dma_start3A_190 = tpu.memref_squeeze %dma_start3A_189 : memref<1x!tpu.dma_semaphore, #tpu.memory_space<semaphore_mem>> -> memref<!tpu.dma_semaphore, #tpu.memory_space<semaphore_mem>>
          %dma_start3A_191 = tpu.memref_slice %arg4[%mul3A_186] : memref<2000000xi32, #tpu.memory_space<hbm>> -> memref<3200xi32, #tpu.memory_space<hbm>>
          tpu.enqueue_dma source(%dma_start3A_191 : memref<3200xi32, #tpu.memory_space<hbm>>) target(%arg21 : memref<3200xi32, #tpu.memory_space<vmem>>) target_semaphore(%dma_start3A_190 : memref<!tpu.dma_semaphore, #tpu.memory_space<semaphore_mem>>)
          %dma_start3A_192 = arith.constant 0 : i32
          %dma_start3A_193 = tpu.memref_slice %arg3[%mul3A_186] : memref<2000000xi32, #tpu.memory_space<hbm>> -> memref<3200xi32, #tpu.memory_space<hbm>>
          %dma_start3A_194 = tpu.memref_slice %arg41[%dma_start3A_192] : memref<3x!tpu.dma_semaphore, #tpu.memory_space<semaphore_mem>> -> memref<1x!tpu.dma_semaphore, #tpu.memory_space<semaphore_mem>>
          %dma_start3A_195 = tpu.memref_squeeze %dma_start3A_194 : memref<1x!tpu.dma_semaphore, #tpu.memory_space<semaphore_mem>> -> memref<!tpu.dma_semaphore, #tpu.memory_space<semaphore_mem>>
          %dma_start3A_196 = tpu.memref_slice %arg3[%mul3A_186] : memref<2000000xi32, #tpu.memory_space<hbm>> -> memref<3200xi32, #tpu.memory_space<hbm>>
          tpu.enqueue_dma source(%dma_start3A_196 : memref<3200xi32, #tpu.memory_space<hbm>>) target(%arg22 : memref<3200xi32, #tpu.memory_space<vmem>>) target_semaphore(%dma_start3A_195 : memref<!tpu.dma_semaphore, #tpu.memory_space<semaphore_mem>>)
          %dma_start3A_197 = arith.constant 0 : i32
          %dma_start3A_198 = tpu.memref_slice %arg5[%mul3A_186] : memref<2000000xi32, #tpu.memory_space<hbm>> -> memref<3200xi32, #tpu.memory_space<hbm>>
          %dma_start3A_199 = tpu.memref_slice %arg41[%dma_start3A_197] : memref<3x!tpu.dma_semaphore, #tpu.memory_space<semaphore_mem>> -> memref<1x!tpu.dma_semaphore, #tpu.memory_space<semaphore_mem>>
          %dma_start3A_200 = tpu.memref_squeeze %dma_start3A_199 : memref<1x!tpu.dma_semaphore, #tpu.memory_space<semaphore_mem>> -> memref<!tpu.dma_semaphore, #tpu.memory_space<semaphore_mem>>
          %dma_start3A_201 = tpu.memref_slice %arg5[%mul3A_186] : memref<2000000xi32, #tpu.memory_space<hbm>> -> memref<3200xi32, #tpu.memory_space<hbm>>
          tpu.enqueue_dma source(%dma_start3A_201 : memref<3200xi32, #tpu.memory_space<hbm>>) target(%arg23 : memref<3200xi32, #tpu.memory_space<vmem>>) target_semaphore(%dma_start3A_200 : memref<!tpu.dma_semaphore, #tpu.memory_space<semaphore_mem>>)
        } else {
        }
        %add3A_145 = arith.constant 1 : i32
        %add3A_146 = arith.addi %add3A_128, %add3A_145 : i32
        %lt3A_147 = arith.cmpi slt, %add3A_146, %add3A_22 : i32
        %convert_element_type3A_148 = arith.extui %lt3A_147 : i1 to i32
        %cond3A_149 = arith.constant 0 : i32
        %cond3A_150 = arith.cmpi ne, %convert_element_type3A_148, %cond3A_149 : i32
        scf.if %cond3A_150 {
          %dma_wait3A_180 = arith.constant 2 : i32
          %dma_wait3A_181 = arith.constant 0 : i32
          %dma_wait3A_182 = tpu.memref_slice %arg4[%dma_wait3A_181] : memref<2000000xi32, #tpu.memory_space<hbm>> -> memref<3200xi32, #tpu.memory_space<hbm>>
          %dma_wait3A_183 = tpu.memref_slice %arg41[%dma_wait3A_180] : memref<3x!tpu.dma_semaphore, #tpu.memory_space<semaphore_mem>> -> memref<1x!tpu.dma_semaphore, #tpu.memory_space<semaphore_mem>>
          %dma_wait3A_184 = tpu.memref_squeeze %dma_wait3A_183 : memref<1x!tpu.dma_semaphore, #tpu.memory_space<semaphore_mem>> -> memref<!tpu.dma_semaphore, #tpu.memory_space<semaphore_mem>>
          %dma_wait3A_185 = arith.constant 0 : i32
          %dma_wait3A_186 = tpu.memref_slice %arg4[%dma_wait3A_185] : memref<2000000xi32, #tpu.memory_space<hbm>> -> memref<3200xi32, #tpu.memory_space<hbm>>
          tpu.wait_dma2 semaphore(%dma_wait3A_184 : memref<!tpu.dma_semaphore, #tpu.memory_space<semaphore_mem>>) src(%dma_wait3A_186 : memref<3200xi32, #tpu.memory_space<hbm>>) dst(%arg33 : memref<3200xi32, #tpu.memory_space<vmem>>)
          %dma_wait3A_187 = arith.constant 2 : i32
          %dma_wait3A_188 = arith.constant 0 : i32
          %dma_wait3A_189 = tpu.memref_slice %arg3[%dma_wait3A_188] : memref<2000000xi32, #tpu.memory_space<hbm>> -> memref<3200xi32, #tpu.memory_space<hbm>>
          %dma_wait3A_190 = tpu.memref_slice %arg41[%dma_wait3A_187] : memref<3x!tpu.dma_semaphore, #tpu.memory_space<semaphore_mem>> -> memref<1x!tpu.dma_semaphore, #tpu.memory_space<semaphore_mem>>
          %dma_wait3A_191 = tpu.memref_squeeze %dma_wait3A_190 : memref<1x!tpu.dma_semaphore, #tpu.memory_space<semaphore_mem>> -> memref<!tpu.dma_semaphore, #tpu.memory_space<semaphore_mem>>
          %dma_wait3A_192 = arith.constant 0 : i32
          %dma_wait3A_193 = tpu.memref_slice %arg3[%dma_wait3A_192] : memref<2000000xi32, #tpu.memory_space<hbm>> -> memref<3200xi32, #tpu.memory_space<hbm>>
          tpu.wait_dma2 semaphore(%dma_wait3A_191 : memref<!tpu.dma_semaphore, #tpu.memory_space<semaphore_mem>>) src(%dma_wait3A_193 : memref<3200xi32, #tpu.memory_space<hbm>>) dst(%arg34 : memref<3200xi32, #tpu.memory_space<vmem>>)
          %dma_wait3A_194 = arith.constant 2 : i32
          %dma_wait3A_195 = arith.constant 0 : i32
          %dma_wait3A_196 = tpu.memref_slice %arg5[%dma_wait3A_195] : memref<2000000xi32, #tpu.memory_space<hbm>> -> memref<3200xi32, #tpu.memory_space<hbm>>
          %dma_wait3A_197 = tpu.memref_slice %arg41[%dma_wait3A_194] : memref<3x!tpu.dma_semaphore, #tpu.memory_space<semaphore_mem>> -> memref<1x!tpu.dma_semaphore, #tpu.memory_space<semaphore_mem>>
          %dma_wait3A_198 = tpu.memref_squeeze %dma_wait3A_197 : memref<1x!tpu.dma_semaphore, #tpu.memory_space<semaphore_mem>> -> memref<!tpu.dma_semaphore, #tpu.memory_space<semaphore_mem>>
          %dma_wait3A_199 = arith.constant 0 : i32
          %dma_wait3A_200 = tpu.memref_slice %arg5[%dma_wait3A_199] : memref<2000000xi32, #tpu.memory_space<hbm>> -> memref<3200xi32, #tpu.memory_space<hbm>>
          tpu.wait_dma2 semaphore(%dma_wait3A_198 : memref<!tpu.dma_semaphore, #tpu.memory_space<semaphore_mem>>) src(%dma_wait3A_200 : memref<3200xi32, #tpu.memory_space<hbm>>) dst(%arg35 : memref<3200xi32, #tpu.memory_space<vmem>>)
          %dma_start3A_201 = arith.constant 2 : i32
          %dma_start3A_202 = arith.constant 0 : i32
          %dma_start3A_203 = tpu.memref_slice %arg39[%dma_start3A_202] : memref<200000xi32, #tpu.memory_space<vmem_shared>> -> memref<200000xi32, #tpu.memory_space<vmem_shared>>
          %dma_start3A_204 = tpu.memref_slice %arg42[%dma_start3A_201] : memref<3x!tpu.dma_semaphore, #tpu.memory_space<semaphore_mem>> -> memref<1x!tpu.dma_semaphore, #tpu.memory_space<semaphore_mem>>
          %dma_start3A_205 = tpu.memref_squeeze %dma_start3A_204 : memref<1x!tpu.dma_semaphore, #tpu.memory_space<semaphore_mem>> -> memref<!tpu.dma_semaphore, #tpu.memory_space<semaphore_mem>>
          tpu.enqueue_indirect_dma source(%dma_start3A_203 : memref<200000xi32, #tpu.memory_space<vmem_shared>>) target(%arg36 : memref<3200xi32, #tpu.memory_space<vmem>>) offsets(%arg33 : memref<3200xi32, #tpu.memory_space<vmem>>) semaphore(%dma_start3A_205 : memref<!tpu.dma_semaphore, #tpu.memory_space<semaphore_mem>>)
          %dma_start3A_206 = arith.constant 2 : i32
          %dma_start3A_207 = arith.constant 0 : i32
          %dma_start3A_208 = tpu.memref_slice %arg40[%dma_start3A_207] : memref<200000xf32, #tpu.memory_space<vmem_shared>> -> memref<200000xf32, #tpu.memory_space<vmem_shared>>
          %dma_start3A_209 = tpu.memref_slice %arg42[%dma_start3A_206] : memref<3x!tpu.dma_semaphore, #tpu.memory_space<semaphore_mem>> -> memref<1x!tpu.dma_semaphore, #tpu.memory_space<semaphore_mem>>
          %dma_start3A_210 = tpu.memref_squeeze %dma_start3A_209 : memref<1x!tpu.dma_semaphore, #tpu.memory_space<semaphore_mem>> -> memref<!tpu.dma_semaphore, #tpu.memory_space<semaphore_mem>>
          tpu.enqueue_indirect_dma source(%dma_start3A_208 : memref<200000xf32, #tpu.memory_space<vmem_shared>>) target(%arg37 : memref<3200xf32, #tpu.memory_space<vmem>>) offsets(%arg33 : memref<3200xi32, #tpu.memory_space<vmem>>) semaphore(%dma_start3A_210 : memref<!tpu.dma_semaphore, #tpu.memory_space<semaphore_mem>>)
        } else {
        }
        %dma_wait3A_151 = arith.constant 1 : i32
        %dma_wait3A_152 = arith.constant 0 : i32
        %dma_wait3A_153 = tpu.memref_slice %arg39[%dma_wait3A_152] : memref<200000xi32, #tpu.memory_space<vmem_shared>> -> memref<200000xi32, #tpu.memory_space<vmem_shared>>
        %dma_wait3A_154 = tpu.memref_slice %arg42[%dma_wait3A_151] : memref<3x!tpu.dma_semaphore, #tpu.memory_space<semaphore_mem>> -> memref<1x!tpu.dma_semaphore, #tpu.memory_space<semaphore_mem>>
        %dma_wait3A_155 = tpu.memref_squeeze %dma_wait3A_154 : memref<1x!tpu.dma_semaphore, #tpu.memory_space<semaphore_mem>> -> memref<!tpu.dma_semaphore, #tpu.memory_space<semaphore_mem>>
        tpu.wait_indirect_dma semaphore(%dma_wait3A_155 : memref<!tpu.dma_semaphore, #tpu.memory_space<semaphore_mem>>) src(%dma_wait3A_153 : memref<200000xi32, #tpu.memory_space<vmem_shared>>) dst(%arg30 : memref<3200xi32, #tpu.memory_space<vmem>>)
        %dma_wait3A_156 = arith.constant 1 : i32
        %dma_wait3A_157 = arith.constant 0 : i32
        %dma_wait3A_158 = tpu.memref_slice %arg40[%dma_wait3A_157] : memref<200000xf32, #tpu.memory_space<vmem_shared>> -> memref<200000xf32, #tpu.memory_space<vmem_shared>>
        %dma_wait3A_159 = tpu.memref_slice %arg42[%dma_wait3A_156] : memref<3x!tpu.dma_semaphore, #tpu.memory_space<semaphore_mem>> -> memref<1x!tpu.dma_semaphore, #tpu.memory_space<semaphore_mem>>
        %dma_wait3A_160 = tpu.memref_squeeze %dma_wait3A_159 : memref<1x!tpu.dma_semaphore, #tpu.memory_space<semaphore_mem>> -> memref<!tpu.dma_semaphore, #tpu.memory_space<semaphore_mem>>
        tpu.wait_indirect_dma semaphore(%dma_wait3A_160 : memref<!tpu.dma_semaphore, #tpu.memory_space<semaphore_mem>>) src(%dma_wait3A_158 : memref<200000xf32, #tpu.memory_space<vmem_shared>>) dst(%arg31 : memref<3200xf32, #tpu.memory_space<vmem>>)
        %ge3A = arith.constant 3 : i32
        %ge3A_161 = arith.cmpi sge, %add3A_128, %ge3A : i32
        %convert_element_type3A_162 = arith.extui %ge3A_161 : i1 to i32
        %cond3A_163 = arith.constant 0 : i32
        %cond3A_164 = arith.cmpi ne, %convert_element_type3A_162, %cond3A_163 : i32
        scf.if %cond3A_164 {
          %dma_wait3A_180 = arith.constant 1 : i32
          %dma_wait3A_181 = arith.constant 0 : i32
          %dma_wait3A_182 = tpu.memref_slice %arg8[%dma_wait3A_181] : memref<2000000xf32, #tpu.memory_space<hbm>> -> memref<3200xf32, #tpu.memory_space<hbm>>
          %dma_wait3A_183 = tpu.memref_slice %arg43[%dma_wait3A_180] : memref<3x!tpu.dma_semaphore, #tpu.memory_space<semaphore_mem>> -> memref<1x!tpu.dma_semaphore, #tpu.memory_space<semaphore_mem>>
          %dma_wait3A_184 = tpu.memref_squeeze %dma_wait3A_183 : memref<1x!tpu.dma_semaphore, #tpu.memory_space<semaphore_mem>> -> memref<!tpu.dma_semaphore, #tpu.memory_space<semaphore_mem>>
          %dma_wait3A_185 = arith.constant 0 : i32
          %dma_wait3A_186 = tpu.memref_slice %arg8[%dma_wait3A_185] : memref<2000000xf32, #tpu.memory_space<hbm>> -> memref<3200xf32, #tpu.memory_space<hbm>>
          tpu.wait_dma2 semaphore(%dma_wait3A_184 : memref<!tpu.dma_semaphore, #tpu.memory_space<semaphore_mem>>) src(%arg32 : memref<3200xf32, #tpu.memory_space<vmem>>) dst(%dma_wait3A_186 : memref<3200xf32, #tpu.memory_space<hbm>>)
        } else {
        }
        %scan3A_165 = arith.constant 0 : i32
        %scan3A_166 = arith.constant 200 : i32
        %scan3A_167 = arith.addi %scan3A_165, %scan3A_166 : i32
        %scan3A_168 = arith.constant 8 : i32
        scf.for %scan3A_180 = %scan3A_165 to %scan3A_167 step %scan3A_168  : i32 {
          %mul3A_181 = arith.constant 1 : i32
          %mul3A_182 = arith.muli %scan3A_180, %mul3A_181 : i32
          %add3A_183 = arith.constant 0 : i32
          %add3A_184 = arith.addi %add3A_183, %mul3A_182 : i32
          %mul3A_185 = arith.constant 16 : i32
          %mul3A_186 = arith.muli %add3A_184, %mul3A_185 : i32
          %get3A = arith.index_cast %mul3A_186 : i32 to index
          %get3A_187 = tpu.vector_load %arg28[%get3A] {strides = array<i32>} : memref<3200xi32, #tpu.memory_space<vmem>>, vector<16xi32>,
          %gather3A = tpu.vector_load_idx %arg9[%get3A_187] : memref<2048xf32, #tpu.memory_space<vmem>>[vector<16xi32>], vector<16xf32>,
          %gather3A_188 = tpu.vector_load_idx %arg10[%get3A_187] : memref<2048xf32, #tpu.memory_space<vmem>>[vector<16xi32>], vector<16xf32>,
          %gather3A_189 = tpu.vector_load_idx %arg11[%get3A_187] : memref<2048xf32, #tpu.memory_space<vmem>>[vector<16xi32>], vector<16xf32>,
          %gather3A_190 = tpu.vector_load_idx %arg12[%get3A_187] : memref<2048xf32, #tpu.memory_space<vmem>>[vector<16xi32>], vector<16xf32>,
          %gather3A_191 = tpu.vector_load_idx %arg13[%get3A_187] : memref<2048xf32, #tpu.memory_space<vmem>>[vector<16xi32>], vector<16xf32>,
          %gather3A_192 = tpu.vector_load_idx %arg14[%get3A_187] : memref<2048xf32, #tpu.memory_space<vmem>>[vector<16xi32>], vector<16xf32>,
          %gather3A_193 = tpu.vector_load_idx %arg15[%get3A_187] : memref<2048xf32, #tpu.memory_space<vmem>>[vector<16xi32>], vector<16xf32>,
          %gather3A_194 = tpu.vector_load_idx %arg16[%get3A_187] : memref<2048xf32, #tpu.memory_space<vmem>>[vector<16xi32>], vector<16xf32>,
          %gather3A_195 = tpu.vector_load_idx %arg17[%get3A_187] : memref<2048xf32, #tpu.memory_space<vmem>>[vector<16xi32>], vector<16xf32>,
          %gather3A_196 = tpu.vector_load_idx %arg18[%get3A_187] : memref<2048xf32, #tpu.memory_space<vmem>>[vector<16xi32>], vector<16xf32>,
          %gather3A_197 = tpu.vector_load_idx %arg19[%get3A_187] : memref<2048xf32, #tpu.memory_space<vmem>>[vector<16xi32>], vector<16xf32>,
          %gather3A_198 = tpu.vector_load_idx %arg20[%get3A_187] : memref<2048xf32, #tpu.memory_space<vmem>>[vector<16xi32>], vector<16xf32>,
          %get3A_199 = arith.index_cast %mul3A_186 : i32 to index
          %get3A_200 = tpu.vector_load %arg30[%get3A_199] {strides = array<i32>} : memref<3200xi32, #tpu.memory_space<vmem>>, vector<16xi32>,
          %bitcast3A = vector.bitcast %get3A_200 : vector<16xi32> to vector<16xf32>
          %shift_left3A = arith.constant 16 : i32
          %shift_left3A_201 = vector.broadcast %shift_left3A : i32 to vector<16xi32>
          %shift_left3A_202 = arith.shli %get3A_200, %shift_left3A_201 : vector<16xi32>
          %bitcast3A_203 = vector.bitcast %shift_left3A_202 : vector<16xi32> to vector<16xf32>
          %get3A_204 = arith.index_cast %mul3A_186 : i32 to index
          %get3A_205 = tpu.vector_load %arg31[%get3A_204] {strides = array<i32>} : memref<3200xf32, #tpu.memory_space<vmem>>, vector<16xf32>,
          %get3A_206 = arith.index_cast %mul3A_186 : i32 to index
          %get3A_207 = tpu.vector_load %arg29[%get3A_206] {strides = array<i32>} : memref<3200xi32, #tpu.memory_space<vmem>>, vector<16xi32>,
          %bitcast3A_208 = vector.bitcast %get3A_207 : vector<16xi32> to vector<16xf32>
          %shift_left3A_209 = arith.constant 16 : i32
          %shift_left3A_210 = vector.broadcast %shift_left3A_209 : i32 to vector<16xi32>
          %shift_left3A_211 = arith.shli %get3A_207, %shift_left3A_210 : vector<16xi32>
          %bitcast3A_212 = vector.bitcast %shift_left3A_211 : vector<16xi32> to vector<16xf32>
          %mul3A_213 = arith.mulf %gather3A, %bitcast3A : vector<16xf32>
          %mul3A_214 = arith.mulf %gather3A_188, %bitcast3A_203 : vector<16xf32>
          %add3A_215 = arith.addf %mul3A_213, %mul3A_214 : vector<16xf32>
          %mul3A_216 = arith.mulf %gather3A_189, %get3A_205 : vector<16xf32>
          %add3A_217 = arith.addf %add3A_215, %mul3A_216 : vector<16xf32>
          %add3A_218 = arith.addf %add3A_217, %gather3A_190 : vector<16xf32>
          %mul3A_219 = arith.mulf %gather3A_191, %bitcast3A : vector<16xf32>
          %mul3A_220 = arith.mulf %gather3A_192, %bitcast3A_203 : vector<16xf32>
          %add3A_221 = arith.addf %mul3A_219, %mul3A_220 : vector<16xf32>
          %mul3A_222 = arith.mulf %gather3A_193, %get3A_205 : vector<16xf32>
          %add3A_223 = arith.addf %add3A_221, %mul3A_222 : vector<16xf32>
          %add3A_224 = arith.addf %add3A_223, %gather3A_194 : vector<16xf32>
          %mul3A_225 = arith.mulf %gather3A_195, %bitcast3A : vector<16xf32>
          %mul3A_226 = arith.mulf %gather3A_196, %bitcast3A_203 : vector<16xf32>
          %add3A_227 = arith.addf %mul3A_225, %mul3A_226 : vector<16xf32>
          %mul3A_228 = arith.mulf %gather3A_197, %get3A_205 : vector<16xf32>
          %add3A_229 = arith.addf %add3A_227, %mul3A_228 : vector<16xf32>
          %add3A_230 = arith.addf %add3A_229, %gather3A_198 : vector<16xf32>
          %sub3A_231 = arith.constant 5.120000e+02 : f32
          %sub3A_232 = vector.broadcast %sub3A_231 : f32 to vector<16xf32>
          %sub3A_233 = arith.subf %bitcast3A_208, %sub3A_232 : vector<16xf32>
          %mul3A_234 = arith.mulf %sub3A_233, %add3A_230 : vector<16xf32>
          %sub3A_235 = arith.subf %add3A_218, %mul3A_234 : vector<16xf32>
          %sub3A_236 = arith.constant 5.120000e+02 : f32
          %sub3A_237 = vector.broadcast %sub3A_236 : f32 to vector<16xf32>
          %sub3A_238 = arith.subf %bitcast3A_212, %sub3A_237 : vector<16xf32>
          %mul3A_239 = arith.mulf %sub3A_238, %add3A_230 : vector<16xf32>
          %sub3A_240 = arith.subf %add3A_224, %mul3A_239 : vector<16xf32>
          %mul3A_241 = arith.mulf %sub3A_235, %sub3A_235 : vector<16xf32>
          %mul3A_242 = arith.mulf %sub3A_240, %sub3A_240 : vector<16xf32>
          %add3A_243 = arith.addf %mul3A_241, %mul3A_242 : vector<16xf32>
          %mul3A_244 = arith.mulf %add3A_230, %add3A_230 : vector<16xf32>
          %bitcast3A_245 = vector.bitcast %add3A_243 : vector<16xf32> to vector<16xi32>
          %shift_right_logical3A = arith.constant 1 : i32
          %shift_right_logical3A_246 = vector.broadcast %shift_right_logical3A : i32 to vector<16xi32>
          %shift_right_logical3A_247 = arith.shrui %bitcast3A_245, %shift_right_logical3A_246 : vector<16xi32>
          %sub3A_248 = arith.constant 1597463007 : i32
          %sub3A_249 = vector.broadcast %sub3A_248 : i32 to vector<16xi32>
          %sub3A_250 = arith.subi %sub3A_249, %shift_right_logical3A_247 : vector<16xi32>
          %bitcast3A_251 = vector.bitcast %sub3A_250 : vector<16xi32> to vector<16xf32>
          %bitcast3A_252 = vector.bitcast %mul3A_244 : vector<16xf32> to vector<16xi32>
          %shift_right_logical3A_253 = arith.constant 1 : i32
          %shift_right_logical3A_254 = vector.broadcast %shift_right_logical3A_253 : i32 to vector<16xi32>
          %shift_right_logical3A_255 = arith.shrui %bitcast3A_252, %shift_right_logical3A_254 : vector<16xi32>
          %sub3A_256 = arith.constant 1597463007 : i32
          %sub3A_257 = vector.broadcast %sub3A_256 : i32 to vector<16xi32>
          %sub3A_258 = arith.subi %sub3A_257, %shift_right_logical3A_255 : vector<16xi32>
          %bitcast3A_259 = vector.bitcast %sub3A_258 : vector<16xi32> to vector<16xf32>
          %mul3A_260 = arith.constant 5.000000e-01 : f32
          %mul3A_261 = vector.broadcast %mul3A_260 : f32 to vector<16xf32>
          %mul3A_262 = arith.mulf %mul3A_261, %add3A_243 : vector<16xf32>
          %mul3A_263 = arith.constant 5.000000e-01 : f32
          %mul3A_264 = vector.broadcast %mul3A_263 : f32 to vector<16xf32>
          %mul3A_265 = arith.mulf %mul3A_264, %mul3A_244 : vector<16xf32>
          %mul3A_266 = arith.mulf %mul3A_262, %bitcast3A_251 : vector<16xf32>
          %mul3A_267 = arith.mulf %mul3A_266, %bitcast3A_251 : vector<16xf32>
          %sub3A_268 = arith.constant 1.500000e+00 : f32
          %sub3A_269 = vector.broadcast %sub3A_268 : f32 to vector<16xf32>
          %sub3A_270 = arith.subf %sub3A_269, %mul3A_267 : vector<16xf32>
          %mul3A_271 = arith.mulf %bitcast3A_251, %sub3A_270 : vector<16xf32>
          %mul3A_272 = arith.mulf %mul3A_265, %bitcast3A_259 : vector<16xf32>
          %mul3A_273 = arith.mulf %mul3A_272, %bitcast3A_259 : vector<16xf32>
          %sub3A_274 = arith.constant 1.500000e+00 : f32
          %sub3A_275 = vector.broadcast %sub3A_274 : f32 to vector<16xf32>
          %sub3A_276 = arith.subf %sub3A_275, %mul3A_273 : vector<16xf32>
          %mul3A_277 = arith.mulf %bitcast3A_259, %sub3A_276 : vector<16xf32>
          %mul3A_278 = arith.mulf %mul3A_262, %mul3A_271 : vector<16xf32>
          %mul3A_279 = arith.mulf %mul3A_278, %mul3A_271 : vector<16xf32>
          %sub3A_280 = arith.constant 1.500000e+00 : f32
          %sub3A_281 = vector.broadcast %sub3A_280 : f32 to vector<16xf32>
          %sub3A_282 = arith.subf %sub3A_281, %mul3A_279 : vector<16xf32>
          %mul3A_283 = arith.mulf %mul3A_271, %sub3A_282 : vector<16xf32>
          %mul3A_284 = arith.mulf %mul3A_265, %mul3A_277 : vector<16xf32>
          %mul3A_285 = arith.mulf %mul3A_284, %mul3A_277 : vector<16xf32>
          %sub3A_286 = arith.constant 1.500000e+00 : f32
          %sub3A_287 = vector.broadcast %sub3A_286 : f32 to vector<16xf32>
          %sub3A_288 = arith.subf %sub3A_287, %mul3A_285 : vector<16xf32>
          %mul3A_289 = arith.mulf %mul3A_277, %sub3A_288 : vector<16xf32>
          %mul3A_290 = arith.mulf %add3A_243, %mul3A_283 : vector<16xf32>
          %mul3A_291 = arith.mulf %mul3A_290, %mul3A_289 : vector<16xf32>
          %swap3A = arith.index_cast %mul3A_186 : i32 to index
          %swap3A_292 = tpu.vector_load %arg32[%swap3A] {strides = array<i32>} : memref<3200xf32, #tpu.memory_space<vmem>>, vector<16xf32>,
          tpu.vector_store %arg32[%swap3A], %mul3A_291 {strides = array<i32>} : memref<3200xf32, #tpu.memory_space<vmem>>, vector<16xf32>,
          %scan3A_293 = arith.constant 1 : i32
          %scan3A_294 = arith.addi %scan3A_180, %scan3A_293 : i32
          %mul3A_295 = arith.constant 1 : i32
          %mul3A_296 = arith.muli %scan3A_294, %mul3A_295 : i32
          %add3A_297 = arith.constant 0 : i32
          %add3A_298 = arith.addi %add3A_297, %mul3A_296 : i32
          %mul3A_299 = arith.constant 16 : i32
          %mul3A_300 = arith.muli %add3A_298, %mul3A_299 : i32
          %get3A_301 = arith.index_cast %mul3A_300 : i32 to index
          %get3A_302 = tpu.vector_load %arg28[%get3A_301] {strides = array<i32>} : memref<3200xi32, #tpu.memory_space<vmem>>, vector<16xi32>,
          %gather3A_303 = tpu.vector_load_idx %arg9[%get3A_302] : memref<2048xf32, #tpu.memory_space<vmem>>[vector<16xi32>], vector<16xf32>,
          %gather3A_304 = tpu.vector_load_idx %arg10[%get3A_302] : memref<2048xf32, #tpu.memory_space<vmem>>[vector<16xi32>], vector<16xf32>,
          %gather3A_305 = tpu.vector_load_idx %arg11[%get3A_302] : memref<2048xf32, #tpu.memory_space<vmem>>[vector<16xi32>], vector<16xf32>,
          %gather3A_306 = tpu.vector_load_idx %arg12[%get3A_302] : memref<2048xf32, #tpu.memory_space<vmem>>[vector<16xi32>], vector<16xf32>,
          %gather3A_307 = tpu.vector_load_idx %arg13[%get3A_302] : memref<2048xf32, #tpu.memory_space<vmem>>[vector<16xi32>], vector<16xf32>,
          %gather3A_308 = tpu.vector_load_idx %arg14[%get3A_302] : memref<2048xf32, #tpu.memory_space<vmem>>[vector<16xi32>], vector<16xf32>,
          %gather3A_309 = tpu.vector_load_idx %arg15[%get3A_302] : memref<2048xf32, #tpu.memory_space<vmem>>[vector<16xi32>], vector<16xf32>,
          %gather3A_310 = tpu.vector_load_idx %arg16[%get3A_302] : memref<2048xf32, #tpu.memory_space<vmem>>[vector<16xi32>], vector<16xf32>,
          %gather3A_311 = tpu.vector_load_idx %arg17[%get3A_302] : memref<2048xf32, #tpu.memory_space<vmem>>[vector<16xi32>], vector<16xf32>,
          %gather3A_312 = tpu.vector_load_idx %arg18[%get3A_302] : memref<2048xf32, #tpu.memory_space<vmem>>[vector<16xi32>], vector<16xf32>,
          %gather3A_313 = tpu.vector_load_idx %arg19[%get3A_302] : memref<2048xf32, #tpu.memory_space<vmem>>[vector<16xi32>], vector<16xf32>,
          %gather3A_314 = tpu.vector_load_idx %arg20[%get3A_302] : memref<2048xf32, #tpu.memory_space<vmem>>[vector<16xi32>], vector<16xf32>,
          %get3A_315 = arith.index_cast %mul3A_300 : i32 to index
          %get3A_316 = tpu.vector_load %arg30[%get3A_315] {strides = array<i32>} : memref<3200xi32, #tpu.memory_space<vmem>>, vector<16xi32>,
          %bitcast3A_317 = vector.bitcast %get3A_316 : vector<16xi32> to vector<16xf32>
          %shift_left3A_318 = arith.constant 16 : i32
          %shift_left3A_319 = vector.broadcast %shift_left3A_318 : i32 to vector<16xi32>
          %shift_left3A_320 = arith.shli %get3A_316, %shift_left3A_319 : vector<16xi32>
          %bitcast3A_321 = vector.bitcast %shift_left3A_320 : vector<16xi32> to vector<16xf32>
          %get3A_322 = arith.index_cast %mul3A_300 : i32 to index
          %get3A_323 = tpu.vector_load %arg31[%get3A_322] {strides = array<i32>} : memref<3200xf32, #tpu.memory_space<vmem>>, vector<16xf32>,
          %get3A_324 = arith.index_cast %mul3A_300 : i32 to index
          %get3A_325 = tpu.vector_load %arg29[%get3A_324] {strides = array<i32>} : memref<3200xi32, #tpu.memory_space<vmem>>, vector<16xi32>,
          %bitcast3A_326 = vector.bitcast %get3A_325 : vector<16xi32> to vector<16xf32>
          %shift_left3A_327 = arith.constant 16 : i32
          %shift_left3A_328 = vector.broadcast %shift_left3A_327 : i32 to vector<16xi32>
          %shift_left3A_329 = arith.shli %get3A_325, %shift_left3A_328 : vector<16xi32>
          %bitcast3A_330 = vector.bitcast %shift_left3A_329 : vector<16xi32> to vector<16xf32>
          %mul3A_331 = arith.mulf %gather3A_303, %bitcast3A_317 : vector<16xf32>
          %mul3A_332 = arith.mulf %gather3A_304, %bitcast3A_321 : vector<16xf32>
          %add3A_333 = arith.addf %mul3A_331, %mul3A_332 : vector<16xf32>
          %mul3A_334 = arith.mulf %gather3A_305, %get3A_323 : vector<16xf32>
          %add3A_335 = arith.addf %add3A_333, %mul3A_334 : vector<16xf32>
          %add3A_336 = arith.addf %add3A_335, %gather3A_306 : vector<16xf32>
          %mul3A_337 = arith.mulf %gather3A_307, %bitcast3A_317 : vector<16xf32>
          %mul3A_338 = arith.mulf %gather3A_308, %bitcast3A_321 : vector<16xf32>
          %add3A_339 = arith.addf %mul3A_337, %mul3A_338 : vector<16xf32>
          %mul3A_340 = arith.mulf %gather3A_309, %get3A_323 : vector<16xf32>
          %add3A_341 = arith.addf %add3A_339, %mul3A_340 : vector<16xf32>
          %add3A_342 = arith.addf %add3A_341, %gather3A_310 : vector<16xf32>
          %mul3A_343 = arith.mulf %gather3A_311, %bitcast3A_317 : vector<16xf32>
          %mul3A_344 = arith.mulf %gather3A_312, %bitcast3A_321 : vector<16xf32>
          %add3A_345 = arith.addf %mul3A_343, %mul3A_344 : vector<16xf32>
          %mul3A_346 = arith.mulf %gather3A_313, %get3A_323 : vector<16xf32>
          %add3A_347 = arith.addf %add3A_345, %mul3A_346 : vector<16xf32>
          %add3A_348 = arith.addf %add3A_347, %gather3A_314 : vector<16xf32>
          %sub3A_349 = arith.constant 5.120000e+02 : f32
          %sub3A_350 = vector.broadcast %sub3A_349 : f32 to vector<16xf32>
          %sub3A_351 = arith.subf %bitcast3A_326, %sub3A_350 : vector<16xf32>
          %mul3A_352 = arith.mulf %sub3A_351, %add3A_348 : vector<16xf32>
          %sub3A_353 = arith.subf %add3A_336, %mul3A_352 : vector<16xf32>
          %sub3A_354 = arith.constant 5.120000e+02 : f32
          %sub3A_355 = vector.broadcast %sub3A_354 : f32 to vector<16xf32>
          %sub3A_356 = arith.subf %bitcast3A_330, %sub3A_355 : vector<16xf32>
          %mul3A_357 = arith.mulf %sub3A_356, %add3A_348 : vector<16xf32>
          %sub3A_358 = arith.subf %add3A_342, %mul3A_357 : vector<16xf32>
          %mul3A_359 = arith.mulf %sub3A_353, %sub3A_353 : vector<16xf32>
          %mul3A_360 = arith.mulf %sub3A_358, %sub3A_358 : vector<16xf32>
          %add3A_361 = arith.addf %mul3A_359, %mul3A_360 : vector<16xf32>
          %mul3A_362 = arith.mulf %add3A_348, %add3A_348 : vector<16xf32>
          %bitcast3A_363 = vector.bitcast %add3A_361 : vector<16xf32> to vector<16xi32>
          %shift_right_logical3A_364 = arith.constant 1 : i32
          %shift_right_logical3A_365 = vector.broadcast %shift_right_logical3A_364 : i32 to vector<16xi32>
          %shift_right_logical3A_366 = arith.shrui %bitcast3A_363, %shift_right_logical3A_365 : vector<16xi32>
          %sub3A_367 = arith.constant 1597463007 : i32
          %sub3A_368 = vector.broadcast %sub3A_367 : i32 to vector<16xi32>
          %sub3A_369 = arith.subi %sub3A_368, %shift_right_logical3A_366 : vector<16xi32>
          %bitcast3A_370 = vector.bitcast %sub3A_369 : vector<16xi32> to vector<16xf32>
          %bitcast3A_371 = vector.bitcast %mul3A_362 : vector<16xf32> to vector<16xi32>
          %shift_right_logical3A_372 = arith.constant 1 : i32
          %shift_right_logical3A_373 = vector.broadcast %shift_right_logical3A_372 : i32 to vector<16xi32>
          %shift_right_logical3A_374 = arith.shrui %bitcast3A_371, %shift_right_logical3A_373 : vector<16xi32>
          %sub3A_375 = arith.constant 1597463007 : i32
          %sub3A_376 = vector.broadcast %sub3A_375 : i32 to vector<16xi32>
          %sub3A_377 = arith.subi %sub3A_376, %shift_right_logical3A_374 : vector<16xi32>
          %bitcast3A_378 = vector.bitcast %sub3A_377 : vector<16xi32> to vector<16xf32>
          %mul3A_379 = arith.constant 5.000000e-01 : f32
          %mul3A_380 = vector.broadcast %mul3A_379 : f32 to vector<16xf32>
          %mul3A_381 = arith.mulf %mul3A_380, %add3A_361 : vector<16xf32>
          %mul3A_382 = arith.constant 5.000000e-01 : f32
          %mul3A_383 = vector.broadcast %mul3A_382 : f32 to vector<16xf32>
          %mul3A_384 = arith.mulf %mul3A_383, %mul3A_362 : vector<16xf32>
          %mul3A_385 = arith.mulf %mul3A_381, %bitcast3A_370 : vector<16xf32>
          %mul3A_386 = arith.mulf %mul3A_385, %bitcast3A_370 : vector<16xf32>
          %sub3A_387 = arith.constant 1.500000e+00 : f32
          %sub3A_388 = vector.broadcast %sub3A_387 : f32 to vector<16xf32>
          %sub3A_389 = arith.subf %sub3A_388, %mul3A_386 : vector<16xf32>
          %mul3A_390 = arith.mulf %bitcast3A_370, %sub3A_389 : vector<16xf32>
          %mul3A_391 = arith.mulf %mul3A_384, %bitcast3A_378 : vector<16xf32>
          %mul3A_392 = arith.mulf %mul3A_391, %bitcast3A_378 : vector<16xf32>
          %sub3A_393 = arith.constant 1.500000e+00 : f32
          %sub3A_394 = vector.broadcast %sub3A_393 : f32 to vector<16xf32>
          %sub3A_395 = arith.subf %sub3A_394, %mul3A_392 : vector<16xf32>
          %mul3A_396 = arith.mulf %bitcast3A_378, %sub3A_395 : vector<16xf32>
          %mul3A_397 = arith.mulf %mul3A_381, %mul3A_390 : vector<16xf32>
          %mul3A_398 = arith.mulf %mul3A_397, %mul3A_390 : vector<16xf32>
          %sub3A_399 = arith.constant 1.500000e+00 : f32
          %sub3A_400 = vector.broadcast %sub3A_399 : f32 to vector<16xf32>
          %sub3A_401 = arith.subf %sub3A_400, %mul3A_398 : vector<16xf32>
          %mul3A_402 = arith.mulf %mul3A_390, %sub3A_401 : vector<16xf32>
          %mul3A_403 = arith.mulf %mul3A_384, %mul3A_396 : vector<16xf32>
          %mul3A_404 = arith.mulf %mul3A_403, %mul3A_396 : vector<16xf32>
          %sub3A_405 = arith.constant 1.500000e+00 : f32
          %sub3A_406 = vector.broadcast %sub3A_405 : f32 to vector<16xf32>
          %sub3A_407 = arith.subf %sub3A_406, %mul3A_404 : vector<16xf32>
          %mul3A_408 = arith.mulf %mul3A_396, %sub3A_407 : vector<16xf32>
          %mul3A_409 = arith.mulf %add3A_361, %mul3A_402 : vector<16xf32>
          %mul3A_410 = arith.mulf %mul3A_409, %mul3A_408 : vector<16xf32>
          %swap3A_411 = arith.index_cast %mul3A_300 : i32 to index
          %swap3A_412 = tpu.vector_load %arg32[%swap3A_411] {strides = array<i32>} : memref<3200xf32, #tpu.memory_space<vmem>>, vector<16xf32>,
          tpu.vector_store %arg32[%swap3A_411], %mul3A_410 {strides = array<i32>} : memref<3200xf32, #tpu.memory_space<vmem>>, vector<16xf32>,
          %scan3A_413 = arith.constant 2 : i32
          %scan3A_414 = arith.addi %scan3A_180, %scan3A_413 : i32
          %mul3A_415 = arith.constant 1 : i32
          %mul3A_416 = arith.muli %scan3A_414, %mul3A_415 : i32
          %add3A_417 = arith.constant 0 : i32
          %add3A_418 = arith.addi %add3A_417, %mul3A_416 : i32
          %mul3A_419 = arith.constant 16 : i32
          %mul3A_420 = arith.muli %add3A_418, %mul3A_419 : i32
          %get3A_421 = arith.index_cast %mul3A_420 : i32 to index
          %get3A_422 = tpu.vector_load %arg28[%get3A_421] {strides = array<i32>} : memref<3200xi32, #tpu.memory_space<vmem>>, vector<16xi32>,
          %gather3A_423 = tpu.vector_load_idx %arg9[%get3A_422] : memref<2048xf32, #tpu.memory_space<vmem>>[vector<16xi32>], vector<16xf32>,
          %gather3A_424 = tpu.vector_load_idx %arg10[%get3A_422] : memref<2048xf32, #tpu.memory_space<vmem>>[vector<16xi32>], vector<16xf32>,
          %gather3A_425 = tpu.vector_load_idx %arg11[%get3A_422] : memref<2048xf32, #tpu.memory_space<vmem>>[vector<16xi32>], vector<16xf32>,
          %gather3A_426 = tpu.vector_load_idx %arg12[%get3A_422] : memref<2048xf32, #tpu.memory_space<vmem>>[vector<16xi32>], vector<16xf32>,
          %gather3A_427 = tpu.vector_load_idx %arg13[%get3A_422] : memref<2048xf32, #tpu.memory_space<vmem>>[vector<16xi32>], vector<16xf32>,
          %gather3A_428 = tpu.vector_load_idx %arg14[%get3A_422] : memref<2048xf32, #tpu.memory_space<vmem>>[vector<16xi32>], vector<16xf32>,
          %gather3A_429 = tpu.vector_load_idx %arg15[%get3A_422] : memref<2048xf32, #tpu.memory_space<vmem>>[vector<16xi32>], vector<16xf32>,
          %gather3A_430 = tpu.vector_load_idx %arg16[%get3A_422] : memref<2048xf32, #tpu.memory_space<vmem>>[vector<16xi32>], vector<16xf32>,
          %gather3A_431 = tpu.vector_load_idx %arg17[%get3A_422] : memref<2048xf32, #tpu.memory_space<vmem>>[vector<16xi32>], vector<16xf32>,
          %gather3A_432 = tpu.vector_load_idx %arg18[%get3A_422] : memref<2048xf32, #tpu.memory_space<vmem>>[vector<16xi32>], vector<16xf32>,
          %gather3A_433 = tpu.vector_load_idx %arg19[%get3A_422] : memref<2048xf32, #tpu.memory_space<vmem>>[vector<16xi32>], vector<16xf32>,
          %gather3A_434 = tpu.vector_load_idx %arg20[%get3A_422] : memref<2048xf32, #tpu.memory_space<vmem>>[vector<16xi32>], vector<16xf32>,
          %get3A_435 = arith.index_cast %mul3A_420 : i32 to index
          %get3A_436 = tpu.vector_load %arg30[%get3A_435] {strides = array<i32>} : memref<3200xi32, #tpu.memory_space<vmem>>, vector<16xi32>,
          %bitcast3A_437 = vector.bitcast %get3A_436 : vector<16xi32> to vector<16xf32>
          %shift_left3A_438 = arith.constant 16 : i32
          %shift_left3A_439 = vector.broadcast %shift_left3A_438 : i32 to vector<16xi32>
          %shift_left3A_440 = arith.shli %get3A_436, %shift_left3A_439 : vector<16xi32>
          %bitcast3A_441 = vector.bitcast %shift_left3A_440 : vector<16xi32> to vector<16xf32>
          %get3A_442 = arith.index_cast %mul3A_420 : i32 to index
          %get3A_443 = tpu.vector_load %arg31[%get3A_442] {strides = array<i32>} : memref<3200xf32, #tpu.memory_space<vmem>>, vector<16xf32>,
          %get3A_444 = arith.index_cast %mul3A_420 : i32 to index
          %get3A_445 = tpu.vector_load %arg29[%get3A_444] {strides = array<i32>} : memref<3200xi32, #tpu.memory_space<vmem>>, vector<16xi32>,
          %bitcast3A_446 = vector.bitcast %get3A_445 : vector<16xi32> to vector<16xf32>
          %shift_left3A_447 = arith.constant 16 : i32
          %shift_left3A_448 = vector.broadcast %shift_left3A_447 : i32 to vector<16xi32>
          %shift_left3A_449 = arith.shli %get3A_445, %shift_left3A_448 : vector<16xi32>
          %bitcast3A_450 = vector.bitcast %shift_left3A_449 : vector<16xi32> to vector<16xf32>
          %mul3A_451 = arith.mulf %gather3A_423, %bitcast3A_437 : vector<16xf32>
          %mul3A_452 = arith.mulf %gather3A_424, %bitcast3A_441 : vector<16xf32>
          %add3A_453 = arith.addf %mul3A_451, %mul3A_452 : vector<16xf32>
          %mul3A_454 = arith.mulf %gather3A_425, %get3A_443 : vector<16xf32>
          %add3A_455 = arith.addf %add3A_453, %mul3A_454 : vector<16xf32>
          %add3A_456 = arith.addf %add3A_455, %gather3A_426 : vector<16xf32>
          %mul3A_457 = arith.mulf %gather3A_427, %bitcast3A_437 : vector<16xf32>
          %mul3A_458 = arith.mulf %gather3A_428, %bitcast3A_441 : vector<16xf32>
          %add3A_459 = arith.addf %mul3A_457, %mul3A_458 : vector<16xf32>
          %mul3A_460 = arith.mulf %gather3A_429, %get3A_443 : vector<16xf32>
          %add3A_461 = arith.addf %add3A_459, %mul3A_460 : vector<16xf32>
          %add3A_462 = arith.addf %add3A_461, %gather3A_430 : vector<16xf32>
          %mul3A_463 = arith.mulf %gather3A_431, %bitcast3A_437 : vector<16xf32>
          %mul3A_464 = arith.mulf %gather3A_432, %bitcast3A_441 : vector<16xf32>
          %add3A_465 = arith.addf %mul3A_463, %mul3A_464 : vector<16xf32>
          %mul3A_466 = arith.mulf %gather3A_433, %get3A_443 : vector<16xf32>
          %add3A_467 = arith.addf %add3A_465, %mul3A_466 : vector<16xf32>
          %add3A_468 = arith.addf %add3A_467, %gather3A_434 : vector<16xf32>
          %sub3A_469 = arith.constant 5.120000e+02 : f32
          %sub3A_470 = vector.broadcast %sub3A_469 : f32 to vector<16xf32>
          %sub3A_471 = arith.subf %bitcast3A_446, %sub3A_470 : vector<16xf32>
          %mul3A_472 = arith.mulf %sub3A_471, %add3A_468 : vector<16xf32>
          %sub3A_473 = arith.subf %add3A_456, %mul3A_472 : vector<16xf32>
          %sub3A_474 = arith.constant 5.120000e+02 : f32
          %sub3A_475 = vector.broadcast %sub3A_474 : f32 to vector<16xf32>
          %sub3A_476 = arith.subf %bitcast3A_450, %sub3A_475 : vector<16xf32>
          %mul3A_477 = arith.mulf %sub3A_476, %add3A_468 : vector<16xf32>
          %sub3A_478 = arith.subf %add3A_462, %mul3A_477 : vector<16xf32>
          %mul3A_479 = arith.mulf %sub3A_473, %sub3A_473 : vector<16xf32>
          %mul3A_480 = arith.mulf %sub3A_478, %sub3A_478 : vector<16xf32>
          %add3A_481 = arith.addf %mul3A_479, %mul3A_480 : vector<16xf32>
          %mul3A_482 = arith.mulf %add3A_468, %add3A_468 : vector<16xf32>
          %bitcast3A_483 = vector.bitcast %add3A_481 : vector<16xf32> to vector<16xi32>
          %shift_right_logical3A_484 = arith.constant 1 : i32
          %shift_right_logical3A_485 = vector.broadcast %shift_right_logical3A_484 : i32 to vector<16xi32>
          %shift_right_logical3A_486 = arith.shrui %bitcast3A_483, %shift_right_logical3A_485 : vector<16xi32>
          %sub3A_487 = arith.constant 1597463007 : i32
          %sub3A_488 = vector.broadcast %sub3A_487 : i32 to vector<16xi32>
          %sub3A_489 = arith.subi %sub3A_488, %shift_right_logical3A_486 : vector<16xi32>
          %bitcast3A_490 = vector.bitcast %sub3A_489 : vector<16xi32> to vector<16xf32>
          %bitcast3A_491 = vector.bitcast %mul3A_482 : vector<16xf32> to vector<16xi32>
          %shift_right_logical3A_492 = arith.constant 1 : i32
          %shift_right_logical3A_493 = vector.broadcast %shift_right_logical3A_492 : i32 to vector<16xi32>
          %shift_right_logical3A_494 = arith.shrui %bitcast3A_491, %shift_right_logical3A_493 : vector<16xi32>
          %sub3A_495 = arith.constant 1597463007 : i32
          %sub3A_496 = vector.broadcast %sub3A_495 : i32 to vector<16xi32>
          %sub3A_497 = arith.subi %sub3A_496, %shift_right_logical3A_494 : vector<16xi32>
          %bitcast3A_498 = vector.bitcast %sub3A_497 : vector<16xi32> to vector<16xf32>
          %mul3A_499 = arith.constant 5.000000e-01 : f32
          %mul3A_500 = vector.broadcast %mul3A_499 : f32 to vector<16xf32>
          %mul3A_501 = arith.mulf %mul3A_500, %add3A_481 : vector<16xf32>
          %mul3A_502 = arith.constant 5.000000e-01 : f32
          %mul3A_503 = vector.broadcast %mul3A_502 : f32 to vector<16xf32>
          %mul3A_504 = arith.mulf %mul3A_503, %mul3A_482 : vector<16xf32>
          %mul3A_505 = arith.mulf %mul3A_501, %bitcast3A_490 : vector<16xf32>
          %mul3A_506 = arith.mulf %mul3A_505, %bitcast3A_490 : vector<16xf32>
          %sub3A_507 = arith.constant 1.500000e+00 : f32
          %sub3A_508 = vector.broadcast %sub3A_507 : f32 to vector<16xf32>
          %sub3A_509 = arith.subf %sub3A_508, %mul3A_506 : vector<16xf32>
          %mul3A_510 = arith.mulf %bitcast3A_490, %sub3A_509 : vector<16xf32>
          %mul3A_511 = arith.mulf %mul3A_504, %bitcast3A_498 : vector<16xf32>
          %mul3A_512 = arith.mulf %mul3A_511, %bitcast3A_498 : vector<16xf32>
          %sub3A_513 = arith.constant 1.500000e+00 : f32
          %sub3A_514 = vector.broadcast %sub3A_513 : f32 to vector<16xf32>
          %sub3A_515 = arith.subf %sub3A_514, %mul3A_512 : vector<16xf32>
          %mul3A_516 = arith.mulf %bitcast3A_498, %sub3A_515 : vector<16xf32>
          %mul3A_517 = arith.mulf %mul3A_501, %mul3A_510 : vector<16xf32>
          %mul3A_518 = arith.mulf %mul3A_517, %mul3A_510 : vector<16xf32>
          %sub3A_519 = arith.constant 1.500000e+00 : f32
          %sub3A_520 = vector.broadcast %sub3A_519 : f32 to vector<16xf32>
          %sub3A_521 = arith.subf %sub3A_520, %mul3A_518 : vector<16xf32>
          %mul3A_522 = arith.mulf %mul3A_510, %sub3A_521 : vector<16xf32>
          %mul3A_523 = arith.mulf %mul3A_504, %mul3A_516 : vector<16xf32>
          %mul3A_524 = arith.mulf %mul3A_523, %mul3A_516 : vector<16xf32>
          %sub3A_525 = arith.constant 1.500000e+00 : f32
          %sub3A_526 = vector.broadcast %sub3A_525 : f32 to vector<16xf32>
          %sub3A_527 = arith.subf %sub3A_526, %mul3A_524 : vector<16xf32>
          %mul3A_528 = arith.mulf %mul3A_516, %sub3A_527 : vector<16xf32>
          %mul3A_529 = arith.mulf %add3A_481, %mul3A_522 : vector<16xf32>
          %mul3A_530 = arith.mulf %mul3A_529, %mul3A_528 : vector<16xf32>
          %swap3A_531 = arith.index_cast %mul3A_420 : i32 to index
          %swap3A_532 = tpu.vector_load %arg32[%swap3A_531] {strides = array<i32>} : memref<3200xf32, #tpu.memory_space<vmem>>, vector<16xf32>,
          tpu.vector_store %arg32[%swap3A_531], %mul3A_530 {strides = array<i32>} : memref<3200xf32, #tpu.memory_space<vmem>>, vector<16xf32>,
          %scan3A_533 = arith.constant 3 : i32
          %scan3A_534 = arith.addi %scan3A_180, %scan3A_533 : i32
          %mul3A_535 = arith.constant 1 : i32
          %mul3A_536 = arith.muli %scan3A_534, %mul3A_535 : i32
          %add3A_537 = arith.constant 0 : i32
          %add3A_538 = arith.addi %add3A_537, %mul3A_536 : i32
          %mul3A_539 = arith.constant 16 : i32
          %mul3A_540 = arith.muli %add3A_538, %mul3A_539 : i32
          %get3A_541 = arith.index_cast %mul3A_540 : i32 to index
          %get3A_542 = tpu.vector_load %arg28[%get3A_541] {strides = array<i32>} : memref<3200xi32, #tpu.memory_space<vmem>>, vector<16xi32>,
          %gather3A_543 = tpu.vector_load_idx %arg9[%get3A_542] : memref<2048xf32, #tpu.memory_space<vmem>>[vector<16xi32>], vector<16xf32>,
          %gather3A_544 = tpu.vector_load_idx %arg10[%get3A_542] : memref<2048xf32, #tpu.memory_space<vmem>>[vector<16xi32>], vector<16xf32>,
          %gather3A_545 = tpu.vector_load_idx %arg11[%get3A_542] : memref<2048xf32, #tpu.memory_space<vmem>>[vector<16xi32>], vector<16xf32>,
          %gather3A_546 = tpu.vector_load_idx %arg12[%get3A_542] : memref<2048xf32, #tpu.memory_space<vmem>>[vector<16xi32>], vector<16xf32>,
          %gather3A_547 = tpu.vector_load_idx %arg13[%get3A_542] : memref<2048xf32, #tpu.memory_space<vmem>>[vector<16xi32>], vector<16xf32>,
          %gather3A_548 = tpu.vector_load_idx %arg14[%get3A_542] : memref<2048xf32, #tpu.memory_space<vmem>>[vector<16xi32>], vector<16xf32>,
          %gather3A_549 = tpu.vector_load_idx %arg15[%get3A_542] : memref<2048xf32, #tpu.memory_space<vmem>>[vector<16xi32>], vector<16xf32>,
          %gather3A_550 = tpu.vector_load_idx %arg16[%get3A_542] : memref<2048xf32, #tpu.memory_space<vmem>>[vector<16xi32>], vector<16xf32>,
          %gather3A_551 = tpu.vector_load_idx %arg17[%get3A_542] : memref<2048xf32, #tpu.memory_space<vmem>>[vector<16xi32>], vector<16xf32>,
          %gather3A_552 = tpu.vector_load_idx %arg18[%get3A_542] : memref<2048xf32, #tpu.memory_space<vmem>>[vector<16xi32>], vector<16xf32>,
          %gather3A_553 = tpu.vector_load_idx %arg19[%get3A_542] : memref<2048xf32, #tpu.memory_space<vmem>>[vector<16xi32>], vector<16xf32>,
          %gather3A_554 = tpu.vector_load_idx %arg20[%get3A_542] : memref<2048xf32, #tpu.memory_space<vmem>>[vector<16xi32>], vector<16xf32>,
          %get3A_555 = arith.index_cast %mul3A_540 : i32 to index
          %get3A_556 = tpu.vector_load %arg30[%get3A_555] {strides = array<i32>} : memref<3200xi32, #tpu.memory_space<vmem>>, vector<16xi32>,
          %bitcast3A_557 = vector.bitcast %get3A_556 : vector<16xi32> to vector<16xf32>
          %shift_left3A_558 = arith.constant 16 : i32
          %shift_left3A_559 = vector.broadcast %shift_left3A_558 : i32 to vector<16xi32>
          %shift_left3A_560 = arith.shli %get3A_556, %shift_left3A_559 : vector<16xi32>
          %bitcast3A_561 = vector.bitcast %shift_left3A_560 : vector<16xi32> to vector<16xf32>
          %get3A_562 = arith.index_cast %mul3A_540 : i32 to index
          %get3A_563 = tpu.vector_load %arg31[%get3A_562] {strides = array<i32>} : memref<3200xf32, #tpu.memory_space<vmem>>, vector<16xf32>,
          %get3A_564 = arith.index_cast %mul3A_540 : i32 to index
          %get3A_565 = tpu.vector_load %arg29[%get3A_564] {strides = array<i32>} : memref<3200xi32, #tpu.memory_space<vmem>>, vector<16xi32>,
          %bitcast3A_566 = vector.bitcast %get3A_565 : vector<16xi32> to vector<16xf32>
          %shift_left3A_567 = arith.constant 16 : i32
          %shift_left3A_568 = vector.broadcast %shift_left3A_567 : i32 to vector<16xi32>
          %shift_left3A_569 = arith.shli %get3A_565, %shift_left3A_568 : vector<16xi32>
          %bitcast3A_570 = vector.bitcast %shift_left3A_569 : vector<16xi32> to vector<16xf32>
          %mul3A_571 = arith.mulf %gather3A_543, %bitcast3A_557 : vector<16xf32>
          %mul3A_572 = arith.mulf %gather3A_544, %bitcast3A_561 : vector<16xf32>
          %add3A_573 = arith.addf %mul3A_571, %mul3A_572 : vector<16xf32>
          %mul3A_574 = arith.mulf %gather3A_545, %get3A_563 : vector<16xf32>
          %add3A_575 = arith.addf %add3A_573, %mul3A_574 : vector<16xf32>
          %add3A_576 = arith.addf %add3A_575, %gather3A_546 : vector<16xf32>
          %mul3A_577 = arith.mulf %gather3A_547, %bitcast3A_557 : vector<16xf32>
          %mul3A_578 = arith.mulf %gather3A_548, %bitcast3A_561 : vector<16xf32>
          %add3A_579 = arith.addf %mul3A_577, %mul3A_578 : vector<16xf32>
          %mul3A_580 = arith.mulf %gather3A_549, %get3A_563 : vector<16xf32>
          %add3A_581 = arith.addf %add3A_579, %mul3A_580 : vector<16xf32>
          %add3A_582 = arith.addf %add3A_581, %gather3A_550 : vector<16xf32>
          %mul3A_583 = arith.mulf %gather3A_551, %bitcast3A_557 : vector<16xf32>
          %mul3A_584 = arith.mulf %gather3A_552, %bitcast3A_561 : vector<16xf32>
          %add3A_585 = arith.addf %mul3A_583, %mul3A_584 : vector<16xf32>
          %mul3A_586 = arith.mulf %gather3A_553, %get3A_563 : vector<16xf32>
          %add3A_587 = arith.addf %add3A_585, %mul3A_586 : vector<16xf32>
          %add3A_588 = arith.addf %add3A_587, %gather3A_554 : vector<16xf32>
          %sub3A_589 = arith.constant 5.120000e+02 : f32
          %sub3A_590 = vector.broadcast %sub3A_589 : f32 to vector<16xf32>
          %sub3A_591 = arith.subf %bitcast3A_566, %sub3A_590 : vector<16xf32>
          %mul3A_592 = arith.mulf %sub3A_591, %add3A_588 : vector<16xf32>
          %sub3A_593 = arith.subf %add3A_576, %mul3A_592 : vector<16xf32>
          %sub3A_594 = arith.constant 5.120000e+02 : f32
          %sub3A_595 = vector.broadcast %sub3A_594 : f32 to vector<16xf32>
          %sub3A_596 = arith.subf %bitcast3A_570, %sub3A_595 : vector<16xf32>
          %mul3A_597 = arith.mulf %sub3A_596, %add3A_588 : vector<16xf32>
          %sub3A_598 = arith.subf %add3A_582, %mul3A_597 : vector<16xf32>
          %mul3A_599 = arith.mulf %sub3A_593, %sub3A_593 : vector<16xf32>
          %mul3A_600 = arith.mulf %sub3A_598, %sub3A_598 : vector<16xf32>
          %add3A_601 = arith.addf %mul3A_599, %mul3A_600 : vector<16xf32>
          %mul3A_602 = arith.mulf %add3A_588, %add3A_588 : vector<16xf32>
          %bitcast3A_603 = vector.bitcast %add3A_601 : vector<16xf32> to vector<16xi32>
          %shift_right_logical3A_604 = arith.constant 1 : i32
          %shift_right_logical3A_605 = vector.broadcast %shift_right_logical3A_604 : i32 to vector<16xi32>
          %shift_right_logical3A_606 = arith.shrui %bitcast3A_603, %shift_right_logical3A_605 : vector<16xi32>
          %sub3A_607 = arith.constant 1597463007 : i32
          %sub3A_608 = vector.broadcast %sub3A_607 : i32 to vector<16xi32>
          %sub3A_609 = arith.subi %sub3A_608, %shift_right_logical3A_606 : vector<16xi32>
          %bitcast3A_610 = vector.bitcast %sub3A_609 : vector<16xi32> to vector<16xf32>
          %bitcast3A_611 = vector.bitcast %mul3A_602 : vector<16xf32> to vector<16xi32>
          %shift_right_logical3A_612 = arith.constant 1 : i32
          %shift_right_logical3A_613 = vector.broadcast %shift_right_logical3A_612 : i32 to vector<16xi32>
          %shift_right_logical3A_614 = arith.shrui %bitcast3A_611, %shift_right_logical3A_613 : vector<16xi32>
          %sub3A_615 = arith.constant 1597463007 : i32
          %sub3A_616 = vector.broadcast %sub3A_615 : i32 to vector<16xi32>
          %sub3A_617 = arith.subi %sub3A_616, %shift_right_logical3A_614 : vector<16xi32>
          %bitcast3A_618 = vector.bitcast %sub3A_617 : vector<16xi32> to vector<16xf32>
          %mul3A_619 = arith.constant 5.000000e-01 : f32
          %mul3A_620 = vector.broadcast %mul3A_619 : f32 to vector<16xf32>
          %mul3A_621 = arith.mulf %mul3A_620, %add3A_601 : vector<16xf32>
          %mul3A_622 = arith.constant 5.000000e-01 : f32
          %mul3A_623 = vector.broadcast %mul3A_622 : f32 to vector<16xf32>
          %mul3A_624 = arith.mulf %mul3A_623, %mul3A_602 : vector<16xf32>
          %mul3A_625 = arith.mulf %mul3A_621, %bitcast3A_610 : vector<16xf32>
          %mul3A_626 = arith.mulf %mul3A_625, %bitcast3A_610 : vector<16xf32>
          %sub3A_627 = arith.constant 1.500000e+00 : f32
          %sub3A_628 = vector.broadcast %sub3A_627 : f32 to vector<16xf32>
          %sub3A_629 = arith.subf %sub3A_628, %mul3A_626 : vector<16xf32>
          %mul3A_630 = arith.mulf %bitcast3A_610, %sub3A_629 : vector<16xf32>
          %mul3A_631 = arith.mulf %mul3A_624, %bitcast3A_618 : vector<16xf32>
          %mul3A_632 = arith.mulf %mul3A_631, %bitcast3A_618 : vector<16xf32>
          %sub3A_633 = arith.constant 1.500000e+00 : f32
          %sub3A_634 = vector.broadcast %sub3A_633 : f32 to vector<16xf32>
          %sub3A_635 = arith.subf %sub3A_634, %mul3A_632 : vector<16xf32>
          %mul3A_636 = arith.mulf %bitcast3A_618, %sub3A_635 : vector<16xf32>
          %mul3A_637 = arith.mulf %mul3A_621, %mul3A_630 : vector<16xf32>
          %mul3A_638 = arith.mulf %mul3A_637, %mul3A_630 : vector<16xf32>
          %sub3A_639 = arith.constant 1.500000e+00 : f32
          %sub3A_640 = vector.broadcast %sub3A_639 : f32 to vector<16xf32>
          %sub3A_641 = arith.subf %sub3A_640, %mul3A_638 : vector<16xf32>
          %mul3A_642 = arith.mulf %mul3A_630, %sub3A_641 : vector<16xf32>
          %mul3A_643 = arith.mulf %mul3A_624, %mul3A_636 : vector<16xf32>
          %mul3A_644 = arith.mulf %mul3A_643, %mul3A_636 : vector<16xf32>
          %sub3A_645 = arith.constant 1.500000e+00 : f32
          %sub3A_646 = vector.broadcast %sub3A_645 : f32 to vector<16xf32>
          %sub3A_647 = arith.subf %sub3A_646, %mul3A_644 : vector<16xf32>
          %mul3A_648 = arith.mulf %mul3A_636, %sub3A_647 : vector<16xf32>
          %mul3A_649 = arith.mulf %add3A_601, %mul3A_642 : vector<16xf32>
          %mul3A_650 = arith.mulf %mul3A_649, %mul3A_648 : vector<16xf32>
          %swap3A_651 = arith.index_cast %mul3A_540 : i32 to index
          %swap3A_652 = tpu.vector_load %arg32[%swap3A_651] {strides = array<i32>} : memref<3200xf32, #tpu.memory_space<vmem>>, vector<16xf32>,
          tpu.vector_store %arg32[%swap3A_651], %mul3A_650 {strides = array<i32>} : memref<3200xf32, #tpu.memory_space<vmem>>, vector<16xf32>,
          %scan3A_653 = arith.constant 4 : i32
          %scan3A_654 = arith.addi %scan3A_180, %scan3A_653 : i32
          %mul3A_655 = arith.constant 1 : i32
          %mul3A_656 = arith.muli %scan3A_654, %mul3A_655 : i32
          %add3A_657 = arith.constant 0 : i32
          %add3A_658 = arith.addi %add3A_657, %mul3A_656 : i32
          %mul3A_659 = arith.constant 16 : i32
          %mul3A_660 = arith.muli %add3A_658, %mul3A_659 : i32
          %get3A_661 = arith.index_cast %mul3A_660 : i32 to index
          %get3A_662 = tpu.vector_load %arg28[%get3A_661] {strides = array<i32>} : memref<3200xi32, #tpu.memory_space<vmem>>, vector<16xi32>,
          %gather3A_663 = tpu.vector_load_idx %arg9[%get3A_662] : memref<2048xf32, #tpu.memory_space<vmem>>[vector<16xi32>], vector<16xf32>,
          %gather3A_664 = tpu.vector_load_idx %arg10[%get3A_662] : memref<2048xf32, #tpu.memory_space<vmem>>[vector<16xi32>], vector<16xf32>,
          %gather3A_665 = tpu.vector_load_idx %arg11[%get3A_662] : memref<2048xf32, #tpu.memory_space<vmem>>[vector<16xi32>], vector<16xf32>,
          %gather3A_666 = tpu.vector_load_idx %arg12[%get3A_662] : memref<2048xf32, #tpu.memory_space<vmem>>[vector<16xi32>], vector<16xf32>,
          %gather3A_667 = tpu.vector_load_idx %arg13[%get3A_662] : memref<2048xf32, #tpu.memory_space<vmem>>[vector<16xi32>], vector<16xf32>,
          %gather3A_668 = tpu.vector_load_idx %arg14[%get3A_662] : memref<2048xf32, #tpu.memory_space<vmem>>[vector<16xi32>], vector<16xf32>,
          %gather3A_669 = tpu.vector_load_idx %arg15[%get3A_662] : memref<2048xf32, #tpu.memory_space<vmem>>[vector<16xi32>], vector<16xf32>,
          %gather3A_670 = tpu.vector_load_idx %arg16[%get3A_662] : memref<2048xf32, #tpu.memory_space<vmem>>[vector<16xi32>], vector<16xf32>,
          %gather3A_671 = tpu.vector_load_idx %arg17[%get3A_662] : memref<2048xf32, #tpu.memory_space<vmem>>[vector<16xi32>], vector<16xf32>,
          %gather3A_672 = tpu.vector_load_idx %arg18[%get3A_662] : memref<2048xf32, #tpu.memory_space<vmem>>[vector<16xi32>], vector<16xf32>,
          %gather3A_673 = tpu.vector_load_idx %arg19[%get3A_662] : memref<2048xf32, #tpu.memory_space<vmem>>[vector<16xi32>], vector<16xf32>,
          %gather3A_674 = tpu.vector_load_idx %arg20[%get3A_662] : memref<2048xf32, #tpu.memory_space<vmem>>[vector<16xi32>], vector<16xf32>,
          %get3A_675 = arith.index_cast %mul3A_660 : i32 to index
          %get3A_676 = tpu.vector_load %arg30[%get3A_675] {strides = array<i32>} : memref<3200xi32, #tpu.memory_space<vmem>>, vector<16xi32>,
          %bitcast3A_677 = vector.bitcast %get3A_676 : vector<16xi32> to vector<16xf32>
          %shift_left3A_678 = arith.constant 16 : i32
          %shift_left3A_679 = vector.broadcast %shift_left3A_678 : i32 to vector<16xi32>
          %shift_left3A_680 = arith.shli %get3A_676, %shift_left3A_679 : vector<16xi32>
          %bitcast3A_681 = vector.bitcast %shift_left3A_680 : vector<16xi32> to vector<16xf32>
          %get3A_682 = arith.index_cast %mul3A_660 : i32 to index
          %get3A_683 = tpu.vector_load %arg31[%get3A_682] {strides = array<i32>} : memref<3200xf32, #tpu.memory_space<vmem>>, vector<16xf32>,
          %get3A_684 = arith.index_cast %mul3A_660 : i32 to index
          %get3A_685 = tpu.vector_load %arg29[%get3A_684] {strides = array<i32>} : memref<3200xi32, #tpu.memory_space<vmem>>, vector<16xi32>,
          %bitcast3A_686 = vector.bitcast %get3A_685 : vector<16xi32> to vector<16xf32>
          %shift_left3A_687 = arith.constant 16 : i32
          %shift_left3A_688 = vector.broadcast %shift_left3A_687 : i32 to vector<16xi32>
          %shift_left3A_689 = arith.shli %get3A_685, %shift_left3A_688 : vector<16xi32>
          %bitcast3A_690 = vector.bitcast %shift_left3A_689 : vector<16xi32> to vector<16xf32>
          %mul3A_691 = arith.mulf %gather3A_663, %bitcast3A_677 : vector<16xf32>
          %mul3A_692 = arith.mulf %gather3A_664, %bitcast3A_681 : vector<16xf32>
          %add3A_693 = arith.addf %mul3A_691, %mul3A_692 : vector<16xf32>
          %mul3A_694 = arith.mulf %gather3A_665, %get3A_683 : vector<16xf32>
          %add3A_695 = arith.addf %add3A_693, %mul3A_694 : vector<16xf32>
          %add3A_696 = arith.addf %add3A_695, %gather3A_666 : vector<16xf32>
          %mul3A_697 = arith.mulf %gather3A_667, %bitcast3A_677 : vector<16xf32>
          %mul3A_698 = arith.mulf %gather3A_668, %bitcast3A_681 : vector<16xf32>
          %add3A_699 = arith.addf %mul3A_697, %mul3A_698 : vector<16xf32>
          %mul3A_700 = arith.mulf %gather3A_669, %get3A_683 : vector<16xf32>
          %add3A_701 = arith.addf %add3A_699, %mul3A_700 : vector<16xf32>
          %add3A_702 = arith.addf %add3A_701, %gather3A_670 : vector<16xf32>
          %mul3A_703 = arith.mulf %gather3A_671, %bitcast3A_677 : vector<16xf32>
          %mul3A_704 = arith.mulf %gather3A_672, %bitcast3A_681 : vector<16xf32>
          %add3A_705 = arith.addf %mul3A_703, %mul3A_704 : vector<16xf32>
          %mul3A_706 = arith.mulf %gather3A_673, %get3A_683 : vector<16xf32>
          %add3A_707 = arith.addf %add3A_705, %mul3A_706 : vector<16xf32>
          %add3A_708 = arith.addf %add3A_707, %gather3A_674 : vector<16xf32>
          %sub3A_709 = arith.constant 5.120000e+02 : f32
          %sub3A_710 = vector.broadcast %sub3A_709 : f32 to vector<16xf32>
          %sub3A_711 = arith.subf %bitcast3A_686, %sub3A_710 : vector<16xf32>
          %mul3A_712 = arith.mulf %sub3A_711, %add3A_708 : vector<16xf32>
          %sub3A_713 = arith.subf %add3A_696, %mul3A_712 : vector<16xf32>
          %sub3A_714 = arith.constant 5.120000e+02 : f32
          %sub3A_715 = vector.broadcast %sub3A_714 : f32 to vector<16xf32>
          %sub3A_716 = arith.subf %bitcast3A_690, %sub3A_715 : vector<16xf32>
          %mul3A_717 = arith.mulf %sub3A_716, %add3A_708 : vector<16xf32>
          %sub3A_718 = arith.subf %add3A_702, %mul3A_717 : vector<16xf32>
          %mul3A_719 = arith.mulf %sub3A_713, %sub3A_713 : vector<16xf32>
          %mul3A_720 = arith.mulf %sub3A_718, %sub3A_718 : vector<16xf32>
          %add3A_721 = arith.addf %mul3A_719, %mul3A_720 : vector<16xf32>
          %mul3A_722 = arith.mulf %add3A_708, %add3A_708 : vector<16xf32>
          %bitcast3A_723 = vector.bitcast %add3A_721 : vector<16xf32> to vector<16xi32>
          %shift_right_logical3A_724 = arith.constant 1 : i32
          %shift_right_logical3A_725 = vector.broadcast %shift_right_logical3A_724 : i32 to vector<16xi32>
          %shift_right_logical3A_726 = arith.shrui %bitcast3A_723, %shift_right_logical3A_725 : vector<16xi32>
          %sub3A_727 = arith.constant 1597463007 : i32
          %sub3A_728 = vector.broadcast %sub3A_727 : i32 to vector<16xi32>
          %sub3A_729 = arith.subi %sub3A_728, %shift_right_logical3A_726 : vector<16xi32>
          %bitcast3A_730 = vector.bitcast %sub3A_729 : vector<16xi32> to vector<16xf32>
          %bitcast3A_731 = vector.bitcast %mul3A_722 : vector<16xf32> to vector<16xi32>
          %shift_right_logical3A_732 = arith.constant 1 : i32
          %shift_right_logical3A_733 = vector.broadcast %shift_right_logical3A_732 : i32 to vector<16xi32>
          %shift_right_logical3A_734 = arith.shrui %bitcast3A_731, %shift_right_logical3A_733 : vector<16xi32>
          %sub3A_735 = arith.constant 1597463007 : i32
          %sub3A_736 = vector.broadcast %sub3A_735 : i32 to vector<16xi32>
          %sub3A_737 = arith.subi %sub3A_736, %shift_right_logical3A_734 : vector<16xi32>
          %bitcast3A_738 = vector.bitcast %sub3A_737 : vector<16xi32> to vector<16xf32>
          %mul3A_739 = arith.constant 5.000000e-01 : f32
          %mul3A_740 = vector.broadcast %mul3A_739 : f32 to vector<16xf32>
          %mul3A_741 = arith.mulf %mul3A_740, %add3A_721 : vector<16xf32>
          %mul3A_742 = arith.constant 5.000000e-01 : f32
          %mul3A_743 = vector.broadcast %mul3A_742 : f32 to vector<16xf32>
          %mul3A_744 = arith.mulf %mul3A_743, %mul3A_722 : vector<16xf32>
          %mul3A_745 = arith.mulf %mul3A_741, %bitcast3A_730 : vector<16xf32>
          %mul3A_746 = arith.mulf %mul3A_745, %bitcast3A_730 : vector<16xf32>
          %sub3A_747 = arith.constant 1.500000e+00 : f32
          %sub3A_748 = vector.broadcast %sub3A_747 : f32 to vector<16xf32>
          %sub3A_749 = arith.subf %sub3A_748, %mul3A_746 : vector<16xf32>
          %mul3A_750 = arith.mulf %bitcast3A_730, %sub3A_749 : vector<16xf32>
          %mul3A_751 = arith.mulf %mul3A_744, %bitcast3A_738 : vector<16xf32>
          %mul3A_752 = arith.mulf %mul3A_751, %bitcast3A_738 : vector<16xf32>
          %sub3A_753 = arith.constant 1.500000e+00 : f32
          %sub3A_754 = vector.broadcast %sub3A_753 : f32 to vector<16xf32>
          %sub3A_755 = arith.subf %sub3A_754, %mul3A_752 : vector<16xf32>
          %mul3A_756 = arith.mulf %bitcast3A_738, %sub3A_755 : vector<16xf32>
          %mul3A_757 = arith.mulf %mul3A_741, %mul3A_750 : vector<16xf32>
          %mul3A_758 = arith.mulf %mul3A_757, %mul3A_750 : vector<16xf32>
          %sub3A_759 = arith.constant 1.500000e+00 : f32
          %sub3A_760 = vector.broadcast %sub3A_759 : f32 to vector<16xf32>
          %sub3A_761 = arith.subf %sub3A_760, %mul3A_758 : vector<16xf32>
          %mul3A_762 = arith.mulf %mul3A_750, %sub3A_761 : vector<16xf32>
          %mul3A_763 = arith.mulf %mul3A_744, %mul3A_756 : vector<16xf32>
          %mul3A_764 = arith.mulf %mul3A_763, %mul3A_756 : vector<16xf32>
          %sub3A_765 = arith.constant 1.500000e+00 : f32
          %sub3A_766 = vector.broadcast %sub3A_765 : f32 to vector<16xf32>
          %sub3A_767 = arith.subf %sub3A_766, %mul3A_764 : vector<16xf32>
          %mul3A_768 = arith.mulf %mul3A_756, %sub3A_767 : vector<16xf32>
          %mul3A_769 = arith.mulf %add3A_721, %mul3A_762 : vector<16xf32>
          %mul3A_770 = arith.mulf %mul3A_769, %mul3A_768 : vector<16xf32>
          %swap3A_771 = arith.index_cast %mul3A_660 : i32 to index
          %swap3A_772 = tpu.vector_load %arg32[%swap3A_771] {strides = array<i32>} : memref<3200xf32, #tpu.memory_space<vmem>>, vector<16xf32>,
          tpu.vector_store %arg32[%swap3A_771], %mul3A_770 {strides = array<i32>} : memref<3200xf32, #tpu.memory_space<vmem>>, vector<16xf32>,
          %scan3A_773 = arith.constant 5 : i32
          %scan3A_774 = arith.addi %scan3A_180, %scan3A_773 : i32
          %mul3A_775 = arith.constant 1 : i32
          %mul3A_776 = arith.muli %scan3A_774, %mul3A_775 : i32
          %add3A_777 = arith.constant 0 : i32
          %add3A_778 = arith.addi %add3A_777, %mul3A_776 : i32
          %mul3A_779 = arith.constant 16 : i32
          %mul3A_780 = arith.muli %add3A_778, %mul3A_779 : i32
          %get3A_781 = arith.index_cast %mul3A_780 : i32 to index
          %get3A_782 = tpu.vector_load %arg28[%get3A_781] {strides = array<i32>} : memref<3200xi32, #tpu.memory_space<vmem>>, vector<16xi32>,
          %gather3A_783 = tpu.vector_load_idx %arg9[%get3A_782] : memref<2048xf32, #tpu.memory_space<vmem>>[vector<16xi32>], vector<16xf32>,
          %gather3A_784 = tpu.vector_load_idx %arg10[%get3A_782] : memref<2048xf32, #tpu.memory_space<vmem>>[vector<16xi32>], vector<16xf32>,
          %gather3A_785 = tpu.vector_load_idx %arg11[%get3A_782] : memref<2048xf32, #tpu.memory_space<vmem>>[vector<16xi32>], vector<16xf32>,
          %gather3A_786 = tpu.vector_load_idx %arg12[%get3A_782] : memref<2048xf32, #tpu.memory_space<vmem>>[vector<16xi32>], vector<16xf32>,
          %gather3A_787 = tpu.vector_load_idx %arg13[%get3A_782] : memref<2048xf32, #tpu.memory_space<vmem>>[vector<16xi32>], vector<16xf32>,
          %gather3A_788 = tpu.vector_load_idx %arg14[%get3A_782] : memref<2048xf32, #tpu.memory_space<vmem>>[vector<16xi32>], vector<16xf32>,
          %gather3A_789 = tpu.vector_load_idx %arg15[%get3A_782] : memref<2048xf32, #tpu.memory_space<vmem>>[vector<16xi32>], vector<16xf32>,
          %gather3A_790 = tpu.vector_load_idx %arg16[%get3A_782] : memref<2048xf32, #tpu.memory_space<vmem>>[vector<16xi32>], vector<16xf32>,
          %gather3A_791 = tpu.vector_load_idx %arg17[%get3A_782] : memref<2048xf32, #tpu.memory_space<vmem>>[vector<16xi32>], vector<16xf32>,
          %gather3A_792 = tpu.vector_load_idx %arg18[%get3A_782] : memref<2048xf32, #tpu.memory_space<vmem>>[vector<16xi32>], vector<16xf32>,
          %gather3A_793 = tpu.vector_load_idx %arg19[%get3A_782] : memref<2048xf32, #tpu.memory_space<vmem>>[vector<16xi32>], vector<16xf32>,
          %gather3A_794 = tpu.vector_load_idx %arg20[%get3A_782] : memref<2048xf32, #tpu.memory_space<vmem>>[vector<16xi32>], vector<16xf32>,
          %get3A_795 = arith.index_cast %mul3A_780 : i32 to index
          %get3A_796 = tpu.vector_load %arg30[%get3A_795] {strides = array<i32>} : memref<3200xi32, #tpu.memory_space<vmem>>, vector<16xi32>,
          %bitcast3A_797 = vector.bitcast %get3A_796 : vector<16xi32> to vector<16xf32>
          %shift_left3A_798 = arith.constant 16 : i32
          %shift_left3A_799 = vector.broadcast %shift_left3A_798 : i32 to vector<16xi32>
          %shift_left3A_800 = arith.shli %get3A_796, %shift_left3A_799 : vector<16xi32>
          %bitcast3A_801 = vector.bitcast %shift_left3A_800 : vector<16xi32> to vector<16xf32>
          %get3A_802 = arith.index_cast %mul3A_780 : i32 to index
          %get3A_803 = tpu.vector_load %arg31[%get3A_802] {strides = array<i32>} : memref<3200xf32, #tpu.memory_space<vmem>>, vector<16xf32>,
          %get3A_804 = arith.index_cast %mul3A_780 : i32 to index
          %get3A_805 = tpu.vector_load %arg29[%get3A_804] {strides = array<i32>} : memref<3200xi32, #tpu.memory_space<vmem>>, vector<16xi32>,
          %bitcast3A_806 = vector.bitcast %get3A_805 : vector<16xi32> to vector<16xf32>
          %shift_left3A_807 = arith.constant 16 : i32
          %shift_left3A_808 = vector.broadcast %shift_left3A_807 : i32 to vector<16xi32>
          %shift_left3A_809 = arith.shli %get3A_805, %shift_left3A_808 : vector<16xi32>
          %bitcast3A_810 = vector.bitcast %shift_left3A_809 : vector<16xi32> to vector<16xf32>
          %mul3A_811 = arith.mulf %gather3A_783, %bitcast3A_797 : vector<16xf32>
          %mul3A_812 = arith.mulf %gather3A_784, %bitcast3A_801 : vector<16xf32>
          %add3A_813 = arith.addf %mul3A_811, %mul3A_812 : vector<16xf32>
          %mul3A_814 = arith.mulf %gather3A_785, %get3A_803 : vector<16xf32>
          %add3A_815 = arith.addf %add3A_813, %mul3A_814 : vector<16xf32>
          %add3A_816 = arith.addf %add3A_815, %gather3A_786 : vector<16xf32>
          %mul3A_817 = arith.mulf %gather3A_787, %bitcast3A_797 : vector<16xf32>
          %mul3A_818 = arith.mulf %gather3A_788, %bitcast3A_801 : vector<16xf32>
          %add3A_819 = arith.addf %mul3A_817, %mul3A_818 : vector<16xf32>
          %mul3A_820 = arith.mulf %gather3A_789, %get3A_803 : vector<16xf32>
          %add3A_821 = arith.addf %add3A_819, %mul3A_820 : vector<16xf32>
          %add3A_822 = arith.addf %add3A_821, %gather3A_790 : vector<16xf32>
          %mul3A_823 = arith.mulf %gather3A_791, %bitcast3A_797 : vector<16xf32>
          %mul3A_824 = arith.mulf %gather3A_792, %bitcast3A_801 : vector<16xf32>
          %add3A_825 = arith.addf %mul3A_823, %mul3A_824 : vector<16xf32>
          %mul3A_826 = arith.mulf %gather3A_793, %get3A_803 : vector<16xf32>
          %add3A_827 = arith.addf %add3A_825, %mul3A_826 : vector<16xf32>
          %add3A_828 = arith.addf %add3A_827, %gather3A_794 : vector<16xf32>
          %sub3A_829 = arith.constant 5.120000e+02 : f32
          %sub3A_830 = vector.broadcast %sub3A_829 : f32 to vector<16xf32>
          %sub3A_831 = arith.subf %bitcast3A_806, %sub3A_830 : vector<16xf32>
          %mul3A_832 = arith.mulf %sub3A_831, %add3A_828 : vector<16xf32>
          %sub3A_833 = arith.subf %add3A_816, %mul3A_832 : vector<16xf32>
          %sub3A_834 = arith.constant 5.120000e+02 : f32
          %sub3A_835 = vector.broadcast %sub3A_834 : f32 to vector<16xf32>
          %sub3A_836 = arith.subf %bitcast3A_810, %sub3A_835 : vector<16xf32>
          %mul3A_837 = arith.mulf %sub3A_836, %add3A_828 : vector<16xf32>
          %sub3A_838 = arith.subf %add3A_822, %mul3A_837 : vector<16xf32>
          %mul3A_839 = arith.mulf %sub3A_833, %sub3A_833 : vector<16xf32>
          %mul3A_840 = arith.mulf %sub3A_838, %sub3A_838 : vector<16xf32>
          %add3A_841 = arith.addf %mul3A_839, %mul3A_840 : vector<16xf32>
          %mul3A_842 = arith.mulf %add3A_828, %add3A_828 : vector<16xf32>
          %bitcast3A_843 = vector.bitcast %add3A_841 : vector<16xf32> to vector<16xi32>
          %shift_right_logical3A_844 = arith.constant 1 : i32
          %shift_right_logical3A_845 = vector.broadcast %shift_right_logical3A_844 : i32 to vector<16xi32>
          %shift_right_logical3A_846 = arith.shrui %bitcast3A_843, %shift_right_logical3A_845 : vector<16xi32>
          %sub3A_847 = arith.constant 1597463007 : i32
          %sub3A_848 = vector.broadcast %sub3A_847 : i32 to vector<16xi32>
          %sub3A_849 = arith.subi %sub3A_848, %shift_right_logical3A_846 : vector<16xi32>
          %bitcast3A_850 = vector.bitcast %sub3A_849 : vector<16xi32> to vector<16xf32>
          %bitcast3A_851 = vector.bitcast %mul3A_842 : vector<16xf32> to vector<16xi32>
          %shift_right_logical3A_852 = arith.constant 1 : i32
          %shift_right_logical3A_853 = vector.broadcast %shift_right_logical3A_852 : i32 to vector<16xi32>
          %shift_right_logical3A_854 = arith.shrui %bitcast3A_851, %shift_right_logical3A_853 : vector<16xi32>
          %sub3A_855 = arith.constant 1597463007 : i32
          %sub3A_856 = vector.broadcast %sub3A_855 : i32 to vector<16xi32>
          %sub3A_857 = arith.subi %sub3A_856, %shift_right_logical3A_854 : vector<16xi32>
          %bitcast3A_858 = vector.bitcast %sub3A_857 : vector<16xi32> to vector<16xf32>
          %mul3A_859 = arith.constant 5.000000e-01 : f32
          %mul3A_860 = vector.broadcast %mul3A_859 : f32 to vector<16xf32>
          %mul3A_861 = arith.mulf %mul3A_860, %add3A_841 : vector<16xf32>
          %mul3A_862 = arith.constant 5.000000e-01 : f32
          %mul3A_863 = vector.broadcast %mul3A_862 : f32 to vector<16xf32>
          %mul3A_864 = arith.mulf %mul3A_863, %mul3A_842 : vector<16xf32>
          %mul3A_865 = arith.mulf %mul3A_861, %bitcast3A_850 : vector<16xf32>
          %mul3A_866 = arith.mulf %mul3A_865, %bitcast3A_850 : vector<16xf32>
          %sub3A_867 = arith.constant 1.500000e+00 : f32
          %sub3A_868 = vector.broadcast %sub3A_867 : f32 to vector<16xf32>
          %sub3A_869 = arith.subf %sub3A_868, %mul3A_866 : vector<16xf32>
          %mul3A_870 = arith.mulf %bitcast3A_850, %sub3A_869 : vector<16xf32>
          %mul3A_871 = arith.mulf %mul3A_864, %bitcast3A_858 : vector<16xf32>
          %mul3A_872 = arith.mulf %mul3A_871, %bitcast3A_858 : vector<16xf32>
          %sub3A_873 = arith.constant 1.500000e+00 : f32
          %sub3A_874 = vector.broadcast %sub3A_873 : f32 to vector<16xf32>
          %sub3A_875 = arith.subf %sub3A_874, %mul3A_872 : vector<16xf32>
          %mul3A_876 = arith.mulf %bitcast3A_858, %sub3A_875 : vector<16xf32>
          %mul3A_877 = arith.mulf %mul3A_861, %mul3A_870 : vector<16xf32>
          %mul3A_878 = arith.mulf %mul3A_877, %mul3A_870 : vector<16xf32>
          %sub3A_879 = arith.constant 1.500000e+00 : f32
          %sub3A_880 = vector.broadcast %sub3A_879 : f32 to vector<16xf32>
          %sub3A_881 = arith.subf %sub3A_880, %mul3A_878 : vector<16xf32>
          %mul3A_882 = arith.mulf %mul3A_870, %sub3A_881 : vector<16xf32>
          %mul3A_883 = arith.mulf %mul3A_864, %mul3A_876 : vector<16xf32>
          %mul3A_884 = arith.mulf %mul3A_883, %mul3A_876 : vector<16xf32>
          %sub3A_885 = arith.constant 1.500000e+00 : f32
          %sub3A_886 = vector.broadcast %sub3A_885 : f32 to vector<16xf32>
          %sub3A_887 = arith.subf %sub3A_886, %mul3A_884 : vector<16xf32>
          %mul3A_888 = arith.mulf %mul3A_876, %sub3A_887 : vector<16xf32>
          %mul3A_889 = arith.mulf %add3A_841, %mul3A_882 : vector<16xf32>
          %mul3A_890 = arith.mulf %mul3A_889, %mul3A_888 : vector<16xf32>
          %swap3A_891 = arith.index_cast %mul3A_780 : i32 to index
          %swap3A_892 = tpu.vector_load %arg32[%swap3A_891] {strides = array<i32>} : memref<3200xf32, #tpu.memory_space<vmem>>, vector<16xf32>,
          tpu.vector_store %arg32[%swap3A_891], %mul3A_890 {strides = array<i32>} : memref<3200xf32, #tpu.memory_space<vmem>>, vector<16xf32>,
          %scan3A_893 = arith.constant 6 : i32
          %scan3A_894 = arith.addi %scan3A_180, %scan3A_893 : i32
          %mul3A_895 = arith.constant 1 : i32
          %mul3A_896 = arith.muli %scan3A_894, %mul3A_895 : i32
          %add3A_897 = arith.constant 0 : i32
          %add3A_898 = arith.addi %add3A_897, %mul3A_896 : i32
          %mul3A_899 = arith.constant 16 : i32
          %mul3A_900 = arith.muli %add3A_898, %mul3A_899 : i32
          %get3A_901 = arith.index_cast %mul3A_900 : i32 to index
          %get3A_902 = tpu.vector_load %arg28[%get3A_901] {strides = array<i32>} : memref<3200xi32, #tpu.memory_space<vmem>>, vector<16xi32>,
          %gather3A_903 = tpu.vector_load_idx %arg9[%get3A_902] : memref<2048xf32, #tpu.memory_space<vmem>>[vector<16xi32>], vector<16xf32>,
          %gather3A_904 = tpu.vector_load_idx %arg10[%get3A_902] : memref<2048xf32, #tpu.memory_space<vmem>>[vector<16xi32>], vector<16xf32>,
          %gather3A_905 = tpu.vector_load_idx %arg11[%get3A_902] : memref<2048xf32, #tpu.memory_space<vmem>>[vector<16xi32>], vector<16xf32>,
          %gather3A_906 = tpu.vector_load_idx %arg12[%get3A_902] : memref<2048xf32, #tpu.memory_space<vmem>>[vector<16xi32>], vector<16xf32>,
          %gather3A_907 = tpu.vector_load_idx %arg13[%get3A_902] : memref<2048xf32, #tpu.memory_space<vmem>>[vector<16xi32>], vector<16xf32>,
          %gather3A_908 = tpu.vector_load_idx %arg14[%get3A_902] : memref<2048xf32, #tpu.memory_space<vmem>>[vector<16xi32>], vector<16xf32>,
          %gather3A_909 = tpu.vector_load_idx %arg15[%get3A_902] : memref<2048xf32, #tpu.memory_space<vmem>>[vector<16xi32>], vector<16xf32>,
          %gather3A_910 = tpu.vector_load_idx %arg16[%get3A_902] : memref<2048xf32, #tpu.memory_space<vmem>>[vector<16xi32>], vector<16xf32>,
          %gather3A_911 = tpu.vector_load_idx %arg17[%get3A_902] : memref<2048xf32, #tpu.memory_space<vmem>>[vector<16xi32>], vector<16xf32>,
          %gather3A_912 = tpu.vector_load_idx %arg18[%get3A_902] : memref<2048xf32, #tpu.memory_space<vmem>>[vector<16xi32>], vector<16xf32>,
          %gather3A_913 = tpu.vector_load_idx %arg19[%get3A_902] : memref<2048xf32, #tpu.memory_space<vmem>>[vector<16xi32>], vector<16xf32>,
          %gather3A_914 = tpu.vector_load_idx %arg20[%get3A_902] : memref<2048xf32, #tpu.memory_space<vmem>>[vector<16xi32>], vector<16xf32>,
          %get3A_915 = arith.index_cast %mul3A_900 : i32 to index
          %get3A_916 = tpu.vector_load %arg30[%get3A_915] {strides = array<i32>} : memref<3200xi32, #tpu.memory_space<vmem>>, vector<16xi32>,
          %bitcast3A_917 = vector.bitcast %get3A_916 : vector<16xi32> to vector<16xf32>
          %shift_left3A_918 = arith.constant 16 : i32
          %shift_left3A_919 = vector.broadcast %shift_left3A_918 : i32 to vector<16xi32>
          %shift_left3A_920 = arith.shli %get3A_916, %shift_left3A_919 : vector<16xi32>
          %bitcast3A_921 = vector.bitcast %shift_left3A_920 : vector<16xi32> to vector<16xf32>
          %get3A_922 = arith.index_cast %mul3A_900 : i32 to index
          %get3A_923 = tpu.vector_load %arg31[%get3A_922] {strides = array<i32>} : memref<3200xf32, #tpu.memory_space<vmem>>, vector<16xf32>,
          %get3A_924 = arith.index_cast %mul3A_900 : i32 to index
          %get3A_925 = tpu.vector_load %arg29[%get3A_924] {strides = array<i32>} : memref<3200xi32, #tpu.memory_space<vmem>>, vector<16xi32>,
          %bitcast3A_926 = vector.bitcast %get3A_925 : vector<16xi32> to vector<16xf32>
          %shift_left3A_927 = arith.constant 16 : i32
          %shift_left3A_928 = vector.broadcast %shift_left3A_927 : i32 to vector<16xi32>
          %shift_left3A_929 = arith.shli %get3A_925, %shift_left3A_928 : vector<16xi32>
          %bitcast3A_930 = vector.bitcast %shift_left3A_929 : vector<16xi32> to vector<16xf32>
          %mul3A_931 = arith.mulf %gather3A_903, %bitcast3A_917 : vector<16xf32>
          %mul3A_932 = arith.mulf %gather3A_904, %bitcast3A_921 : vector<16xf32>
          %add3A_933 = arith.addf %mul3A_931, %mul3A_932 : vector<16xf32>
          %mul3A_934 = arith.mulf %gather3A_905, %get3A_923 : vector<16xf32>
          %add3A_935 = arith.addf %add3A_933, %mul3A_934 : vector<16xf32>
          %add3A_936 = arith.addf %add3A_935, %gather3A_906 : vector<16xf32>
          %mul3A_937 = arith.mulf %gather3A_907, %bitcast3A_917 : vector<16xf32>
          %mul3A_938 = arith.mulf %gather3A_908, %bitcast3A_921 : vector<16xf32>
          %add3A_939 = arith.addf %mul3A_937, %mul3A_938 : vector<16xf32>
          %mul3A_940 = arith.mulf %gather3A_909, %get3A_923 : vector<16xf32>
          %add3A_941 = arith.addf %add3A_939, %mul3A_940 : vector<16xf32>
          %add3A_942 = arith.addf %add3A_941, %gather3A_910 : vector<16xf32>
          %mul3A_943 = arith.mulf %gather3A_911, %bitcast3A_917 : vector<16xf32>
          %mul3A_944 = arith.mulf %gather3A_912, %bitcast3A_921 : vector<16xf32>
          %add3A_945 = arith.addf %mul3A_943, %mul3A_944 : vector<16xf32>
          %mul3A_946 = arith.mulf %gather3A_913, %get3A_923 : vector<16xf32>
          %add3A_947 = arith.addf %add3A_945, %mul3A_946 : vector<16xf32>
          %add3A_948 = arith.addf %add3A_947, %gather3A_914 : vector<16xf32>
          %sub3A_949 = arith.constant 5.120000e+02 : f32
          %sub3A_950 = vector.broadcast %sub3A_949 : f32 to vector<16xf32>
          %sub3A_951 = arith.subf %bitcast3A_926, %sub3A_950 : vector<16xf32>
          %mul3A_952 = arith.mulf %sub3A_951, %add3A_948 : vector<16xf32>
          %sub3A_953 = arith.subf %add3A_936, %mul3A_952 : vector<16xf32>
          %sub3A_954 = arith.constant 5.120000e+02 : f32
          %sub3A_955 = vector.broadcast %sub3A_954 : f32 to vector<16xf32>
          %sub3A_956 = arith.subf %bitcast3A_930, %sub3A_955 : vector<16xf32>
          %mul3A_957 = arith.mulf %sub3A_956, %add3A_948 : vector<16xf32>
          %sub3A_958 = arith.subf %add3A_942, %mul3A_957 : vector<16xf32>
          %mul3A_959 = arith.mulf %sub3A_953, %sub3A_953 : vector<16xf32>
          %mul3A_960 = arith.mulf %sub3A_958, %sub3A_958 : vector<16xf32>
          %add3A_961 = arith.addf %mul3A_959, %mul3A_960 : vector<16xf32>
          %mul3A_962 = arith.mulf %add3A_948, %add3A_948 : vector<16xf32>
          %bitcast3A_963 = vector.bitcast %add3A_961 : vector<16xf32> to vector<16xi32>
          %shift_right_logical3A_964 = arith.constant 1 : i32
          %shift_right_logical3A_965 = vector.broadcast %shift_right_logical3A_964 : i32 to vector<16xi32>
          %shift_right_logical3A_966 = arith.shrui %bitcast3A_963, %shift_right_logical3A_965 : vector<16xi32>
          %sub3A_967 = arith.constant 1597463007 : i32
          %sub3A_968 = vector.broadcast %sub3A_967 : i32 to vector<16xi32>
          %sub3A_969 = arith.subi %sub3A_968, %shift_right_logical3A_966 : vector<16xi32>
          %bitcast3A_970 = vector.bitcast %sub3A_969 : vector<16xi32> to vector<16xf32>
          %bitcast3A_971 = vector.bitcast %mul3A_962 : vector<16xf32> to vector<16xi32>
          %shift_right_logical3A_972 = arith.constant 1 : i32
          %shift_right_logical3A_973 = vector.broadcast %shift_right_logical3A_972 : i32 to vector<16xi32>
          %shift_right_logical3A_974 = arith.shrui %bitcast3A_971, %shift_right_logical3A_973 : vector<16xi32>
          %sub3A_975 = arith.constant 1597463007 : i32
          %sub3A_976 = vector.broadcast %sub3A_975 : i32 to vector<16xi32>
          %sub3A_977 = arith.subi %sub3A_976, %shift_right_logical3A_974 : vector<16xi32>
          %bitcast3A_978 = vector.bitcast %sub3A_977 : vector<16xi32> to vector<16xf32>
          %mul3A_979 = arith.constant 5.000000e-01 : f32
          %mul3A_980 = vector.broadcast %mul3A_979 : f32 to vector<16xf32>
          %mul3A_981 = arith.mulf %mul3A_980, %add3A_961 : vector<16xf32>
          %mul3A_982 = arith.constant 5.000000e-01 : f32
          %mul3A_983 = vector.broadcast %mul3A_982 : f32 to vector<16xf32>
          %mul3A_984 = arith.mulf %mul3A_983, %mul3A_962 : vector<16xf32>
          %mul3A_985 = arith.mulf %mul3A_981, %bitcast3A_970 : vector<16xf32>
          %mul3A_986 = arith.mulf %mul3A_985, %bitcast3A_970 : vector<16xf32>
          %sub3A_987 = arith.constant 1.500000e+00 : f32
          %sub3A_988 = vector.broadcast %sub3A_987 : f32 to vector<16xf32>
          %sub3A_989 = arith.subf %sub3A_988, %mul3A_986 : vector<16xf32>
          %mul3A_990 = arith.mulf %bitcast3A_970, %sub3A_989 : vector<16xf32>
          %mul3A_991 = arith.mulf %mul3A_984, %bitcast3A_978 : vector<16xf32>
          %mul3A_992 = arith.mulf %mul3A_991, %bitcast3A_978 : vector<16xf32>
          %sub3A_993 = arith.constant 1.500000e+00 : f32
          %sub3A_994 = vector.broadcast %sub3A_993 : f32 to vector<16xf32>
          %sub3A_995 = arith.subf %sub3A_994, %mul3A_992 : vector<16xf32>
          %mul3A_996 = arith.mulf %bitcast3A_978, %sub3A_995 : vector<16xf32>
          %mul3A_997 = arith.mulf %mul3A_981, %mul3A_990 : vector<16xf32>
          %mul3A_998 = arith.mulf %mul3A_997, %mul3A_990 : vector<16xf32>
          %sub3A_999 = arith.constant 1.500000e+00 : f32
          %sub3A_1000 = vector.broadcast %sub3A_999 : f32 to vector<16xf32>
          %sub3A_1001 = arith.subf %sub3A_1000, %mul3A_998 : vector<16xf32>
          %mul3A_1002 = arith.mulf %mul3A_990, %sub3A_1001 : vector<16xf32>
          %mul3A_1003 = arith.mulf %mul3A_984, %mul3A_996 : vector<16xf32>
          %mul3A_1004 = arith.mulf %mul3A_1003, %mul3A_996 : vector<16xf32>
          %sub3A_1005 = arith.constant 1.500000e+00 : f32
          %sub3A_1006 = vector.broadcast %sub3A_1005 : f32 to vector<16xf32>
          %sub3A_1007 = arith.subf %sub3A_1006, %mul3A_1004 : vector<16xf32>
          %mul3A_1008 = arith.mulf %mul3A_996, %sub3A_1007 : vector<16xf32>
          %mul3A_1009 = arith.mulf %add3A_961, %mul3A_1002 : vector<16xf32>
          %mul3A_1010 = arith.mulf %mul3A_1009, %mul3A_1008 : vector<16xf32>
          %swap3A_1011 = arith.index_cast %mul3A_900 : i32 to index
          %swap3A_1012 = tpu.vector_load %arg32[%swap3A_1011] {strides = array<i32>} : memref<3200xf32, #tpu.memory_space<vmem>>, vector<16xf32>,
          tpu.vector_store %arg32[%swap3A_1011], %mul3A_1010 {strides = array<i32>} : memref<3200xf32, #tpu.memory_space<vmem>>, vector<16xf32>,
          %scan3A_1013 = arith.constant 7 : i32
          %scan3A_1014 = arith.addi %scan3A_180, %scan3A_1013 : i32
          %mul3A_1015 = arith.constant 1 : i32
          %mul3A_1016 = arith.muli %scan3A_1014, %mul3A_1015 : i32
          %add3A_1017 = arith.constant 0 : i32
          %add3A_1018 = arith.addi %add3A_1017, %mul3A_1016 : i32
          %mul3A_1019 = arith.constant 16 : i32
          %mul3A_1020 = arith.muli %add3A_1018, %mul3A_1019 : i32
          %get3A_1021 = arith.index_cast %mul3A_1020 : i32 to index
          %get3A_1022 = tpu.vector_load %arg28[%get3A_1021] {strides = array<i32>} : memref<3200xi32, #tpu.memory_space<vmem>>, vector<16xi32>,
          %gather3A_1023 = tpu.vector_load_idx %arg9[%get3A_1022] : memref<2048xf32, #tpu.memory_space<vmem>>[vector<16xi32>], vector<16xf32>,
          %gather3A_1024 = tpu.vector_load_idx %arg10[%get3A_1022] : memref<2048xf32, #tpu.memory_space<vmem>>[vector<16xi32>], vector<16xf32>,
          %gather3A_1025 = tpu.vector_load_idx %arg11[%get3A_1022] : memref<2048xf32, #tpu.memory_space<vmem>>[vector<16xi32>], vector<16xf32>,
          %gather3A_1026 = tpu.vector_load_idx %arg12[%get3A_1022] : memref<2048xf32, #tpu.memory_space<vmem>>[vector<16xi32>], vector<16xf32>,
          %gather3A_1027 = tpu.vector_load_idx %arg13[%get3A_1022] : memref<2048xf32, #tpu.memory_space<vmem>>[vector<16xi32>], vector<16xf32>,
          %gather3A_1028 = tpu.vector_load_idx %arg14[%get3A_1022] : memref<2048xf32, #tpu.memory_space<vmem>>[vector<16xi32>], vector<16xf32>,
          %gather3A_1029 = tpu.vector_load_idx %arg15[%get3A_1022] : memref<2048xf32, #tpu.memory_space<vmem>>[vector<16xi32>], vector<16xf32>,
          %gather3A_1030 = tpu.vector_load_idx %arg16[%get3A_1022] : memref<2048xf32, #tpu.memory_space<vmem>>[vector<16xi32>], vector<16xf32>,
          %gather3A_1031 = tpu.vector_load_idx %arg17[%get3A_1022] : memref<2048xf32, #tpu.memory_space<vmem>>[vector<16xi32>], vector<16xf32>,
          %gather3A_1032 = tpu.vector_load_idx %arg18[%get3A_1022] : memref<2048xf32, #tpu.memory_space<vmem>>[vector<16xi32>], vector<16xf32>,
          %gather3A_1033 = tpu.vector_load_idx %arg19[%get3A_1022] : memref<2048xf32, #tpu.memory_space<vmem>>[vector<16xi32>], vector<16xf32>,
          %gather3A_1034 = tpu.vector_load_idx %arg20[%get3A_1022] : memref<2048xf32, #tpu.memory_space<vmem>>[vector<16xi32>], vector<16xf32>,
          %get3A_1035 = arith.index_cast %mul3A_1020 : i32 to index
          %get3A_1036 = tpu.vector_load %arg30[%get3A_1035] {strides = array<i32>} : memref<3200xi32, #tpu.memory_space<vmem>>, vector<16xi32>,
          %bitcast3A_1037 = vector.bitcast %get3A_1036 : vector<16xi32> to vector<16xf32>
          %shift_left3A_1038 = arith.constant 16 : i32
          %shift_left3A_1039 = vector.broadcast %shift_left3A_1038 : i32 to vector<16xi32>
          %shift_left3A_1040 = arith.shli %get3A_1036, %shift_left3A_1039 : vector<16xi32>
          %bitcast3A_1041 = vector.bitcast %shift_left3A_1040 : vector<16xi32> to vector<16xf32>
          %get3A_1042 = arith.index_cast %mul3A_1020 : i32 to index
          %get3A_1043 = tpu.vector_load %arg31[%get3A_1042] {strides = array<i32>} : memref<3200xf32, #tpu.memory_space<vmem>>, vector<16xf32>,
          %get3A_1044 = arith.index_cast %mul3A_1020 : i32 to index
          %get3A_1045 = tpu.vector_load %arg29[%get3A_1044] {strides = array<i32>} : memref<3200xi32, #tpu.memory_space<vmem>>, vector<16xi32>,
          %bitcast3A_1046 = vector.bitcast %get3A_1045 : vector<16xi32> to vector<16xf32>
          %shift_left3A_1047 = arith.constant 16 : i32
          %shift_left3A_1048 = vector.broadcast %shift_left3A_1047 : i32 to vector<16xi32>
          %shift_left3A_1049 = arith.shli %get3A_1045, %shift_left3A_1048 : vector<16xi32>
          %bitcast3A_1050 = vector.bitcast %shift_left3A_1049 : vector<16xi32> to vector<16xf32>
          %mul3A_1051 = arith.mulf %gather3A_1023, %bitcast3A_1037 : vector<16xf32>
          %mul3A_1052 = arith.mulf %gather3A_1024, %bitcast3A_1041 : vector<16xf32>
          %add3A_1053 = arith.addf %mul3A_1051, %mul3A_1052 : vector<16xf32>
          %mul3A_1054 = arith.mulf %gather3A_1025, %get3A_1043 : vector<16xf32>
          %add3A_1055 = arith.addf %add3A_1053, %mul3A_1054 : vector<16xf32>
          %add3A_1056 = arith.addf %add3A_1055, %gather3A_1026 : vector<16xf32>
          %mul3A_1057 = arith.mulf %gather3A_1027, %bitcast3A_1037 : vector<16xf32>
          %mul3A_1058 = arith.mulf %gather3A_1028, %bitcast3A_1041 : vector<16xf32>
          %add3A_1059 = arith.addf %mul3A_1057, %mul3A_1058 : vector<16xf32>
          %mul3A_1060 = arith.mulf %gather3A_1029, %get3A_1043 : vector<16xf32>
          %add3A_1061 = arith.addf %add3A_1059, %mul3A_1060 : vector<16xf32>
          %add3A_1062 = arith.addf %add3A_1061, %gather3A_1030 : vector<16xf32>
          %mul3A_1063 = arith.mulf %gather3A_1031, %bitcast3A_1037 : vector<16xf32>
          %mul3A_1064 = arith.mulf %gather3A_1032, %bitcast3A_1041 : vector<16xf32>
          %add3A_1065 = arith.addf %mul3A_1063, %mul3A_1064 : vector<16xf32>
          %mul3A_1066 = arith.mulf %gather3A_1033, %get3A_1043 : vector<16xf32>
          %add3A_1067 = arith.addf %add3A_1065, %mul3A_1066 : vector<16xf32>
          %add3A_1068 = arith.addf %add3A_1067, %gather3A_1034 : vector<16xf32>
          %sub3A_1069 = arith.constant 5.120000e+02 : f32
          %sub3A_1070 = vector.broadcast %sub3A_1069 : f32 to vector<16xf32>
          %sub3A_1071 = arith.subf %bitcast3A_1046, %sub3A_1070 : vector<16xf32>
          %mul3A_1072 = arith.mulf %sub3A_1071, %add3A_1068 : vector<16xf32>
          %sub3A_1073 = arith.subf %add3A_1056, %mul3A_1072 : vector<16xf32>
          %sub3A_1074 = arith.constant 5.120000e+02 : f32
          %sub3A_1075 = vector.broadcast %sub3A_1074 : f32 to vector<16xf32>
          %sub3A_1076 = arith.subf %bitcast3A_1050, %sub3A_1075 : vector<16xf32>
          %mul3A_1077 = arith.mulf %sub3A_1076, %add3A_1068 : vector<16xf32>
          %sub3A_1078 = arith.subf %add3A_1062, %mul3A_1077 : vector<16xf32>
          %mul3A_1079 = arith.mulf %sub3A_1073, %sub3A_1073 : vector<16xf32>
          %mul3A_1080 = arith.mulf %sub3A_1078, %sub3A_1078 : vector<16xf32>
          %add3A_1081 = arith.addf %mul3A_1079, %mul3A_1080 : vector<16xf32>
          %mul3A_1082 = arith.mulf %add3A_1068, %add3A_1068 : vector<16xf32>
          %bitcast3A_1083 = vector.bitcast %add3A_1081 : vector<16xf32> to vector<16xi32>
          %shift_right_logical3A_1084 = arith.constant 1 : i32
          %shift_right_logical3A_1085 = vector.broadcast %shift_right_logical3A_1084 : i32 to vector<16xi32>
          %shift_right_logical3A_1086 = arith.shrui %bitcast3A_1083, %shift_right_logical3A_1085 : vector<16xi32>
          %sub3A_1087 = arith.constant 1597463007 : i32
          %sub3A_1088 = vector.broadcast %sub3A_1087 : i32 to vector<16xi32>
          %sub3A_1089 = arith.subi %sub3A_1088, %shift_right_logical3A_1086 : vector<16xi32>
          %bitcast3A_1090 = vector.bitcast %sub3A_1089 : vector<16xi32> to vector<16xf32>
          %bitcast3A_1091 = vector.bitcast %mul3A_1082 : vector<16xf32> to vector<16xi32>
          %shift_right_logical3A_1092 = arith.constant 1 : i32
          %shift_right_logical3A_1093 = vector.broadcast %shift_right_logical3A_1092 : i32 to vector<16xi32>
          %shift_right_logical3A_1094 = arith.shrui %bitcast3A_1091, %shift_right_logical3A_1093 : vector<16xi32>
          %sub3A_1095 = arith.constant 1597463007 : i32
          %sub3A_1096 = vector.broadcast %sub3A_1095 : i32 to vector<16xi32>
          %sub3A_1097 = arith.subi %sub3A_1096, %shift_right_logical3A_1094 : vector<16xi32>
          %bitcast3A_1098 = vector.bitcast %sub3A_1097 : vector<16xi32> to vector<16xf32>
          %mul3A_1099 = arith.constant 5.000000e-01 : f32
          %mul3A_1100 = vector.broadcast %mul3A_1099 : f32 to vector<16xf32>
          %mul3A_1101 = arith.mulf %mul3A_1100, %add3A_1081 : vector<16xf32>
          %mul3A_1102 = arith.constant 5.000000e-01 : f32
          %mul3A_1103 = vector.broadcast %mul3A_1102 : f32 to vector<16xf32>
          %mul3A_1104 = arith.mulf %mul3A_1103, %mul3A_1082 : vector<16xf32>
          %mul3A_1105 = arith.mulf %mul3A_1101, %bitcast3A_1090 : vector<16xf32>
          %mul3A_1106 = arith.mulf %mul3A_1105, %bitcast3A_1090 : vector<16xf32>
          %sub3A_1107 = arith.constant 1.500000e+00 : f32
          %sub3A_1108 = vector.broadcast %sub3A_1107 : f32 to vector<16xf32>
          %sub3A_1109 = arith.subf %sub3A_1108, %mul3A_1106 : vector<16xf32>
          %mul3A_1110 = arith.mulf %bitcast3A_1090, %sub3A_1109 : vector<16xf32>
          %mul3A_1111 = arith.mulf %mul3A_1104, %bitcast3A_1098 : vector<16xf32>
          %mul3A_1112 = arith.mulf %mul3A_1111, %bitcast3A_1098 : vector<16xf32>
          %sub3A_1113 = arith.constant 1.500000e+00 : f32
          %sub3A_1114 = vector.broadcast %sub3A_1113 : f32 to vector<16xf32>
          %sub3A_1115 = arith.subf %sub3A_1114, %mul3A_1112 : vector<16xf32>
          %mul3A_1116 = arith.mulf %bitcast3A_1098, %sub3A_1115 : vector<16xf32>
          %mul3A_1117 = arith.mulf %mul3A_1101, %mul3A_1110 : vector<16xf32>
          %mul3A_1118 = arith.mulf %mul3A_1117, %mul3A_1110 : vector<16xf32>
          %sub3A_1119 = arith.constant 1.500000e+00 : f32
          %sub3A_1120 = vector.broadcast %sub3A_1119 : f32 to vector<16xf32>
          %sub3A_1121 = arith.subf %sub3A_1120, %mul3A_1118 : vector<16xf32>
          %mul3A_1122 = arith.mulf %mul3A_1110, %sub3A_1121 : vector<16xf32>
          %mul3A_1123 = arith.mulf %mul3A_1104, %mul3A_1116 : vector<16xf32>
          %mul3A_1124 = arith.mulf %mul3A_1123, %mul3A_1116 : vector<16xf32>
          %sub3A_1125 = arith.constant 1.500000e+00 : f32
          %sub3A_1126 = vector.broadcast %sub3A_1125 : f32 to vector<16xf32>
          %sub3A_1127 = arith.subf %sub3A_1126, %mul3A_1124 : vector<16xf32>
          %mul3A_1128 = arith.mulf %mul3A_1116, %sub3A_1127 : vector<16xf32>
          %mul3A_1129 = arith.mulf %add3A_1081, %mul3A_1122 : vector<16xf32>
          %mul3A_1130 = arith.mulf %mul3A_1129, %mul3A_1128 : vector<16xf32>
          %swap3A_1131 = arith.index_cast %mul3A_1020 : i32 to index
          %swap3A_1132 = tpu.vector_load %arg32[%swap3A_1131] {strides = array<i32>} : memref<3200xf32, #tpu.memory_space<vmem>>, vector<16xf32>,
          tpu.vector_store %arg32[%swap3A_1131], %mul3A_1130 {strides = array<i32>} : memref<3200xf32, #tpu.memory_space<vmem>>, vector<16xf32>,
        }
        %scan3A_169 = arith.constant 200 : i32
        %mul3A_170 = arith.constant 32 : i32
        %mul3A_171 = arith.muli %add3A_128, %mul3A_170 : i32
        %add3A_172 = arith.addi %add3A, %mul3A_171 : i32
        %mul3A_173 = arith.constant 3200 : i32
        %mul3A_174 = arith.muli %add3A_172, %mul3A_173 : i32
        %dma_start3A_175 = arith.constant 1 : i32
        %dma_start3A_176 = tpu.memref_slice %arg8[%mul3A_174] : memref<2000000xf32, #tpu.memory_space<hbm>> -> memref<3200xf32, #tpu.memory_space<hbm>>
        %dma_start3A_177 = tpu.memref_slice %arg43[%dma_start3A_175] : memref<3x!tpu.dma_semaphore, #tpu.memory_space<semaphore_mem>> -> memref<1x!tpu.dma_semaphore, #tpu.memory_space<semaphore_mem>>
        %dma_start3A_178 = tpu.memref_squeeze %dma_start3A_177 : memref<1x!tpu.dma_semaphore, #tpu.memory_space<semaphore_mem>> -> memref<!tpu.dma_semaphore, #tpu.memory_space<semaphore_mem>>
        %dma_start3A_179 = tpu.memref_slice %arg8[%mul3A_174] : memref<2000000xf32, #tpu.memory_space<hbm>> -> memref<3200xf32, #tpu.memory_space<hbm>>
        tpu.enqueue_dma source(%arg32 : memref<3200xf32, #tpu.memory_space<vmem>>) target(%dma_start3A_179 : memref<3200xf32, #tpu.memory_space<hbm>>) target_semaphore(%dma_start3A_178 : memref<!tpu.dma_semaphore, #tpu.memory_space<semaphore_mem>>)
      } else {
      }
      %add3A_133 = arith.constant 2 : i32
      %add3A_134 = arith.addi %mul3A_121, %add3A_133 : i32
      %lt3A_135 = arith.cmpi slt, %add3A_134, %add3A_22 : i32
      %convert_element_type3A_136 = arith.extui %lt3A_135 : i1 to i32
      %cond3A_137 = arith.constant 0 : i32
      %cond3A_138 = arith.cmpi ne, %convert_element_type3A_136, %cond3A_137 : i32
      scf.if %cond3A_138 {
        %add3A_139 = arith.constant 2 : i32
        %add3A_140 = arith.addi %add3A_134, %add3A_139 : i32
        %lt3A_141 = arith.cmpi slt, %add3A_140, %add3A_22 : i32
        %convert_element_type3A_142 = arith.extui %lt3A_141 : i1 to i32
        %cond3A_143 = arith.constant 0 : i32
        %cond3A_144 = arith.cmpi ne, %convert_element_type3A_142, %cond3A_143 : i32
        scf.if %cond3A_144 {
          %add3A_180 = arith.constant 2 : i32
          %add3A_181 = arith.addi %add3A_134, %add3A_180 : i32
          %mul3A_182 = arith.constant 32 : i32
          %mul3A_183 = arith.muli %add3A_181, %mul3A_182 : i32
          %add3A_184 = arith.addi %add3A, %mul3A_183 : i32
          %mul3A_185 = arith.constant 3200 : i32
          %mul3A_186 = arith.muli %add3A_184, %mul3A_185 : i32
          %dma_start3A_187 = arith.constant 1 : i32
          %dma_start3A_188 = tpu.memref_slice %arg4[%mul3A_186] : memref<2000000xi32, #tpu.memory_space<hbm>> -> memref<3200xi32, #tpu.memory_space<hbm>>
          %dma_start3A_189 = tpu.memref_slice %arg41[%dma_start3A_187] : memref<3x!tpu.dma_semaphore, #tpu.memory_space<semaphore_mem>> -> memref<1x!tpu.dma_semaphore, #tpu.memory_space<semaphore_mem>>
          %dma_start3A_190 = tpu.memref_squeeze %dma_start3A_189 : memref<1x!tpu.dma_semaphore, #tpu.memory_space<semaphore_mem>> -> memref<!tpu.dma_semaphore, #tpu.memory_space<semaphore_mem>>
          %dma_start3A_191 = tpu.memref_slice %arg4[%mul3A_186] : memref<2000000xi32, #tpu.memory_space<hbm>> -> memref<3200xi32, #tpu.memory_space<hbm>>
          tpu.enqueue_dma source(%dma_start3A_191 : memref<3200xi32, #tpu.memory_space<hbm>>) target(%arg27 : memref<3200xi32, #tpu.memory_space<vmem>>) target_semaphore(%dma_start3A_190 : memref<!tpu.dma_semaphore, #tpu.memory_space<semaphore_mem>>)
          %dma_start3A_192 = arith.constant 1 : i32
          %dma_start3A_193 = tpu.memref_slice %arg3[%mul3A_186] : memref<2000000xi32, #tpu.memory_space<hbm>> -> memref<3200xi32, #tpu.memory_space<hbm>>
          %dma_start3A_194 = tpu.memref_slice %arg41[%dma_start3A_192] : memref<3x!tpu.dma_semaphore, #tpu.memory_space<semaphore_mem>> -> memref<1x!tpu.dma_semaphore, #tpu.memory_space<semaphore_mem>>
          %dma_start3A_195 = tpu.memref_squeeze %dma_start3A_194 : memref<1x!tpu.dma_semaphore, #tpu.memory_space<semaphore_mem>> -> memref<!tpu.dma_semaphore, #tpu.memory_space<semaphore_mem>>
          %dma_start3A_196 = tpu.memref_slice %arg3[%mul3A_186] : memref<2000000xi32, #tpu.memory_space<hbm>> -> memref<3200xi32, #tpu.memory_space<hbm>>
          tpu.enqueue_dma source(%dma_start3A_196 : memref<3200xi32, #tpu.memory_space<hbm>>) target(%arg28 : memref<3200xi32, #tpu.memory_space<vmem>>) target_semaphore(%dma_start3A_195 : memref<!tpu.dma_semaphore, #tpu.memory_space<semaphore_mem>>)
          %dma_start3A_197 = arith.constant 1 : i32
          %dma_start3A_198 = tpu.memref_slice %arg5[%mul3A_186] : memref<2000000xi32, #tpu.memory_space<hbm>> -> memref<3200xi32, #tpu.memory_space<hbm>>
          %dma_start3A_199 = tpu.memref_slice %arg41[%dma_start3A_197] : memref<3x!tpu.dma_semaphore, #tpu.memory_space<semaphore_mem>> -> memref<1x!tpu.dma_semaphore, #tpu.memory_space<semaphore_mem>>
          %dma_start3A_200 = tpu.memref_squeeze %dma_start3A_199 : memref<1x!tpu.dma_semaphore, #tpu.memory_space<semaphore_mem>> -> memref<!tpu.dma_semaphore, #tpu.memory_space<semaphore_mem>>
          %dma_start3A_201 = tpu.memref_slice %arg5[%mul3A_186] : memref<2000000xi32, #tpu.memory_space<hbm>> -> memref<3200xi32, #tpu.memory_space<hbm>>
          tpu.enqueue_dma source(%dma_start3A_201 : memref<3200xi32, #tpu.memory_space<hbm>>) target(%arg29 : memref<3200xi32, #tpu.memory_space<vmem>>) target_semaphore(%dma_start3A_200 : memref<!tpu.dma_semaphore, #tpu.memory_space<semaphore_mem>>)
        } else {
        }
        %add3A_145 = arith.constant 1 : i32
        %add3A_146 = arith.addi %add3A_134, %add3A_145 : i32
        %lt3A_147 = arith.cmpi slt, %add3A_146, %add3A_22 : i32
        %convert_element_type3A_148 = arith.extui %lt3A_147 : i1 to i32
        %cond3A_149 = arith.constant 0 : i32
        %cond3A_150 = arith.cmpi ne, %convert_element_type3A_148, %cond3A_149 : i32
        scf.if %cond3A_150 {
          %dma_wait3A_180 = arith.constant 0 : i32
          %dma_wait3A_181 = arith.constant 0 : i32
          %dma_wait3A_182 = tpu.memref_slice %arg4[%dma_wait3A_181] : memref<2000000xi32, #tpu.memory_space<hbm>> -> memref<3200xi32, #tpu.memory_space<hbm>>
          %dma_wait3A_183 = tpu.memref_slice %arg41[%dma_wait3A_180] : memref<3x!tpu.dma_semaphore, #tpu.memory_space<semaphore_mem>> -> memref<1x!tpu.dma_semaphore, #tpu.memory_space<semaphore_mem>>
          %dma_wait3A_184 = tpu.memref_squeeze %dma_wait3A_183 : memref<1x!tpu.dma_semaphore, #tpu.memory_space<semaphore_mem>> -> memref<!tpu.dma_semaphore, #tpu.memory_space<semaphore_mem>>
          %dma_wait3A_185 = arith.constant 0 : i32
          %dma_wait3A_186 = tpu.memref_slice %arg4[%dma_wait3A_185] : memref<2000000xi32, #tpu.memory_space<hbm>> -> memref<3200xi32, #tpu.memory_space<hbm>>
          tpu.wait_dma2 semaphore(%dma_wait3A_184 : memref<!tpu.dma_semaphore, #tpu.memory_space<semaphore_mem>>) src(%dma_wait3A_186 : memref<3200xi32, #tpu.memory_space<hbm>>) dst(%arg21 : memref<3200xi32, #tpu.memory_space<vmem>>)
          %dma_wait3A_187 = arith.constant 0 : i32
          %dma_wait3A_188 = arith.constant 0 : i32
          %dma_wait3A_189 = tpu.memref_slice %arg3[%dma_wait3A_188] : memref<2000000xi32, #tpu.memory_space<hbm>> -> memref<3200xi32, #tpu.memory_space<hbm>>
          %dma_wait3A_190 = tpu.memref_slice %arg41[%dma_wait3A_187] : memref<3x!tpu.dma_semaphore, #tpu.memory_space<semaphore_mem>> -> memref<1x!tpu.dma_semaphore, #tpu.memory_space<semaphore_mem>>
          %dma_wait3A_191 = tpu.memref_squeeze %dma_wait3A_190 : memref<1x!tpu.dma_semaphore, #tpu.memory_space<semaphore_mem>> -> memref<!tpu.dma_semaphore, #tpu.memory_space<semaphore_mem>>
          %dma_wait3A_192 = arith.constant 0 : i32
          %dma_wait3A_193 = tpu.memref_slice %arg3[%dma_wait3A_192] : memref<2000000xi32, #tpu.memory_space<hbm>> -> memref<3200xi32, #tpu.memory_space<hbm>>
          tpu.wait_dma2 semaphore(%dma_wait3A_191 : memref<!tpu.dma_semaphore, #tpu.memory_space<semaphore_mem>>) src(%dma_wait3A_193 : memref<3200xi32, #tpu.memory_space<hbm>>) dst(%arg22 : memref<3200xi32, #tpu.memory_space<vmem>>)
          %dma_wait3A_194 = arith.constant 0 : i32
          %dma_wait3A_195 = arith.constant 0 : i32
          %dma_wait3A_196 = tpu.memref_slice %arg5[%dma_wait3A_195] : memref<2000000xi32, #tpu.memory_space<hbm>> -> memref<3200xi32, #tpu.memory_space<hbm>>
          %dma_wait3A_197 = tpu.memref_slice %arg41[%dma_wait3A_194] : memref<3x!tpu.dma_semaphore, #tpu.memory_space<semaphore_mem>> -> memref<1x!tpu.dma_semaphore, #tpu.memory_space<semaphore_mem>>
          %dma_wait3A_198 = tpu.memref_squeeze %dma_wait3A_197 : memref<1x!tpu.dma_semaphore, #tpu.memory_space<semaphore_mem>> -> memref<!tpu.dma_semaphore, #tpu.memory_space<semaphore_mem>>
          %dma_wait3A_199 = arith.constant 0 : i32
          %dma_wait3A_200 = tpu.memref_slice %arg5[%dma_wait3A_199] : memref<2000000xi32, #tpu.memory_space<hbm>> -> memref<3200xi32, #tpu.memory_space<hbm>>
          tpu.wait_dma2 semaphore(%dma_wait3A_198 : memref<!tpu.dma_semaphore, #tpu.memory_space<semaphore_mem>>) src(%dma_wait3A_200 : memref<3200xi32, #tpu.memory_space<hbm>>) dst(%arg23 : memref<3200xi32, #tpu.memory_space<vmem>>)
          %dma_start3A_201 = arith.constant 0 : i32
          %dma_start3A_202 = arith.constant 0 : i32
          %dma_start3A_203 = tpu.memref_slice %arg39[%dma_start3A_202] : memref<200000xi32, #tpu.memory_space<vmem_shared>> -> memref<200000xi32, #tpu.memory_space<vmem_shared>>
          %dma_start3A_204 = tpu.memref_slice %arg42[%dma_start3A_201] : memref<3x!tpu.dma_semaphore, #tpu.memory_space<semaphore_mem>> -> memref<1x!tpu.dma_semaphore, #tpu.memory_space<semaphore_mem>>
          %dma_start3A_205 = tpu.memref_squeeze %dma_start3A_204 : memref<1x!tpu.dma_semaphore, #tpu.memory_space<semaphore_mem>> -> memref<!tpu.dma_semaphore, #tpu.memory_space<semaphore_mem>>
          tpu.enqueue_indirect_dma source(%dma_start3A_203 : memref<200000xi32, #tpu.memory_space<vmem_shared>>) target(%arg24 : memref<3200xi32, #tpu.memory_space<vmem>>) offsets(%arg21 : memref<3200xi32, #tpu.memory_space<vmem>>) semaphore(%dma_start3A_205 : memref<!tpu.dma_semaphore, #tpu.memory_space<semaphore_mem>>)
          %dma_start3A_206 = arith.constant 0 : i32
          %dma_start3A_207 = arith.constant 0 : i32
          %dma_start3A_208 = tpu.memref_slice %arg40[%dma_start3A_207] : memref<200000xf32, #tpu.memory_space<vmem_shared>> -> memref<200000xf32, #tpu.memory_space<vmem_shared>>
          %dma_start3A_209 = tpu.memref_slice %arg42[%dma_start3A_206] : memref<3x!tpu.dma_semaphore, #tpu.memory_space<semaphore_mem>> -> memref<1x!tpu.dma_semaphore, #tpu.memory_space<semaphore_mem>>
          %dma_start3A_210 = tpu.memref_squeeze %dma_start3A_209 : memref<1x!tpu.dma_semaphore, #tpu.memory_space<semaphore_mem>> -> memref<!tpu.dma_semaphore, #tpu.memory_space<semaphore_mem>>
          tpu.enqueue_indirect_dma source(%dma_start3A_208 : memref<200000xf32, #tpu.memory_space<vmem_shared>>) target(%arg25 : memref<3200xf32, #tpu.memory_space<vmem>>) offsets(%arg21 : memref<3200xi32, #tpu.memory_space<vmem>>) semaphore(%dma_start3A_210 : memref<!tpu.dma_semaphore, #tpu.memory_space<semaphore_mem>>)
        } else {
        }
        %dma_wait3A_151 = arith.constant 2 : i32
        %dma_wait3A_152 = arith.constant 0 : i32
        %dma_wait3A_153 = tpu.memref_slice %arg39[%dma_wait3A_152] : memref<200000xi32, #tpu.memory_space<vmem_shared>> -> memref<200000xi32, #tpu.memory_space<vmem_shared>>
        %dma_wait3A_154 = tpu.memref_slice %arg42[%dma_wait3A_151] : memref<3x!tpu.dma_semaphore, #tpu.memory_space<semaphore_mem>> -> memref<1x!tpu.dma_semaphore, #tpu.memory_space<semaphore_mem>>
        %dma_wait3A_155 = tpu.memref_squeeze %dma_wait3A_154 : memref<1x!tpu.dma_semaphore, #tpu.memory_space<semaphore_mem>> -> memref<!tpu.dma_semaphore, #tpu.memory_space<semaphore_mem>>
        tpu.wait_indirect_dma semaphore(%dma_wait3A_155 : memref<!tpu.dma_semaphore, #tpu.memory_space<semaphore_mem>>) src(%dma_wait3A_153 : memref<200000xi32, #tpu.memory_space<vmem_shared>>) dst(%arg36 : memref<3200xi32, #tpu.memory_space<vmem>>)
        %dma_wait3A_156 = arith.constant 2 : i32
        %dma_wait3A_157 = arith.constant 0 : i32
        %dma_wait3A_158 = tpu.memref_slice %arg40[%dma_wait3A_157] : memref<200000xf32, #tpu.memory_space<vmem_shared>> -> memref<200000xf32, #tpu.memory_space<vmem_shared>>
        %dma_wait3A_159 = tpu.memref_slice %arg42[%dma_wait3A_156] : memref<3x!tpu.dma_semaphore, #tpu.memory_space<semaphore_mem>> -> memref<1x!tpu.dma_semaphore, #tpu.memory_space<semaphore_mem>>
        %dma_wait3A_160 = tpu.memref_squeeze %dma_wait3A_159 : memref<1x!tpu.dma_semaphore, #tpu.memory_space<semaphore_mem>> -> memref<!tpu.dma_semaphore, #tpu.memory_space<semaphore_mem>>
        tpu.wait_indirect_dma semaphore(%dma_wait3A_160 : memref<!tpu.dma_semaphore, #tpu.memory_space<semaphore_mem>>) src(%dma_wait3A_158 : memref<200000xf32, #tpu.memory_space<vmem_shared>>) dst(%arg37 : memref<3200xf32, #tpu.memory_space<vmem>>)
        %ge3A = arith.constant 3 : i32
        %ge3A_161 = arith.cmpi sge, %add3A_134, %ge3A : i32
        %convert_element_type3A_162 = arith.extui %ge3A_161 : i1 to i32
        %cond3A_163 = arith.constant 0 : i32
        %cond3A_164 = arith.cmpi ne, %convert_element_type3A_162, %cond3A_163 : i32
        scf.if %cond3A_164 {
          %dma_wait3A_180 = arith.constant 2 : i32
          %dma_wait3A_181 = arith.constant 0 : i32
          %dma_wait3A_182 = tpu.memref_slice %arg8[%dma_wait3A_181] : memref<2000000xf32, #tpu.memory_space<hbm>> -> memref<3200xf32, #tpu.memory_space<hbm>>
          %dma_wait3A_183 = tpu.memref_slice %arg43[%dma_wait3A_180] : memref<3x!tpu.dma_semaphore, #tpu.memory_space<semaphore_mem>> -> memref<1x!tpu.dma_semaphore, #tpu.memory_space<semaphore_mem>>
          %dma_wait3A_184 = tpu.memref_squeeze %dma_wait3A_183 : memref<1x!tpu.dma_semaphore, #tpu.memory_space<semaphore_mem>> -> memref<!tpu.dma_semaphore, #tpu.memory_space<semaphore_mem>>
          %dma_wait3A_185 = arith.constant 0 : i32
          %dma_wait3A_186 = tpu.memref_slice %arg8[%dma_wait3A_185] : memref<2000000xf32, #tpu.memory_space<hbm>> -> memref<3200xf32, #tpu.memory_space<hbm>>
          tpu.wait_dma2 semaphore(%dma_wait3A_184 : memref<!tpu.dma_semaphore, #tpu.memory_space<semaphore_mem>>) src(%arg38 : memref<3200xf32, #tpu.memory_space<vmem>>) dst(%dma_wait3A_186 : memref<3200xf32, #tpu.memory_space<hbm>>)
        } else {
        }
        %scan3A_165 = arith.constant 0 : i32
        %scan3A_166 = arith.constant 200 : i32
        %scan3A_167 = arith.addi %scan3A_165, %scan3A_166 : i32
        %scan3A_168 = arith.constant 8 : i32
        scf.for %scan3A_180 = %scan3A_165 to %scan3A_167 step %scan3A_168  : i32 {
          %mul3A_181 = arith.constant 1 : i32
          %mul3A_182 = arith.muli %scan3A_180, %mul3A_181 : i32
          %add3A_183 = arith.constant 0 : i32
          %add3A_184 = arith.addi %add3A_183, %mul3A_182 : i32
          %mul3A_185 = arith.constant 16 : i32
          %mul3A_186 = arith.muli %add3A_184, %mul3A_185 : i32
          %get3A = arith.index_cast %mul3A_186 : i32 to index
          %get3A_187 = tpu.vector_load %arg34[%get3A] {strides = array<i32>} : memref<3200xi32, #tpu.memory_space<vmem>>, vector<16xi32>,
          %gather3A = tpu.vector_load_idx %arg9[%get3A_187] : memref<2048xf32, #tpu.memory_space<vmem>>[vector<16xi32>], vector<16xf32>,
          %gather3A_188 = tpu.vector_load_idx %arg10[%get3A_187] : memref<2048xf32, #tpu.memory_space<vmem>>[vector<16xi32>], vector<16xf32>,
          %gather3A_189 = tpu.vector_load_idx %arg11[%get3A_187] : memref<2048xf32, #tpu.memory_space<vmem>>[vector<16xi32>], vector<16xf32>,
          %gather3A_190 = tpu.vector_load_idx %arg12[%get3A_187] : memref<2048xf32, #tpu.memory_space<vmem>>[vector<16xi32>], vector<16xf32>,
          %gather3A_191 = tpu.vector_load_idx %arg13[%get3A_187] : memref<2048xf32, #tpu.memory_space<vmem>>[vector<16xi32>], vector<16xf32>,
          %gather3A_192 = tpu.vector_load_idx %arg14[%get3A_187] : memref<2048xf32, #tpu.memory_space<vmem>>[vector<16xi32>], vector<16xf32>,
          %gather3A_193 = tpu.vector_load_idx %arg15[%get3A_187] : memref<2048xf32, #tpu.memory_space<vmem>>[vector<16xi32>], vector<16xf32>,
          %gather3A_194 = tpu.vector_load_idx %arg16[%get3A_187] : memref<2048xf32, #tpu.memory_space<vmem>>[vector<16xi32>], vector<16xf32>,
          %gather3A_195 = tpu.vector_load_idx %arg17[%get3A_187] : memref<2048xf32, #tpu.memory_space<vmem>>[vector<16xi32>], vector<16xf32>,
          %gather3A_196 = tpu.vector_load_idx %arg18[%get3A_187] : memref<2048xf32, #tpu.memory_space<vmem>>[vector<16xi32>], vector<16xf32>,
          %gather3A_197 = tpu.vector_load_idx %arg19[%get3A_187] : memref<2048xf32, #tpu.memory_space<vmem>>[vector<16xi32>], vector<16xf32>,
          %gather3A_198 = tpu.vector_load_idx %arg20[%get3A_187] : memref<2048xf32, #tpu.memory_space<vmem>>[vector<16xi32>], vector<16xf32>,
          %get3A_199 = arith.index_cast %mul3A_186 : i32 to index
          %get3A_200 = tpu.vector_load %arg36[%get3A_199] {strides = array<i32>} : memref<3200xi32, #tpu.memory_space<vmem>>, vector<16xi32>,
          %bitcast3A = vector.bitcast %get3A_200 : vector<16xi32> to vector<16xf32>
          %shift_left3A = arith.constant 16 : i32
          %shift_left3A_201 = vector.broadcast %shift_left3A : i32 to vector<16xi32>
          %shift_left3A_202 = arith.shli %get3A_200, %shift_left3A_201 : vector<16xi32>
          %bitcast3A_203 = vector.bitcast %shift_left3A_202 : vector<16xi32> to vector<16xf32>
          %get3A_204 = arith.index_cast %mul3A_186 : i32 to index
          %get3A_205 = tpu.vector_load %arg37[%get3A_204] {strides = array<i32>} : memref<3200xf32, #tpu.memory_space<vmem>>, vector<16xf32>,
          %get3A_206 = arith.index_cast %mul3A_186 : i32 to index
          %get3A_207 = tpu.vector_load %arg35[%get3A_206] {strides = array<i32>} : memref<3200xi32, #tpu.memory_space<vmem>>, vector<16xi32>,
          %bitcast3A_208 = vector.bitcast %get3A_207 : vector<16xi32> to vector<16xf32>
          %shift_left3A_209 = arith.constant 16 : i32
          %shift_left3A_210 = vector.broadcast %shift_left3A_209 : i32 to vector<16xi32>
          %shift_left3A_211 = arith.shli %get3A_207, %shift_left3A_210 : vector<16xi32>
          %bitcast3A_212 = vector.bitcast %shift_left3A_211 : vector<16xi32> to vector<16xf32>
          %mul3A_213 = arith.mulf %gather3A, %bitcast3A : vector<16xf32>
          %mul3A_214 = arith.mulf %gather3A_188, %bitcast3A_203 : vector<16xf32>
          %add3A_215 = arith.addf %mul3A_213, %mul3A_214 : vector<16xf32>
          %mul3A_216 = arith.mulf %gather3A_189, %get3A_205 : vector<16xf32>
          %add3A_217 = arith.addf %add3A_215, %mul3A_216 : vector<16xf32>
          %add3A_218 = arith.addf %add3A_217, %gather3A_190 : vector<16xf32>
          %mul3A_219 = arith.mulf %gather3A_191, %bitcast3A : vector<16xf32>
          %mul3A_220 = arith.mulf %gather3A_192, %bitcast3A_203 : vector<16xf32>
          %add3A_221 = arith.addf %mul3A_219, %mul3A_220 : vector<16xf32>
          %mul3A_222 = arith.mulf %gather3A_193, %get3A_205 : vector<16xf32>
          %add3A_223 = arith.addf %add3A_221, %mul3A_222 : vector<16xf32>
          %add3A_224 = arith.addf %add3A_223, %gather3A_194 : vector<16xf32>
          %mul3A_225 = arith.mulf %gather3A_195, %bitcast3A : vector<16xf32>
          %mul3A_226 = arith.mulf %gather3A_196, %bitcast3A_203 : vector<16xf32>
          %add3A_227 = arith.addf %mul3A_225, %mul3A_226 : vector<16xf32>
          %mul3A_228 = arith.mulf %gather3A_197, %get3A_205 : vector<16xf32>
          %add3A_229 = arith.addf %add3A_227, %mul3A_228 : vector<16xf32>
          %add3A_230 = arith.addf %add3A_229, %gather3A_198 : vector<16xf32>
          %sub3A_231 = arith.constant 5.120000e+02 : f32
          %sub3A_232 = vector.broadcast %sub3A_231 : f32 to vector<16xf32>
          %sub3A_233 = arith.subf %bitcast3A_208, %sub3A_232 : vector<16xf32>
          %mul3A_234 = arith.mulf %sub3A_233, %add3A_230 : vector<16xf32>
          %sub3A_235 = arith.subf %add3A_218, %mul3A_234 : vector<16xf32>
          %sub3A_236 = arith.constant 5.120000e+02 : f32
          %sub3A_237 = vector.broadcast %sub3A_236 : f32 to vector<16xf32>
          %sub3A_238 = arith.subf %bitcast3A_212, %sub3A_237 : vector<16xf32>
          %mul3A_239 = arith.mulf %sub3A_238, %add3A_230 : vector<16xf32>
          %sub3A_240 = arith.subf %add3A_224, %mul3A_239 : vector<16xf32>
          %mul3A_241 = arith.mulf %sub3A_235, %sub3A_235 : vector<16xf32>
          %mul3A_242 = arith.mulf %sub3A_240, %sub3A_240 : vector<16xf32>
          %add3A_243 = arith.addf %mul3A_241, %mul3A_242 : vector<16xf32>
          %mul3A_244 = arith.mulf %add3A_230, %add3A_230 : vector<16xf32>
          %bitcast3A_245 = vector.bitcast %add3A_243 : vector<16xf32> to vector<16xi32>
          %shift_right_logical3A = arith.constant 1 : i32
          %shift_right_logical3A_246 = vector.broadcast %shift_right_logical3A : i32 to vector<16xi32>
          %shift_right_logical3A_247 = arith.shrui %bitcast3A_245, %shift_right_logical3A_246 : vector<16xi32>
          %sub3A_248 = arith.constant 1597463007 : i32
          %sub3A_249 = vector.broadcast %sub3A_248 : i32 to vector<16xi32>
          %sub3A_250 = arith.subi %sub3A_249, %shift_right_logical3A_247 : vector<16xi32>
          %bitcast3A_251 = vector.bitcast %sub3A_250 : vector<16xi32> to vector<16xf32>
          %bitcast3A_252 = vector.bitcast %mul3A_244 : vector<16xf32> to vector<16xi32>
          %shift_right_logical3A_253 = arith.constant 1 : i32
          %shift_right_logical3A_254 = vector.broadcast %shift_right_logical3A_253 : i32 to vector<16xi32>
          %shift_right_logical3A_255 = arith.shrui %bitcast3A_252, %shift_right_logical3A_254 : vector<16xi32>
          %sub3A_256 = arith.constant 1597463007 : i32
          %sub3A_257 = vector.broadcast %sub3A_256 : i32 to vector<16xi32>
          %sub3A_258 = arith.subi %sub3A_257, %shift_right_logical3A_255 : vector<16xi32>
          %bitcast3A_259 = vector.bitcast %sub3A_258 : vector<16xi32> to vector<16xf32>
          %mul3A_260 = arith.constant 5.000000e-01 : f32
          %mul3A_261 = vector.broadcast %mul3A_260 : f32 to vector<16xf32>
          %mul3A_262 = arith.mulf %mul3A_261, %add3A_243 : vector<16xf32>
          %mul3A_263 = arith.constant 5.000000e-01 : f32
          %mul3A_264 = vector.broadcast %mul3A_263 : f32 to vector<16xf32>
          %mul3A_265 = arith.mulf %mul3A_264, %mul3A_244 : vector<16xf32>
          %mul3A_266 = arith.mulf %mul3A_262, %bitcast3A_251 : vector<16xf32>
          %mul3A_267 = arith.mulf %mul3A_266, %bitcast3A_251 : vector<16xf32>
          %sub3A_268 = arith.constant 1.500000e+00 : f32
          %sub3A_269 = vector.broadcast %sub3A_268 : f32 to vector<16xf32>
          %sub3A_270 = arith.subf %sub3A_269, %mul3A_267 : vector<16xf32>
          %mul3A_271 = arith.mulf %bitcast3A_251, %sub3A_270 : vector<16xf32>
          %mul3A_272 = arith.mulf %mul3A_265, %bitcast3A_259 : vector<16xf32>
          %mul3A_273 = arith.mulf %mul3A_272, %bitcast3A_259 : vector<16xf32>
          %sub3A_274 = arith.constant 1.500000e+00 : f32
          %sub3A_275 = vector.broadcast %sub3A_274 : f32 to vector<16xf32>
          %sub3A_276 = arith.subf %sub3A_275, %mul3A_273 : vector<16xf32>
          %mul3A_277 = arith.mulf %bitcast3A_259, %sub3A_276 : vector<16xf32>
          %mul3A_278 = arith.mulf %mul3A_262, %mul3A_271 : vector<16xf32>
          %mul3A_279 = arith.mulf %mul3A_278, %mul3A_271 : vector<16xf32>
          %sub3A_280 = arith.constant 1.500000e+00 : f32
          %sub3A_281 = vector.broadcast %sub3A_280 : f32 to vector<16xf32>
          %sub3A_282 = arith.subf %sub3A_281, %mul3A_279 : vector<16xf32>
          %mul3A_283 = arith.mulf %mul3A_271, %sub3A_282 : vector<16xf32>
          %mul3A_284 = arith.mulf %mul3A_265, %mul3A_277 : vector<16xf32>
          %mul3A_285 = arith.mulf %mul3A_284, %mul3A_277 : vector<16xf32>
          %sub3A_286 = arith.constant 1.500000e+00 : f32
          %sub3A_287 = vector.broadcast %sub3A_286 : f32 to vector<16xf32>
          %sub3A_288 = arith.subf %sub3A_287, %mul3A_285 : vector<16xf32>
          %mul3A_289 = arith.mulf %mul3A_277, %sub3A_288 : vector<16xf32>
          %mul3A_290 = arith.mulf %add3A_243, %mul3A_283 : vector<16xf32>
          %mul3A_291 = arith.mulf %mul3A_290, %mul3A_289 : vector<16xf32>
          %swap3A = arith.index_cast %mul3A_186 : i32 to index
          %swap3A_292 = tpu.vector_load %arg38[%swap3A] {strides = array<i32>} : memref<3200xf32, #tpu.memory_space<vmem>>, vector<16xf32>,
          tpu.vector_store %arg38[%swap3A], %mul3A_291 {strides = array<i32>} : memref<3200xf32, #tpu.memory_space<vmem>>, vector<16xf32>,
          %scan3A_293 = arith.constant 1 : i32
          %scan3A_294 = arith.addi %scan3A_180, %scan3A_293 : i32
          %mul3A_295 = arith.constant 1 : i32
          %mul3A_296 = arith.muli %scan3A_294, %mul3A_295 : i32
          %add3A_297 = arith.constant 0 : i32
          %add3A_298 = arith.addi %add3A_297, %mul3A_296 : i32
          %mul3A_299 = arith.constant 16 : i32
          %mul3A_300 = arith.muli %add3A_298, %mul3A_299 : i32
          %get3A_301 = arith.index_cast %mul3A_300 : i32 to index
          %get3A_302 = tpu.vector_load %arg34[%get3A_301] {strides = array<i32>} : memref<3200xi32, #tpu.memory_space<vmem>>, vector<16xi32>,
          %gather3A_303 = tpu.vector_load_idx %arg9[%get3A_302] : memref<2048xf32, #tpu.memory_space<vmem>>[vector<16xi32>], vector<16xf32>,
          %gather3A_304 = tpu.vector_load_idx %arg10[%get3A_302] : memref<2048xf32, #tpu.memory_space<vmem>>[vector<16xi32>], vector<16xf32>,
          %gather3A_305 = tpu.vector_load_idx %arg11[%get3A_302] : memref<2048xf32, #tpu.memory_space<vmem>>[vector<16xi32>], vector<16xf32>,
          %gather3A_306 = tpu.vector_load_idx %arg12[%get3A_302] : memref<2048xf32, #tpu.memory_space<vmem>>[vector<16xi32>], vector<16xf32>,
          %gather3A_307 = tpu.vector_load_idx %arg13[%get3A_302] : memref<2048xf32, #tpu.memory_space<vmem>>[vector<16xi32>], vector<16xf32>,
          %gather3A_308 = tpu.vector_load_idx %arg14[%get3A_302] : memref<2048xf32, #tpu.memory_space<vmem>>[vector<16xi32>], vector<16xf32>,
          %gather3A_309 = tpu.vector_load_idx %arg15[%get3A_302] : memref<2048xf32, #tpu.memory_space<vmem>>[vector<16xi32>], vector<16xf32>,
          %gather3A_310 = tpu.vector_load_idx %arg16[%get3A_302] : memref<2048xf32, #tpu.memory_space<vmem>>[vector<16xi32>], vector<16xf32>,
          %gather3A_311 = tpu.vector_load_idx %arg17[%get3A_302] : memref<2048xf32, #tpu.memory_space<vmem>>[vector<16xi32>], vector<16xf32>,
          %gather3A_312 = tpu.vector_load_idx %arg18[%get3A_302] : memref<2048xf32, #tpu.memory_space<vmem>>[vector<16xi32>], vector<16xf32>,
          %gather3A_313 = tpu.vector_load_idx %arg19[%get3A_302] : memref<2048xf32, #tpu.memory_space<vmem>>[vector<16xi32>], vector<16xf32>,
          %gather3A_314 = tpu.vector_load_idx %arg20[%get3A_302] : memref<2048xf32, #tpu.memory_space<vmem>>[vector<16xi32>], vector<16xf32>,
          %get3A_315 = arith.index_cast %mul3A_300 : i32 to index
          %get3A_316 = tpu.vector_load %arg36[%get3A_315] {strides = array<i32>} : memref<3200xi32, #tpu.memory_space<vmem>>, vector<16xi32>,
          %bitcast3A_317 = vector.bitcast %get3A_316 : vector<16xi32> to vector<16xf32>
          %shift_left3A_318 = arith.constant 16 : i32
          %shift_left3A_319 = vector.broadcast %shift_left3A_318 : i32 to vector<16xi32>
          %shift_left3A_320 = arith.shli %get3A_316, %shift_left3A_319 : vector<16xi32>
          %bitcast3A_321 = vector.bitcast %shift_left3A_320 : vector<16xi32> to vector<16xf32>
          %get3A_322 = arith.index_cast %mul3A_300 : i32 to index
          %get3A_323 = tpu.vector_load %arg37[%get3A_322] {strides = array<i32>} : memref<3200xf32, #tpu.memory_space<vmem>>, vector<16xf32>,
          %get3A_324 = arith.index_cast %mul3A_300 : i32 to index
          %get3A_325 = tpu.vector_load %arg35[%get3A_324] {strides = array<i32>} : memref<3200xi32, #tpu.memory_space<vmem>>, vector<16xi32>,
          %bitcast3A_326 = vector.bitcast %get3A_325 : vector<16xi32> to vector<16xf32>
          %shift_left3A_327 = arith.constant 16 : i32
          %shift_left3A_328 = vector.broadcast %shift_left3A_327 : i32 to vector<16xi32>
          %shift_left3A_329 = arith.shli %get3A_325, %shift_left3A_328 : vector<16xi32>
          %bitcast3A_330 = vector.bitcast %shift_left3A_329 : vector<16xi32> to vector<16xf32>
          %mul3A_331 = arith.mulf %gather3A_303, %bitcast3A_317 : vector<16xf32>
          %mul3A_332 = arith.mulf %gather3A_304, %bitcast3A_321 : vector<16xf32>
          %add3A_333 = arith.addf %mul3A_331, %mul3A_332 : vector<16xf32>
          %mul3A_334 = arith.mulf %gather3A_305, %get3A_323 : vector<16xf32>
          %add3A_335 = arith.addf %add3A_333, %mul3A_334 : vector<16xf32>
          %add3A_336 = arith.addf %add3A_335, %gather3A_306 : vector<16xf32>
          %mul3A_337 = arith.mulf %gather3A_307, %bitcast3A_317 : vector<16xf32>
          %mul3A_338 = arith.mulf %gather3A_308, %bitcast3A_321 : vector<16xf32>
          %add3A_339 = arith.addf %mul3A_337, %mul3A_338 : vector<16xf32>
          %mul3A_340 = arith.mulf %gather3A_309, %get3A_323 : vector<16xf32>
          %add3A_341 = arith.addf %add3A_339, %mul3A_340 : vector<16xf32>
          %add3A_342 = arith.addf %add3A_341, %gather3A_310 : vector<16xf32>
          %mul3A_343 = arith.mulf %gather3A_311, %bitcast3A_317 : vector<16xf32>
          %mul3A_344 = arith.mulf %gather3A_312, %bitcast3A_321 : vector<16xf32>
          %add3A_345 = arith.addf %mul3A_343, %mul3A_344 : vector<16xf32>
          %mul3A_346 = arith.mulf %gather3A_313, %get3A_323 : vector<16xf32>
          %add3A_347 = arith.addf %add3A_345, %mul3A_346 : vector<16xf32>
          %add3A_348 = arith.addf %add3A_347, %gather3A_314 : vector<16xf32>
          %sub3A_349 = arith.constant 5.120000e+02 : f32
          %sub3A_350 = vector.broadcast %sub3A_349 : f32 to vector<16xf32>
          %sub3A_351 = arith.subf %bitcast3A_326, %sub3A_350 : vector<16xf32>
          %mul3A_352 = arith.mulf %sub3A_351, %add3A_348 : vector<16xf32>
          %sub3A_353 = arith.subf %add3A_336, %mul3A_352 : vector<16xf32>
          %sub3A_354 = arith.constant 5.120000e+02 : f32
          %sub3A_355 = vector.broadcast %sub3A_354 : f32 to vector<16xf32>
          %sub3A_356 = arith.subf %bitcast3A_330, %sub3A_355 : vector<16xf32>
          %mul3A_357 = arith.mulf %sub3A_356, %add3A_348 : vector<16xf32>
          %sub3A_358 = arith.subf %add3A_342, %mul3A_357 : vector<16xf32>
          %mul3A_359 = arith.mulf %sub3A_353, %sub3A_353 : vector<16xf32>
          %mul3A_360 = arith.mulf %sub3A_358, %sub3A_358 : vector<16xf32>
          %add3A_361 = arith.addf %mul3A_359, %mul3A_360 : vector<16xf32>
          %mul3A_362 = arith.mulf %add3A_348, %add3A_348 : vector<16xf32>
          %bitcast3A_363 = vector.bitcast %add3A_361 : vector<16xf32> to vector<16xi32>
          %shift_right_logical3A_364 = arith.constant 1 : i32
          %shift_right_logical3A_365 = vector.broadcast %shift_right_logical3A_364 : i32 to vector<16xi32>
          %shift_right_logical3A_366 = arith.shrui %bitcast3A_363, %shift_right_logical3A_365 : vector<16xi32>
          %sub3A_367 = arith.constant 1597463007 : i32
          %sub3A_368 = vector.broadcast %sub3A_367 : i32 to vector<16xi32>
          %sub3A_369 = arith.subi %sub3A_368, %shift_right_logical3A_366 : vector<16xi32>
          %bitcast3A_370 = vector.bitcast %sub3A_369 : vector<16xi32> to vector<16xf32>
          %bitcast3A_371 = vector.bitcast %mul3A_362 : vector<16xf32> to vector<16xi32>
          %shift_right_logical3A_372 = arith.constant 1 : i32
          %shift_right_logical3A_373 = vector.broadcast %shift_right_logical3A_372 : i32 to vector<16xi32>
          %shift_right_logical3A_374 = arith.shrui %bitcast3A_371, %shift_right_logical3A_373 : vector<16xi32>
          %sub3A_375 = arith.constant 1597463007 : i32
          %sub3A_376 = vector.broadcast %sub3A_375 : i32 to vector<16xi32>
          %sub3A_377 = arith.subi %sub3A_376, %shift_right_logical3A_374 : vector<16xi32>
          %bitcast3A_378 = vector.bitcast %sub3A_377 : vector<16xi32> to vector<16xf32>
          %mul3A_379 = arith.constant 5.000000e-01 : f32
          %mul3A_380 = vector.broadcast %mul3A_379 : f32 to vector<16xf32>
          %mul3A_381 = arith.mulf %mul3A_380, %add3A_361 : vector<16xf32>
          %mul3A_382 = arith.constant 5.000000e-01 : f32
          %mul3A_383 = vector.broadcast %mul3A_382 : f32 to vector<16xf32>
          %mul3A_384 = arith.mulf %mul3A_383, %mul3A_362 : vector<16xf32>
          %mul3A_385 = arith.mulf %mul3A_381, %bitcast3A_370 : vector<16xf32>
          %mul3A_386 = arith.mulf %mul3A_385, %bitcast3A_370 : vector<16xf32>
          %sub3A_387 = arith.constant 1.500000e+00 : f32
          %sub3A_388 = vector.broadcast %sub3A_387 : f32 to vector<16xf32>
          %sub3A_389 = arith.subf %sub3A_388, %mul3A_386 : vector<16xf32>
          %mul3A_390 = arith.mulf %bitcast3A_370, %sub3A_389 : vector<16xf32>
          %mul3A_391 = arith.mulf %mul3A_384, %bitcast3A_378 : vector<16xf32>
          %mul3A_392 = arith.mulf %mul3A_391, %bitcast3A_378 : vector<16xf32>
          %sub3A_393 = arith.constant 1.500000e+00 : f32
          %sub3A_394 = vector.broadcast %sub3A_393 : f32 to vector<16xf32>
          %sub3A_395 = arith.subf %sub3A_394, %mul3A_392 : vector<16xf32>
          %mul3A_396 = arith.mulf %bitcast3A_378, %sub3A_395 : vector<16xf32>
          %mul3A_397 = arith.mulf %mul3A_381, %mul3A_390 : vector<16xf32>
          %mul3A_398 = arith.mulf %mul3A_397, %mul3A_390 : vector<16xf32>
          %sub3A_399 = arith.constant 1.500000e+00 : f32
          %sub3A_400 = vector.broadcast %sub3A_399 : f32 to vector<16xf32>
          %sub3A_401 = arith.subf %sub3A_400, %mul3A_398 : vector<16xf32>
          %mul3A_402 = arith.mulf %mul3A_390, %sub3A_401 : vector<16xf32>
          %mul3A_403 = arith.mulf %mul3A_384, %mul3A_396 : vector<16xf32>
          %mul3A_404 = arith.mulf %mul3A_403, %mul3A_396 : vector<16xf32>
          %sub3A_405 = arith.constant 1.500000e+00 : f32
          %sub3A_406 = vector.broadcast %sub3A_405 : f32 to vector<16xf32>
          %sub3A_407 = arith.subf %sub3A_406, %mul3A_404 : vector<16xf32>
          %mul3A_408 = arith.mulf %mul3A_396, %sub3A_407 : vector<16xf32>
          %mul3A_409 = arith.mulf %add3A_361, %mul3A_402 : vector<16xf32>
          %mul3A_410 = arith.mulf %mul3A_409, %mul3A_408 : vector<16xf32>
          %swap3A_411 = arith.index_cast %mul3A_300 : i32 to index
          %swap3A_412 = tpu.vector_load %arg38[%swap3A_411] {strides = array<i32>} : memref<3200xf32, #tpu.memory_space<vmem>>, vector<16xf32>,
          tpu.vector_store %arg38[%swap3A_411], %mul3A_410 {strides = array<i32>} : memref<3200xf32, #tpu.memory_space<vmem>>, vector<16xf32>,
          %scan3A_413 = arith.constant 2 : i32
          %scan3A_414 = arith.addi %scan3A_180, %scan3A_413 : i32
          %mul3A_415 = arith.constant 1 : i32
          %mul3A_416 = arith.muli %scan3A_414, %mul3A_415 : i32
          %add3A_417 = arith.constant 0 : i32
          %add3A_418 = arith.addi %add3A_417, %mul3A_416 : i32
          %mul3A_419 = arith.constant 16 : i32
          %mul3A_420 = arith.muli %add3A_418, %mul3A_419 : i32
          %get3A_421 = arith.index_cast %mul3A_420 : i32 to index
          %get3A_422 = tpu.vector_load %arg34[%get3A_421] {strides = array<i32>} : memref<3200xi32, #tpu.memory_space<vmem>>, vector<16xi32>,
          %gather3A_423 = tpu.vector_load_idx %arg9[%get3A_422] : memref<2048xf32, #tpu.memory_space<vmem>>[vector<16xi32>], vector<16xf32>,
          %gather3A_424 = tpu.vector_load_idx %arg10[%get3A_422] : memref<2048xf32, #tpu.memory_space<vmem>>[vector<16xi32>], vector<16xf32>,
          %gather3A_425 = tpu.vector_load_idx %arg11[%get3A_422] : memref<2048xf32, #tpu.memory_space<vmem>>[vector<16xi32>], vector<16xf32>,
          %gather3A_426 = tpu.vector_load_idx %arg12[%get3A_422] : memref<2048xf32, #tpu.memory_space<vmem>>[vector<16xi32>], vector<16xf32>,
          %gather3A_427 = tpu.vector_load_idx %arg13[%get3A_422] : memref<2048xf32, #tpu.memory_space<vmem>>[vector<16xi32>], vector<16xf32>,
          %gather3A_428 = tpu.vector_load_idx %arg14[%get3A_422] : memref<2048xf32, #tpu.memory_space<vmem>>[vector<16xi32>], vector<16xf32>,
          %gather3A_429 = tpu.vector_load_idx %arg15[%get3A_422] : memref<2048xf32, #tpu.memory_space<vmem>>[vector<16xi32>], vector<16xf32>,
          %gather3A_430 = tpu.vector_load_idx %arg16[%get3A_422] : memref<2048xf32, #tpu.memory_space<vmem>>[vector<16xi32>], vector<16xf32>,
          %gather3A_431 = tpu.vector_load_idx %arg17[%get3A_422] : memref<2048xf32, #tpu.memory_space<vmem>>[vector<16xi32>], vector<16xf32>,
          %gather3A_432 = tpu.vector_load_idx %arg18[%get3A_422] : memref<2048xf32, #tpu.memory_space<vmem>>[vector<16xi32>], vector<16xf32>,
          %gather3A_433 = tpu.vector_load_idx %arg19[%get3A_422] : memref<2048xf32, #tpu.memory_space<vmem>>[vector<16xi32>], vector<16xf32>,
          %gather3A_434 = tpu.vector_load_idx %arg20[%get3A_422] : memref<2048xf32, #tpu.memory_space<vmem>>[vector<16xi32>], vector<16xf32>,
          %get3A_435 = arith.index_cast %mul3A_420 : i32 to index
          %get3A_436 = tpu.vector_load %arg36[%get3A_435] {strides = array<i32>} : memref<3200xi32, #tpu.memory_space<vmem>>, vector<16xi32>,
          %bitcast3A_437 = vector.bitcast %get3A_436 : vector<16xi32> to vector<16xf32>
          %shift_left3A_438 = arith.constant 16 : i32
          %shift_left3A_439 = vector.broadcast %shift_left3A_438 : i32 to vector<16xi32>
          %shift_left3A_440 = arith.shli %get3A_436, %shift_left3A_439 : vector<16xi32>
          %bitcast3A_441 = vector.bitcast %shift_left3A_440 : vector<16xi32> to vector<16xf32>
          %get3A_442 = arith.index_cast %mul3A_420 : i32 to index
          %get3A_443 = tpu.vector_load %arg37[%get3A_442] {strides = array<i32>} : memref<3200xf32, #tpu.memory_space<vmem>>, vector<16xf32>,
          %get3A_444 = arith.index_cast %mul3A_420 : i32 to index
          %get3A_445 = tpu.vector_load %arg35[%get3A_444] {strides = array<i32>} : memref<3200xi32, #tpu.memory_space<vmem>>, vector<16xi32>,
          %bitcast3A_446 = vector.bitcast %get3A_445 : vector<16xi32> to vector<16xf32>
          %shift_left3A_447 = arith.constant 16 : i32
          %shift_left3A_448 = vector.broadcast %shift_left3A_447 : i32 to vector<16xi32>
          %shift_left3A_449 = arith.shli %get3A_445, %shift_left3A_448 : vector<16xi32>
          %bitcast3A_450 = vector.bitcast %shift_left3A_449 : vector<16xi32> to vector<16xf32>
          %mul3A_451 = arith.mulf %gather3A_423, %bitcast3A_437 : vector<16xf32>
          %mul3A_452 = arith.mulf %gather3A_424, %bitcast3A_441 : vector<16xf32>
          %add3A_453 = arith.addf %mul3A_451, %mul3A_452 : vector<16xf32>
          %mul3A_454 = arith.mulf %gather3A_425, %get3A_443 : vector<16xf32>
          %add3A_455 = arith.addf %add3A_453, %mul3A_454 : vector<16xf32>
          %add3A_456 = arith.addf %add3A_455, %gather3A_426 : vector<16xf32>
          %mul3A_457 = arith.mulf %gather3A_427, %bitcast3A_437 : vector<16xf32>
          %mul3A_458 = arith.mulf %gather3A_428, %bitcast3A_441 : vector<16xf32>
          %add3A_459 = arith.addf %mul3A_457, %mul3A_458 : vector<16xf32>
          %mul3A_460 = arith.mulf %gather3A_429, %get3A_443 : vector<16xf32>
          %add3A_461 = arith.addf %add3A_459, %mul3A_460 : vector<16xf32>
          %add3A_462 = arith.addf %add3A_461, %gather3A_430 : vector<16xf32>
          %mul3A_463 = arith.mulf %gather3A_431, %bitcast3A_437 : vector<16xf32>
          %mul3A_464 = arith.mulf %gather3A_432, %bitcast3A_441 : vector<16xf32>
          %add3A_465 = arith.addf %mul3A_463, %mul3A_464 : vector<16xf32>
          %mul3A_466 = arith.mulf %gather3A_433, %get3A_443 : vector<16xf32>
          %add3A_467 = arith.addf %add3A_465, %mul3A_466 : vector<16xf32>
          %add3A_468 = arith.addf %add3A_467, %gather3A_434 : vector<16xf32>
          %sub3A_469 = arith.constant 5.120000e+02 : f32
          %sub3A_470 = vector.broadcast %sub3A_469 : f32 to vector<16xf32>
          %sub3A_471 = arith.subf %bitcast3A_446, %sub3A_470 : vector<16xf32>
          %mul3A_472 = arith.mulf %sub3A_471, %add3A_468 : vector<16xf32>
          %sub3A_473 = arith.subf %add3A_456, %mul3A_472 : vector<16xf32>
          %sub3A_474 = arith.constant 5.120000e+02 : f32
          %sub3A_475 = vector.broadcast %sub3A_474 : f32 to vector<16xf32>
          %sub3A_476 = arith.subf %bitcast3A_450, %sub3A_475 : vector<16xf32>
          %mul3A_477 = arith.mulf %sub3A_476, %add3A_468 : vector<16xf32>
          %sub3A_478 = arith.subf %add3A_462, %mul3A_477 : vector<16xf32>
          %mul3A_479 = arith.mulf %sub3A_473, %sub3A_473 : vector<16xf32>
          %mul3A_480 = arith.mulf %sub3A_478, %sub3A_478 : vector<16xf32>
          %add3A_481 = arith.addf %mul3A_479, %mul3A_480 : vector<16xf32>
          %mul3A_482 = arith.mulf %add3A_468, %add3A_468 : vector<16xf32>
          %bitcast3A_483 = vector.bitcast %add3A_481 : vector<16xf32> to vector<16xi32>
          %shift_right_logical3A_484 = arith.constant 1 : i32
          %shift_right_logical3A_485 = vector.broadcast %shift_right_logical3A_484 : i32 to vector<16xi32>
          %shift_right_logical3A_486 = arith.shrui %bitcast3A_483, %shift_right_logical3A_485 : vector<16xi32>
          %sub3A_487 = arith.constant 1597463007 : i32
          %sub3A_488 = vector.broadcast %sub3A_487 : i32 to vector<16xi32>
          %sub3A_489 = arith.subi %sub3A_488, %shift_right_logical3A_486 : vector<16xi32>
          %bitcast3A_490 = vector.bitcast %sub3A_489 : vector<16xi32> to vector<16xf32>
          %bitcast3A_491 = vector.bitcast %mul3A_482 : vector<16xf32> to vector<16xi32>
          %shift_right_logical3A_492 = arith.constant 1 : i32
          %shift_right_logical3A_493 = vector.broadcast %shift_right_logical3A_492 : i32 to vector<16xi32>
          %shift_right_logical3A_494 = arith.shrui %bitcast3A_491, %shift_right_logical3A_493 : vector<16xi32>
          %sub3A_495 = arith.constant 1597463007 : i32
          %sub3A_496 = vector.broadcast %sub3A_495 : i32 to vector<16xi32>
          %sub3A_497 = arith.subi %sub3A_496, %shift_right_logical3A_494 : vector<16xi32>
          %bitcast3A_498 = vector.bitcast %sub3A_497 : vector<16xi32> to vector<16xf32>
          %mul3A_499 = arith.constant 5.000000e-01 : f32
          %mul3A_500 = vector.broadcast %mul3A_499 : f32 to vector<16xf32>
          %mul3A_501 = arith.mulf %mul3A_500, %add3A_481 : vector<16xf32>
          %mul3A_502 = arith.constant 5.000000e-01 : f32
          %mul3A_503 = vector.broadcast %mul3A_502 : f32 to vector<16xf32>
          %mul3A_504 = arith.mulf %mul3A_503, %mul3A_482 : vector<16xf32>
          %mul3A_505 = arith.mulf %mul3A_501, %bitcast3A_490 : vector<16xf32>
          %mul3A_506 = arith.mulf %mul3A_505, %bitcast3A_490 : vector<16xf32>
          %sub3A_507 = arith.constant 1.500000e+00 : f32
          %sub3A_508 = vector.broadcast %sub3A_507 : f32 to vector<16xf32>
          %sub3A_509 = arith.subf %sub3A_508, %mul3A_506 : vector<16xf32>
          %mul3A_510 = arith.mulf %bitcast3A_490, %sub3A_509 : vector<16xf32>
          %mul3A_511 = arith.mulf %mul3A_504, %bitcast3A_498 : vector<16xf32>
          %mul3A_512 = arith.mulf %mul3A_511, %bitcast3A_498 : vector<16xf32>
          %sub3A_513 = arith.constant 1.500000e+00 : f32
          %sub3A_514 = vector.broadcast %sub3A_513 : f32 to vector<16xf32>
          %sub3A_515 = arith.subf %sub3A_514, %mul3A_512 : vector<16xf32>
          %mul3A_516 = arith.mulf %bitcast3A_498, %sub3A_515 : vector<16xf32>
          %mul3A_517 = arith.mulf %mul3A_501, %mul3A_510 : vector<16xf32>
          %mul3A_518 = arith.mulf %mul3A_517, %mul3A_510 : vector<16xf32>
          %sub3A_519 = arith.constant 1.500000e+00 : f32
          %sub3A_520 = vector.broadcast %sub3A_519 : f32 to vector<16xf32>
          %sub3A_521 = arith.subf %sub3A_520, %mul3A_518 : vector<16xf32>
          %mul3A_522 = arith.mulf %mul3A_510, %sub3A_521 : vector<16xf32>
          %mul3A_523 = arith.mulf %mul3A_504, %mul3A_516 : vector<16xf32>
          %mul3A_524 = arith.mulf %mul3A_523, %mul3A_516 : vector<16xf32>
          %sub3A_525 = arith.constant 1.500000e+00 : f32
          %sub3A_526 = vector.broadcast %sub3A_525 : f32 to vector<16xf32>
          %sub3A_527 = arith.subf %sub3A_526, %mul3A_524 : vector<16xf32>
          %mul3A_528 = arith.mulf %mul3A_516, %sub3A_527 : vector<16xf32>
          %mul3A_529 = arith.mulf %add3A_481, %mul3A_522 : vector<16xf32>
          %mul3A_530 = arith.mulf %mul3A_529, %mul3A_528 : vector<16xf32>
          %swap3A_531 = arith.index_cast %mul3A_420 : i32 to index
          %swap3A_532 = tpu.vector_load %arg38[%swap3A_531] {strides = array<i32>} : memref<3200xf32, #tpu.memory_space<vmem>>, vector<16xf32>,
          tpu.vector_store %arg38[%swap3A_531], %mul3A_530 {strides = array<i32>} : memref<3200xf32, #tpu.memory_space<vmem>>, vector<16xf32>,
          %scan3A_533 = arith.constant 3 : i32
          %scan3A_534 = arith.addi %scan3A_180, %scan3A_533 : i32
          %mul3A_535 = arith.constant 1 : i32
          %mul3A_536 = arith.muli %scan3A_534, %mul3A_535 : i32
          %add3A_537 = arith.constant 0 : i32
          %add3A_538 = arith.addi %add3A_537, %mul3A_536 : i32
          %mul3A_539 = arith.constant 16 : i32
          %mul3A_540 = arith.muli %add3A_538, %mul3A_539 : i32
          %get3A_541 = arith.index_cast %mul3A_540 : i32 to index
          %get3A_542 = tpu.vector_load %arg34[%get3A_541] {strides = array<i32>} : memref<3200xi32, #tpu.memory_space<vmem>>, vector<16xi32>,
          %gather3A_543 = tpu.vector_load_idx %arg9[%get3A_542] : memref<2048xf32, #tpu.memory_space<vmem>>[vector<16xi32>], vector<16xf32>,
          %gather3A_544 = tpu.vector_load_idx %arg10[%get3A_542] : memref<2048xf32, #tpu.memory_space<vmem>>[vector<16xi32>], vector<16xf32>,
          %gather3A_545 = tpu.vector_load_idx %arg11[%get3A_542] : memref<2048xf32, #tpu.memory_space<vmem>>[vector<16xi32>], vector<16xf32>,
          %gather3A_546 = tpu.vector_load_idx %arg12[%get3A_542] : memref<2048xf32, #tpu.memory_space<vmem>>[vector<16xi32>], vector<16xf32>,
          %gather3A_547 = tpu.vector_load_idx %arg13[%get3A_542] : memref<2048xf32, #tpu.memory_space<vmem>>[vector<16xi32>], vector<16xf32>,
          %gather3A_548 = tpu.vector_load_idx %arg14[%get3A_542] : memref<2048xf32, #tpu.memory_space<vmem>>[vector<16xi32>], vector<16xf32>,
          %gather3A_549 = tpu.vector_load_idx %arg15[%get3A_542] : memref<2048xf32, #tpu.memory_space<vmem>>[vector<16xi32>], vector<16xf32>,
          %gather3A_550 = tpu.vector_load_idx %arg16[%get3A_542] : memref<2048xf32, #tpu.memory_space<vmem>>[vector<16xi32>], vector<16xf32>,
          %gather3A_551 = tpu.vector_load_idx %arg17[%get3A_542] : memref<2048xf32, #tpu.memory_space<vmem>>[vector<16xi32>], vector<16xf32>,
          %gather3A_552 = tpu.vector_load_idx %arg18[%get3A_542] : memref<2048xf32, #tpu.memory_space<vmem>>[vector<16xi32>], vector<16xf32>,
          %gather3A_553 = tpu.vector_load_idx %arg19[%get3A_542] : memref<2048xf32, #tpu.memory_space<vmem>>[vector<16xi32>], vector<16xf32>,
          %gather3A_554 = tpu.vector_load_idx %arg20[%get3A_542] : memref<2048xf32, #tpu.memory_space<vmem>>[vector<16xi32>], vector<16xf32>,
          %get3A_555 = arith.index_cast %mul3A_540 : i32 to index
          %get3A_556 = tpu.vector_load %arg36[%get3A_555] {strides = array<i32>} : memref<3200xi32, #tpu.memory_space<vmem>>, vector<16xi32>,
          %bitcast3A_557 = vector.bitcast %get3A_556 : vector<16xi32> to vector<16xf32>
          %shift_left3A_558 = arith.constant 16 : i32
          %shift_left3A_559 = vector.broadcast %shift_left3A_558 : i32 to vector<16xi32>
          %shift_left3A_560 = arith.shli %get3A_556, %shift_left3A_559 : vector<16xi32>
          %bitcast3A_561 = vector.bitcast %shift_left3A_560 : vector<16xi32> to vector<16xf32>
          %get3A_562 = arith.index_cast %mul3A_540 : i32 to index
          %get3A_563 = tpu.vector_load %arg37[%get3A_562] {strides = array<i32>} : memref<3200xf32, #tpu.memory_space<vmem>>, vector<16xf32>,
          %get3A_564 = arith.index_cast %mul3A_540 : i32 to index
          %get3A_565 = tpu.vector_load %arg35[%get3A_564] {strides = array<i32>} : memref<3200xi32, #tpu.memory_space<vmem>>, vector<16xi32>,
          %bitcast3A_566 = vector.bitcast %get3A_565 : vector<16xi32> to vector<16xf32>
          %shift_left3A_567 = arith.constant 16 : i32
          %shift_left3A_568 = vector.broadcast %shift_left3A_567 : i32 to vector<16xi32>
          %shift_left3A_569 = arith.shli %get3A_565, %shift_left3A_568 : vector<16xi32>
          %bitcast3A_570 = vector.bitcast %shift_left3A_569 : vector<16xi32> to vector<16xf32>
          %mul3A_571 = arith.mulf %gather3A_543, %bitcast3A_557 : vector<16xf32>
          %mul3A_572 = arith.mulf %gather3A_544, %bitcast3A_561 : vector<16xf32>
          %add3A_573 = arith.addf %mul3A_571, %mul3A_572 : vector<16xf32>
          %mul3A_574 = arith.mulf %gather3A_545, %get3A_563 : vector<16xf32>
          %add3A_575 = arith.addf %add3A_573, %mul3A_574 : vector<16xf32>
          %add3A_576 = arith.addf %add3A_575, %gather3A_546 : vector<16xf32>
          %mul3A_577 = arith.mulf %gather3A_547, %bitcast3A_557 : vector<16xf32>
          %mul3A_578 = arith.mulf %gather3A_548, %bitcast3A_561 : vector<16xf32>
          %add3A_579 = arith.addf %mul3A_577, %mul3A_578 : vector<16xf32>
          %mul3A_580 = arith.mulf %gather3A_549, %get3A_563 : vector<16xf32>
          %add3A_581 = arith.addf %add3A_579, %mul3A_580 : vector<16xf32>
          %add3A_582 = arith.addf %add3A_581, %gather3A_550 : vector<16xf32>
          %mul3A_583 = arith.mulf %gather3A_551, %bitcast3A_557 : vector<16xf32>
          %mul3A_584 = arith.mulf %gather3A_552, %bitcast3A_561 : vector<16xf32>
          %add3A_585 = arith.addf %mul3A_583, %mul3A_584 : vector<16xf32>
          %mul3A_586 = arith.mulf %gather3A_553, %get3A_563 : vector<16xf32>
          %add3A_587 = arith.addf %add3A_585, %mul3A_586 : vector<16xf32>
          %add3A_588 = arith.addf %add3A_587, %gather3A_554 : vector<16xf32>
          %sub3A_589 = arith.constant 5.120000e+02 : f32
          %sub3A_590 = vector.broadcast %sub3A_589 : f32 to vector<16xf32>
          %sub3A_591 = arith.subf %bitcast3A_566, %sub3A_590 : vector<16xf32>
          %mul3A_592 = arith.mulf %sub3A_591, %add3A_588 : vector<16xf32>
          %sub3A_593 = arith.subf %add3A_576, %mul3A_592 : vector<16xf32>
          %sub3A_594 = arith.constant 5.120000e+02 : f32
          %sub3A_595 = vector.broadcast %sub3A_594 : f32 to vector<16xf32>
          %sub3A_596 = arith.subf %bitcast3A_570, %sub3A_595 : vector<16xf32>
          %mul3A_597 = arith.mulf %sub3A_596, %add3A_588 : vector<16xf32>
          %sub3A_598 = arith.subf %add3A_582, %mul3A_597 : vector<16xf32>
          %mul3A_599 = arith.mulf %sub3A_593, %sub3A_593 : vector<16xf32>
          %mul3A_600 = arith.mulf %sub3A_598, %sub3A_598 : vector<16xf32>
          %add3A_601 = arith.addf %mul3A_599, %mul3A_600 : vector<16xf32>
          %mul3A_602 = arith.mulf %add3A_588, %add3A_588 : vector<16xf32>
          %bitcast3A_603 = vector.bitcast %add3A_601 : vector<16xf32> to vector<16xi32>
          %shift_right_logical3A_604 = arith.constant 1 : i32
          %shift_right_logical3A_605 = vector.broadcast %shift_right_logical3A_604 : i32 to vector<16xi32>
          %shift_right_logical3A_606 = arith.shrui %bitcast3A_603, %shift_right_logical3A_605 : vector<16xi32>
          %sub3A_607 = arith.constant 1597463007 : i32
          %sub3A_608 = vector.broadcast %sub3A_607 : i32 to vector<16xi32>
          %sub3A_609 = arith.subi %sub3A_608, %shift_right_logical3A_606 : vector<16xi32>
          %bitcast3A_610 = vector.bitcast %sub3A_609 : vector<16xi32> to vector<16xf32>
          %bitcast3A_611 = vector.bitcast %mul3A_602 : vector<16xf32> to vector<16xi32>
          %shift_right_logical3A_612 = arith.constant 1 : i32
          %shift_right_logical3A_613 = vector.broadcast %shift_right_logical3A_612 : i32 to vector<16xi32>
          %shift_right_logical3A_614 = arith.shrui %bitcast3A_611, %shift_right_logical3A_613 : vector<16xi32>
          %sub3A_615 = arith.constant 1597463007 : i32
          %sub3A_616 = vector.broadcast %sub3A_615 : i32 to vector<16xi32>
          %sub3A_617 = arith.subi %sub3A_616, %shift_right_logical3A_614 : vector<16xi32>
          %bitcast3A_618 = vector.bitcast %sub3A_617 : vector<16xi32> to vector<16xf32>
          %mul3A_619 = arith.constant 5.000000e-01 : f32
          %mul3A_620 = vector.broadcast %mul3A_619 : f32 to vector<16xf32>
          %mul3A_621 = arith.mulf %mul3A_620, %add3A_601 : vector<16xf32>
          %mul3A_622 = arith.constant 5.000000e-01 : f32
          %mul3A_623 = vector.broadcast %mul3A_622 : f32 to vector<16xf32>
          %mul3A_624 = arith.mulf %mul3A_623, %mul3A_602 : vector<16xf32>
          %mul3A_625 = arith.mulf %mul3A_621, %bitcast3A_610 : vector<16xf32>
          %mul3A_626 = arith.mulf %mul3A_625, %bitcast3A_610 : vector<16xf32>
          %sub3A_627 = arith.constant 1.500000e+00 : f32
          %sub3A_628 = vector.broadcast %sub3A_627 : f32 to vector<16xf32>
          %sub3A_629 = arith.subf %sub3A_628, %mul3A_626 : vector<16xf32>
          %mul3A_630 = arith.mulf %bitcast3A_610, %sub3A_629 : vector<16xf32>
          %mul3A_631 = arith.mulf %mul3A_624, %bitcast3A_618 : vector<16xf32>
          %mul3A_632 = arith.mulf %mul3A_631, %bitcast3A_618 : vector<16xf32>
          %sub3A_633 = arith.constant 1.500000e+00 : f32
          %sub3A_634 = vector.broadcast %sub3A_633 : f32 to vector<16xf32>
          %sub3A_635 = arith.subf %sub3A_634, %mul3A_632 : vector<16xf32>
          %mul3A_636 = arith.mulf %bitcast3A_618, %sub3A_635 : vector<16xf32>
          %mul3A_637 = arith.mulf %mul3A_621, %mul3A_630 : vector<16xf32>
          %mul3A_638 = arith.mulf %mul3A_637, %mul3A_630 : vector<16xf32>
          %sub3A_639 = arith.constant 1.500000e+00 : f32
          %sub3A_640 = vector.broadcast %sub3A_639 : f32 to vector<16xf32>
          %sub3A_641 = arith.subf %sub3A_640, %mul3A_638 : vector<16xf32>
          %mul3A_642 = arith.mulf %mul3A_630, %sub3A_641 : vector<16xf32>
          %mul3A_643 = arith.mulf %mul3A_624, %mul3A_636 : vector<16xf32>
          %mul3A_644 = arith.mulf %mul3A_643, %mul3A_636 : vector<16xf32>
          %sub3A_645 = arith.constant 1.500000e+00 : f32
          %sub3A_646 = vector.broadcast %sub3A_645 : f32 to vector<16xf32>
          %sub3A_647 = arith.subf %sub3A_646, %mul3A_644 : vector<16xf32>
          %mul3A_648 = arith.mulf %mul3A_636, %sub3A_647 : vector<16xf32>
          %mul3A_649 = arith.mulf %add3A_601, %mul3A_642 : vector<16xf32>
          %mul3A_650 = arith.mulf %mul3A_649, %mul3A_648 : vector<16xf32>
          %swap3A_651 = arith.index_cast %mul3A_540 : i32 to index
          %swap3A_652 = tpu.vector_load %arg38[%swap3A_651] {strides = array<i32>} : memref<3200xf32, #tpu.memory_space<vmem>>, vector<16xf32>,
          tpu.vector_store %arg38[%swap3A_651], %mul3A_650 {strides = array<i32>} : memref<3200xf32, #tpu.memory_space<vmem>>, vector<16xf32>,
          %scan3A_653 = arith.constant 4 : i32
          %scan3A_654 = arith.addi %scan3A_180, %scan3A_653 : i32
          %mul3A_655 = arith.constant 1 : i32
          %mul3A_656 = arith.muli %scan3A_654, %mul3A_655 : i32
          %add3A_657 = arith.constant 0 : i32
          %add3A_658 = arith.addi %add3A_657, %mul3A_656 : i32
          %mul3A_659 = arith.constant 16 : i32
          %mul3A_660 = arith.muli %add3A_658, %mul3A_659 : i32
          %get3A_661 = arith.index_cast %mul3A_660 : i32 to index
          %get3A_662 = tpu.vector_load %arg34[%get3A_661] {strides = array<i32>} : memref<3200xi32, #tpu.memory_space<vmem>>, vector<16xi32>,
          %gather3A_663 = tpu.vector_load_idx %arg9[%get3A_662] : memref<2048xf32, #tpu.memory_space<vmem>>[vector<16xi32>], vector<16xf32>,
          %gather3A_664 = tpu.vector_load_idx %arg10[%get3A_662] : memref<2048xf32, #tpu.memory_space<vmem>>[vector<16xi32>], vector<16xf32>,
          %gather3A_665 = tpu.vector_load_idx %arg11[%get3A_662] : memref<2048xf32, #tpu.memory_space<vmem>>[vector<16xi32>], vector<16xf32>,
          %gather3A_666 = tpu.vector_load_idx %arg12[%get3A_662] : memref<2048xf32, #tpu.memory_space<vmem>>[vector<16xi32>], vector<16xf32>,
          %gather3A_667 = tpu.vector_load_idx %arg13[%get3A_662] : memref<2048xf32, #tpu.memory_space<vmem>>[vector<16xi32>], vector<16xf32>,
          %gather3A_668 = tpu.vector_load_idx %arg14[%get3A_662] : memref<2048xf32, #tpu.memory_space<vmem>>[vector<16xi32>], vector<16xf32>,
          %gather3A_669 = tpu.vector_load_idx %arg15[%get3A_662] : memref<2048xf32, #tpu.memory_space<vmem>>[vector<16xi32>], vector<16xf32>,
          %gather3A_670 = tpu.vector_load_idx %arg16[%get3A_662] : memref<2048xf32, #tpu.memory_space<vmem>>[vector<16xi32>], vector<16xf32>,
          %gather3A_671 = tpu.vector_load_idx %arg17[%get3A_662] : memref<2048xf32, #tpu.memory_space<vmem>>[vector<16xi32>], vector<16xf32>,
          %gather3A_672 = tpu.vector_load_idx %arg18[%get3A_662] : memref<2048xf32, #tpu.memory_space<vmem>>[vector<16xi32>], vector<16xf32>,
          %gather3A_673 = tpu.vector_load_idx %arg19[%get3A_662] : memref<2048xf32, #tpu.memory_space<vmem>>[vector<16xi32>], vector<16xf32>,
          %gather3A_674 = tpu.vector_load_idx %arg20[%get3A_662] : memref<2048xf32, #tpu.memory_space<vmem>>[vector<16xi32>], vector<16xf32>,
          %get3A_675 = arith.index_cast %mul3A_660 : i32 to index
          %get3A_676 = tpu.vector_load %arg36[%get3A_675] {strides = array<i32>} : memref<3200xi32, #tpu.memory_space<vmem>>, vector<16xi32>,
          %bitcast3A_677 = vector.bitcast %get3A_676 : vector<16xi32> to vector<16xf32>
          %shift_left3A_678 = arith.constant 16 : i32
          %shift_left3A_679 = vector.broadcast %shift_left3A_678 : i32 to vector<16xi32>
          %shift_left3A_680 = arith.shli %get3A_676, %shift_left3A_679 : vector<16xi32>
          %bitcast3A_681 = vector.bitcast %shift_left3A_680 : vector<16xi32> to vector<16xf32>
          %get3A_682 = arith.index_cast %mul3A_660 : i32 to index
          %get3A_683 = tpu.vector_load %arg37[%get3A_682] {strides = array<i32>} : memref<3200xf32, #tpu.memory_space<vmem>>, vector<16xf32>,
          %get3A_684 = arith.index_cast %mul3A_660 : i32 to index
          %get3A_685 = tpu.vector_load %arg35[%get3A_684] {strides = array<i32>} : memref<3200xi32, #tpu.memory_space<vmem>>, vector<16xi32>,
          %bitcast3A_686 = vector.bitcast %get3A_685 : vector<16xi32> to vector<16xf32>
          %shift_left3A_687 = arith.constant 16 : i32
          %shift_left3A_688 = vector.broadcast %shift_left3A_687 : i32 to vector<16xi32>
          %shift_left3A_689 = arith.shli %get3A_685, %shift_left3A_688 : vector<16xi32>
          %bitcast3A_690 = vector.bitcast %shift_left3A_689 : vector<16xi32> to vector<16xf32>
          %mul3A_691 = arith.mulf %gather3A_663, %bitcast3A_677 : vector<16xf32>
          %mul3A_692 = arith.mulf %gather3A_664, %bitcast3A_681 : vector<16xf32>
          %add3A_693 = arith.addf %mul3A_691, %mul3A_692 : vector<16xf32>
          %mul3A_694 = arith.mulf %gather3A_665, %get3A_683 : vector<16xf32>
          %add3A_695 = arith.addf %add3A_693, %mul3A_694 : vector<16xf32>
          %add3A_696 = arith.addf %add3A_695, %gather3A_666 : vector<16xf32>
          %mul3A_697 = arith.mulf %gather3A_667, %bitcast3A_677 : vector<16xf32>
          %mul3A_698 = arith.mulf %gather3A_668, %bitcast3A_681 : vector<16xf32>
          %add3A_699 = arith.addf %mul3A_697, %mul3A_698 : vector<16xf32>
          %mul3A_700 = arith.mulf %gather3A_669, %get3A_683 : vector<16xf32>
          %add3A_701 = arith.addf %add3A_699, %mul3A_700 : vector<16xf32>
          %add3A_702 = arith.addf %add3A_701, %gather3A_670 : vector<16xf32>
          %mul3A_703 = arith.mulf %gather3A_671, %bitcast3A_677 : vector<16xf32>
          %mul3A_704 = arith.mulf %gather3A_672, %bitcast3A_681 : vector<16xf32>
          %add3A_705 = arith.addf %mul3A_703, %mul3A_704 : vector<16xf32>
          %mul3A_706 = arith.mulf %gather3A_673, %get3A_683 : vector<16xf32>
          %add3A_707 = arith.addf %add3A_705, %mul3A_706 : vector<16xf32>
          %add3A_708 = arith.addf %add3A_707, %gather3A_674 : vector<16xf32>
          %sub3A_709 = arith.constant 5.120000e+02 : f32
          %sub3A_710 = vector.broadcast %sub3A_709 : f32 to vector<16xf32>
          %sub3A_711 = arith.subf %bitcast3A_686, %sub3A_710 : vector<16xf32>
          %mul3A_712 = arith.mulf %sub3A_711, %add3A_708 : vector<16xf32>
          %sub3A_713 = arith.subf %add3A_696, %mul3A_712 : vector<16xf32>
          %sub3A_714 = arith.constant 5.120000e+02 : f32
          %sub3A_715 = vector.broadcast %sub3A_714 : f32 to vector<16xf32>
          %sub3A_716 = arith.subf %bitcast3A_690, %sub3A_715 : vector<16xf32>
          %mul3A_717 = arith.mulf %sub3A_716, %add3A_708 : vector<16xf32>
          %sub3A_718 = arith.subf %add3A_702, %mul3A_717 : vector<16xf32>
          %mul3A_719 = arith.mulf %sub3A_713, %sub3A_713 : vector<16xf32>
          %mul3A_720 = arith.mulf %sub3A_718, %sub3A_718 : vector<16xf32>
          %add3A_721 = arith.addf %mul3A_719, %mul3A_720 : vector<16xf32>
          %mul3A_722 = arith.mulf %add3A_708, %add3A_708 : vector<16xf32>
          %bitcast3A_723 = vector.bitcast %add3A_721 : vector<16xf32> to vector<16xi32>
          %shift_right_logical3A_724 = arith.constant 1 : i32
          %shift_right_logical3A_725 = vector.broadcast %shift_right_logical3A_724 : i32 to vector<16xi32>
          %shift_right_logical3A_726 = arith.shrui %bitcast3A_723, %shift_right_logical3A_725 : vector<16xi32>
          %sub3A_727 = arith.constant 1597463007 : i32
          %sub3A_728 = vector.broadcast %sub3A_727 : i32 to vector<16xi32>
          %sub3A_729 = arith.subi %sub3A_728, %shift_right_logical3A_726 : vector<16xi32>
          %bitcast3A_730 = vector.bitcast %sub3A_729 : vector<16xi32> to vector<16xf32>
          %bitcast3A_731 = vector.bitcast %mul3A_722 : vector<16xf32> to vector<16xi32>
          %shift_right_logical3A_732 = arith.constant 1 : i32
          %shift_right_logical3A_733 = vector.broadcast %shift_right_logical3A_732 : i32 to vector<16xi32>
          %shift_right_logical3A_734 = arith.shrui %bitcast3A_731, %shift_right_logical3A_733 : vector<16xi32>
          %sub3A_735 = arith.constant 1597463007 : i32
          %sub3A_736 = vector.broadcast %sub3A_735 : i32 to vector<16xi32>
          %sub3A_737 = arith.subi %sub3A_736, %shift_right_logical3A_734 : vector<16xi32>
          %bitcast3A_738 = vector.bitcast %sub3A_737 : vector<16xi32> to vector<16xf32>
          %mul3A_739 = arith.constant 5.000000e-01 : f32
          %mul3A_740 = vector.broadcast %mul3A_739 : f32 to vector<16xf32>
          %mul3A_741 = arith.mulf %mul3A_740, %add3A_721 : vector<16xf32>
          %mul3A_742 = arith.constant 5.000000e-01 : f32
          %mul3A_743 = vector.broadcast %mul3A_742 : f32 to vector<16xf32>
          %mul3A_744 = arith.mulf %mul3A_743, %mul3A_722 : vector<16xf32>
          %mul3A_745 = arith.mulf %mul3A_741, %bitcast3A_730 : vector<16xf32>
          %mul3A_746 = arith.mulf %mul3A_745, %bitcast3A_730 : vector<16xf32>
          %sub3A_747 = arith.constant 1.500000e+00 : f32
          %sub3A_748 = vector.broadcast %sub3A_747 : f32 to vector<16xf32>
          %sub3A_749 = arith.subf %sub3A_748, %mul3A_746 : vector<16xf32>
          %mul3A_750 = arith.mulf %bitcast3A_730, %sub3A_749 : vector<16xf32>
          %mul3A_751 = arith.mulf %mul3A_744, %bitcast3A_738 : vector<16xf32>
          %mul3A_752 = arith.mulf %mul3A_751, %bitcast3A_738 : vector<16xf32>
          %sub3A_753 = arith.constant 1.500000e+00 : f32
          %sub3A_754 = vector.broadcast %sub3A_753 : f32 to vector<16xf32>
          %sub3A_755 = arith.subf %sub3A_754, %mul3A_752 : vector<16xf32>
          %mul3A_756 = arith.mulf %bitcast3A_738, %sub3A_755 : vector<16xf32>
          %mul3A_757 = arith.mulf %mul3A_741, %mul3A_750 : vector<16xf32>
          %mul3A_758 = arith.mulf %mul3A_757, %mul3A_750 : vector<16xf32>
          %sub3A_759 = arith.constant 1.500000e+00 : f32
          %sub3A_760 = vector.broadcast %sub3A_759 : f32 to vector<16xf32>
          %sub3A_761 = arith.subf %sub3A_760, %mul3A_758 : vector<16xf32>
          %mul3A_762 = arith.mulf %mul3A_750, %sub3A_761 : vector<16xf32>
          %mul3A_763 = arith.mulf %mul3A_744, %mul3A_756 : vector<16xf32>
          %mul3A_764 = arith.mulf %mul3A_763, %mul3A_756 : vector<16xf32>
          %sub3A_765 = arith.constant 1.500000e+00 : f32
          %sub3A_766 = vector.broadcast %sub3A_765 : f32 to vector<16xf32>
          %sub3A_767 = arith.subf %sub3A_766, %mul3A_764 : vector<16xf32>
          %mul3A_768 = arith.mulf %mul3A_756, %sub3A_767 : vector<16xf32>
          %mul3A_769 = arith.mulf %add3A_721, %mul3A_762 : vector<16xf32>
          %mul3A_770 = arith.mulf %mul3A_769, %mul3A_768 : vector<16xf32>
          %swap3A_771 = arith.index_cast %mul3A_660 : i32 to index
          %swap3A_772 = tpu.vector_load %arg38[%swap3A_771] {strides = array<i32>} : memref<3200xf32, #tpu.memory_space<vmem>>, vector<16xf32>,
          tpu.vector_store %arg38[%swap3A_771], %mul3A_770 {strides = array<i32>} : memref<3200xf32, #tpu.memory_space<vmem>>, vector<16xf32>,
          %scan3A_773 = arith.constant 5 : i32
          %scan3A_774 = arith.addi %scan3A_180, %scan3A_773 : i32
          %mul3A_775 = arith.constant 1 : i32
          %mul3A_776 = arith.muli %scan3A_774, %mul3A_775 : i32
          %add3A_777 = arith.constant 0 : i32
          %add3A_778 = arith.addi %add3A_777, %mul3A_776 : i32
          %mul3A_779 = arith.constant 16 : i32
          %mul3A_780 = arith.muli %add3A_778, %mul3A_779 : i32
          %get3A_781 = arith.index_cast %mul3A_780 : i32 to index
          %get3A_782 = tpu.vector_load %arg34[%get3A_781] {strides = array<i32>} : memref<3200xi32, #tpu.memory_space<vmem>>, vector<16xi32>,
          %gather3A_783 = tpu.vector_load_idx %arg9[%get3A_782] : memref<2048xf32, #tpu.memory_space<vmem>>[vector<16xi32>], vector<16xf32>,
          %gather3A_784 = tpu.vector_load_idx %arg10[%get3A_782] : memref<2048xf32, #tpu.memory_space<vmem>>[vector<16xi32>], vector<16xf32>,
          %gather3A_785 = tpu.vector_load_idx %arg11[%get3A_782] : memref<2048xf32, #tpu.memory_space<vmem>>[vector<16xi32>], vector<16xf32>,
          %gather3A_786 = tpu.vector_load_idx %arg12[%get3A_782] : memref<2048xf32, #tpu.memory_space<vmem>>[vector<16xi32>], vector<16xf32>,
          %gather3A_787 = tpu.vector_load_idx %arg13[%get3A_782] : memref<2048xf32, #tpu.memory_space<vmem>>[vector<16xi32>], vector<16xf32>,
          %gather3A_788 = tpu.vector_load_idx %arg14[%get3A_782] : memref<2048xf32, #tpu.memory_space<vmem>>[vector<16xi32>], vector<16xf32>,
          %gather3A_789 = tpu.vector_load_idx %arg15[%get3A_782] : memref<2048xf32, #tpu.memory_space<vmem>>[vector<16xi32>], vector<16xf32>,
          %gather3A_790 = tpu.vector_load_idx %arg16[%get3A_782] : memref<2048xf32, #tpu.memory_space<vmem>>[vector<16xi32>], vector<16xf32>,
          %gather3A_791 = tpu.vector_load_idx %arg17[%get3A_782] : memref<2048xf32, #tpu.memory_space<vmem>>[vector<16xi32>], vector<16xf32>,
          %gather3A_792 = tpu.vector_load_idx %arg18[%get3A_782] : memref<2048xf32, #tpu.memory_space<vmem>>[vector<16xi32>], vector<16xf32>,
          %gather3A_793 = tpu.vector_load_idx %arg19[%get3A_782] : memref<2048xf32, #tpu.memory_space<vmem>>[vector<16xi32>], vector<16xf32>,
          %gather3A_794 = tpu.vector_load_idx %arg20[%get3A_782] : memref<2048xf32, #tpu.memory_space<vmem>>[vector<16xi32>], vector<16xf32>,
          %get3A_795 = arith.index_cast %mul3A_780 : i32 to index
          %get3A_796 = tpu.vector_load %arg36[%get3A_795] {strides = array<i32>} : memref<3200xi32, #tpu.memory_space<vmem>>, vector<16xi32>,
          %bitcast3A_797 = vector.bitcast %get3A_796 : vector<16xi32> to vector<16xf32>
          %shift_left3A_798 = arith.constant 16 : i32
          %shift_left3A_799 = vector.broadcast %shift_left3A_798 : i32 to vector<16xi32>
          %shift_left3A_800 = arith.shli %get3A_796, %shift_left3A_799 : vector<16xi32>
          %bitcast3A_801 = vector.bitcast %shift_left3A_800 : vector<16xi32> to vector<16xf32>
          %get3A_802 = arith.index_cast %mul3A_780 : i32 to index
          %get3A_803 = tpu.vector_load %arg37[%get3A_802] {strides = array<i32>} : memref<3200xf32, #tpu.memory_space<vmem>>, vector<16xf32>,
          %get3A_804 = arith.index_cast %mul3A_780 : i32 to index
          %get3A_805 = tpu.vector_load %arg35[%get3A_804] {strides = array<i32>} : memref<3200xi32, #tpu.memory_space<vmem>>, vector<16xi32>,
          %bitcast3A_806 = vector.bitcast %get3A_805 : vector<16xi32> to vector<16xf32>
          %shift_left3A_807 = arith.constant 16 : i32
          %shift_left3A_808 = vector.broadcast %shift_left3A_807 : i32 to vector<16xi32>
          %shift_left3A_809 = arith.shli %get3A_805, %shift_left3A_808 : vector<16xi32>
          %bitcast3A_810 = vector.bitcast %shift_left3A_809 : vector<16xi32> to vector<16xf32>
          %mul3A_811 = arith.mulf %gather3A_783, %bitcast3A_797 : vector<16xf32>
          %mul3A_812 = arith.mulf %gather3A_784, %bitcast3A_801 : vector<16xf32>
          %add3A_813 = arith.addf %mul3A_811, %mul3A_812 : vector<16xf32>
          %mul3A_814 = arith.mulf %gather3A_785, %get3A_803 : vector<16xf32>
          %add3A_815 = arith.addf %add3A_813, %mul3A_814 : vector<16xf32>
          %add3A_816 = arith.addf %add3A_815, %gather3A_786 : vector<16xf32>
          %mul3A_817 = arith.mulf %gather3A_787, %bitcast3A_797 : vector<16xf32>
          %mul3A_818 = arith.mulf %gather3A_788, %bitcast3A_801 : vector<16xf32>
          %add3A_819 = arith.addf %mul3A_817, %mul3A_818 : vector<16xf32>
          %mul3A_820 = arith.mulf %gather3A_789, %get3A_803 : vector<16xf32>
          %add3A_821 = arith.addf %add3A_819, %mul3A_820 : vector<16xf32>
          %add3A_822 = arith.addf %add3A_821, %gather3A_790 : vector<16xf32>
          %mul3A_823 = arith.mulf %gather3A_791, %bitcast3A_797 : vector<16xf32>
          %mul3A_824 = arith.mulf %gather3A_792, %bitcast3A_801 : vector<16xf32>
          %add3A_825 = arith.addf %mul3A_823, %mul3A_824 : vector<16xf32>
          %mul3A_826 = arith.mulf %gather3A_793, %get3A_803 : vector<16xf32>
          %add3A_827 = arith.addf %add3A_825, %mul3A_826 : vector<16xf32>
          %add3A_828 = arith.addf %add3A_827, %gather3A_794 : vector<16xf32>
          %sub3A_829 = arith.constant 5.120000e+02 : f32
          %sub3A_830 = vector.broadcast %sub3A_829 : f32 to vector<16xf32>
          %sub3A_831 = arith.subf %bitcast3A_806, %sub3A_830 : vector<16xf32>
          %mul3A_832 = arith.mulf %sub3A_831, %add3A_828 : vector<16xf32>
          %sub3A_833 = arith.subf %add3A_816, %mul3A_832 : vector<16xf32>
          %sub3A_834 = arith.constant 5.120000e+02 : f32
          %sub3A_835 = vector.broadcast %sub3A_834 : f32 to vector<16xf32>
          %sub3A_836 = arith.subf %bitcast3A_810, %sub3A_835 : vector<16xf32>
          %mul3A_837 = arith.mulf %sub3A_836, %add3A_828 : vector<16xf32>
          %sub3A_838 = arith.subf %add3A_822, %mul3A_837 : vector<16xf32>
          %mul3A_839 = arith.mulf %sub3A_833, %sub3A_833 : vector<16xf32>
          %mul3A_840 = arith.mulf %sub3A_838, %sub3A_838 : vector<16xf32>
          %add3A_841 = arith.addf %mul3A_839, %mul3A_840 : vector<16xf32>
          %mul3A_842 = arith.mulf %add3A_828, %add3A_828 : vector<16xf32>
          %bitcast3A_843 = vector.bitcast %add3A_841 : vector<16xf32> to vector<16xi32>
          %shift_right_logical3A_844 = arith.constant 1 : i32
          %shift_right_logical3A_845 = vector.broadcast %shift_right_logical3A_844 : i32 to vector<16xi32>
          %shift_right_logical3A_846 = arith.shrui %bitcast3A_843, %shift_right_logical3A_845 : vector<16xi32>
          %sub3A_847 = arith.constant 1597463007 : i32
          %sub3A_848 = vector.broadcast %sub3A_847 : i32 to vector<16xi32>
          %sub3A_849 = arith.subi %sub3A_848, %shift_right_logical3A_846 : vector<16xi32>
          %bitcast3A_850 = vector.bitcast %sub3A_849 : vector<16xi32> to vector<16xf32>
          %bitcast3A_851 = vector.bitcast %mul3A_842 : vector<16xf32> to vector<16xi32>
          %shift_right_logical3A_852 = arith.constant 1 : i32
          %shift_right_logical3A_853 = vector.broadcast %shift_right_logical3A_852 : i32 to vector<16xi32>
          %shift_right_logical3A_854 = arith.shrui %bitcast3A_851, %shift_right_logical3A_853 : vector<16xi32>
          %sub3A_855 = arith.constant 1597463007 : i32
          %sub3A_856 = vector.broadcast %sub3A_855 : i32 to vector<16xi32>
          %sub3A_857 = arith.subi %sub3A_856, %shift_right_logical3A_854 : vector<16xi32>
          %bitcast3A_858 = vector.bitcast %sub3A_857 : vector<16xi32> to vector<16xf32>
          %mul3A_859 = arith.constant 5.000000e-01 : f32
          %mul3A_860 = vector.broadcast %mul3A_859 : f32 to vector<16xf32>
          %mul3A_861 = arith.mulf %mul3A_860, %add3A_841 : vector<16xf32>
          %mul3A_862 = arith.constant 5.000000e-01 : f32
          %mul3A_863 = vector.broadcast %mul3A_862 : f32 to vector<16xf32>
          %mul3A_864 = arith.mulf %mul3A_863, %mul3A_842 : vector<16xf32>
          %mul3A_865 = arith.mulf %mul3A_861, %bitcast3A_850 : vector<16xf32>
          %mul3A_866 = arith.mulf %mul3A_865, %bitcast3A_850 : vector<16xf32>
          %sub3A_867 = arith.constant 1.500000e+00 : f32
          %sub3A_868 = vector.broadcast %sub3A_867 : f32 to vector<16xf32>
          %sub3A_869 = arith.subf %sub3A_868, %mul3A_866 : vector<16xf32>
          %mul3A_870 = arith.mulf %bitcast3A_850, %sub3A_869 : vector<16xf32>
          %mul3A_871 = arith.mulf %mul3A_864, %bitcast3A_858 : vector<16xf32>
          %mul3A_872 = arith.mulf %mul3A_871, %bitcast3A_858 : vector<16xf32>
          %sub3A_873 = arith.constant 1.500000e+00 : f32
          %sub3A_874 = vector.broadcast %sub3A_873 : f32 to vector<16xf32>
          %sub3A_875 = arith.subf %sub3A_874, %mul3A_872 : vector<16xf32>
          %mul3A_876 = arith.mulf %bitcast3A_858, %sub3A_875 : vector<16xf32>
          %mul3A_877 = arith.mulf %mul3A_861, %mul3A_870 : vector<16xf32>
          %mul3A_878 = arith.mulf %mul3A_877, %mul3A_870 : vector<16xf32>
          %sub3A_879 = arith.constant 1.500000e+00 : f32
          %sub3A_880 = vector.broadcast %sub3A_879 : f32 to vector<16xf32>
          %sub3A_881 = arith.subf %sub3A_880, %mul3A_878 : vector<16xf32>
          %mul3A_882 = arith.mulf %mul3A_870, %sub3A_881 : vector<16xf32>
          %mul3A_883 = arith.mulf %mul3A_864, %mul3A_876 : vector<16xf32>
          %mul3A_884 = arith.mulf %mul3A_883, %mul3A_876 : vector<16xf32>
          %sub3A_885 = arith.constant 1.500000e+00 : f32
          %sub3A_886 = vector.broadcast %sub3A_885 : f32 to vector<16xf32>
          %sub3A_887 = arith.subf %sub3A_886, %mul3A_884 : vector<16xf32>
          %mul3A_888 = arith.mulf %mul3A_876, %sub3A_887 : vector<16xf32>
          %mul3A_889 = arith.mulf %add3A_841, %mul3A_882 : vector<16xf32>
          %mul3A_890 = arith.mulf %mul3A_889, %mul3A_888 : vector<16xf32>
          %swap3A_891 = arith.index_cast %mul3A_780 : i32 to index
          %swap3A_892 = tpu.vector_load %arg38[%swap3A_891] {strides = array<i32>} : memref<3200xf32, #tpu.memory_space<vmem>>, vector<16xf32>,
          tpu.vector_store %arg38[%swap3A_891], %mul3A_890 {strides = array<i32>} : memref<3200xf32, #tpu.memory_space<vmem>>, vector<16xf32>,
          %scan3A_893 = arith.constant 6 : i32
          %scan3A_894 = arith.addi %scan3A_180, %scan3A_893 : i32
          %mul3A_895 = arith.constant 1 : i32
          %mul3A_896 = arith.muli %scan3A_894, %mul3A_895 : i32
          %add3A_897 = arith.constant 0 : i32
          %add3A_898 = arith.addi %add3A_897, %mul3A_896 : i32
          %mul3A_899 = arith.constant 16 : i32
          %mul3A_900 = arith.muli %add3A_898, %mul3A_899 : i32
          %get3A_901 = arith.index_cast %mul3A_900 : i32 to index
          %get3A_902 = tpu.vector_load %arg34[%get3A_901] {strides = array<i32>} : memref<3200xi32, #tpu.memory_space<vmem>>, vector<16xi32>,
          %gather3A_903 = tpu.vector_load_idx %arg9[%get3A_902] : memref<2048xf32, #tpu.memory_space<vmem>>[vector<16xi32>], vector<16xf32>,
          %gather3A_904 = tpu.vector_load_idx %arg10[%get3A_902] : memref<2048xf32, #tpu.memory_space<vmem>>[vector<16xi32>], vector<16xf32>,
          %gather3A_905 = tpu.vector_load_idx %arg11[%get3A_902] : memref<2048xf32, #tpu.memory_space<vmem>>[vector<16xi32>], vector<16xf32>,
          %gather3A_906 = tpu.vector_load_idx %arg12[%get3A_902] : memref<2048xf32, #tpu.memory_space<vmem>>[vector<16xi32>], vector<16xf32>,
          %gather3A_907 = tpu.vector_load_idx %arg13[%get3A_902] : memref<2048xf32, #tpu.memory_space<vmem>>[vector<16xi32>], vector<16xf32>,
          %gather3A_908 = tpu.vector_load_idx %arg14[%get3A_902] : memref<2048xf32, #tpu.memory_space<vmem>>[vector<16xi32>], vector<16xf32>,
          %gather3A_909 = tpu.vector_load_idx %arg15[%get3A_902] : memref<2048xf32, #tpu.memory_space<vmem>>[vector<16xi32>], vector<16xf32>,
          %gather3A_910 = tpu.vector_load_idx %arg16[%get3A_902] : memref<2048xf32, #tpu.memory_space<vmem>>[vector<16xi32>], vector<16xf32>,
          %gather3A_911 = tpu.vector_load_idx %arg17[%get3A_902] : memref<2048xf32, #tpu.memory_space<vmem>>[vector<16xi32>], vector<16xf32>,
          %gather3A_912 = tpu.vector_load_idx %arg18[%get3A_902] : memref<2048xf32, #tpu.memory_space<vmem>>[vector<16xi32>], vector<16xf32>,
          %gather3A_913 = tpu.vector_load_idx %arg19[%get3A_902] : memref<2048xf32, #tpu.memory_space<vmem>>[vector<16xi32>], vector<16xf32>,
          %gather3A_914 = tpu.vector_load_idx %arg20[%get3A_902] : memref<2048xf32, #tpu.memory_space<vmem>>[vector<16xi32>], vector<16xf32>,
          %get3A_915 = arith.index_cast %mul3A_900 : i32 to index
          %get3A_916 = tpu.vector_load %arg36[%get3A_915] {strides = array<i32>} : memref<3200xi32, #tpu.memory_space<vmem>>, vector<16xi32>,
          %bitcast3A_917 = vector.bitcast %get3A_916 : vector<16xi32> to vector<16xf32>
          %shift_left3A_918 = arith.constant 16 : i32
          %shift_left3A_919 = vector.broadcast %shift_left3A_918 : i32 to vector<16xi32>
          %shift_left3A_920 = arith.shli %get3A_916, %shift_left3A_919 : vector<16xi32>
          %bitcast3A_921 = vector.bitcast %shift_left3A_920 : vector<16xi32> to vector<16xf32>
          %get3A_922 = arith.index_cast %mul3A_900 : i32 to index
          %get3A_923 = tpu.vector_load %arg37[%get3A_922] {strides = array<i32>} : memref<3200xf32, #tpu.memory_space<vmem>>, vector<16xf32>,
          %get3A_924 = arith.index_cast %mul3A_900 : i32 to index
          %get3A_925 = tpu.vector_load %arg35[%get3A_924] {strides = array<i32>} : memref<3200xi32, #tpu.memory_space<vmem>>, vector<16xi32>,
          %bitcast3A_926 = vector.bitcast %get3A_925 : vector<16xi32> to vector<16xf32>
          %shift_left3A_927 = arith.constant 16 : i32
          %shift_left3A_928 = vector.broadcast %shift_left3A_927 : i32 to vector<16xi32>
          %shift_left3A_929 = arith.shli %get3A_925, %shift_left3A_928 : vector<16xi32>
          %bitcast3A_930 = vector.bitcast %shift_left3A_929 : vector<16xi32> to vector<16xf32>
          %mul3A_931 = arith.mulf %gather3A_903, %bitcast3A_917 : vector<16xf32>
          %mul3A_932 = arith.mulf %gather3A_904, %bitcast3A_921 : vector<16xf32>
          %add3A_933 = arith.addf %mul3A_931, %mul3A_932 : vector<16xf32>
          %mul3A_934 = arith.mulf %gather3A_905, %get3A_923 : vector<16xf32>
          %add3A_935 = arith.addf %add3A_933, %mul3A_934 : vector<16xf32>
          %add3A_936 = arith.addf %add3A_935, %gather3A_906 : vector<16xf32>
          %mul3A_937 = arith.mulf %gather3A_907, %bitcast3A_917 : vector<16xf32>
          %mul3A_938 = arith.mulf %gather3A_908, %bitcast3A_921 : vector<16xf32>
          %add3A_939 = arith.addf %mul3A_937, %mul3A_938 : vector<16xf32>
          %mul3A_940 = arith.mulf %gather3A_909, %get3A_923 : vector<16xf32>
          %add3A_941 = arith.addf %add3A_939, %mul3A_940 : vector<16xf32>
          %add3A_942 = arith.addf %add3A_941, %gather3A_910 : vector<16xf32>
          %mul3A_943 = arith.mulf %gather3A_911, %bitcast3A_917 : vector<16xf32>
          %mul3A_944 = arith.mulf %gather3A_912, %bitcast3A_921 : vector<16xf32>
          %add3A_945 = arith.addf %mul3A_943, %mul3A_944 : vector<16xf32>
          %mul3A_946 = arith.mulf %gather3A_913, %get3A_923 : vector<16xf32>
          %add3A_947 = arith.addf %add3A_945, %mul3A_946 : vector<16xf32>
          %add3A_948 = arith.addf %add3A_947, %gather3A_914 : vector<16xf32>
          %sub3A_949 = arith.constant 5.120000e+02 : f32
          %sub3A_950 = vector.broadcast %sub3A_949 : f32 to vector<16xf32>
          %sub3A_951 = arith.subf %bitcast3A_926, %sub3A_950 : vector<16xf32>
          %mul3A_952 = arith.mulf %sub3A_951, %add3A_948 : vector<16xf32>
          %sub3A_953 = arith.subf %add3A_936, %mul3A_952 : vector<16xf32>
          %sub3A_954 = arith.constant 5.120000e+02 : f32
          %sub3A_955 = vector.broadcast %sub3A_954 : f32 to vector<16xf32>
          %sub3A_956 = arith.subf %bitcast3A_930, %sub3A_955 : vector<16xf32>
          %mul3A_957 = arith.mulf %sub3A_956, %add3A_948 : vector<16xf32>
          %sub3A_958 = arith.subf %add3A_942, %mul3A_957 : vector<16xf32>
          %mul3A_959 = arith.mulf %sub3A_953, %sub3A_953 : vector<16xf32>
          %mul3A_960 = arith.mulf %sub3A_958, %sub3A_958 : vector<16xf32>
          %add3A_961 = arith.addf %mul3A_959, %mul3A_960 : vector<16xf32>
          %mul3A_962 = arith.mulf %add3A_948, %add3A_948 : vector<16xf32>
          %bitcast3A_963 = vector.bitcast %add3A_961 : vector<16xf32> to vector<16xi32>
          %shift_right_logical3A_964 = arith.constant 1 : i32
          %shift_right_logical3A_965 = vector.broadcast %shift_right_logical3A_964 : i32 to vector<16xi32>
          %shift_right_logical3A_966 = arith.shrui %bitcast3A_963, %shift_right_logical3A_965 : vector<16xi32>
          %sub3A_967 = arith.constant 1597463007 : i32
          %sub3A_968 = vector.broadcast %sub3A_967 : i32 to vector<16xi32>
          %sub3A_969 = arith.subi %sub3A_968, %shift_right_logical3A_966 : vector<16xi32>
          %bitcast3A_970 = vector.bitcast %sub3A_969 : vector<16xi32> to vector<16xf32>
          %bitcast3A_971 = vector.bitcast %mul3A_962 : vector<16xf32> to vector<16xi32>
          %shift_right_logical3A_972 = arith.constant 1 : i32
          %shift_right_logical3A_973 = vector.broadcast %shift_right_logical3A_972 : i32 to vector<16xi32>
          %shift_right_logical3A_974 = arith.shrui %bitcast3A_971, %shift_right_logical3A_973 : vector<16xi32>
          %sub3A_975 = arith.constant 1597463007 : i32
          %sub3A_976 = vector.broadcast %sub3A_975 : i32 to vector<16xi32>
          %sub3A_977 = arith.subi %sub3A_976, %shift_right_logical3A_974 : vector<16xi32>
          %bitcast3A_978 = vector.bitcast %sub3A_977 : vector<16xi32> to vector<16xf32>
          %mul3A_979 = arith.constant 5.000000e-01 : f32
          %mul3A_980 = vector.broadcast %mul3A_979 : f32 to vector<16xf32>
          %mul3A_981 = arith.mulf %mul3A_980, %add3A_961 : vector<16xf32>
          %mul3A_982 = arith.constant 5.000000e-01 : f32
          %mul3A_983 = vector.broadcast %mul3A_982 : f32 to vector<16xf32>
          %mul3A_984 = arith.mulf %mul3A_983, %mul3A_962 : vector<16xf32>
          %mul3A_985 = arith.mulf %mul3A_981, %bitcast3A_970 : vector<16xf32>
          %mul3A_986 = arith.mulf %mul3A_985, %bitcast3A_970 : vector<16xf32>
          %sub3A_987 = arith.constant 1.500000e+00 : f32
          %sub3A_988 = vector.broadcast %sub3A_987 : f32 to vector<16xf32>
          %sub3A_989 = arith.subf %sub3A_988, %mul3A_986 : vector<16xf32>
          %mul3A_990 = arith.mulf %bitcast3A_970, %sub3A_989 : vector<16xf32>
          %mul3A_991 = arith.mulf %mul3A_984, %bitcast3A_978 : vector<16xf32>
          %mul3A_992 = arith.mulf %mul3A_991, %bitcast3A_978 : vector<16xf32>
          %sub3A_993 = arith.constant 1.500000e+00 : f32
          %sub3A_994 = vector.broadcast %sub3A_993 : f32 to vector<16xf32>
          %sub3A_995 = arith.subf %sub3A_994, %mul3A_992 : vector<16xf32>
          %mul3A_996 = arith.mulf %bitcast3A_978, %sub3A_995 : vector<16xf32>
          %mul3A_997 = arith.mulf %mul3A_981, %mul3A_990 : vector<16xf32>
          %mul3A_998 = arith.mulf %mul3A_997, %mul3A_990 : vector<16xf32>
          %sub3A_999 = arith.constant 1.500000e+00 : f32
          %sub3A_1000 = vector.broadcast %sub3A_999 : f32 to vector<16xf32>
          %sub3A_1001 = arith.subf %sub3A_1000, %mul3A_998 : vector<16xf32>
          %mul3A_1002 = arith.mulf %mul3A_990, %sub3A_1001 : vector<16xf32>
          %mul3A_1003 = arith.mulf %mul3A_984, %mul3A_996 : vector<16xf32>
          %mul3A_1004 = arith.mulf %mul3A_1003, %mul3A_996 : vector<16xf32>
          %sub3A_1005 = arith.constant 1.500000e+00 : f32
          %sub3A_1006 = vector.broadcast %sub3A_1005 : f32 to vector<16xf32>
          %sub3A_1007 = arith.subf %sub3A_1006, %mul3A_1004 : vector<16xf32>
          %mul3A_1008 = arith.mulf %mul3A_996, %sub3A_1007 : vector<16xf32>
          %mul3A_1009 = arith.mulf %add3A_961, %mul3A_1002 : vector<16xf32>
          %mul3A_1010 = arith.mulf %mul3A_1009, %mul3A_1008 : vector<16xf32>
          %swap3A_1011 = arith.index_cast %mul3A_900 : i32 to index
          %swap3A_1012 = tpu.vector_load %arg38[%swap3A_1011] {strides = array<i32>} : memref<3200xf32, #tpu.memory_space<vmem>>, vector<16xf32>,
          tpu.vector_store %arg38[%swap3A_1011], %mul3A_1010 {strides = array<i32>} : memref<3200xf32, #tpu.memory_space<vmem>>, vector<16xf32>,
          %scan3A_1013 = arith.constant 7 : i32
          %scan3A_1014 = arith.addi %scan3A_180, %scan3A_1013 : i32
          %mul3A_1015 = arith.constant 1 : i32
          %mul3A_1016 = arith.muli %scan3A_1014, %mul3A_1015 : i32
          %add3A_1017 = arith.constant 0 : i32
          %add3A_1018 = arith.addi %add3A_1017, %mul3A_1016 : i32
          %mul3A_1019 = arith.constant 16 : i32
          %mul3A_1020 = arith.muli %add3A_1018, %mul3A_1019 : i32
          %get3A_1021 = arith.index_cast %mul3A_1020 : i32 to index
          %get3A_1022 = tpu.vector_load %arg34[%get3A_1021] {strides = array<i32>} : memref<3200xi32, #tpu.memory_space<vmem>>, vector<16xi32>,
          %gather3A_1023 = tpu.vector_load_idx %arg9[%get3A_1022] : memref<2048xf32, #tpu.memory_space<vmem>>[vector<16xi32>], vector<16xf32>,
          %gather3A_1024 = tpu.vector_load_idx %arg10[%get3A_1022] : memref<2048xf32, #tpu.memory_space<vmem>>[vector<16xi32>], vector<16xf32>,
          %gather3A_1025 = tpu.vector_load_idx %arg11[%get3A_1022] : memref<2048xf32, #tpu.memory_space<vmem>>[vector<16xi32>], vector<16xf32>,
          %gather3A_1026 = tpu.vector_load_idx %arg12[%get3A_1022] : memref<2048xf32, #tpu.memory_space<vmem>>[vector<16xi32>], vector<16xf32>,
          %gather3A_1027 = tpu.vector_load_idx %arg13[%get3A_1022] : memref<2048xf32, #tpu.memory_space<vmem>>[vector<16xi32>], vector<16xf32>,
          %gather3A_1028 = tpu.vector_load_idx %arg14[%get3A_1022] : memref<2048xf32, #tpu.memory_space<vmem>>[vector<16xi32>], vector<16xf32>,
          %gather3A_1029 = tpu.vector_load_idx %arg15[%get3A_1022] : memref<2048xf32, #tpu.memory_space<vmem>>[vector<16xi32>], vector<16xf32>,
          %gather3A_1030 = tpu.vector_load_idx %arg16[%get3A_1022] : memref<2048xf32, #tpu.memory_space<vmem>>[vector<16xi32>], vector<16xf32>,
          %gather3A_1031 = tpu.vector_load_idx %arg17[%get3A_1022] : memref<2048xf32, #tpu.memory_space<vmem>>[vector<16xi32>], vector<16xf32>,
          %gather3A_1032 = tpu.vector_load_idx %arg18[%get3A_1022] : memref<2048xf32, #tpu.memory_space<vmem>>[vector<16xi32>], vector<16xf32>,
          %gather3A_1033 = tpu.vector_load_idx %arg19[%get3A_1022] : memref<2048xf32, #tpu.memory_space<vmem>>[vector<16xi32>], vector<16xf32>,
          %gather3A_1034 = tpu.vector_load_idx %arg20[%get3A_1022] : memref<2048xf32, #tpu.memory_space<vmem>>[vector<16xi32>], vector<16xf32>,
          %get3A_1035 = arith.index_cast %mul3A_1020 : i32 to index
          %get3A_1036 = tpu.vector_load %arg36[%get3A_1035] {strides = array<i32>} : memref<3200xi32, #tpu.memory_space<vmem>>, vector<16xi32>,
          %bitcast3A_1037 = vector.bitcast %get3A_1036 : vector<16xi32> to vector<16xf32>
          %shift_left3A_1038 = arith.constant 16 : i32
          %shift_left3A_1039 = vector.broadcast %shift_left3A_1038 : i32 to vector<16xi32>
          %shift_left3A_1040 = arith.shli %get3A_1036, %shift_left3A_1039 : vector<16xi32>
          %bitcast3A_1041 = vector.bitcast %shift_left3A_1040 : vector<16xi32> to vector<16xf32>
          %get3A_1042 = arith.index_cast %mul3A_1020 : i32 to index
          %get3A_1043 = tpu.vector_load %arg37[%get3A_1042] {strides = array<i32>} : memref<3200xf32, #tpu.memory_space<vmem>>, vector<16xf32>,
          %get3A_1044 = arith.index_cast %mul3A_1020 : i32 to index
          %get3A_1045 = tpu.vector_load %arg35[%get3A_1044] {strides = array<i32>} : memref<3200xi32, #tpu.memory_space<vmem>>, vector<16xi32>,
          %bitcast3A_1046 = vector.bitcast %get3A_1045 : vector<16xi32> to vector<16xf32>
          %shift_left3A_1047 = arith.constant 16 : i32
          %shift_left3A_1048 = vector.broadcast %shift_left3A_1047 : i32 to vector<16xi32>
          %shift_left3A_1049 = arith.shli %get3A_1045, %shift_left3A_1048 : vector<16xi32>
          %bitcast3A_1050 = vector.bitcast %shift_left3A_1049 : vector<16xi32> to vector<16xf32>
          %mul3A_1051 = arith.mulf %gather3A_1023, %bitcast3A_1037 : vector<16xf32>
          %mul3A_1052 = arith.mulf %gather3A_1024, %bitcast3A_1041 : vector<16xf32>
          %add3A_1053 = arith.addf %mul3A_1051, %mul3A_1052 : vector<16xf32>
          %mul3A_1054 = arith.mulf %gather3A_1025, %get3A_1043 : vector<16xf32>
          %add3A_1055 = arith.addf %add3A_1053, %mul3A_1054 : vector<16xf32>
          %add3A_1056 = arith.addf %add3A_1055, %gather3A_1026 : vector<16xf32>
          %mul3A_1057 = arith.mulf %gather3A_1027, %bitcast3A_1037 : vector<16xf32>
          %mul3A_1058 = arith.mulf %gather3A_1028, %bitcast3A_1041 : vector<16xf32>
          %add3A_1059 = arith.addf %mul3A_1057, %mul3A_1058 : vector<16xf32>
          %mul3A_1060 = arith.mulf %gather3A_1029, %get3A_1043 : vector<16xf32>
          %add3A_1061 = arith.addf %add3A_1059, %mul3A_1060 : vector<16xf32>
          %add3A_1062 = arith.addf %add3A_1061, %gather3A_1030 : vector<16xf32>
          %mul3A_1063 = arith.mulf %gather3A_1031, %bitcast3A_1037 : vector<16xf32>
          %mul3A_1064 = arith.mulf %gather3A_1032, %bitcast3A_1041 : vector<16xf32>
          %add3A_1065 = arith.addf %mul3A_1063, %mul3A_1064 : vector<16xf32>
          %mul3A_1066 = arith.mulf %gather3A_1033, %get3A_1043 : vector<16xf32>
          %add3A_1067 = arith.addf %add3A_1065, %mul3A_1066 : vector<16xf32>
          %add3A_1068 = arith.addf %add3A_1067, %gather3A_1034 : vector<16xf32>
          %sub3A_1069 = arith.constant 5.120000e+02 : f32
          %sub3A_1070 = vector.broadcast %sub3A_1069 : f32 to vector<16xf32>
          %sub3A_1071 = arith.subf %bitcast3A_1046, %sub3A_1070 : vector<16xf32>
          %mul3A_1072 = arith.mulf %sub3A_1071, %add3A_1068 : vector<16xf32>
          %sub3A_1073 = arith.subf %add3A_1056, %mul3A_1072 : vector<16xf32>
          %sub3A_1074 = arith.constant 5.120000e+02 : f32
          %sub3A_1075 = vector.broadcast %sub3A_1074 : f32 to vector<16xf32>
          %sub3A_1076 = arith.subf %bitcast3A_1050, %sub3A_1075 : vector<16xf32>
          %mul3A_1077 = arith.mulf %sub3A_1076, %add3A_1068 : vector<16xf32>
          %sub3A_1078 = arith.subf %add3A_1062, %mul3A_1077 : vector<16xf32>
          %mul3A_1079 = arith.mulf %sub3A_1073, %sub3A_1073 : vector<16xf32>
          %mul3A_1080 = arith.mulf %sub3A_1078, %sub3A_1078 : vector<16xf32>
          %add3A_1081 = arith.addf %mul3A_1079, %mul3A_1080 : vector<16xf32>
          %mul3A_1082 = arith.mulf %add3A_1068, %add3A_1068 : vector<16xf32>
          %bitcast3A_1083 = vector.bitcast %add3A_1081 : vector<16xf32> to vector<16xi32>
          %shift_right_logical3A_1084 = arith.constant 1 : i32
          %shift_right_logical3A_1085 = vector.broadcast %shift_right_logical3A_1084 : i32 to vector<16xi32>
          %shift_right_logical3A_1086 = arith.shrui %bitcast3A_1083, %shift_right_logical3A_1085 : vector<16xi32>
          %sub3A_1087 = arith.constant 1597463007 : i32
          %sub3A_1088 = vector.broadcast %sub3A_1087 : i32 to vector<16xi32>
          %sub3A_1089 = arith.subi %sub3A_1088, %shift_right_logical3A_1086 : vector<16xi32>
          %bitcast3A_1090 = vector.bitcast %sub3A_1089 : vector<16xi32> to vector<16xf32>
          %bitcast3A_1091 = vector.bitcast %mul3A_1082 : vector<16xf32> to vector<16xi32>
          %shift_right_logical3A_1092 = arith.constant 1 : i32
          %shift_right_logical3A_1093 = vector.broadcast %shift_right_logical3A_1092 : i32 to vector<16xi32>
          %shift_right_logical3A_1094 = arith.shrui %bitcast3A_1091, %shift_right_logical3A_1093 : vector<16xi32>
          %sub3A_1095 = arith.constant 1597463007 : i32
          %sub3A_1096 = vector.broadcast %sub3A_1095 : i32 to vector<16xi32>
          %sub3A_1097 = arith.subi %sub3A_1096, %shift_right_logical3A_1094 : vector<16xi32>
          %bitcast3A_1098 = vector.bitcast %sub3A_1097 : vector<16xi32> to vector<16xf32>
          %mul3A_1099 = arith.constant 5.000000e-01 : f32
          %mul3A_1100 = vector.broadcast %mul3A_1099 : f32 to vector<16xf32>
          %mul3A_1101 = arith.mulf %mul3A_1100, %add3A_1081 : vector<16xf32>
          %mul3A_1102 = arith.constant 5.000000e-01 : f32
          %mul3A_1103 = vector.broadcast %mul3A_1102 : f32 to vector<16xf32>
          %mul3A_1104 = arith.mulf %mul3A_1103, %mul3A_1082 : vector<16xf32>
          %mul3A_1105 = arith.mulf %mul3A_1101, %bitcast3A_1090 : vector<16xf32>
          %mul3A_1106 = arith.mulf %mul3A_1105, %bitcast3A_1090 : vector<16xf32>
          %sub3A_1107 = arith.constant 1.500000e+00 : f32
          %sub3A_1108 = vector.broadcast %sub3A_1107 : f32 to vector<16xf32>
          %sub3A_1109 = arith.subf %sub3A_1108, %mul3A_1106 : vector<16xf32>
          %mul3A_1110 = arith.mulf %bitcast3A_1090, %sub3A_1109 : vector<16xf32>
          %mul3A_1111 = arith.mulf %mul3A_1104, %bitcast3A_1098 : vector<16xf32>
          %mul3A_1112 = arith.mulf %mul3A_1111, %bitcast3A_1098 : vector<16xf32>
          %sub3A_1113 = arith.constant 1.500000e+00 : f32
          %sub3A_1114 = vector.broadcast %sub3A_1113 : f32 to vector<16xf32>
          %sub3A_1115 = arith.subf %sub3A_1114, %mul3A_1112 : vector<16xf32>
          %mul3A_1116 = arith.mulf %bitcast3A_1098, %sub3A_1115 : vector<16xf32>
          %mul3A_1117 = arith.mulf %mul3A_1101, %mul3A_1110 : vector<16xf32>
          %mul3A_1118 = arith.mulf %mul3A_1117, %mul3A_1110 : vector<16xf32>
          %sub3A_1119 = arith.constant 1.500000e+00 : f32
          %sub3A_1120 = vector.broadcast %sub3A_1119 : f32 to vector<16xf32>
          %sub3A_1121 = arith.subf %sub3A_1120, %mul3A_1118 : vector<16xf32>
          %mul3A_1122 = arith.mulf %mul3A_1110, %sub3A_1121 : vector<16xf32>
          %mul3A_1123 = arith.mulf %mul3A_1104, %mul3A_1116 : vector<16xf32>
          %mul3A_1124 = arith.mulf %mul3A_1123, %mul3A_1116 : vector<16xf32>
          %sub3A_1125 = arith.constant 1.500000e+00 : f32
          %sub3A_1126 = vector.broadcast %sub3A_1125 : f32 to vector<16xf32>
          %sub3A_1127 = arith.subf %sub3A_1126, %mul3A_1124 : vector<16xf32>
          %mul3A_1128 = arith.mulf %mul3A_1116, %sub3A_1127 : vector<16xf32>
          %mul3A_1129 = arith.mulf %add3A_1081, %mul3A_1122 : vector<16xf32>
          %mul3A_1130 = arith.mulf %mul3A_1129, %mul3A_1128 : vector<16xf32>
          %swap3A_1131 = arith.index_cast %mul3A_1020 : i32 to index
          %swap3A_1132 = tpu.vector_load %arg38[%swap3A_1131] {strides = array<i32>} : memref<3200xf32, #tpu.memory_space<vmem>>, vector<16xf32>,
          tpu.vector_store %arg38[%swap3A_1131], %mul3A_1130 {strides = array<i32>} : memref<3200xf32, #tpu.memory_space<vmem>>, vector<16xf32>,
        }
        %scan3A_169 = arith.constant 200 : i32
        %mul3A_170 = arith.constant 32 : i32
        %mul3A_171 = arith.muli %add3A_134, %mul3A_170 : i32
        %add3A_172 = arith.addi %add3A, %mul3A_171 : i32
        %mul3A_173 = arith.constant 3200 : i32
        %mul3A_174 = arith.muli %add3A_172, %mul3A_173 : i32
        %dma_start3A_175 = arith.constant 2 : i32
        %dma_start3A_176 = tpu.memref_slice %arg8[%mul3A_174] : memref<2000000xf32, #tpu.memory_space<hbm>> -> memref<3200xf32, #tpu.memory_space<hbm>>
        %dma_start3A_177 = tpu.memref_slice %arg43[%dma_start3A_175] : memref<3x!tpu.dma_semaphore, #tpu.memory_space<semaphore_mem>> -> memref<1x!tpu.dma_semaphore, #tpu.memory_space<semaphore_mem>>
        %dma_start3A_178 = tpu.memref_squeeze %dma_start3A_177 : memref<1x!tpu.dma_semaphore, #tpu.memory_space<semaphore_mem>> -> memref<!tpu.dma_semaphore, #tpu.memory_space<semaphore_mem>>
        %dma_start3A_179 = tpu.memref_slice %arg8[%mul3A_174] : memref<2000000xf32, #tpu.memory_space<hbm>> -> memref<3200xf32, #tpu.memory_space<hbm>>
        tpu.enqueue_dma source(%arg38 : memref<3200xf32, #tpu.memory_space<vmem>>) target(%dma_start3A_179 : memref<3200xf32, #tpu.memory_space<hbm>>) target_semaphore(%dma_start3A_178 : memref<!tpu.dma_semaphore, #tpu.memory_space<semaphore_mem>>)
      } else {
      }
    }
    %scan3A_93 = arith.constant 8 : i32
    %dma_wait3A_94 = arith.constant 0 : i32
    %dma_wait3A_95 = arith.constant 0 : i32
    %dma_wait3A_96 = tpu.memref_slice %arg8[%dma_wait3A_95] : memref<2000000xf32, #tpu.memory_space<hbm>> -> memref<3200xf32, #tpu.memory_space<hbm>>
    %dma_wait3A_97 = tpu.memref_slice %arg43[%dma_wait3A_94] : memref<3x!tpu.dma_semaphore, #tpu.memory_space<semaphore_mem>> -> memref<1x!tpu.dma_semaphore, #tpu.memory_space<semaphore_mem>>
    %dma_wait3A_98 = tpu.memref_squeeze %dma_wait3A_97 : memref<1x!tpu.dma_semaphore, #tpu.memory_space<semaphore_mem>> -> memref<!tpu.dma_semaphore, #tpu.memory_space<semaphore_mem>>
    %dma_wait3A_99 = arith.constant 0 : i32
    %dma_wait3A_100 = tpu.memref_slice %arg8[%dma_wait3A_99] : memref<2000000xf32, #tpu.memory_space<hbm>> -> memref<3200xf32, #tpu.memory_space<hbm>>
    tpu.wait_dma2 semaphore(%dma_wait3A_98 : memref<!tpu.dma_semaphore, #tpu.memory_space<semaphore_mem>>) src(%arg26 : memref<3200xf32, #tpu.memory_space<vmem>>) dst(%dma_wait3A_100 : memref<3200xf32, #tpu.memory_space<hbm>>)
    %dma_wait3A_101 = arith.constant 1 : i32
    %dma_wait3A_102 = arith.constant 0 : i32
    %dma_wait3A_103 = tpu.memref_slice %arg8[%dma_wait3A_102] : memref<2000000xf32, #tpu.memory_space<hbm>> -> memref<3200xf32, #tpu.memory_space<hbm>>
    %dma_wait3A_104 = tpu.memref_slice %arg43[%dma_wait3A_101] : memref<3x!tpu.dma_semaphore, #tpu.memory_space<semaphore_mem>> -> memref<1x!tpu.dma_semaphore, #tpu.memory_space<semaphore_mem>>
    %dma_wait3A_105 = tpu.memref_squeeze %dma_wait3A_104 : memref<1x!tpu.dma_semaphore, #tpu.memory_space<semaphore_mem>> -> memref<!tpu.dma_semaphore, #tpu.memory_space<semaphore_mem>>
    %dma_wait3A_106 = arith.constant 0 : i32
    %dma_wait3A_107 = tpu.memref_slice %arg8[%dma_wait3A_106] : memref<2000000xf32, #tpu.memory_space<hbm>> -> memref<3200xf32, #tpu.memory_space<hbm>>
    tpu.wait_dma2 semaphore(%dma_wait3A_105 : memref<!tpu.dma_semaphore, #tpu.memory_space<semaphore_mem>>) src(%arg32 : memref<3200xf32, #tpu.memory_space<vmem>>) dst(%dma_wait3A_107 : memref<3200xf32, #tpu.memory_space<hbm>>)
    %dma_wait3A_108 = arith.constant 2 : i32
    %dma_wait3A_109 = arith.constant 0 : i32
    %dma_wait3A_110 = tpu.memref_slice %arg8[%dma_wait3A_109] : memref<2000000xf32, #tpu.memory_space<hbm>> -> memref<3200xf32, #tpu.memory_space<hbm>>
    %dma_wait3A_111 = tpu.memref_slice %arg43[%dma_wait3A_108] : memref<3x!tpu.dma_semaphore, #tpu.memory_space<semaphore_mem>> -> memref<1x!tpu.dma_semaphore, #tpu.memory_space<semaphore_mem>>
    %dma_wait3A_112 = tpu.memref_squeeze %dma_wait3A_111 : memref<1x!tpu.dma_semaphore, #tpu.memory_space<semaphore_mem>> -> memref<!tpu.dma_semaphore, #tpu.memory_space<semaphore_mem>>
    %dma_wait3A_113 = arith.constant 0 : i32
    %dma_wait3A_114 = tpu.memref_slice %arg8[%dma_wait3A_113] : memref<2000000xf32, #tpu.memory_space<hbm>> -> memref<3200xf32, #tpu.memory_space<hbm>>
    tpu.wait_dma2 semaphore(%dma_wait3A_112 : memref<!tpu.dma_semaphore, #tpu.memory_space<semaphore_mem>>) src(%arg38 : memref<3200xf32, #tpu.memory_space<vmem>>) dst(%dma_wait3A_114 : memref<3200xf32, #tpu.memory_space<hbm>>)
    return
  }
}

module attributes {stable_mosaic.version = 14 : i64} {
  func.func @_view_table_body(%arg0: memref<3x2048xf32, #tpu.memory_space<vmem>>, %arg1: memref<3x2048xf32, #tpu.memory_space<vmem>>, %arg2: memref<1x1xf32, #tpu.memory_space<vmem>>, %arg3: memref<12x2048xf32, #tpu.memory_space<vmem>>) attributes {dimension_semantics = [], scalar_prefetch = 0 : i64, scratch_operands = 0 : i64, tpu.core_type = #tpu.core_type<tc>} {
    %get3A = arith.constant 0 : index
    %get3A_0 = arith.constant 0 : index
    %get3A_1 = vector.load %arg2[%get3A, %get3A_0] : memref<1x1xf32, #tpu.memory_space<vmem>>, vector<1x1xf32>
    %get3A_2 = vector.extract %get3A_1[0, 0] : f32 from vector<1x1xf32>
    %get3A_3 = arith.constant 0 : index
    %get3A_4 = arith.constant 0 : index
    %get3A_5 = vector.load %arg0[%get3A_3, %get3A_4] : memref<3x2048xf32, #tpu.memory_space<vmem>>, vector<1x2048xf32>
    %get3A_6 = arith.constant 1 : index
    %get3A_7 = arith.constant 0 : index
    %get3A_8 = vector.load %arg0[%get3A_6, %get3A_7] : memref<3x2048xf32, #tpu.memory_space<vmem>>, vector<1x2048xf32>
    %get3A_9 = arith.constant 2 : index
    %get3A_10 = arith.constant 0 : index
    %get3A_11 = vector.load %arg0[%get3A_9, %get3A_10] : memref<3x2048xf32, #tpu.memory_space<vmem>>, vector<1x2048xf32>
    %cos3A = math.cos %get3A_5 : vector<1x2048xf32>
    %sin3A = math.sin %get3A_5 : vector<1x2048xf32>
    %cos3A_12 = math.cos %get3A_8 : vector<1x2048xf32>
    %sin3A_13 = math.sin %get3A_8 : vector<1x2048xf32>
    %cos3A_14 = math.cos %get3A_11 : vector<1x2048xf32>
    %sin3A_15 = math.sin %get3A_11 : vector<1x2048xf32>
    %get3A_16 = arith.constant 0 : index
    %get3A_17 = arith.constant 0 : index
    %get3A_18 = vector.load %arg1[%get3A_16, %get3A_17] : memref<3x2048xf32, #tpu.memory_space<vmem>>, vector<1x2048xf32>
    %get3A_19 = arith.constant 1 : index
    %get3A_20 = arith.constant 0 : index
    %get3A_21 = vector.load %arg1[%get3A_19, %get3A_20] : memref<3x2048xf32, #tpu.memory_space<vmem>>, vector<1x2048xf32>
    %get3A_22 = arith.constant 2 : index
    %get3A_23 = arith.constant 0 : index
    %get3A_24 = vector.load %arg1[%get3A_22, %get3A_23] : memref<3x2048xf32, #tpu.memory_space<vmem>>, vector<1x2048xf32>
    %mul3A = arith.mulf %cos3A_12, %cos3A_14 : vector<1x2048xf32>
    %mul3A_25 = arith.mulf %cos3A_12, %sin3A_15 : vector<1x2048xf32>
    %neg3A = arith.constant 0.000000e+00 : f32
    %neg3A_26 = vector.broadcast %neg3A : f32 to vector<1x2048xf32>
    %neg3A_27 = arith.subf %neg3A_26, %mul3A_25 : vector<1x2048xf32>
    %mul3A_28 = arith.mulf %sin3A, %sin3A_13 : vector<1x2048xf32>
    %mul3A_29 = arith.mulf %mul3A_28, %cos3A_14 : vector<1x2048xf32>
    %mul3A_30 = arith.mulf %cos3A, %sin3A_15 : vector<1x2048xf32>
    %add3A = arith.addf %mul3A_29, %mul3A_30 : vector<1x2048xf32>
    %mul3A_31 = arith.mulf %sin3A, %sin3A_13 : vector<1x2048xf32>
    %mul3A_32 = arith.mulf %mul3A_31, %sin3A_15 : vector<1x2048xf32>
    %neg3A_33 = arith.constant 0.000000e+00 : f32
    %neg3A_34 = vector.broadcast %neg3A_33 : f32 to vector<1x2048xf32>
    %neg3A_35 = arith.subf %neg3A_34, %mul3A_32 : vector<1x2048xf32>
    %mul3A_36 = arith.mulf %cos3A, %cos3A_14 : vector<1x2048xf32>
    %add3A_37 = arith.addf %neg3A_35, %mul3A_36 : vector<1x2048xf32>
    %mul3A_38 = arith.mulf %sin3A, %cos3A_12 : vector<1x2048xf32>
    %neg3A_39 = arith.constant 0.000000e+00 : f32
    %neg3A_40 = vector.broadcast %neg3A_39 : f32 to vector<1x2048xf32>
    %neg3A_41 = arith.subf %neg3A_40, %mul3A_38 : vector<1x2048xf32>
    %mul3A_42 = arith.mulf %cos3A, %sin3A_13 : vector<1x2048xf32>
    %mul3A_43 = arith.mulf %mul3A_42, %cos3A_14 : vector<1x2048xf32>
    %neg3A_44 = arith.constant 0.000000e+00 : f32
    %neg3A_45 = vector.broadcast %neg3A_44 : f32 to vector<1x2048xf32>
    %neg3A_46 = arith.subf %neg3A_45, %mul3A_43 : vector<1x2048xf32>
    %mul3A_47 = arith.mulf %sin3A, %sin3A_15 : vector<1x2048xf32>
    %add3A_48 = arith.addf %neg3A_46, %mul3A_47 : vector<1x2048xf32>
    %mul3A_49 = arith.mulf %cos3A, %sin3A_13 : vector<1x2048xf32>
    %mul3A_50 = arith.mulf %mul3A_49, %sin3A_15 : vector<1x2048xf32>
    %mul3A_51 = arith.mulf %sin3A, %cos3A_14 : vector<1x2048xf32>
    %add3A_52 = arith.addf %mul3A_50, %mul3A_51 : vector<1x2048xf32>
    %mul3A_53 = arith.mulf %cos3A, %cos3A_12 : vector<1x2048xf32>
    %neg3A_54 = arith.constant 0.000000e+00 : f32
    %neg3A_55 = arith.subf %neg3A_54, %get3A_2 : f32
    %mul3A_56 = vector.broadcast %neg3A_55 : f32 to vector<1x2048xf32>
    %mul3A_57 = arith.mulf %mul3A_56, %mul3A : vector<1x2048xf32>
    %neg3A_58 = arith.constant 0.000000e+00 : f32
    %neg3A_59 = arith.subf %neg3A_58, %get3A_2 : f32
    %mul3A_60 = vector.broadcast %neg3A_59 : f32 to vector<1x2048xf32>
    %mul3A_61 = arith.mulf %mul3A_60, %neg3A_27 : vector<1x2048xf32>
    %neg3A_62 = arith.constant 0.000000e+00 : f32
    %neg3A_63 = arith.subf %neg3A_62, %get3A_2 : f32
    %mul3A_64 = vector.broadcast %neg3A_63 : f32 to vector<1x2048xf32>
    %mul3A_65 = arith.mulf %mul3A_64, %sin3A_13 : vector<1x2048xf32>
    %neg3A_66 = arith.constant 0.000000e+00 : f32
    %neg3A_67 = arith.subf %neg3A_66, %get3A_2 : f32
    %mul3A_68 = vector.broadcast %neg3A_67 : f32 to vector<1x2048xf32>
    %mul3A_69 = arith.mulf %mul3A_68, %get3A_18 : vector<1x2048xf32>
    %mul3A_70 = vector.broadcast %get3A_2 : f32 to vector<1x2048xf32>
    %mul3A_71 = arith.mulf %mul3A_70, %add3A : vector<1x2048xf32>
    %mul3A_72 = vector.broadcast %get3A_2 : f32 to vector<1x2048xf32>
    %mul3A_73 = arith.mulf %mul3A_72, %add3A_37 : vector<1x2048xf32>
    %mul3A_74 = vector.broadcast %get3A_2 : f32 to vector<1x2048xf32>
    %mul3A_75 = arith.mulf %mul3A_74, %neg3A_41 : vector<1x2048xf32>
    %mul3A_76 = vector.broadcast %get3A_2 : f32 to vector<1x2048xf32>
    %mul3A_77 = arith.mulf %mul3A_76, %get3A_21 : vector<1x2048xf32>
    %concatenate3A = tpu.concatenate %mul3A_57, %mul3A_61, %mul3A_65, %mul3A_69, %mul3A_71, %mul3A_73, %mul3A_75, %mul3A_77, %add3A_48, %add3A_52, %mul3A_53, %get3A_24 in 0 : vector<1x2048xf32>, vector<1x2048xf32>, vector<1x2048xf32>, vector<1x2048xf32>, vector<1x2048xf32>, vector<1x2048xf32>, vector<1x2048xf32>, vector<1x2048xf32>, vector<1x2048xf32>, vector<1x2048xf32>, vector<1x2048xf32>, vector<1x2048xf32> -> vector<12x2048xf32>
    %swap3A = arith.constant 0 : index
    %swap3A_78 = arith.constant 0 : index
    %swap3A_79 = vector.load %arg3[%swap3A, %swap3A_78] : memref<12x2048xf32, #tpu.memory_space<vmem>>, vector<12x2048xf32>
    tpu.vector_store %arg3[%swap3A, %swap3A_78], %concatenate3A {strides = array<i32>} : memref<12x2048xf32, #tpu.memory_space<vmem>>, vector<12x2048xf32>,
    return
  }
}

</mosaic_0001>

<sc_bundles>
// kernel: _run.4.cloned.1.call-start
scs
__scs_entry_jumppad:
0x0: {  	(pc) =	sbr.rel $0x88, $3  }
0x1: {  	(tag) =	ssettag $0x0;
	lr =	simm.s32 $0x1  }
0x2: {  	[smem:$0x3F9A] =	sst lr;
	_ =	strace $0xD0000000  }
0x3: {  	_ = 	snop  }
0x4: {  	_ = 	snop  }
0x5: {  	_ = 	snop  }
0x6: {  	_ = 	snop  }
0x7: {  	_ = 	snop  }
__scs_overlays_trampoline_lowered:
0x8: {  	[smem:$0x3FA9] =	sst s0  }
0x9: {  	[smem:$0x3FAA] =	sst s1  }
0xa: {  	[smem:$0x3FAB] =	sst s2  }
0xb: {  	[smem:$0x3FAC] =	sst s3  }
0xc: {  	[smem:$0x3FAD] =	sst s4  }
0xd: {  	[smem:$0x3FAE] =	sst s5  }
0xe: {  	[smem:$0x3FAF] =	sst s6  }
0xf: {  	[smem:$0x3FB0] =	sst s7  }
0x10: {  	[smem:$0x3FB1] =	sst s8  }
0x11: {  	[smem:$0x3FB2] =	sst s9;
	s0 =	simm.s32 @!p0 $0x0  }
0x12: {  	s1 =	sld [smem:$0x3F98];
	s0 =	simm.s32 @p0 $0x1  }
0x13: {  	[smem:$0x3FB3] =	sst s0;
	s0 =	simm.s32 @!p1 $0x0  }
0x14: {  	s2 =	sld [smem:$0x3F97];
	s0 =	simm.s32 @p1 $0x1  }
0x15: {  	[smem:$0x3FB4] =	sst s0;
	s0 =	simm.s32 @!p2 $0x0  }
0x16: {  	s3 =	sld [smem:$0x3FDB];
	s0 =	simm.s32 @p2 $0x1  }
0x17: {  	s4 =	simm.s32 $0x1BF5;
	[smem:$0x3FB6] =	sst s0  }
0x18: {  	s0 =	sld [smem:$0x3F99];
	_ =	swait.ge [sflag:s4], $0x0  }
0x19: {  	s7 =	sld [smem:$0x3F9A]  }
0x1a: {  	s8 =	sadd.s32 $0xFFFFE003, lr  }
0x1b: {  	s9 =	sadd.s32 $0xFFFFFEF7, lr;
	s5 =	simm.s32 $0xFFFFFFFF;
	p2 =	slt.u32 s8, $0xFFFFF086  }
0x1c: {  	p1 =	slt.u32 s9, $0xF7A;
	s5 =	simm.s32 @!p2 $0x0  }
0x1d: {  	s5 =	simm.s32 @p1 $0x1;
	p0 =	seq.s32 s7, s2  }
0x1e: {  	s7 =	smul.u32 @!p0 $0xF7A, s2;
	p2 =	seq.s32 @!p0 s5, $0x0  }
0x1f: {  	s9 =	smul.u32 $0xF7A, s1;
	s8 =	simm.s32 @!p0 $0x1BF5;
	p2 =	por !p2, p0  }
0x20: {  	[sflag:s8] =	ssyncset.s32 @!p0 $0xFFFFF086;
	s6 =	sadd.s32 @!p0 s3, s7;
	s7 =	simm.s32 @!p0 $0x108  }
0x21: {  	s3 =	sadd.s32 s3, s9;
	s6 =	sadd.s32 @!p0 $0x88, s6;
	s7 =	simm.s32 @p2 $0x1082  }
0x22: {  	[simem:s7], [sflag:s8] =	dma.local @!p0 [hbm:s6], $0xF7A  }
0x23: {  	s9 =	sor.u32 $0xD0000000, s2;
	s6 =	simm.s32 $0x108;
	_ =	swait.ge @!p0 [sflag:s8], $0x0  }
0x24: {  	s3 =	sadd.s32 $0x88, s3;
	s6 =	simm.s32 @!p1 $0x1082;
	[sflag:s4] =	ssyncset.s32 $0xFFFFF086  }
0x25: {  	[simem:s6], [sflag:s4] =	dma.local [hbm:s3], $0xF7A  }
0x26: {  	[smem:$0x3F9A] =	sst s1;
	(tag) =	ssettag s2;
	_ =	strace s9  }
0x27: {  	s1 =	sld [smem:$0x3FAA]  }
0x28: {  	s2 =	sld [smem:$0x3FAB]  }
0x29: {  	s4 =	sld [smem:$0x3FAD]  }
0x2a: {  	p0 =	seq.s32 s5, $0x0;
	s5 =	sld [smem:$0x3FAE]  }
0x2b: {  	s6 =	sld [smem:$0x3FAF]  }
0x2c: {  	s7 =	sld [smem:$0x3FB0]  }
0x2d: {  	s3 =	simm.s32 $0x108;
	s8 =	sld [smem:$0x3FB1]  }
0x2e: {  	s3 =	simm.s32 @!p0 $0x1082;
	s9 =	sld [smem:$0x3FB2]  }
0x2f: {  	lr =	sadd.s32 s0, s3;
	s0 =	sld [smem:$0x3FA9]  }
0x30: {  	s3 =	sld [smem:$0x3FAC]  }
0x31: {  	[smem:$0x3FB5] =	sst s10  }
0x32: {  	s10 =	sld [smem:$0x3FB3];
	_ =	sdelay $0x3  }
0x33: {  	p0 =	seq.s32 s10, $0x1;
	s10 =	sld [smem:$0x3FB5];
	_ =	sdelay $0x3  }
0x34: {  	[smem:$0x3FB5] =	sst s10  }
0x35: {  	s10 =	sld [smem:$0x3FB4];
	_ =	sdelay $0x3  }
0x36: {  	p1 =	seq.s32 s10, $0x1;
	s10 =	sld [smem:$0x3FB5];
	_ =	sdelay $0x3  }
0x37: {  	[smem:$0x3FB5] =	sst s10  }
0x38: {  	s10 =	sld [smem:$0x3FB6]  }
0x39: {  	_ = 	snop;
	(pc) =	sbr.ind lr, $3  }
0x3a: {  	_ = 	snop  }
0x3b: {  	_ = 	snop  }
0x3c: {  	p2 =	seq.s32 s10, $0x1;
	s10 =	sld [smem:$0x3FB5]  }
0x3d: {  	_ =	shalt  }
0x3e: {  	_ =	shalt  }
0x3f: {  	_ =	shalt  }
0x40: {  	_ =	shalt  }
0x41: {  	_ =	shalt  }
0x42: {  	_ =	shalt  }
0x43: {  	_ =	shalt  }
0x44: {  	_ =	shalt  }
0x45: {  	_ =	shalt  }
0x46: {  	_ =	shalt  }
0x47: {  	_ =	shalt  }
0x48: {  	_ =	shalt  }
0x49: {  	_ =	shalt  }
0x4a: {  	_ =	shalt  }
0x4b: {  	_ =	shalt  }
0x4c: {  	_ =	shalt  }
0x4d: {  	_ =	shalt  }
0x4e: {  	_ =	shalt  }
0x4f: {  	_ =	shalt  }
0x50: {  	_ =	shalt  }
0x51: {  	_ =	shalt  }
0x52: {  	_ =	shalt  }
0x53: {  	_ =	shalt  }
0x54: {  	_ =	shalt  }
0x55: {  	_ =	shalt  }
0x56: {  	_ =	shalt  }
0x57: {  	_ =	shalt  }
0x58: {  	_ =	shalt  }
0x59: {  	_ =	shalt  }
0x5a: {  	_ =	shalt  }
0x5b: {  	_ =	shalt  }
0x5c: {  	_ =	shalt  }
0x5d: {  	_ =	shalt  }
0x5e: {  	_ =	shalt  }
0x5f: {  	_ =	shalt  }
0x60: {  	_ =	shalt  }
0x61: {  	_ =	shalt  }
0x62: {  	_ =	shalt  }
0x63: {  	_ =	shalt  }
0x64: {  	_ =	shalt  }
0x65: {  	_ =	shalt  }
0x66: {  	_ =	shalt  }
0x67: {  	_ =	shalt  }
0x68: {  	_ =	shalt  }
0x69: {  	_ =	shalt  }
0x6a: {  	_ =	shalt  }
0x6b: {  	_ =	shalt  }
0x6c: {  	_ =	shalt  }
0x6d: {  	_ =	shalt  }
0x6e: {  	_ =	shalt  }
0x6f: {  	_ =	shalt  }
0x70: {  	_ =	shalt  }
0x71: {  	_ =	shalt  }
0x72: {  	_ =	shalt  }
0x73: {  	_ =	shalt  }
0x74: {  	_ =	shalt  }
0x75: {  	_ =	shalt  }
0x76: {  	_ =	shalt  }
0x77: {  	_ =	shalt  }
0x78: {  	_ =	shalt  }
0x79: {  	_ =	shalt  }
0x7a: {  	_ =	shalt  }
0x7b: {  	_ =	shalt  }
0x7c: {  	_ =	shalt  }
0x7d: {  	_ =	shalt  }
0x7e: {  	_ =	shalt  }
0x7f: {  	_ =	shalt  }
0x80: {  	_ =	shalt  }
0x81: {  	_ =	shalt  }
0x82: {  	_ =	shalt  }
0x83: {  	_ =	shalt  }
0x84: {  	_ =	shalt  }
0x85: {  	_ =	shalt  }
0x86: {  	_ =	shalt  }
0x87: {  	_ =	shalt  }
.Lfunc_end0:
.L_simem_size_0:
called_computation_lowered:
.L_overlay_start_0:
0x88: {  	s2 =	sld [smem:$0x3FD9]  }
0x89: {  	s3 =	sld [smem:$0x3FFE];
	_ =	sdelay $0x1  }
0x8a: {  	s1 =	srdreg.scid  }
0x8b: {  	s0 =	sand.u32 $0x1, s1  }
0x8c: {  	s17 =	sshll.u32 s0, $0xA;
	s2 =	sadd.s32 s3, s2  }
0x8d: {  	s2 =	sadd.s32 s2, s17  }
0x8e: {  	[smem:$0x3FC1] =	sst s2  }
0x8f: {  	_ = 	snop  }
0x90: {  	s2 =	sld [smem:$0x3FC9]  }
0x91: {  	s18 =	sld [smem:$0x3FC8]  }
0x92: {  	s4 =	sld [smem:$0x3FD0];
	(tm) =	ssettm $0x1  }
0x93: {  	s5 =	sld [smem:$0x3FFB];
	_ =	sdelay $0x3  }
0x94: {  	_ =	strace s5  }
0x95: {  	s5 =	sld [smem:$0x3FFC];
	_ =	sdelay $0x3  }
0x96: {  	_ =	strace s5  }
0x97: {  	s5 =	sld [smem:$0x3FFD];
	_ =	sdelay $0x3  }
0x98: {  	_ =	strace s5  }
0x99: {  	_ =	strace $0x8FFFFFFF  }
0x9a: {  	s19 =	sld [smem:$0x3FDB];
	_ =	sdelay $0x1  }
0x9b: {  	s6 =	simm.s32 $_scs_section_size  }
0x9c: {  	s7 =	simm.s32 $_size__tile_overlayer_lowered;
	s8 =	simm.s32 $_tile_overlayer_lowered  }
0x9d: {  	s22 =	simm.s32 $0x1BFF;
	s21 =	sshll.u32 s8, $0x1;
	s5 =	sadd.s32 s6, s19  }
0x9e: {  	s9 =	simm.s32 $0x0;
	s20 =	sshll.u32 s7, $0x1;
	s7 =	sadd.s32 s21, s5  }
0x9f: {  	[timem:s9], [sflag:s22] =	dma.local [hbm:s7], s20  }
0xa0: {  	_ =	swait.ge [sflag:s22], s20  }
0xa1: {  	s6 =	ssub.s32 $0x0, s20;
	[sflag:s22] =	ssyncset.done $0x0  }
0xa2: {  	[sflag:s22] =	ssyncadd.s32 s6;
	_ =	sdelay $0x1  }
0xa3: {  	s23 =	simm.s32 $0x1B8B  }
0xa4: {  	_ =	swait.ge [sflag:s23], $0x1  }
0xa5: {  	[sflag:s23] =	ssyncset.done $0x0  }
0xa6: {  	s25 =	simm.s32 $0x1B8E;
	s24 =	sld [smem:$0x3FFE];
	[sflag:s23] =	ssyncadd.s32 $0xFFFFFFFF  }
0xa7: {  	s26 =	simm.s32 $execute0_lowered;
	[smem:$0x3FD2] =	sst s25  }
0xa8: {  	s7 =	sshll.u32 s26, $0x1;
	_ =	strace $0x80000046;
	[dreg:$0x1] =	wrdreg $0xFFFFFFFF  }
0xa9: {  	s28 =	simm.s32 $_size_execute0_lowered;
	s5 =	sadd.s32 s5, s7;
	[dreg:$0x0] =	wrdreg $0x0  }
0xaa: {  	s7 =	sshll.u32 s28, $0x1;
	[dreg:$0x2] =	wrdreg s5  }
0xab: {  	[dreg:$0x3] =	wrdreg s7  }
0xac: {  	[dreg:$0x4] =	wrdreg $0xC0  }
0xad: {  	_ =	task [dreg:s9], $0x5FFFF  }
0xae: {  	[dreg:$0x1] =	wrdreg $0xFFFFFFFF  }
0xaf: {  	[dreg:$0x0] =	wrdreg $0x60  }
0xb0: {  	[dreg:$0x2] =	wrdreg s24  }
0xb1: {  	[dreg:$0x3] =	wrdreg s2  }
0xb2: {  	[dreg:$0x4] =	wrdreg s18  }
0xb3: {  	[dreg:$0x5] =	wrdreg s4  }
0xb4: {  	[dreg:$0x6] =	wrdreg $0x141000  }
0xb5: {  	[dreg:$0x7] =	wrdreg $0x171D80  }
0xb6: {  	[dreg:$0x8] =	wrdreg $0x9  }
0xb7: {  	_ =	task.clear_ibuf [dreg:s9], $0x9FFFF;
	_ =	strace $0x90000046  }
0xb8: {  	s29 =	simm.s32 $0x9;
	_ =	strace $0x80000048  }
0xb9: {  	_ =	swait.ge [sflag:s29], $0x1  }
0xba: {  	[sflag:s29] =	ssyncadd.s32 $0xFFFFFFFF  }
0xbb: {  	_ =	strace $0x90000048  }
0xbc: {  	_ =	sfence  }
0xbd: {  	s30 =	sld [smem:$0x0];
	_ =	sdelay $0x2  }
0xbe: {  	s31 =	sshll.u32 s1, $0xD;
	s1 =	sshrl.u32 s1, $0x2  }
0xbf: {  	s3 =	sand.u32 $0x4000, s31;
	s1 =	sadd.s32 s1, s30  }
0xc0: {  	s0 =	sor.u32 s3, s0;
	s1 =	sshll.u32 s1, $0x11  }
0xc1: {  	s0 =	sor.u32 s1, s0  }
0xc2: {  	s0 =	sadd.s32 $0x8F2B, s0  }
0xc3: {  	[sflag:s0] =	ssyncadd.remote.s32 $0x1  }
0xc4: {  	_ =	sfence.sel $0xFFFF  }
0xc5: {  	[dreg:$0x0] =	wrdreg $0xFFFFFFFF;
	(pc) =	sbr.abs _section_cstart, $3  }
0xc6: {  	[dreg:$0x1] =	wrdreg $0xFFFFFFFF  }
0xc7: {  	_ =	task.clear_ibuf [dreg:s9], $0x2FFFF;
	_ =	strace $0x9FFFFFFF  }
0xc8: {  	(tm) =	ssettm $0x7FFFFFFF  }
0xc9: {  	_ =	shalt  }
tec
execute0_lowered:
.L_overlay_start_1:
0x0: {  	(tag) =	ssettag $0x1  }
0x1: {  	s13 =	rddreg [dreg:$0x0]  }
0x2: {  	s2 =	rddreg [dreg:$0x1]  }
0x3: {  	s3 =	rddreg [dreg:$0x2]  }
0x4: {  	s4 =	rddreg [dreg:$0x3]  }
0x5: {  	s5 =	rddreg [dreg:$0x4]  }
0x6: {  	s6 =	rddreg [dreg:$0x5]  }
0x7: {  	s7 =	simm.s32 $0x0;
	s0 =	srdreg.scid;
	s1 =	stileid.u32  }
0x8: {  	s30 =	simm.s32 $0x4;
	[smem:$0x7FF] =	sst s7;
	s10 =	sadd.s32 $0x6E00, s13  }
0x9: {  	s12 =	sadd.s32 $0xC00, s13;
	_ =	strace $0x80000047;
	[dreg:$0x7] =	wrdreg s10  }
0xa: {  	s0 =	sand.u32 $0x1, s0;
	s23 =	sadd.s32 $0x100, s13;
	[dreg:$0x8] =	wrdreg s12  }
0xb: {  	s8 =	sadd.s32 $0xD000, s13;
	s24 =	sadd.s32 $0x200, s13;
	[dreg:$0x9] =	wrdreg s23  }
0xc: {  	s11 =	sshll.u32 s1, $0x1;
	s26 =	sadd.s32 $0x300, s13;
	[dreg:$0xa] =	wrdreg s24  }
0xd: {  	s28 =	sadd.s32 $0x400, s13;
	s31 =	sadd.s32 $0x500, s13;
	[dreg:$0xb] =	wrdreg s26  }
0xe: {  	s14 =	sadd.s32 $0x600, s13;
	p0 =	sne.s32 s1, $0x0;
	[dreg:$0xc] =	wrdreg s28  }
0xf: {  	s9 =	ssub.s32 $0x2, s0;
	s11 =	sor.u32 s0, s11;
	[dreg:$0xd] =	wrdreg s31  }
0x10: {  	[dreg:$0xe] =	wrdreg s14;
	s23 =	sadd.s32 $0x800, s13;
	s24 =	sadd.s32 $0x900, s13  }
0x11: {  	s26 =	sadd.s32 $0xB00, s13;
	s12 =	simm.s32 $0x800;
	s14 =	simm.s32 $0x1800  }
0x12: {  	s22 =	sshrl.u32 s9, $0x1;
	s25 =	smul.u32 $0x190, s11;
	[dreg:$0x17] =	wrdreg s23  }
0x13: {  	s29 =	smul.u32 $0xC80, s11;
	s15 =	ssub.s32 $0x270, s11;
	[dreg:$0x18] =	wrdreg s24  }
0x14: {  	[dreg:$0x1a] =	wrdreg s26;
	s23 =	simm.s32 $0x5800;
	s26 =	simm.s32 $0x5  }
0x15: {  	s24 =	simm.s32 $0x6;
	s9 =	ssub.s32 s9, s22;
	s22 =	sadd.s32 $0x700, s13  }
0x16: {  	s18 =	sshrl.u32 s15, $0x5;
	s16 =	sadd.s32 s3, s25;
	[dreg:$0x16] =	wrdreg s22  }
0x17: {  	s15 =	simm.s32 $0x2000;
	s17 =	sadd.s32 s2, s25;
	[dreg:$0xf] =	wrdreg s16  }
0x18: {  	s10 =	sshrl.u32 s29, $0x3;
	s0 =	sadd.s32 s8, s25;
	[dreg:$0x10] =	wrdreg s17  }
0x19: {  	s21 =	smax.u32 s9, $0x1;
	s25 =	sadd.s32 $0xA00, s13;
	[dreg:$0x11] =	wrdreg s0  }
0x1a: {  	s28 =	sadd.s32 $0xFFFFFFFE, s18;
	s29 =	sor.u32 $0x20, s11;
	[dreg:$0x15] =	wrdreg s21  }
0x1b: {  	s31 =	sadd.s32 $0xFFFFFFFD, s18;
	s13 =	simm.s32 $0x1000;
	[dreg:$0x19] =	wrdreg s25  }
0x1c: {  	s22 =	simm.s32 $0x5000;
	s9 =	simm.s32 $0x0;
	[dreg:$0x1b] =	wrdreg s28  }
.Ltmp0:
0x1d: {  	s19 =	sadd.s32 $0x3200, s10;
	[dreg:$0x1c] =	wrdreg s29;
	(pc) =	sbr.rel .LBB2_1-.Ltmp0, $4  }
0x1e: {  	[dreg:$0x1d] =	wrdreg s31;
	s16 =	simm.s32 $0x2800;
	s10 =	sadd.s32 s3, s19  }
0x1f: {  	s17 =	simm.s32 $0x3000;
	s20 =	sadd.s32 s2, s19;
	[dreg:$0x12] =	wrdreg s10  }
0x20: {  	s21 =	simm.s32 $0x4800;
	s0 =	sadd.s32 s8, s19;
	[dreg:$0x13] =	wrdreg s20  }
0x21: {  	s19 =	simm.s32 $0x3800;
	[dreg:$0x14] =	wrdreg s0;
	s20 =	simm.s32 $0x4000  }
.LBB2_15:
0x22: {  	s0 =	simm.s32 $0x7  }
0x23: {  	_ =	swait.ge [sflag:s0], $0xC80  }
0x24: {  	[sflag:s0] =	ssyncset.done $0x0  }
0x25: {  	s29 =	simm.s32 $0x8;
	[sflag:s0] =	ssyncadd.s32 $0xFFFFF380  }
0x26: {  	_ =	swait.ge [sflag:s29], $0xC80  }
0x27: {  	[sflag:s29] =	ssyncset.done $0x0  }
0x28: {  	s1 =	simm.s32 $0x9;
	[sflag:s29] =	ssyncadd.s32 $0xFFFFF380  }
0x29: {  	_ =	swait.ge [sflag:s1], $0xC80  }
0x2a: {  	s9 =	rddreg [dreg:$0x1e]  }
0x2b: {  	s31 =	rddreg [dreg:$0x15];
	s9 =	sadd.s32 $0x1, s9  }
0x2c: {  	p1 =	sne.s32 s9, s31  }
.Ltmp1:
0x2d: {  	_ = 	snop;
	(pc) =	sbr.rel @!p1 .LBB2_16-.Ltmp1, $3  }
0x2e: {  	_ =	sdelay $0x1  }
0x2f: {  	[sflag:s1] =	ssyncset.done $0x0  }
0x30: {  	[sflag:s1] =	ssyncadd.s32 $0xFFFFF380  }
.LBB2_1:
0x31: {  	[dreg:$0x1e] =	wrdreg s9  }
0x32: {  	s0 =	sshrl.u32 @!p0 s5, $0x3;
	s1 =	simm.s32 @!p0 $0x1C0A;
	s9 =	rddreg [dreg:$0x7]  }
0x33: {  	[spmem:s0], [sflag:s1] =	dma.local @!p0 [hbm:s9], $0x61B0  }
0x34: {  	s0 =	simm.s32 @!p0 $0xA  }
0x35: {  	_ =	swait.ge @!p0 [sflag:s0], $0x61B0  }
0x36: {  	[sflag:s0] =	ssyncset.done @!p0 $0x0  }
0x37: {  	s9 =	sshrl.u32 @!p0 s6, $0x3;
	s10 =	rddreg [dreg:$0x8];
	[sflag:s0] =	ssyncadd.s32 @!p0 $0xFFFF9E50  }
0x38: {  	[spmem:s9], [sflag:s1] =	dma.local @!p0 [hbm:s10], $0x61B0  }
0x39: {  	_ =	swait.ge @!p0 [sflag:s0], $0x61B0  }
0x3a: {  	[sflag:s0] =	ssyncset.done @!p0 $0x0  }
0x3b: {  	[sflag:s0] =	ssyncadd.s32 @!p0 $0xFFFF9E50  }
0x3c: {  	s1 =	simm.s32 $0xA;
	s0 =	rddreg [dreg:$0x0]  }
0x3d: {  	[tilespmem:s7], [sflag:$0xA] =	stream.linear.gather [hbm4b:s0+s7], $0x800, $0x38;
	[tilespmem:$0x1A2B0] =	vst v63  }
0x3e: {  	_ =	swait.ge [sflag:s1], $0x800  }
0x3f: {  	[sflag:s1] =	ssyncset.done $0x0  }
0x40: {  	s29 =	rddreg [dreg:$0x9];
	[sflag:s1] =	ssyncadd.s32 $0xFFFFF800  }
0x41: {  	[tilespmem:s12], [sflag:$0xA] =	stream.linear.gather [hbm4b:s29+s7], $0x800, $0x38;
	[tilespmem:$0x1A2B0] =	vst v63  }
0x42: {  	_ =	swait.ge [sflag:s1], $0x800  }
0x43: {  	[sflag:s1] =	ssyncset.done $0x0  }
0x44: {  	s31 =	rddreg [dreg:$0xa];
	[sflag:s1] =	ssyncadd.s32 $0xFFFFF800  }
0x45: {  	[tilespmem:s13], [sflag:$0xA] =	stream.linear.gather [hbm4b:s31+s7], $0x800, $0x38;
	[tilespmem:$0x1A2B0] =	vst v63  }
0x46: {  	_ =	swait.ge [sflag:s1], $0x800  }
0x47: {  	[sflag:s1] =	ssyncset.done $0x0  }
0x48: {  	s9 =	rddreg [dreg:$0xb];
	[sflag:s1] =	ssyncadd.s32 $0xFFFFF800  }
0x49: {  	[tilespmem:s14], [sflag:$0xA] =	stream.linear.gather [hbm4b:s9+s7], $0x800, $0x38;
	[tilespmem:$0x1A2B0] =	vst v63  }
0x4a: {  	_ =	swait.ge [sflag:s1], $0x800  }
0x4b: {  	[sflag:s1] =	ssyncset.done $0x0  }
0x4c: {  	s10 =	rddreg [dreg:$0xc];
	[sflag:s1] =	ssyncadd.s32 $0xFFFFF800  }
0x4d: {  	[tilespmem:s15], [sflag:$0xA] =	stream.linear.gather [hbm4b:s10+s7], $0x800, $0x38;
	[tilespmem:$0x1A2B0] =	vst v63  }
0x4e: {  	_ =	swait.ge [sflag:s1], $0x800  }
0x4f: {  	[sflag:s1] =	ssyncset.done $0x0  }
0x50: {  	s25 =	rddreg [dreg:$0xd];
	[sflag:s1] =	ssyncadd.s32 $0xFFFFF800  }
0x51: {  	[tilespmem:s16], [sflag:$0xA] =	stream.linear.gather [hbm4b:s25+s7], $0x800, $0x38;
	[tilespmem:$0x1A2B0] =	vst v63  }
0x52: {  	_ =	swait.ge [sflag:s1], $0x800  }
0x53: {  	[sflag:s1] =	ssyncset.done $0x0  }
0x54: {  	s28 =	rddreg [dreg:$0xe];
	[sflag:s1] =	ssyncadd.s32 $0xFFFFF800  }
0x55: {  	[tilespmem:s17], [sflag:$0xA] =	stream.linear.gather [hbm4b:s28+s7], $0x800, $0x38;
	[tilespmem:$0x1A2B0] =	vst v63  }
0x56: {  	_ =	swait.ge [sflag:s1], $0x800  }
0x57: {  	[sflag:s1] =	ssyncset.done $0x0  }
0x58: {  	s29 =	rddreg [dreg:$0x16];
	[sflag:s1] =	ssyncadd.s32 $0xFFFFF800  }
0x59: {  	[tilespmem:s19], [sflag:$0xA] =	stream.linear.gather [hbm4b:s29+s7], $0x800, $0x38;
	[tilespmem:$0x1A2B0] =	vst v63  }
0x5a: {  	_ =	swait.ge [sflag:s1], $0x800  }
0x5b: {  	[sflag:s1] =	ssyncset.done $0x0  }
0x5c: {  	s31 =	rddreg [dreg:$0x17];
	[sflag:s1] =	ssyncadd.s32 $0xFFFFF800  }
0x5d: {  	[tilespmem:s20], [sflag:$0xA] =	stream.linear.gather [hbm4b:s31+s7], $0x800, $0x38;
	[tilespmem:$0x1A2B0] =	vst v63  }
0x5e: {  	_ =	swait.ge [sflag:s1], $0x800  }
0x5f: {  	[sflag:s1] =	ssyncset.done $0x0  }
0x60: {  	s9 =	rddreg [dreg:$0x18];
	[sflag:s1] =	ssyncadd.s32 $0xFFFFF800  }
0x61: {  	[tilespmem:s21], [sflag:$0xA] =	stream.linear.gather [hbm4b:s9+s7], $0x800, $0x38;
	[tilespmem:$0x1A2B0] =	vst v63  }
0x62: {  	_ =	swait.ge [sflag:s1], $0x800  }
0x63: {  	[sflag:s1] =	ssyncset.done $0x0  }
0x64: {  	s10 =	rddreg [dreg:$0x19];
	[sflag:s1] =	ssyncadd.s32 $0xFFFFF800  }
0x65: {  	[tilespmem:s22], [sflag:$0xA] =	stream.linear.gather [hbm4b:s10+s7], $0x800, $0x38;
	[tilespmem:$0x1A2B0] =	vst v63  }
0x66: {  	_ =	swait.ge [sflag:s1], $0x800  }
0x67: {  	[sflag:s1] =	ssyncset.done $0x0  }
0x68: {  	s25 =	rddreg [dreg:$0x1a];
	[sflag:s1] =	ssyncadd.s32 $0xFFFFF800  }
0x69: {  	[tilespmem:s23], [sflag:$0xA] =	stream.linear.gather [hbm4b:s25+s7], $0x800, $0x38;
	[tilespmem:$0x1A2B0] =	vst v63  }
0x6a: {  	_ =	swait.ge [sflag:s1], $0x800  }
0x6b: {  	[sflag:s1] =	ssyncset.done $0x0  }
0x6c: {  	s28 =	rddreg [dreg:$0xf];
	[sflag:s1] =	ssyncadd.s32 $0xFFFFF800;
	s1 =	simm.s32 $0x6000  }
0x6d: {  	[tilespmem:s1], [sflag:$0x1] =	stream.linear.gather [hbm4b:s28+s7], $0xC80, $0x38;
	[tilespmem:$0x1A2B0] =	vst v63  }
0x6e: {  	s31 =	simm.s32 $0x6C80;
	s29 =	rddreg [dreg:$0x10]  }
0x6f: {  	[tilespmem:s31], [sflag:$0x1] =	stream.linear.gather [hbm4b:s29+s7], $0xC80, $0x38;
	[tilespmem:$0x1A2B0] =	vst v63  }
0x70: {  	s10 =	simm.s32 $0x7900;
	s9 =	rddreg [dreg:$0x11]  }
0x71: {  	[tilespmem:s10], [sflag:$0x1] =	stream.linear.gather [hbm4b:s9+s7], $0xC80, $0x38;
	[tilespmem:$0x1A2B0] =	vst v63  }
0x72: {  	s25 =	rddreg [dreg:$0x12];
	s28 =	simm.s32 $0xAB00  }
0x73: {  	[tilespmem:s28], [sflag:$0x2] =	stream.linear.gather [hbm4b:s25+s7], $0xC80, $0x38;
	[tilespmem:$0x1A2B0] =	vst v63  }
0x74: {  	s29 =	rddreg [dreg:$0x13];
	s31 =	simm.s32 $0xB780  }
0x75: {  	[tilespmem:s31], [sflag:$0x2] =	stream.linear.gather [hbm4b:s29+s7], $0xC80, $0x38;
	[tilespmem:$0x1A2B0] =	vst v63  }
0x76: {  	s9 =	rddreg [dreg:$0x14];
	s10 =	simm.s32 $0xC400  }
0x77: {  	[tilespmem:s10], [sflag:$0x2] =	stream.linear.gather [hbm4b:s9+s7], $0xC80, $0x38;
	[tilespmem:$0x1A2B0] =	vst v63  }
0x78: {  	s25 =	simm.s32 $0x1;
	[bflag:$0x0] =	sbarrier.arrive $0xFFFF  }
0x79: {  	_ =	swait.ge [sflag:s25], $0xC80  }
0x7a: {  	[sflag:s25] =	ssyncset.done $0x0  }
0x7b: {  	[sflag:s25] =	ssyncadd.s32 $0xFFFFF380  }
0x7c: {  	_ =	swait.ge [sflag:s25], $0xC80  }
0x7d: {  	[sflag:s25] =	ssyncset.done $0x0  }
0x7e: {  	[sflag:s25] =	ssyncadd.s32 $0xFFFFF380  }
0x7f: {  	_ =	swait.ge [sflag:s25], $0xC80  }
.Ltmp2:
0x80: {  	[sflag:s25] =	ssyncset.done $0x0;
	(pc) =	sbr.rel .LBB2_2-.Ltmp2, $4  }
0x81: {  	s28 =	simm.s32 $0xC80;
	s29 =	simm.s32 $0x8580;
	[sflag:s25] =	ssyncadd.s32 $0xFFFFF380  }
0x82: {  	[tilespmem:s29], [sflag:$0x4] =	stream.indirect.gather [spmem:s5], $0x1, s1, s28, $0xb8;
	[tilespmem:$0x1A2B0] =	vst v63  }
0x83: {  	s31 =	simm.s32 $0x9200;
	s25 =	simm.s32 $0x0  }
0x84: {  	[tilespmem:s31], [sflag:$0x4] =	stream.indirect.gather [spmem:s6], $0x1, s1, s28, $0xb8;
	[tilespmem:$0x1A2B0] =	vst v63  }
.LBB2_14:
0x85: {  	s25 =	sadd.s32 $0x1, s25  }
0x86: {  	p1 =	sne.s32 s25, $0x8  }
.Ltmp3:
0x87: {  	_ = 	snop;
	(pc) =	sbr.rel @!p1 .LBB2_15-.Ltmp3, $1  }
0x88: {  	_ =	sdelay $0x3  }
.LBB2_2:
0x89: {  	s28 =	smul.u32 $0x3, s25;
	_ =	sdelay $0x1  }
0x8a: {  	p1 =	sgt.u32 s28, s18  }
.Ltmp4:
0x8b: {  	_ = 	snop;
	(pc) =	sbr.rel @p1 .LBB2_6-.Ltmp4, $1  }
0x8c: {  	_ =	sdelay $0x3  }
0x8d: {  	s0 =	sadd.s32 $0x2, s28  }
0x8e: {  	p1 =	sgt.u32 s0, s18  }
0x8f: {  	s0 =	sshll.u32 @!p1 s0, $0x5  }
0x90: {  	s0 =	sor.u32 @!p1 s11, s0  }
0x91: {  	s0 =	smul.u32 @!p1 $0x190, s0;
	_ =	sdelay $0x1  }
0x92: {  	s9 =	simm.s32 @!p1 $0x0;
	s10 =	simm.s32 @!p1 $0xF600;
	s1 =	sadd.s32 @!p1 s3, s0  }
0x93: {  	[tilespmem:s10], [sflag:$0x3] =	stream.linear.gather @!p1 [hbm4b:s1+s9], $0xC80, $0x38;
	[tilespmem:$0x1A2B0] =	vst v63  }
0x94: {  	s1 =	sadd.s32 @!p1 s2, s0;
	s10 =	simm.s32 @!p1 $0x10280  }
0x95: {  	[tilespmem:s10], [sflag:$0x3] =	stream.linear.gather @!p1 [hbm4b:s1+s9], $0xC80, $0x38;
	[tilespmem:$0x1A2B0] =	vst v63  }
0x96: {  	s0 =	sadd.s32 @!p1 s8, s0;
	s1 =	simm.s32 @!p1 $0x10F00  }
0x97: {  	[tilespmem:s1], [sflag:$0x3] =	stream.linear.gather @!p1 [hbm4b:s0+s9], $0xC80, $0x38;
	[tilespmem:$0x1A2B0] =	vst v63  }
0x98: {  	p1 =	sge.u32 s28, s18  }
0x99: {  	s0 =	simm.s32 @!p1 $0x2  }
0x9a: {  	_ =	swait.ge @!p1 [sflag:s0], $0xC80  }
0x9b: {  	[sflag:s0] =	ssyncset.done @!p1 $0x0  }
0x9c: {  	[sflag:s0] =	ssyncadd.s32 @!p1 $0xFFFFF380  }
0x9d: {  	_ =	swait.ge @!p1 [sflag:s0], $0xC80  }
0x9e: {  	[sflag:s0] =	ssyncset.done @!p1 $0x0  }
0x9f: {  	[sflag:s0] =	ssyncadd.s32 @!p1 $0xFFFFF380  }
0xa0: {  	_ =	swait.ge @!p1 [sflag:s0], $0xC80  }
0xa1: {  	s1 =	simm.s32 @!p1 $0xAB00;
	[sflag:s0] =	ssyncset.done @!p1 $0x0  }
0xa2: {  	s9 =	simm.s32 @!p1 $0xD080;
	[sflag:s0] =	ssyncadd.s32 @!p1 $0xFFFFF380;
	s0 =	simm.s32 @!p1 $0xC80  }
0xa3: {  	[tilespmem:s9], [sflag:$0x5] =	stream.indirect.gather @!p1 [spmem:s5], $0x1, s1, s0, $0xb8;
	[tilespmem:$0x1A2B0] =	vst v63  }
0xa4: {  	s9 =	simm.s32 @!p1 $0xDD00  }
0xa5: {  	[tilespmem:s9], [sflag:$0x5] =	stream.indirect.gather @!p1 [spmem:s6], $0x1, s1, s0, $0xb8;
	[tilespmem:$0x1A2B0] =	vst v63  }
0xa6: {  	_ =	swait.ge [sflag:s30], $0xC80  }
0xa7: {  	[sflag:s30] =	ssyncset.done $0x0  }
0xa8: {  	[sflag:s30] =	ssyncadd.s32 $0xFFFFF380  }
0xa9: {  	_ =	swait.ge [sflag:s30], $0xC80  }
0xaa: {  	p1 =	seq.s32 s25, $0x0;
	[sflag:s30] =	ssyncset.done $0x0  }
0xab: {  	s0 =	simm.s32 @!p1 $0x7;
	[sflag:s30] =	ssyncadd.s32 $0xFFFFF380  }
0xac: {  	s29 =	simm.s32 $0xFFFFFFF8;
	s31 =	simm.s32 $0x6CC0;
	_ =	swait.ge @!p1 [sflag:s0], $0xC80  }
0xad: {  	s10 =	simm.s32 $0x9EC0;
	s1 =	simm.s32 $0x85C0;
	[sflag:s0] =	ssyncset.done @!p1 $0x0  }
0xae: {  	s9 =	simm.s32 $0x7940;
	[sflag:s0] =	ssyncadd.s32 @!p1 $0xFFFFF380;
	s0 =	simm.s32 $0x9240  }
.LBB2_4:
0xaf: {  	v0 =	vld [tilespmem:s31+$0xFFFFFFC0];
	_ =	sdelay $0x4  }
0xb0: {  	v6 =	vld [tilespmem:s1+$0xFFFFFFC0]  }
0xb1: {  	v9 =	vld [tilespmem:s0+$0xFFFFFFC0]  }
0xb2: {  	v14 =	vld [tilespmem:s9+$0xFFFFFFC0]  }
0xb3: {  	v1 =	vld.idx.msk [tilespmem:v0+s7+$0x0], $0xffff  }
0xb4: {  	v2 =	vld.idx.msk [tilespmem:v0+s12+$0x0], $0xffff  }
0xb5: {  	v3 =	vld.idx.msk [tilespmem:v0+s15+$0x0], $0xffff  }
0xb6: {  	v4 =	vld.idx.msk [tilespmem:v0+s16+$0x0], $0xffff  }
0xb7: {  	v5 =	vld.idx.msk [tilespmem:v0+s20+$0x0], $0xffff  }
0xb8: {  	v7 =	vld.idx.msk [tilespmem:v0+s21+$0x0], $0xffff  }
0xb9: {  	v8 =	vld.idx.msk [tilespmem:v0+s22+$0x0], $0xffff  }
0xba: {  	v10 =	vld.idx.msk [tilespmem:v0+s13+$0x0], $0xffff  }
0xbb: {  	v11 =	vld.idx.msk [tilespmem:v0+s17+$0x0], $0xffff  }
0xbc: {  	v12 =	vshll.u32 v6, $0x10;
	v1 =	vmul.f32 v6, v1;
	v5 =	vmul.f32 v6, v5  }
0xbd: {  	v7 =	vmul.f32 v12, v7;
	v2 =	vmul.f32 v12, v2  }
0xbe: {  	v13 =	vld.idx.msk [tilespmem:v0+s23+$0x0], $0xffff;
	v3 =	vmul.f32 v6, v3;
	v4 =	vmul.f32 v12, v4  }
0xbf: {  	v63 =	vld.idx.msk [tilespmem:v0+s14+$0x0], $0xffff;
	v62 =	vmul.f32 v9, v8;
	v8 =	vmul.f32 v9, v10;
	v5 =	vadd.f32 v7, v5  }
0xc0: {  	v0 =	vld.idx.msk [tilespmem:v0+s19+$0x0], $0xffff;
	v9 =	vmul.f32 v9, v11;
	v12 =	vadd.f32 $-5.120000000e+02, v14;
	v1 =	vadd.f32 v2, v1  }
0xc1: {  	v10 =	vshll.u32 v14, $0x10;
	v3 =	vadd.f32 v4, v3;
	v5 =	vadd.f32 v5, v62  }
0xc2: {  	v2 =	vadd.f32 $-5.120000000e+02, v10;
	v1 =	vadd.f32 v1, v8  }
0xc3: {  	v3 =	vadd.f32 v3, v9;
	v11 =	vadd.f32 v5, v13  }
0xc4: {  	v1 =	vadd.f32 v1, v63  }
0xc5: {  	v0 =	vadd.f32 v3, v0;
	v13 =	vmul.f32 v11, v12;
	v2 =	vmul.f32 v11, v2;
	_ =	sdelay $0x1  }
0xc6: {  	v1 =	vsub.f32 v1, v13;
	v0 =	vsub.f32 v0, v2;
	_ =	sdelay $0x1  }
0xc7: {  	v1 =	vmul.f32 v1, v1;
	v0 =	vmul.f32 v0, v0;
	_ =	sdelay $0x1  }
0xc8: {  	v0 =	vadd.f32 v0, v1;
	_ =	sdelay $0x1  }
0xc9: {  	v14 =	vmul.f32 v11, v11;
	v15 =	vshrl.u32 v0, $0x1;
	v16 =	vmul.f32 $5.000000000e-01, v0  }
0xca: {  	v2 =	vsub.s32 $0x5F3759DF, v15  }
0xcb: {  	v4 =	vshrl.u32 v14, $0x1;
	v1 =	vmul.f32 $5.000000000e-01, v14;
	v17 =	vmul.f32 v2, v16  }
0xcc: {  	v4 =	vsub.s32 $0x5F3759DF, v4  }
0xcd: {  	v18 =	vmul.f32 v4, v1;
	v5 =	vmul.f32 v2, v17;
	_ =	sdelay $0x1  }
0xce: {  	v6 =	vmul.f32 v4, v18;
	v5 =	vsub.f32 $1.500000000e+00, v5;
	_ =	sdelay $0x1  }
0xcf: {  	v19 =	vsub.f32 $1.500000000e+00, v6;
	v2 =	vmul.f32 v2, v5;
	_ =	sdelay $0x1  }
0xd0: {  	v4 =	vmul.f32 v4, v19;
	v3 =	vmul.f32 v2, v16;
	_ =	sdelay $0x1  }
0xd1: {  	v1 =	vmul.f32 v4, v1;
	v3 =	vmul.f32 v3, v2;
	_ =	sdelay $0x1  }
0xd2: {  	v1 =	vmul.f32 v1, v4;
	v3 =	vsub.f32 $1.500000000e+00, v3;
	_ =	sdelay $0x1  }
0xd3: {  	v1 =	vsub.f32 $1.500000000e+00, v1;
	v2 =	vmul.f32 v3, v2;
	_ =	sdelay $0x1  }
0xd4: {  	v1 =	vmul.f32 v1, v4;
	v0 =	vmul.f32 v2, v0;
	_ =	sdelay $0x1  }
0xd5: {  	v0 =	vmul.f32 v0, v1;
	_ =	sdelay $0x1  }
0xd6: {  	[tilespmem:s10+$0xFFFFFFC0] =	vst v0  }
0xd7: {  	v0 =	vld [tilespmem:s31+$0xFFFFFFD0];
	_ =	sdelay $0x4  }
0xd8: {  	v25 =	vld [tilespmem:s1+$0xFFFFFFD0]  }
0xd9: {  	v28 =	vld [tilespmem:s0+$0xFFFFFFD0]  }
0xda: {  	v33 =	vld [tilespmem:s9+$0xFFFFFFD0]  }
0xdb: {  	v20 =	vld.idx.msk [tilespmem:v0+s7+$0x0], $0xffff  }
0xdc: {  	v21 =	vld.idx.msk [tilespmem:v0+s12+$0x0], $0xffff  }
0xdd: {  	v22 =	vld.idx.msk [tilespmem:v0+s15+$0x0], $0xffff  }
0xde: {  	v24 =	vld.idx.msk [tilespmem:v0+s20+$0x0], $0xffff  }
0xdf: {  	v26 =	vld.idx.msk [tilespmem:v0+s21+$0x0], $0xffff  }
0xe0: {  	v23 =	vld.idx.msk [tilespmem:v0+s16+$0x0], $0xffff  }
0xe1: {  	v27 =	vld.idx.msk [tilespmem:v0+s22+$0x0], $0xffff  }
0xe2: {  	v29 =	vld.idx.msk [tilespmem:v0+s13+$0x0], $0xffff  }
0xe3: {  	v31 =	vshll.u32 v25, $0x10;
	v30 =	vld.idx.msk [tilespmem:v0+s17+$0x0], $0xffff;
	v1 =	vmul.f32 v25, v20  }
0xe4: {  	v5 =	vmul.f32 v25, v24;
	v7 =	vmul.f32 v31, v26  }
0xe5: {  	v38 =	vshll.u32 v33, $0x10;
	v32 =	vld.idx.msk [tilespmem:v0+s23+$0x0], $0xffff;
	v2 =	vmul.f32 v31, v21;
	v3 =	vmul.f32 v25, v22  }
0xe6: {  	v35 =	vld.idx.msk [tilespmem:v0+s14+$0x0], $0xffff;
	v4 =	vmul.f32 v31, v23;
	v34 =	vmul.f32 v28, v27;
	v5 =	vadd.f32 v7, v5  }
0xe7: {  	v40 =	vadd.f32 $-5.120000000e+02, v33;
	v0 =	vld.idx.msk [tilespmem:v0+s19+$0x0], $0xffff;
	v36 =	vmul.f32 v28, v29;
	v1 =	vadd.f32 v2, v1  }
0xe8: {  	v37 =	vmul.f32 v28, v30;
	v3 =	vadd.f32 v4, v3;
	v5 =	vadd.f32 v5, v34  }
0xe9: {  	v2 =	vadd.f32 $-5.120000000e+02, v38;
	v1 =	vadd.f32 v1, v36  }
0xea: {  	v3 =	vadd.f32 v3, v37;
	v39 =	vadd.f32 v5, v32  }
0xeb: {  	v1 =	vadd.f32 v1, v35  }
0xec: {  	v0 =	vadd.f32 v3, v0;
	v41 =	vmul.f32 v39, v40;
	v2 =	vmul.f32 v39, v2;
	_ =	sdelay $0x1  }
0xed: {  	v1 =	vsub.f32 v1, v41;
	v0 =	vsub.f32 v0, v2;
	_ =	sdelay $0x1  }
0xee: {  	v1 =	vmul.f32 v1, v1;
	v0 =	vmul.f32 v0, v0;
	_ =	sdelay $0x1  }
0xef: {  	v0 =	vadd.f32 v0, v1;
	_ =	sdelay $0x1  }
0xf0: {  	v42 =	vmul.f32 v39, v39;
	v43 =	vshrl.u32 v0, $0x1;
	v44 =	vmul.f32 $5.000000000e-01, v0  }
0xf1: {  	v2 =	vsub.s32 $0x5F3759DF, v43  }
0xf2: {  	v4 =	vshrl.u32 v42, $0x1;
	v1 =	vmul.f32 $5.000000000e-01, v42;
	v45 =	vmul.f32 v2, v44  }
0xf3: {  	v4 =	vsub.s32 $0x5F3759DF, v4  }
0xf4: {  	v46 =	vmul.f32 v4, v1;
	v5 =	vmul.f32 v2, v45;
	_ =	sdelay $0x1  }
0xf5: {  	v6 =	vmul.f32 v4, v46;
	v5 =	vsub.f32 $1.500000000e+00, v5;
	_ =	sdelay $0x1  }
0xf6: {  	v47 =	vsub.f32 $1.500000000e+00, v6;
	v2 =	vmul.f32 v2, v5;
	_ =	sdelay $0x1  }
0xf7: {  	v4 =	vmul.f32 v4, v47;
	v3 =	vmul.f32 v2, v44;
	_ =	sdelay $0x1  }
0xf8: {  	v1 =	vmul.f32 v4, v1;
	v3 =	vmul.f32 v3, v2;
	_ =	sdelay $0x1  }
0xf9: {  	v1 =	vmul.f32 v1, v4;
	v3 =	vsub.f32 $1.500000000e+00, v3;
	_ =	sdelay $0x1  }
0xfa: {  	v1 =	vsub.f32 $1.500000000e+00, v1;
	v2 =	vmul.f32 v3, v2;
	_ =	sdelay $0x1  }
0xfb: {  	v1 =	vmul.f32 v1, v4;
	v0 =	vmul.f32 v2, v0;
	_ =	sdelay $0x1  }
0xfc: {  	v0 =	vmul.f32 v0, v1;
	_ =	sdelay $0x1  }
0xfd: {  	[tilespmem:s10+$0xFFFFFFD0] =	vst v0  }
0xfe: {  	v0 =	vld [tilespmem:s31+$0xFFFFFFE0];
	_ =	sdelay $0x4  }
0xff: {  	v53 =	vld [tilespmem:s1+$0xFFFFFFE0]  }
0x100: {  	v56 =	vld [tilespmem:s0+$0xFFFFFFE0]  }
0x101: {  	v61 =	vld [tilespmem:s9+$0xFFFFFFE0]  }
0x102: {  	v48 =	vld.idx.msk [tilespmem:v0+s7+$0x0], $0xffff  }
0x103: {  	v49 =	vld.idx.msk [tilespmem:v0+s12+$0x0], $0xffff  }
0x104: {  	v50 =	vld.idx.msk [tilespmem:v0+s15+$0x0], $0xffff  }
0x105: {  	v52 =	vld.idx.msk [tilespmem:v0+s20+$0x0], $0xffff  }
0x106: {  	v54 =	vld.idx.msk [tilespmem:v0+s21+$0x0], $0xffff  }
0x107: {  	v51 =	vld.idx.msk [tilespmem:v0+s16+$0x0], $0xffff  }
0x108: {  	v55 =	vld.idx.msk [tilespmem:v0+s22+$0x0], $0xffff  }
0x109: {  	v57 =	vld.idx.msk [tilespmem:v0+s13+$0x0], $0xffff  }
0x10a: {  	v59 =	vshll.u32 v53, $0x10;
	v58 =	vld.idx.msk [tilespmem:v0+s17+$0x0], $0xffff;
	v1 =	vmul.f32 v53, v48  }
0x10b: {  	v5 =	vmul.f32 v53, v52;
	v7 =	vmul.f32 v59, v54  }
0x10c: {  	v12 =	vshll.u32 v61, $0x10;
	v60 =	vld.idx.msk [tilespmem:v0+s23+$0x0], $0xffff;
	v2 =	vmul.f32 v59, v49;
	v3 =	vmul.f32 v53, v50  }
0x10d: {  	v63 =	vld.idx.msk [tilespmem:v0+s14+$0x0], $0xffff;
	v4 =	vmul.f32 v59, v51;
	v62 =	vmul.f32 v56, v55;
	v5 =	vadd.f32 v7, v5  }
0x10e: {  	v14 =	vadd.f32 $-5.120000000e+02, v61;
	v0 =	vld.idx.msk [tilespmem:v0+s19+$0x0], $0xffff;
	v10 =	vmul.f32 v56, v57;
	v1 =	vadd.f32 v2, v1  }
0x10f: {  	v11 =	vmul.f32 v56, v58;
	v3 =	vadd.f32 v4, v3;
	v5 =	vadd.f32 v5, v62  }
0x110: {  	v2 =	vadd.f32 $-5.120000000e+02, v12;
	v1 =	vadd.f32 v1, v10  }
0x111: {  	v3 =	vadd.f32 v3, v11;
	v13 =	vadd.f32 v5, v60  }
0x112: {  	v1 =	vadd.f32 v1, v63  }
0x113: {  	v0 =	vadd.f32 v3, v0;
	v15 =	vmul.f32 v13, v14;
	v2 =	vmul.f32 v13, v2;
	_ =	sdelay $0x1  }
0x114: {  	v1 =	vsub.f32 v1, v15;
	v0 =	vsub.f32 v0, v2;
	_ =	sdelay $0x1  }
0x115: {  	v1 =	vmul.f32 v1, v1;
	v0 =	vmul.f32 v0, v0;
	_ =	sdelay $0x1  }
0x116: {  	v0 =	vadd.f32 v0, v1;
	_ =	sdelay $0x1  }
0x117: {  	v16 =	vmul.f32 v13, v13;
	v17 =	vshrl.u32 v0, $0x1;
	v18 =	vmul.f32 $5.000000000e-01, v0  }
0x118: {  	v2 =	vsub.s32 $0x5F3759DF, v17  }
0x119: {  	v4 =	vshrl.u32 v16, $0x1;
	v1 =	vmul.f32 $5.000000000e-01, v16;
	v19 =	vmul.f32 v2, v18  }
0x11a: {  	v4 =	vsub.s32 $0x5F3759DF, v4  }
0x11b: {  	v20 =	vmul.f32 v4, v1;
	v5 =	vmul.f32 v2, v19;
	_ =	sdelay $0x1  }
0x11c: {  	v6 =	vmul.f32 v4, v20;
	v5 =	vsub.f32 $1.500000000e+00, v5;
	_ =	sdelay $0x1  }
0x11d: {  	v21 =	vsub.f32 $1.500000000e+00, v6;
	v2 =	vmul.f32 v2, v5;
	_ =	sdelay $0x1  }
0x11e: {  	v4 =	vmul.f32 v4, v21;
	v3 =	vmul.f32 v2, v18;
	_ =	sdelay $0x1  }
0x11f: {  	v1 =	vmul.f32 v4, v1;
	v3 =	vmul.f32 v3, v2;
	_ =	sdelay $0x1  }
0x120: {  	v1 =	vmul.f32 v1, v4;
	v3 =	vsub.f32 $1.500000000e+00, v3;
	_ =	sdelay $0x1  }
0x121: {  	v1 =	vsub.f32 $1.500000000e+00, v1;
	v2 =	vmul.f32 v3, v2;
	_ =	sdelay $0x1  }
0x122: {  	v1 =	vmul.f32 v1, v4;
	v0 =	vmul.f32 v2, v0;
	_ =	sdelay $0x1  }
0x123: {  	v0 =	vmul.f32 v0, v1;
	_ =	sdelay $0x1  }
0x124: {  	[tilespmem:s10+$0xFFFFFFE0] =	vst v0  }
0x125: {  	v0 =	vld [tilespmem:s31+$0xFFFFFFF0];
	_ =	sdelay $0x4  }
0x126: {  	v27 =	vld [tilespmem:s1+$0xFFFFFFF0]  }
0x127: {  	v30 =	vld [tilespmem:s0+$0xFFFFFFF0]  }
0x128: {  	v35 =	vld [tilespmem:s9+$0xFFFFFFF0]  }
0x129: {  	v22 =	vld.idx.msk [tilespmem:v0+s7+$0x0], $0xffff  }
0x12a: {  	v23 =	vld.idx.msk [tilespmem:v0+s12+$0x0], $0xffff  }
0x12b: {  	v24 =	vld.idx.msk [tilespmem:v0+s15+$0x0], $0xffff  }
0x12c: {  	v26 =	vld.idx.msk [tilespmem:v0+s20+$0x0], $0xffff  }
0x12d: {  	v28 =	vld.idx.msk [tilespmem:v0+s21+$0x0], $0xffff  }
0x12e: {  	v25 =	vld.idx.msk [tilespmem:v0+s16+$0x0], $0xffff  }
0x12f: {  	v29 =	vld.idx.msk [tilespmem:v0+s22+$0x0], $0xffff  }
0x130: {  	v31 =	vld.idx.msk [tilespmem:v0+s13+$0x0], $0xffff  }
0x131: {  	v33 =	vshll.u32 v27, $0x10;
	v32 =	vld.idx.msk [tilespmem:v0+s17+$0x0], $0xffff;
	v1 =	vmul.f32 v27, v22  }
0x132: {  	v5 =	vmul.f32 v27, v26;
	v7 =	vmul.f32 v33, v28  }
0x133: {  	v40 =	vshll.u32 v35, $0x10;
	v34 =	vld.idx.msk [tilespmem:v0+s23+$0x0], $0xffff;
	v2 =	vmul.f32 v33, v23;
	v3 =	vmul.f32 v27, v24  }
0x134: {  	v37 =	vld.idx.msk [tilespmem:v0+s14+$0x0], $0xffff;
	v4 =	vmul.f32 v33, v25;
	v36 =	vmul.f32 v30, v29;
	v5 =	vadd.f32 v7, v5  }
0x135: {  	v42 =	vadd.f32 $-5.120000000e+02, v35;
	v0 =	vld.idx.msk [tilespmem:v0+s19+$0x0], $0xffff;
	v38 =	vmul.f32 v30, v31;
	v1 =	vadd.f32 v2, v1  }
0x136: {  	v39 =	vmul.f32 v30, v32;
	v3 =	vadd.f32 v4, v3;
	v5 =	vadd.f32 v5, v36  }
0x137: {  	v2 =	vadd.f32 $-5.120000000e+02, v40;
	v1 =	vadd.f32 v1, v38  }
0x138: {  	v3 =	vadd.f32 v3, v39;
	v41 =	vadd.f32 v5, v34  }
0x139: {  	v1 =	vadd.f32 v1, v37  }
0x13a: {  	v0 =	vadd.f32 v3, v0;
	v43 =	vmul.f32 v41, v42;
	v2 =	vmul.f32 v41, v2;
	_ =	sdelay $0x1  }
0x13b: {  	v1 =	vsub.f32 v1, v43;
	v0 =	vsub.f32 v0, v2;
	_ =	sdelay $0x1  }
0x13c: {  	v1 =	vmul.f32 v1, v1;
	v0 =	vmul.f32 v0, v0;
	_ =	sdelay $0x1  }
0x13d: {  	v0 =	vadd.f32 v0, v1;
	_ =	sdelay $0x1  }
0x13e: {  	v44 =	vmul.f32 v41, v41;
	v45 =	vshrl.u32 v0, $0x1;
	v46 =	vmul.f32 $5.000000000e-01, v0  }
0x13f: {  	v2 =	vsub.s32 $0x5F3759DF, v45  }
0x140: {  	v4 =	vshrl.u32 v44, $0x1;
	v1 =	vmul.f32 $5.000000000e-01, v44;
	v47 =	vmul.f32 v2, v46  }
0x141: {  	v4 =	vsub.s32 $0x5F3759DF, v4  }
0x142: {  	v48 =	vmul.f32 v4, v1;
	v5 =	vmul.f32 v2, v47;
	_ =	sdelay $0x1  }
0x143: {  	v6 =	vmul.f32 v4, v48;
	v5 =	vsub.f32 $1.500000000e+00, v5;
	_ =	sdelay $0x1  }
0x144: {  	v49 =	vsub.f32 $1.500000000e+00, v6;
	v2 =	vmul.f32 v2, v5;
	_ =	sdelay $0x1  }
0x145: {  	v4 =	vmul.f32 v4, v49;
	v3 =	vmul.f32 v2, v46;
	_ =	sdelay $0x1  }
0x146: {  	v1 =	vmul.f32 v4, v1;
	v3 =	vmul.f32 v3, v2;
	_ =	sdelay $0x1  }
0x147: {  	v1 =	vmul.f32 v1, v4;
	v3 =	vsub.f32 $1.500000000e+00, v3;
	_ =	sdelay $0x1  }
0x148: {  	v1 =	vsub.f32 $1.500000000e+00, v1;
	v2 =	vmul.f32 v3, v2;
	_ =	sdelay $0x1  }
0x149: {  	v1 =	vmul.f32 v1, v4;
	v0 =	vmul.f32 v2, v0;
	_ =	sdelay $0x1  }
0x14a: {  	v0 =	vmul.f32 v0, v1;
	_ =	sdelay $0x1  }
0x14b: {  	[tilespmem:s10+$0xFFFFFFF0] =	vst v0  }
0x14c: {  	v0 =	vld [tilespmem:s31+$0x0];
	_ =	sdelay $0x4  }
0x14d: {  	v55 =	vld [tilespmem:s1+$0x0]  }
0x14e: {  	v58 =	vld [tilespmem:s0+$0x0]  }
0x14f: {  	v63 =	vld [tilespmem:s9+$0x0]  }
0x150: {  	v50 =	vld.idx.msk [tilespmem:v0+s7+$0x0], $0xffff  }
0x151: {  	v51 =	vld.idx.msk [tilespmem:v0+s12+$0x0], $0xffff  }
0x152: {  	v52 =	vld.idx.msk [tilespmem:v0+s15+$0x0], $0xffff  }
0x153: {  	v54 =	vld.idx.msk [tilespmem:v0+s20+$0x0], $0xffff  }
0x154: {  	v56 =	vld.idx.msk [tilespmem:v0+s21+$0x0], $0xffff  }
0x155: {  	v53 =	vld.idx.msk [tilespmem:v0+s16+$0x0], $0xffff  }
0x156: {  	v57 =	vld.idx.msk [tilespmem:v0+s22+$0x0], $0xffff  }
0x157: {  	v59 =	vld.idx.msk [tilespmem:v0+s13+$0x0], $0xffff  }
0x158: {  	v61 =	vshll.u32 v55, $0x10;
	v60 =	vld.idx.msk [tilespmem:v0+s17+$0x0], $0xffff;
	v1 =	vmul.f32 v55, v50  }
0x159: {  	v5 =	vmul.f32 v55, v54;
	v7 =	vmul.f32 v61, v56  }
0x15a: {  	v18 =	vshll.u32 v63, $0x10;
	v62 =	vld.idx.msk [tilespmem:v0+s23+$0x0], $0xffff;
	v2 =	vmul.f32 v61, v51;
	v3 =	vmul.f32 v55, v52  }
0x15b: {  	v15 =	vld.idx.msk [tilespmem:v0+s14+$0x0], $0xffff;
	v4 =	vmul.f32 v61, v53;
	v12 =	vmul.f32 v58, v57;
	v5 =	vadd.f32 v7, v5  }
0x15c: {  	v20 =	vadd.f32 $-5.120000000e+02, v63;
	v0 =	vld.idx.msk [tilespmem:v0+s19+$0x0], $0xffff;
	v16 =	vmul.f32 v58, v59;
	v1 =	vadd.f32 v2, v1  }
0x15d: {  	v17 =	vmul.f32 v58, v60;
	v3 =	vadd.f32 v4, v3;
	v5 =	vadd.f32 v5, v12  }
0x15e: {  	v2 =	vadd.f32 $-5.120000000e+02, v18;
	v1 =	vadd.f32 v1, v16  }
0x15f: {  	v3 =	vadd.f32 v3, v17;
	v19 =	vadd.f32 v5, v62  }
0x160: {  	v1 =	vadd.f32 v1, v15  }
0x161: {  	v0 =	vadd.f32 v3, v0;
	v21 =	vmul.f32 v19, v20;
	v2 =	vmul.f32 v19, v2;
	_ =	sdelay $0x1  }
0x162: {  	v1 =	vsub.f32 v1, v21;
	v0 =	vsub.f32 v0, v2;
	_ =	sdelay $0x1  }
0x163: {  	v1 =	vmul.f32 v1, v1;
	v0 =	vmul.f32 v0, v0;
	_ =	sdelay $0x1  }
0x164: {  	v0 =	vadd.f32 v0, v1;
	_ =	sdelay $0x1  }
0x165: {  	v22 =	vmul.f32 v19, v19;
	v23 =	vshrl.u32 v0, $0x1;
	v24 =	vmul.f32 $5.000000000e-01, v0  }
0x166: {  	v2 =	vsub.s32 $0x5F3759DF, v23  }
0x167: {  	v4 =	vshrl.u32 v22, $0x1;
	v1 =	vmul.f32 $5.000000000e-01, v22;
	v25 =	vmul.f32 v2, v24  }
0x168: {  	v4 =	vsub.s32 $0x5F3759DF, v4  }
0x169: {  	v26 =	vmul.f32 v4, v1;
	v5 =	vmul.f32 v2, v25;
	_ =	sdelay $0x1  }
0x16a: {  	v6 =	vmul.f32 v4, v26;
	v5 =	vsub.f32 $1.500000000e+00, v5;
	_ =	sdelay $0x1  }
0x16b: {  	v27 =	vsub.f32 $1.500000000e+00, v6;
	v2 =	vmul.f32 v2, v5;
	_ =	sdelay $0x1  }
0x16c: {  	v4 =	vmul.f32 v4, v27;
	v3 =	vmul.f32 v2, v24;
	_ =	sdelay $0x1  }
0x16d: {  	v1 =	vmul.f32 v4, v1;
	v3 =	vmul.f32 v3, v2;
	_ =	sdelay $0x1  }
0x16e: {  	v1 =	vmul.f32 v1, v4;
	v3 =	vsub.f32 $1.500000000e+00, v3;
	_ =	sdelay $0x1  }
0x16f: {  	v1 =	vsub.f32 $1.500000000e+00, v1;
	v2 =	vmul.f32 v3, v2;
	_ =	sdelay $0x1  }
0x170: {  	v1 =	vmul.f32 v1, v4;
	v0 =	vmul.f32 v2, v0;
	_ =	sdelay $0x1  }
0x171: {  	v0 =	vmul.f32 v0, v1;
	_ =	sdelay $0x1  }
0x172: {  	[tilespmem:s10+$0x0] =	vst v0  }
0x173: {  	v0 =	vld [tilespmem:s31+$0x10];
	_ =	sdelay $0x4  }
0x174: {  	v33 =	vld [tilespmem:s1+$0x10]  }
0x175: {  	v36 =	vld [tilespmem:s0+$0x10]  }
0x176: {  	v41 =	vld [tilespmem:s9+$0x10]  }
0x177: {  	v28 =	vld.idx.msk [tilespmem:v0+s7+$0x0], $0xffff  }
0x178: {  	v29 =	vld.idx.msk [tilespmem:v0+s12+$0x0], $0xffff  }
0x179: {  	v30 =	vld.idx.msk [tilespmem:v0+s15+$0x0], $0xffff  }
0x17a: {  	v32 =	vld.idx.msk [tilespmem:v0+s20+$0x0], $0xffff  }
0x17b: {  	v34 =	vld.idx.msk [tilespmem:v0+s21+$0x0], $0xffff  }
0x17c: {  	v31 =	vld.idx.msk [tilespmem:v0+s16+$0x0], $0xffff  }
0x17d: {  	v35 =	vld.idx.msk [tilespmem:v0+s22+$0x0], $0xffff  }
0x17e: {  	v37 =	vld.idx.msk [tilespmem:v0+s13+$0x0], $0xffff  }
0x17f: {  	v39 =	vshll.u32 v33, $0x10;
	v38 =	vld.idx.msk [tilespmem:v0+s17+$0x0], $0xffff;
	v1 =	vmul.f32 v33, v28  }
0x180: {  	v5 =	vmul.f32 v33, v32;
	v7 =	vmul.f32 v39, v34  }
0x181: {  	v46 =	vshll.u32 v41, $0x10;
	v40 =	vld.idx.msk [tilespmem:v0+s23+$0x0], $0xffff;
	v2 =	vmul.f32 v39, v29;
	v3 =	vmul.f32 v33, v30  }
0x182: {  	v43 =	vld.idx.msk [tilespmem:v0+s14+$0x0], $0xffff;
	v4 =	vmul.f32 v39, v31;
	v42 =	vmul.f32 v36, v35;
	v5 =	vadd.f32 v7, v5  }
0x183: {  	v48 =	vadd.f32 $-5.120000000e+02, v41;
	v0 =	vld.idx.msk [tilespmem:v0+s19+$0x0], $0xffff;
	v44 =	vmul.f32 v36, v37;
	v1 =	vadd.f32 v2, v1  }
0x184: {  	v45 =	vmul.f32 v36, v38;
	v3 =	vadd.f32 v4, v3;
	v5 =	vadd.f32 v5, v42  }
0x185: {  	v2 =	vadd.f32 $-5.120000000e+02, v46;
	v1 =	vadd.f32 v1, v44  }
0x186: {  	v3 =	vadd.f32 v3, v45;
	v47 =	vadd.f32 v5, v40  }
0x187: {  	v1 =	vadd.f32 v1, v43  }
0x188: {  	v0 =	vadd.f32 v3, v0;
	v49 =	vmul.f32 v47, v48;
	v2 =	vmul.f32 v47, v2;
	_ =	sdelay $0x1  }
0x189: {  	v1 =	vsub.f32 v1, v49;
	v0 =	vsub.f32 v0, v2;
	_ =	sdelay $0x1  }
0x18a: {  	v1 =	vmul.f32 v1, v1;
	v0 =	vmul.f32 v0, v0;
	_ =	sdelay $0x1  }
0x18b: {  	v0 =	vadd.f32 v0, v1;
	_ =	sdelay $0x1  }
0x18c: {  	v50 =	vmul.f32 v47, v47;
	v51 =	vshrl.u32 v0, $0x1;
	v52 =	vmul.f32 $5.000000000e-01, v0  }
0x18d: {  	v2 =	vsub.s32 $0x5F3759DF, v51  }
0x18e: {  	v4 =	vshrl.u32 v50, $0x1;
	v1 =	vmul.f32 $5.000000000e-01, v50;
	v53 =	vmul.f32 v2, v52  }
0x18f: {  	v4 =	vsub.s32 $0x5F3759DF, v4  }
0x190: {  	v54 =	vmul.f32 v4, v1;
	v5 =	vmul.f32 v2, v53;
	_ =	sdelay $0x1  }
0x191: {  	v6 =	vmul.f32 v4, v54;
	v5 =	vsub.f32 $1.500000000e+00, v5;
	_ =	sdelay $0x1  }
0x192: {  	v55 =	vsub.f32 $1.500000000e+00, v6;
	v2 =	vmul.f32 v2, v5;
	_ =	sdelay $0x1  }
0x193: {  	v4 =	vmul.f32 v4, v55;
	v3 =	vmul.f32 v2, v52;
	_ =	sdelay $0x1  }
0x194: {  	v1 =	vmul.f32 v4, v1;
	v3 =	vmul.f32 v3, v2;
	_ =	sdelay $0x1  }
0x195: {  	v1 =	vmul.f32 v1, v4;
	v3 =	vsub.f32 $1.500000000e+00, v3;
	_ =	sdelay $0x1  }
0x196: {  	v1 =	vsub.f32 $1.500000000e+00, v1;
	v2 =	vmul.f32 v3, v2;
	_ =	sdelay $0x1  }
0x197: {  	v1 =	vmul.f32 v1, v4;
	v0 =	vmul.f32 v2, v0;
	_ =	sdelay $0x1  }
0x198: {  	v0 =	vmul.f32 v0, v1;
	_ =	sdelay $0x1  }
0x199: {  	[tilespmem:s10+$0x10] =	vst v0  }
0x19a: {  	v0 =	vld [tilespmem:s31+$0x20];
	_ =	sdelay $0x4  }
0x19b: {  	v61 =	vld [tilespmem:s1+$0x20]  }
0x19c: {  	v16 =	vld [tilespmem:s0+$0x20]  }
0x19d: {  	v21 =	vld [tilespmem:s9+$0x20]  }
0x19e: {  	v56 =	vld.idx.msk [tilespmem:v0+s7+$0x0], $0xffff  }
0x19f: {  	v57 =	vld.idx.msk [tilespmem:v0+s12+$0x0], $0xffff  }
0x1a0: {  	v58 =	vld.idx.msk [tilespmem:v0+s15+$0x0], $0xffff  }
0x1a1: {  	v60 =	vld.idx.msk [tilespmem:v0+s20+$0x0], $0xffff  }
0x1a2: {  	v62 =	vld.idx.msk [tilespmem:v0+s21+$0x0], $0xffff  }
0x1a3: {  	v59 =	vld.idx.msk [tilespmem:v0+s16+$0x0], $0xffff  }
0x1a4: {  	v63 =	vld.idx.msk [tilespmem:v0+s22+$0x0], $0xffff  }
0x1a5: {  	v17 =	vld.idx.msk [tilespmem:v0+s13+$0x0], $0xffff  }
0x1a6: {  	v19 =	vshll.u32 v61, $0x10;
	v18 =	vld.idx.msk [tilespmem:v0+s17+$0x0], $0xffff;
	v1 =	vmul.f32 v61, v56  }
0x1a7: {  	v5 =	vmul.f32 v61, v60;
	v7 =	vmul.f32 v19, v62  }
0x1a8: {  	v26 =	vshll.u32 v21, $0x10;
	v20 =	vld.idx.msk [tilespmem:v0+s23+$0x0], $0xffff;
	v2 =	vmul.f32 v19, v57;
	v3 =	vmul.f32 v61, v58  }
0x1a9: {  	v23 =	vld.idx.msk [tilespmem:v0+s14+$0x0], $0xffff;
	v4 =	vmul.f32 v19, v59;
	v22 =	vmul.f32 v16, v63;
	v5 =	vadd.f32 v7, v5  }
0x1aa: {  	v28 =	vadd.f32 $-5.120000000e+02, v21;
	v0 =	vld.idx.msk [tilespmem:v0+s19+$0x0], $0xffff;
	v24 =	vmul.f32 v16, v17;
	v1 =	vadd.f32 v2, v1  }
0x1ab: {  	v25 =	vmul.f32 v16, v18;
	v3 =	vadd.f32 v4, v3;
	v5 =	vadd.f32 v5, v22  }
0x1ac: {  	v2 =	vadd.f32 $-5.120000000e+02, v26;
	v1 =	vadd.f32 v1, v24  }
0x1ad: {  	v3 =	vadd.f32 v3, v25;
	v27 =	vadd.f32 v5, v20  }
0x1ae: {  	v1 =	vadd.f32 v1, v23  }
0x1af: {  	v0 =	vadd.f32 v3, v0;
	v29 =	vmul.f32 v27, v28;
	v2 =	vmul.f32 v27, v2;
	_ =	sdelay $0x1  }
0x1b0: {  	v1 =	vsub.f32 v1, v29;
	v0 =	vsub.f32 v0, v2;
	_ =	sdelay $0x1  }
0x1b1: {  	v1 =	vmul.f32 v1, v1;
	v0 =	vmul.f32 v0, v0;
	_ =	sdelay $0x1  }
0x1b2: {  	v0 =	vadd.f32 v0, v1;
	_ =	sdelay $0x1  }
0x1b3: {  	v30 =	vmul.f32 v27, v27;
	v31 =	vshrl.u32 v0, $0x1;
	v32 =	vmul.f32 $5.000000000e-01, v0  }
0x1b4: {  	v2 =	vsub.s32 $0x5F3759DF, v31  }
0x1b5: {  	v4 =	vshrl.u32 v30, $0x1;
	v1 =	vmul.f32 $5.000000000e-01, v30;
	v33 =	vmul.f32 v2, v32  }
0x1b6: {  	v4 =	vsub.s32 $0x5F3759DF, v4  }
0x1b7: {  	v34 =	vmul.f32 v4, v1;
	v5 =	vmul.f32 v2, v33;
	_ =	sdelay $0x1  }
0x1b8: {  	v6 =	vmul.f32 v4, v34;
	v5 =	vsub.f32 $1.500000000e+00, v5;
	_ =	sdelay $0x1  }
0x1b9: {  	v35 =	vsub.f32 $1.500000000e+00, v6;
	v2 =	vmul.f32 v2, v5;
	_ =	sdelay $0x1  }
0x1ba: {  	v4 =	vmul.f32 v4, v35;
	v3 =	vmul.f32 v2, v32;
	_ =	sdelay $0x1  }
0x1bb: {  	v1 =	vmul.f32 v4, v1;
	v3 =	vmul.f32 v3, v2;
	_ =	sdelay $0x1  }
0x1bc: {  	v1 =	vmul.f32 v1, v4;
	v3 =	vsub.f32 $1.500000000e+00, v3;
	_ =	sdelay $0x1  }
0x1bd: {  	v1 =	vsub.f32 $1.500000000e+00, v1;
	v2 =	vmul.f32 v3, v2;
	_ =	sdelay $0x1  }
0x1be: {  	v1 =	vmul.f32 v1, v4;
	v0 =	vmul.f32 v2, v0;
	_ =	sdelay $0x1  }
0x1bf: {  	v0 =	vmul.f32 v0, v1;
	_ =	sdelay $0x1  }
0x1c0: {  	[tilespmem:s10+$0x20] =	vst v0  }
0x1c1: {  	v0 =	vld [tilespmem:s31+$0x30];
	_ =	sdelay $0x4  }
0x1c2: {  	v41 =	vld [tilespmem:s1+$0x30]  }
0x1c3: {  	v44 =	vld [tilespmem:s0+$0x30]  }
0x1c4: {  	v49 =	vld [tilespmem:s9+$0x30]  }
0x1c5: {  	v36 =	vld.idx.msk [tilespmem:v0+s7+$0x0], $0xffff  }
0x1c6: {  	v37 =	vld.idx.msk [tilespmem:v0+s12+$0x0], $0xffff  }
0x1c7: {  	v38 =	vld.idx.msk [tilespmem:v0+s15+$0x0], $0xffff  }
0x1c8: {  	v40 =	vld.idx.msk [tilespmem:v0+s20+$0x0], $0xffff  }
0x1c9: {  	v42 =	vld.idx.msk [tilespmem:v0+s21+$0x0], $0xffff  }
0x1ca: {  	v39 =	vld.idx.msk [tilespmem:v0+s16+$0x0], $0xffff  }
0x1cb: {  	v43 =	vld.idx.msk [tilespmem:v0+s22+$0x0], $0xffff  }
0x1cc: {  	v45 =	vld.idx.msk [tilespmem:v0+s13+$0x0], $0xffff  }
0x1cd: {  	v47 =	vshll.u32 v41, $0x10;
	v46 =	vld.idx.msk [tilespmem:v0+s17+$0x0], $0xffff;
	v1 =	vmul.f32 v41, v36  }
0x1ce: {  	v5 =	vmul.f32 v41, v40;
	v7 =	vmul.f32 v47, v42  }
0x1cf: {  	v54 =	vshll.u32 v49, $0x10;
	v48 =	vld.idx.msk [tilespmem:v0+s23+$0x0], $0xffff;
	v2 =	vmul.f32 v47, v37;
	v3 =	vmul.f32 v41, v38  }
0x1d0: {  	v51 =	vld.idx.msk [tilespmem:v0+s14+$0x0], $0xffff;
	v4 =	vmul.f32 v47, v39;
	v50 =	vmul.f32 v44, v43;
	v5 =	vadd.f32 v7, v5  }
0x1d1: {  	v56 =	vadd.f32 $-5.120000000e+02, v49;
	v0 =	vld.idx.msk [tilespmem:v0+s19+$0x0], $0xffff;
	v52 =	vmul.f32 v44, v45;
	v1 =	vadd.f32 v2, v1  }
0x1d2: {  	v53 =	vmul.f32 v44, v46;
	v3 =	vadd.f32 v4, v3;
	v5 =	vadd.f32 v5, v50  }
0x1d3: {  	v2 =	vadd.f32 $-5.120000000e+02, v54;
	v1 =	vadd.f32 v1, v52  }
0x1d4: {  	v3 =	vadd.f32 v3, v53;
	v55 =	vadd.f32 v5, v48  }
0x1d5: {  	v1 =	vadd.f32 v1, v51  }
0x1d6: {  	v0 =	vadd.f32 v3, v0;
	v57 =	vmul.f32 v55, v56;
	v2 =	vmul.f32 v55, v2;
	_ =	sdelay $0x1  }
0x1d7: {  	v1 =	vsub.f32 v1, v57;
	v0 =	vsub.f32 v0, v2;
	_ =	sdelay $0x1  }
0x1d8: {  	v1 =	vmul.f32 v1, v1;
	v0 =	vmul.f32 v0, v0;
	_ =	sdelay $0x1  }
0x1d9: {  	v0 =	vadd.f32 v0, v1;
	_ =	sdelay $0x1  }
0x1da: {  	v58 =	vmul.f32 v55, v55;
	v59 =	vshrl.u32 v0, $0x1;
	v60 =	vmul.f32 $5.000000000e-01, v0  }
0x1db: {  	v2 =	vsub.s32 $0x5F3759DF, v59  }
0x1dc: {  	v4 =	vshrl.u32 v58, $0x1;
	v1 =	vmul.f32 $5.000000000e-01, v58;
	v61 =	vmul.f32 v2, v60  }
0x1dd: {  	v4 =	vsub.s32 $0x5F3759DF, v4  }
0x1de: {  	v62 =	vmul.f32 v4, v1;
	v5 =	vmul.f32 v2, v61;
	_ =	sdelay $0x1  }
0x1df: {  	v6 =	vmul.f32 v4, v62;
	v5 =	vsub.f32 $1.500000000e+00, v5;
	_ =	sdelay $0x1  }
0x1e0: {  	v63 =	vsub.f32 $1.500000000e+00, v6;
	v2 =	vmul.f32 v2, v5;
	_ =	sdelay $0x1  }
0x1e1: {  	v4 =	vmul.f32 v4, v63;
	v3 =	vmul.f32 v2, v60;
	_ =	sdelay $0x1  }
0x1e2: {  	v1 =	vmul.f32 v4, v1;
	v3 =	vmul.f32 v3, v2;
	_ =	sdelay $0x1  }
0x1e3: {  	v1 =	vmul.f32 v1, v4;
	v3 =	vsub.f32 $1.500000000e+00, v3;
	_ =	sdelay $0x1  }
0x1e4: {  	s29 =	sadd.s32 $0x8, s29;
	v1 =	vsub.f32 $1.500000000e+00, v1;
	v2 =	vmul.f32 v3, v2  }
0x1e5: {  	p1 =	slt.u32 s29, $0xC0  }
.Ltmp5:
0x1e6: {  	v1 =	vmul.f32 v1, v4;
	v0 =	vmul.f32 v2, v0;
	(pc) =	sbr.rel @p1 .LBB2_4-.Ltmp5, $4  }
0x1e7: {  	_ = 	snop  }
0x1e8: {  	v0 =	vmul.f32 v0, v1  }
0x1e9: {  	s31 =	sadd.s32 $0x80, s31;
	s1 =	sadd.s32 $0x80, s1  }
0x1ea: {  	s0 =	sadd.s32 $0x80, s0;
	s9 =	sadd.s32 $0x80, s9;
	[tilespmem:s10+$0x30] =	vst v0;
	s10 =	sadd.s32 $0x80, s10  }
0x1eb: {  	s0 =	smul.u32 $0x60, s25;
	_ =	sdelay $0x1  }
0x1ec: {  	s0 =	sor.u32 s11, s0  }
0x1ed: {  	s0 =	smul.u32 $0x190, s0;
	_ =	sdelay $0x1  }
0x1ee: {  	s1 =	simm.s32 $0x9E80;
	s0 =	sadd.s32 s4, s0  }
0x1ef: {  	[hbm4b:s0+s7] =	stream.linear.scatter [tilespmem:s1], [sflag:$0x7], $0xC80, $0x38;
	[tilespmem:$0x1A2B0] =	vst v63  }
.LBB2_6:
0x1f0: {  	p1 =	sge.u32 s28, s18  }
.Ltmp6:
0x1f1: {  	_ = 	snop;
	(pc) =	sbr.rel @p1 .LBB2_10-.Ltmp6, $1  }
0x1f2: {  	_ =	sdelay $0x3  }
0x1f3: {  	s0 =	sadd.s32 $0x3, s28  }
0x1f4: {  	p1 =	sgt.u32 s0, s18  }
0x1f5: {  	s0 =	sshll.u32 @!p1 s0, $0x5  }
0x1f6: {  	s0 =	sor.u32 @!p1 s11, s0  }
0x1f7: {  	s0 =	smul.u32 @!p1 $0x190, s0;
	_ =	sdelay $0x1  }
0x1f8: {  	s9 =	simm.s32 @!p1 $0x0;
	s10 =	simm.s32 @!p1 $0x6000;
	s1 =	sadd.s32 @!p1 s3, s0  }
0x1f9: {  	[tilespmem:s10], [sflag:$0x1] =	stream.linear.gather @!p1 [hbm4b:s1+s9], $0xC80, $0x38;
	[tilespmem:$0x1A2B0] =	vst v63  }
0x1fa: {  	s1 =	sadd.s32 @!p1 s2, s0;
	s10 =	simm.s32 @!p1 $0x6C80  }
0x1fb: {  	[tilespmem:s10], [sflag:$0x1] =	stream.linear.gather @!p1 [hbm4b:s1+s9], $0xC80, $0x38;
	[tilespmem:$0x1A2B0] =	vst v63  }
0x1fc: {  	s0 =	sadd.s32 @!p1 s8, s0;
	s1 =	simm.s32 @!p1 $0x7900;
	s10 =	rddreg [dreg:$0x1b]  }
0x1fd: {  	[tilespmem:s1], [sflag:$0x1] =	stream.linear.gather @!p1 [hbm4b:s0+s9], $0xC80, $0x38;
	[tilespmem:$0x1A2B0] =	vst v63  }
0x1fe: {  	p1 =	sgt.u32 s28, s10  }
0x1ff: {  	s0 =	simm.s32 @!p1 $0x3  }
0x200: {  	_ =	swait.ge @!p1 [sflag:s0], $0xC80  }
0x201: {  	[sflag:s0] =	ssyncset.done @!p1 $0x0  }
0x202: {  	[sflag:s0] =	ssyncadd.s32 @!p1 $0xFFFFF380  }
0x203: {  	_ =	swait.ge @!p1 [sflag:s0], $0xC80  }
0x204: {  	[sflag:s0] =	ssyncset.done @!p1 $0x0  }
0x205: {  	[sflag:s0] =	ssyncadd.s32 @!p1 $0xFFFFF380  }
0x206: {  	_ =	swait.ge @!p1 [sflag:s0], $0xC80  }
0x207: {  	s1 =	simm.s32 @!p1 $0xF600;
	[sflag:s0] =	ssyncset.done @!p1 $0x0  }
0x208: {  	s9 =	simm.s32 @!p1 $0x11B80;
	[sflag:s0] =	ssyncadd.s32 @!p1 $0xFFFFF380;
	s0 =	simm.s32 @!p1 $0xC80  }
0x209: {  	[tilespmem:s9], [sflag:$0x6] =	stream.indirect.gather @!p1 [spmem:s5], $0x1, s1, s0, $0xb8;
	[tilespmem:$0x1A2B0] =	vst v63  }
0x20a: {  	s9 =	simm.s32 @!p1 $0x12800  }
0x20b: {  	[tilespmem:s9], [sflag:$0x6] =	stream.indirect.gather @!p1 [spmem:s6], $0x1, s1, s0, $0xb8;
	[tilespmem:$0x1A2B0] =	vst v63  }
0x20c: {  	_ =	swait.ge [sflag:s26], $0xC80  }
0x20d: {  	[sflag:s26] =	ssyncset.done $0x0  }
0x20e: {  	[sflag:s26] =	ssyncadd.s32 $0xFFFFF380  }
0x20f: {  	_ =	swait.ge [sflag:s26], $0xC80  }
0x210: {  	p1 =	seq.s32 s25, $0x0;
	[sflag:s26] =	ssyncset.done $0x0  }
0x211: {  	s0 =	simm.s32 @!p1 $0x8;
	[sflag:s26] =	ssyncadd.s32 $0xFFFFF380  }
0x212: {  	s29 =	simm.s32 $0xFFFFFFF8;
	s31 =	simm.s32 $0xB7C0;
	_ =	swait.ge @!p1 [sflag:s0], $0xC80  }
0x213: {  	s10 =	simm.s32 $0xE9C0;
	s1 =	simm.s32 $0xD0C0;
	[sflag:s0] =	ssyncset.done @!p1 $0x0  }
0x214: {  	s9 =	simm.s32 $0xC440;
	[sflag:s0] =	ssyncadd.s32 @!p1 $0xFFFFF380;
	s0 =	simm.s32 $0xDD40  }
.LBB2_8:
0x215: {  	v0 =	vld [tilespmem:s31+$0xFFFFFFC0];
	_ =	sdelay $0x4  }
0x216: {  	v6 =	vld [tilespmem:s1+$0xFFFFFFC0]  }
0x217: {  	v9 =	vld [tilespmem:s0+$0xFFFFFFC0]  }
0x218: {  	v14 =	vld [tilespmem:s9+$0xFFFFFFC0]  }
0x219: {  	v1 =	vld.idx.msk [tilespmem:v0+s7+$0x0], $0xffff  }
0x21a: {  	v2 =	vld.idx.msk [tilespmem:v0+s12+$0x0], $0xffff  }
0x21b: {  	v3 =	vld.idx.msk [tilespmem:v0+s15+$0x0], $0xffff  }
0x21c: {  	v4 =	vld.idx.msk [tilespmem:v0+s16+$0x0], $0xffff  }
0x21d: {  	v5 =	vld.idx.msk [tilespmem:v0+s20+$0x0], $0xffff  }
0x21e: {  	v7 =	vld.idx.msk [tilespmem:v0+s21+$0x0], $0xffff  }
0x21f: {  	v8 =	vld.idx.msk [tilespmem:v0+s22+$0x0], $0xffff  }
0x220: {  	v10 =	vld.idx.msk [tilespmem:v0+s13+$0x0], $0xffff  }
0x221: {  	v11 =	vld.idx.msk [tilespmem:v0+s17+$0x0], $0xffff  }
0x222: {  	v12 =	vshll.u32 v6, $0x10;
	v1 =	vmul.f32 v6, v1;
	v5 =	vmul.f32 v6, v5  }
0x223: {  	v7 =	vmul.f32 v12, v7;
	v2 =	vmul.f32 v12, v2  }
0x224: {  	v13 =	vld.idx.msk [tilespmem:v0+s23+$0x0], $0xffff;
	v3 =	vmul.f32 v6, v3;
	v4 =	vmul.f32 v12, v4  }
0x225: {  	v63 =	vld.idx.msk [tilespmem:v0+s14+$0x0], $0xffff;
	v62 =	vmul.f32 v9, v8;
	v8 =	vmul.f32 v9, v10;
	v5 =	vadd.f32 v7, v5  }
0x226: {  	v0 =	vld.idx.msk [tilespmem:v0+s19+$0x0], $0xffff;
	v9 =	vmul.f32 v9, v11;
	v12 =	vadd.f32 $-5.120000000e+02, v14;
	v1 =	vadd.f32 v2, v1  }
0x227: {  	v10 =	vshll.u32 v14, $0x10;
	v3 =	vadd.f32 v4, v3;
	v5 =	vadd.f32 v5, v62  }
0x228: {  	v2 =	vadd.f32 $-5.120000000e+02, v10;
	v1 =	vadd.f32 v1, v8  }
0x229: {  	v3 =	vadd.f32 v3, v9;
	v11 =	vadd.f32 v5, v13  }
0x22a: {  	v1 =	vadd.f32 v1, v63  }
0x22b: {  	v0 =	vadd.f32 v3, v0;
	v13 =	vmul.f32 v11, v12;
	v2 =	vmul.f32 v11, v2;
	_ =	sdelay $0x1  }
0x22c: {  	v1 =	vsub.f32 v1, v13;
	v0 =	vsub.f32 v0, v2;
	_ =	sdelay $0x1  }
0x22d: {  	v1 =	vmul.f32 v1, v1;
	v0 =	vmul.f32 v0, v0;
	_ =	sdelay $0x1  }
0x22e: {  	v0 =	vadd.f32 v0, v1;
	_ =	sdelay $0x1  }
0x22f: {  	v14 =	vmul.f32 v11, v11;
	v15 =	vshrl.u32 v0, $0x1;
	v16 =	vmul.f32 $5.000000000e-01, v0  }
0x230: {  	v2 =	vsub.s32 $0x5F3759DF, v15  }
0x231: {  	v4 =	vshrl.u32 v14, $0x1;
	v1 =	vmul.f32 $5.000000000e-01, v14;
	v17 =	vmul.f32 v2, v16  }
0x232: {  	v4 =	vsub.s32 $0x5F3759DF, v4  }
0x233: {  	v18 =	vmul.f32 v4, v1;
	v5 =	vmul.f32 v2, v17;
	_ =	sdelay $0x1  }
0x234: {  	v6 =	vmul.f32 v4, v18;
	v5 =	vsub.f32 $1.500000000e+00, v5;
	_ =	sdelay $0x1  }
0x235: {  	v19 =	vsub.f32 $1.500000000e+00, v6;
	v2 =	vmul.f32 v2, v5;
	_ =	sdelay $0x1  }
0x236: {  	v4 =	vmul.f32 v4, v19;
	v3 =	vmul.f32 v2, v16;
	_ =	sdelay $0x1  }
0x237: {  	v1 =	vmul.f32 v4, v1;
	v3 =	vmul.f32 v3, v2;
	_ =	sdelay $0x1  }
0x238: {  	v1 =	vmul.f32 v1, v4;
	v3 =	vsub.f32 $1.500000000e+00, v3;
	_ =	sdelay $0x1  }
0x239: {  	v1 =	vsub.f32 $1.500000000e+00, v1;
	v2 =	vmul.f32 v3, v2;
	_ =	sdelay $0x1  }
0x23a: {  	v1 =	vmul.f32 v1, v4;
	v0 =	vmul.f32 v2, v0;
	_ =	sdelay $0x1  }
0x23b: {  	v0 =	vmul.f32 v0, v1;
	_ =	sdelay $0x1  }
0x23c: {  	[tilespmem:s10+$0xFFFFFFC0] =	vst v0  }
0x23d: {  	v0 =	vld [tilespmem:s31+$0xFFFFFFD0];
	_ =	sdelay $0x4  }
0x23e: {  	v25 =	vld [tilespmem:s1+$0xFFFFFFD0]  }
0x23f: {  	v28 =	vld [tilespmem:s0+$0xFFFFFFD0]  }
0x240: {  	v33 =	vld [tilespmem:s9+$0xFFFFFFD0]  }
0x241: {  	v20 =	vld.idx.msk [tilespmem:v0+s7+$0x0], $0xffff  }
0x242: {  	v21 =	vld.idx.msk [tilespmem:v0+s12+$0x0], $0xffff  }
0x243: {  	v22 =	vld.idx.msk [tilespmem:v0+s15+$0x0], $0xffff  }
0x244: {  	v24 =	vld.idx.msk [tilespmem:v0+s20+$0x0], $0xffff  }
0x245: {  	v26 =	vld.idx.msk [tilespmem:v0+s21+$0x0], $0xffff  }
0x246: {  	v23 =	vld.idx.msk [tilespmem:v0+s16+$0x0], $0xffff  }
0x247: {  	v27 =	vld.idx.msk [tilespmem:v0+s22+$0x0], $0xffff  }
0x248: {  	v29 =	vld.idx.msk [tilespmem:v0+s13+$0x0], $0xffff  }
0x249: {  	v31 =	vshll.u32 v25, $0x10;
	v30 =	vld.idx.msk [tilespmem:v0+s17+$0x0], $0xffff;
	v1 =	vmul.f32 v25, v20  }
0x24a: {  	v5 =	vmul.f32 v25, v24;
	v7 =	vmul.f32 v31, v26  }
0x24b: {  	v38 =	vshll.u32 v33, $0x10;
	v32 =	vld.idx.msk [tilespmem:v0+s23+$0x0], $0xffff;
	v2 =	vmul.f32 v31, v21;
	v3 =	vmul.f32 v25, v22  }
0x24c: {  	v35 =	vld.idx.msk [tilespmem:v0+s14+$0x0], $0xffff;
	v4 =	vmul.f32 v31, v23;
	v34 =	vmul.f32 v28, v27;
	v5 =	vadd.f32 v7, v5  }
0x24d: {  	v40 =	vadd.f32 $-5.120000000e+02, v33;
	v0 =	vld.idx.msk [tilespmem:v0+s19+$0x0], $0xffff;
	v36 =	vmul.f32 v28, v29;
	v1 =	vadd.f32 v2, v1  }
0x24e: {  	v37 =	vmul.f32 v28, v30;
	v3 =	vadd.f32 v4, v3;
	v5 =	vadd.f32 v5, v34  }
0x24f: {  	v2 =	vadd.f32 $-5.120000000e+02, v38;
	v1 =	vadd.f32 v1, v36  }
0x250: {  	v3 =	vadd.f32 v3, v37;
	v39 =	vadd.f32 v5, v32  }
0x251: {  	v1 =	vadd.f32 v1, v35  }
0x252: {  	v0 =	vadd.f32 v3, v0;
	v41 =	vmul.f32 v39, v40;
	v2 =	vmul.f32 v39, v2;
	_ =	sdelay $0x1  }
0x253: {  	v1 =	vsub.f32 v1, v41;
	v0 =	vsub.f32 v0, v2;
	_ =	sdelay $0x1  }
0x254: {  	v1 =	vmul.f32 v1, v1;
	v0 =	vmul.f32 v0, v0;
	_ =	sdelay $0x1  }
0x255: {  	v0 =	vadd.f32 v0, v1;
	_ =	sdelay $0x1  }
0x256: {  	v42 =	vmul.f32 v39, v39;
	v43 =	vshrl.u32 v0, $0x1;
	v44 =	vmul.f32 $5.000000000e-01, v0  }
0x257: {  	v2 =	vsub.s32 $0x5F3759DF, v43  }
0x258: {  	v4 =	vshrl.u32 v42, $0x1;
	v1 =	vmul.f32 $5.000000000e-01, v42;
	v45 =	vmul.f32 v2, v44  }
0x259: {  	v4 =	vsub.s32 $0x5F3759DF, v4  }
0x25a: {  	v46 =	vmul.f32 v4, v1;
	v5 =	vmul.f32 v2, v45;
	_ =	sdelay $0x1  }
0x25b: {  	v6 =	vmul.f32 v4, v46;
	v5 =	vsub.f32 $1.500000000e+00, v5;
	_ =	sdelay $0x1  }
0x25c: {  	v47 =	vsub.f32 $1.500000000e+00, v6;
	v2 =	vmul.f32 v2, v5;
	_ =	sdelay $0x1  }
0x25d: {  	v4 =	vmul.f32 v4, v47;
	v3 =	vmul.f32 v2, v44;
	_ =	sdelay $0x1  }
0x25e: {  	v1 =	vmul.f32 v4, v1;
	v3 =	vmul.f32 v3, v2;
	_ =	sdelay $0x1  }
0x25f: {  	v1 =	vmul.f32 v1, v4;
	v3 =	vsub.f32 $1.500000000e+00, v3;
	_ =	sdelay $0x1  }
0x260: {  	v1 =	vsub.f32 $1.500000000e+00, v1;
	v2 =	vmul.f32 v3, v2;
	_ =	sdelay $0x1  }
0x261: {  	v1 =	vmul.f32 v1, v4;
	v0 =	vmul.f32 v2, v0;
	_ =	sdelay $0x1  }
0x262: {  	v0 =	vmul.f32 v0, v1;
	_ =	sdelay $0x1  }
0x263: {  	[tilespmem:s10+$0xFFFFFFD0] =	vst v0  }
0x264: {  	v0 =	vld [tilespmem:s31+$0xFFFFFFE0];
	_ =	sdelay $0x4  }
0x265: {  	v53 =	vld [tilespmem:s1+$0xFFFFFFE0]  }
0x266: {  	v56 =	vld [tilespmem:s0+$0xFFFFFFE0]  }
0x267: {  	v61 =	vld [tilespmem:s9+$0xFFFFFFE0]  }
0x268: {  	v48 =	vld.idx.msk [tilespmem:v0+s7+$0x0], $0xffff  }
0x269: {  	v49 =	vld.idx.msk [tilespmem:v0+s12+$0x0], $0xffff  }
0x26a: {  	v50 =	vld.idx.msk [tilespmem:v0+s15+$0x0], $0xffff  }
0x26b: {  	v52 =	vld.idx.msk [tilespmem:v0+s20+$0x0], $0xffff  }
0x26c: {  	v54 =	vld.idx.msk [tilespmem:v0+s21+$0x0], $0xffff  }
0x26d: {  	v51 =	vld.idx.msk [tilespmem:v0+s16+$0x0], $0xffff  }
0x26e: {  	v55 =	vld.idx.msk [tilespmem:v0+s22+$0x0], $0xffff  }
0x26f: {  	v57 =	vld.idx.msk [tilespmem:v0+s13+$0x0], $0xffff  }
0x270: {  	v59 =	vshll.u32 v53, $0x10;
	v58 =	vld.idx.msk [tilespmem:v0+s17+$0x0], $0xffff;
	v1 =	vmul.f32 v53, v48  }
0x271: {  	v5 =	vmul.f32 v53, v52;
	v7 =	vmul.f32 v59, v54  }
0x272: {  	v12 =	vshll.u32 v61, $0x10;
	v60 =	vld.idx.msk [tilespmem:v0+s23+$0x0], $0xffff;
	v2 =	vmul.f32 v59, v49;
	v3 =	vmul.f32 v53, v50  }
0x273: {  	v63 =	vld.idx.msk [tilespmem:v0+s14+$0x0], $0xffff;
	v4 =	vmul.f32 v59, v51;
	v62 =	vmul.f32 v56, v55;
	v5 =	vadd.f32 v7, v5  }
0x274: {  	v14 =	vadd.f32 $-5.120000000e+02, v61;
	v0 =	vld.idx.msk [tilespmem:v0+s19+$0x0], $0xffff;
	v10 =	vmul.f32 v56, v57;
	v1 =	vadd.f32 v2, v1  }
0x275: {  	v11 =	vmul.f32 v56, v58;
	v3 =	vadd.f32 v4, v3;
	v5 =	vadd.f32 v5, v62  }
0x276: {  	v2 =	vadd.f32 $-5.120000000e+02, v12;
	v1 =	vadd.f32 v1, v10  }
0x277: {  	v3 =	vadd.f32 v3, v11;
	v13 =	vadd.f32 v5, v60  }
0x278: {  	v1 =	vadd.f32 v1, v63  }
0x279: {  	v0 =	vadd.f32 v3, v0;
	v15 =	vmul.f32 v13, v14;
	v2 =	vmul.f32 v13, v2;
	_ =	sdelay $0x1  }
0x27a: {  	v1 =	vsub.f32 v1, v15;
	v0 =	vsub.f32 v0, v2;
	_ =	sdelay $0x1  }
0x27b: {  	v1 =	vmul.f32 v1, v1;
	v0 =	vmul.f32 v0, v0;
	_ =	sdelay $0x1  }
0x27c: {  	v0 =	vadd.f32 v0, v1;
	_ =	sdelay $0x1  }
0x27d: {  	v16 =	vmul.f32 v13, v13;
	v17 =	vshrl.u32 v0, $0x1;
	v18 =	vmul.f32 $5.000000000e-01, v0  }
0x27e: {  	v2 =	vsub.s32 $0x5F3759DF, v17  }
0x27f: {  	v4 =	vshrl.u32 v16, $0x1;
	v1 =	vmul.f32 $5.000000000e-01, v16;
	v19 =	vmul.f32 v2, v18  }
0x280: {  	v4 =	vsub.s32 $0x5F3759DF, v4  }
0x281: {  	v20 =	vmul.f32 v4, v1;
	v5 =	vmul.f32 v2, v19;
	_ =	sdelay $0x1  }
0x282: {  	v6 =	vmul.f32 v4, v20;
	v5 =	vsub.f32 $1.500000000e+00, v5;
	_ =	sdelay $0x1  }
0x283: {  	v21 =	vsub.f32 $1.500000000e+00, v6;
	v2 =	vmul.f32 v2, v5;
	_ =	sdelay $0x1  }
0x284: {  	v4 =	vmul.f32 v4, v21;
	v3 =	vmul.f32 v2, v18;
	_ =	sdelay $0x1  }
0x285: {  	v1 =	vmul.f32 v4, v1;
	v3 =	vmul.f32 v3, v2;
	_ =	sdelay $0x1  }
0x286: {  	v1 =	vmul.f32 v1, v4;
	v3 =	vsub.f32 $1.500000000e+00, v3;
	_ =	sdelay $0x1  }
0x287: {  	v1 =	vsub.f32 $1.500000000e+00, v1;
	v2 =	vmul.f32 v3, v2;
	_ =	sdelay $0x1  }
0x288: {  	v1 =	vmul.f32 v1, v4;
	v0 =	vmul.f32 v2, v0;
	_ =	sdelay $0x1  }
0x289: {  	v0 =	vmul.f32 v0, v1;
	_ =	sdelay $0x1  }
0x28a: {  	[tilespmem:s10+$0xFFFFFFE0] =	vst v0  }
0x28b: {  	v0 =	vld [tilespmem:s31+$0xFFFFFFF0];
	_ =	sdelay $0x4  }
0x28c: {  	v27 =	vld [tilespmem:s1+$0xFFFFFFF0]  }
0x28d: {  	v30 =	vld [tilespmem:s0+$0xFFFFFFF0]  }
0x28e: {  	v35 =	vld [tilespmem:s9+$0xFFFFFFF0]  }
0x28f: {  	v22 =	vld.idx.msk [tilespmem:v0+s7+$0x0], $0xffff  }
0x290: {  	v23 =	vld.idx.msk [tilespmem:v0+s12+$0x0], $0xffff  }
0x291: {  	v24 =	vld.idx.msk [tilespmem:v0+s15+$0x0], $0xffff  }
0x292: {  	v26 =	vld.idx.msk [tilespmem:v0+s20+$0x0], $0xffff  }
0x293: {  	v28 =	vld.idx.msk [tilespmem:v0+s21+$0x0], $0xffff  }
0x294: {  	v25 =	vld.idx.msk [tilespmem:v0+s16+$0x0], $0xffff  }
0x295: {  	v29 =	vld.idx.msk [tilespmem:v0+s22+$0x0], $0xffff  }
0x296: {  	v31 =	vld.idx.msk [tilespmem:v0+s13+$0x0], $0xffff  }
0x297: {  	v33 =	vshll.u32 v27, $0x10;
	v32 =	vld.idx.msk [tilespmem:v0+s17+$0x0], $0xffff;
	v1 =	vmul.f32 v27, v22  }
0x298: {  	v5 =	vmul.f32 v27, v26;
	v7 =	vmul.f32 v33, v28  }
0x299: {  	v40 =	vshll.u32 v35, $0x10;
	v34 =	vld.idx.msk [tilespmem:v0+s23+$0x0], $0xffff;
	v2 =	vmul.f32 v33, v23;
	v3 =	vmul.f32 v27, v24  }
0x29a: {  	v37 =	vld.idx.msk [tilespmem:v0+s14+$0x0], $0xffff;
	v4 =	vmul.f32 v33, v25;
	v36 =	vmul.f32 v30, v29;
	v5 =	vadd.f32 v7, v5  }
0x29b: {  	v42 =	vadd.f32 $-5.120000000e+02, v35;
	v0 =	vld.idx.msk [tilespmem:v0+s19+$0x0], $0xffff;
	v38 =	vmul.f32 v30, v31;
	v1 =	vadd.f32 v2, v1  }
0x29c: {  	v39 =	vmul.f32 v30, v32;
	v3 =	vadd.f32 v4, v3;
	v5 =	vadd.f32 v5, v36  }
0x29d: {  	v2 =	vadd.f32 $-5.120000000e+02, v40;
	v1 =	vadd.f32 v1, v38  }
0x29e: {  	v3 =	vadd.f32 v3, v39;
	v41 =	vadd.f32 v5, v34  }
0x29f: {  	v1 =	vadd.f32 v1, v37  }
0x2a0: {  	v0 =	vadd.f32 v3, v0;
	v43 =	vmul.f32 v41, v42;
	v2 =	vmul.f32 v41, v2;
	_ =	sdelay $0x1  }
0x2a1: {  	v1 =	vsub.f32 v1, v43;
	v0 =	vsub.f32 v0, v2;
	_ =	sdelay $0x1  }
0x2a2: {  	v1 =	vmul.f32 v1, v1;
	v0 =	vmul.f32 v0, v0;
	_ =	sdelay $0x1  }
0x2a3: {  	v0 =	vadd.f32 v0, v1;
	_ =	sdelay $0x1  }
0x2a4: {  	v44 =	vmul.f32 v41, v41;
	v45 =	vshrl.u32 v0, $0x1;
	v46 =	vmul.f32 $5.000000000e-01, v0  }
0x2a5: {  	v2 =	vsub.s32 $0x5F3759DF, v45  }
0x2a6: {  	v4 =	vshrl.u32 v44, $0x1;
	v1 =	vmul.f32 $5.000000000e-01, v44;
	v47 =	vmul.f32 v2, v46  }
0x2a7: {  	v4 =	vsub.s32 $0x5F3759DF, v4  }
0x2a8: {  	v48 =	vmul.f32 v4, v1;
	v5 =	vmul.f32 v2, v47;
	_ =	sdelay $0x1  }
0x2a9: {  	v6 =	vmul.f32 v4, v48;
	v5 =	vsub.f32 $1.500000000e+00, v5;
	_ =	sdelay $0x1  }
0x2aa: {  	v49 =	vsub.f32 $1.500000000e+00, v6;
	v2 =	vmul.f32 v2, v5;
	_ =	sdelay $0x1  }
0x2ab: {  	v4 =	vmul.f32 v4, v49;
	v3 =	vmul.f32 v2, v46;
	_ =	sdelay $0x1  }
0x2ac: {  	v1 =	vmul.f32 v4, v1;
	v3 =	vmul.f32 v3, v2;
	_ =	sdelay $0x1  }
0x2ad: {  	v1 =	vmul.f32 v1, v4;
	v3 =	vsub.f32 $1.500000000e+00, v3;
	_ =	sdelay $0x1  }
0x2ae: {  	v1 =	vsub.f32 $1.500000000e+00, v1;
	v2 =	vmul.f32 v3, v2;
	_ =	sdelay $0x1  }
0x2af: {  	v1 =	vmul.f32 v1, v4;
	v0 =	vmul.f32 v2, v0;
	_ =	sdelay $0x1  }
0x2b0: {  	v0 =	vmul.f32 v0, v1;
	_ =	sdelay $0x1  }
0x2b1: {  	[tilespmem:s10+$0xFFFFFFF0] =	vst v0  }
0x2b2: {  	v0 =	vld [tilespmem:s31+$0x0];
	_ =	sdelay $0x4  }
0x2b3: {  	v55 =	vld [tilespmem:s1+$0x0]  }
0x2b4: {  	v58 =	vld [tilespmem:s0+$0x0]  }
0x2b5: {  	v63 =	vld [tilespmem:s9+$0x0]  }
0x2b6: {  	v50 =	vld.idx.msk [tilespmem:v0+s7+$0x0], $0xffff  }
0x2b7: {  	v51 =	vld.idx.msk [tilespmem:v0+s12+$0x0], $0xffff  }
0x2b8: {  	v52 =	vld.idx.msk [tilespmem:v0+s15+$0x0], $0xffff  }
0x2b9: {  	v54 =	vld.idx.msk [tilespmem:v0+s20+$0x0], $0xffff  }
0x2ba: {  	v56 =	vld.idx.msk [tilespmem:v0+s21+$0x0], $0xffff  }
0x2bb: {  	v53 =	vld.idx.msk [tilespmem:v0+s16+$0x0], $0xffff  }
0x2bc: {  	v57 =	vld.idx.msk [tilespmem:v0+s22+$0x0], $0xffff  }
0x2bd: {  	v59 =	vld.idx.msk [tilespmem:v0+s13+$0x0], $0xffff  }
0x2be: {  	v61 =	vshll.u32 v55, $0x10;
	v60 =	vld.idx.msk [tilespmem:v0+s17+$0x0], $0xffff;
	v1 =	vmul.f32 v55, v50  }
0x2bf: {  	v5 =	vmul.f32 v55, v54;
	v7 =	vmul.f32 v61, v56  }
0x2c0: {  	v18 =	vshll.u32 v63, $0x10;
	v62 =	vld.idx.msk [tilespmem:v0+s23+$0x0], $0xffff;
	v2 =	vmul.f32 v61, v51;
	v3 =	vmul.f32 v55, v52  }
0x2c1: {  	v15 =	vld.idx.msk [tilespmem:v0+s14+$0x0], $0xffff;
	v4 =	vmul.f32 v61, v53;
	v12 =	vmul.f32 v58, v57;
	v5 =	vadd.f32 v7, v5  }
0x2c2: {  	v20 =	vadd.f32 $-5.120000000e+02, v63;
	v0 =	vld.idx.msk [tilespmem:v0+s19+$0x0], $0xffff;
	v16 =	vmul.f32 v58, v59;
	v1 =	vadd.f32 v2, v1  }
0x2c3: {  	v17 =	vmul.f32 v58, v60;
	v3 =	vadd.f32 v4, v3;
	v5 =	vadd.f32 v5, v12  }
0x2c4: {  	v2 =	vadd.f32 $-5.120000000e+02, v18;
	v1 =	vadd.f32 v1, v16  }
0x2c5: {  	v3 =	vadd.f32 v3, v17;
	v19 =	vadd.f32 v5, v62  }
0x2c6: {  	v1 =	vadd.f32 v1, v15  }
0x2c7: {  	v0 =	vadd.f32 v3, v0;
	v21 =	vmul.f32 v19, v20;
	v2 =	vmul.f32 v19, v2;
	_ =	sdelay $0x1  }
0x2c8: {  	v1 =	vsub.f32 v1, v21;
	v0 =	vsub.f32 v0, v2;
	_ =	sdelay $0x1  }
0x2c9: {  	v1 =	vmul.f32 v1, v1;
	v0 =	vmul.f32 v0, v0;
	_ =	sdelay $0x1  }
0x2ca: {  	v0 =	vadd.f32 v0, v1;
	_ =	sdelay $0x1  }
0x2cb: {  	v22 =	vmul.f32 v19, v19;
	v23 =	vshrl.u32 v0, $0x1;
	v24 =	vmul.f32 $5.000000000e-01, v0  }
0x2cc: {  	v2 =	vsub.s32 $0x5F3759DF, v23  }
0x2cd: {  	v4 =	vshrl.u32 v22, $0x1;
	v1 =	vmul.f32 $5.000000000e-01, v22;
	v25 =	vmul.f32 v2, v24  }
0x2ce: {  	v4 =	vsub.s32 $0x5F3759DF, v4  }
0x2cf: {  	v26 =	vmul.f32 v4, v1;
	v5 =	vmul.f32 v2, v25;
	_ =	sdelay $0x1  }
0x2d0: {  	v6 =	vmul.f32 v4, v26;
	v5 =	vsub.f32 $1.500000000e+00, v5;
	_ =	sdelay $0x1  }
0x2d1: {  	v27 =	vsub.f32 $1.500000000e+00, v6;
	v2 =	vmul.f32 v2, v5;
	_ =	sdelay $0x1  }
0x2d2: {  	v4 =	vmul.f32 v4, v27;
	v3 =	vmul.f32 v2, v24;
	_ =	sdelay $0x1  }
0x2d3: {  	v1 =	vmul.f32 v4, v1;
	v3 =	vmul.f32 v3, v2;
	_ =	sdelay $0x1  }
0x2d4: {  	v1 =	vmul.f32 v1, v4;
	v3 =	vsub.f32 $1.500000000e+00, v3;
	_ =	sdelay $0x1  }
0x2d5: {  	v1 =	vsub.f32 $1.500000000e+00, v1;
	v2 =	vmul.f32 v3, v2;
	_ =	sdelay $0x1  }
0x2d6: {  	v1 =	vmul.f32 v1, v4;
	v0 =	vmul.f32 v2, v0;
	_ =	sdelay $0x1  }
0x2d7: {  	v0 =	vmul.f32 v0, v1;
	_ =	sdelay $0x1  }
0x2d8: {  	[tilespmem:s10+$0x0] =	vst v0  }
0x2d9: {  	v0 =	vld [tilespmem:s31+$0x10];
	_ =	sdelay $0x4  }
0x2da: {  	v33 =	vld [tilespmem:s1+$0x10]  }
0x2db: {  	v36 =	vld [tilespmem:s0+$0x10]  }
0x2dc: {  	v41 =	vld [tilespmem:s9+$0x10]  }
0x2dd: {  	v28 =	vld.idx.msk [tilespmem:v0+s7+$0x0], $0xffff  }
0x2de: {  	v29 =	vld.idx.msk [tilespmem:v0+s12+$0x0], $0xffff  }
0x2df: {  	v30 =	vld.idx.msk [tilespmem:v0+s15+$0x0], $0xffff  }
0x2e0: {  	v32 =	vld.idx.msk [tilespmem:v0+s20+$0x0], $0xffff  }
0x2e1: {  	v34 =	vld.idx.msk [tilespmem:v0+s21+$0x0], $0xffff  }
0x2e2: {  	v31 =	vld.idx.msk [tilespmem:v0+s16+$0x0], $0xffff  }
0x2e3: {  	v35 =	vld.idx.msk [tilespmem:v0+s22+$0x0], $0xffff  }
0x2e4: {  	v37 =	vld.idx.msk [tilespmem:v0+s13+$0x0], $0xffff  }
0x2e5: {  	v39 =	vshll.u32 v33, $0x10;
	v38 =	vld.idx.msk [tilespmem:v0+s17+$0x0], $0xffff;
	v1 =	vmul.f32 v33, v28  }
0x2e6: {  	v5 =	vmul.f32 v33, v32;
	v7 =	vmul.f32 v39, v34  }
0x2e7: {  	v46 =	vshll.u32 v41, $0x10;
	v40 =	vld.idx.msk [tilespmem:v0+s23+$0x0], $0xffff;
	v2 =	vmul.f32 v39, v29;
	v3 =	vmul.f32 v33, v30  }
0x2e8: {  	v43 =	vld.idx.msk [tilespmem:v0+s14+$0x0], $0xffff;
	v4 =	vmul.f32 v39, v31;
	v42 =	vmul.f32 v36, v35;
	v5 =	vadd.f32 v7, v5  }
0x2e9: {  	v48 =	vadd.f32 $-5.120000000e+02, v41;
	v0 =	vld.idx.msk [tilespmem:v0+s19+$0x0], $0xffff;
	v44 =	vmul.f32 v36, v37;
	v1 =	vadd.f32 v2, v1  }
0x2ea: {  	v45 =	vmul.f32 v36, v38;
	v3 =	vadd.f32 v4, v3;
	v5 =	vadd.f32 v5, v42  }
0x2eb: {  	v2 =	vadd.f32 $-5.120000000e+02, v46;
	v1 =	vadd.f32 v1, v44  }
0x2ec: {  	v3 =	vadd.f32 v3, v45;
	v47 =	vadd.f32 v5, v40  }
0x2ed: {  	v1 =	vadd.f32 v1, v43  }
0x2ee: {  	v0 =	vadd.f32 v3, v0;
	v49 =	vmul.f32 v47, v48;
	v2 =	vmul.f32 v47, v2;
	_ =	sdelay $0x1  }
0x2ef: {  	v1 =	vsub.f32 v1, v49;
	v0 =	vsub.f32 v0, v2;
	_ =	sdelay $0x1  }
0x2f0: {  	v1 =	vmul.f32 v1, v1;
	v0 =	vmul.f32 v0, v0;
	_ =	sdelay $0x1  }
0x2f1: {  	v0 =	vadd.f32 v0, v1;
	_ =	sdelay $0x1  }
0x2f2: {  	v50 =	vmul.f32 v47, v47;
	v51 =	vshrl.u32 v0, $0x1;
	v52 =	vmul.f32 $5.000000000e-01, v0  }
0x2f3: {  	v2 =	vsub.s32 $0x5F3759DF, v51  }
0x2f4: {  	v4 =	vshrl.u32 v50, $0x1;
	v1 =	vmul.f32 $5.000000000e-01, v50;
	v53 =	vmul.f32 v2, v52  }
0x2f5: {  	v4 =	vsub.s32 $0x5F3759DF, v4  }
0x2f6: {  	v54 =	vmul.f32 v4, v1;
	v5 =	vmul.f32 v2, v53;
	_ =	sdelay $0x1  }
0x2f7: {  	v6 =	vmul.f32 v4, v54;
	v5 =	vsub.f32 $1.500000000e+00, v5;
	_ =	sdelay $0x1  }
0x2f8: {  	v55 =	vsub.f32 $1.500000000e+00, v6;
	v2 =	vmul.f32 v2, v5;
	_ =	sdelay $0x1  }
0x2f9: {  	v4 =	vmul.f32 v4, v55;
	v3 =	vmul.f32 v2, v52;
	_ =	sdelay $0x1  }
0x2fa: {  	v1 =	vmul.f32 v4, v1;
	v3 =	vmul.f32 v3, v2;
	_ =	sdelay $0x1  }
0x2fb: {  	v1 =	vmul.f32 v1, v4;
	v3 =	vsub.f32 $1.500000000e+00, v3;
	_ =	sdelay $0x1  }
0x2fc: {  	v1 =	vsub.f32 $1.500000000e+00, v1;
	v2 =	vmul.f32 v3, v2;
	_ =	sdelay $0x1  }
0x2fd: {  	v1 =	vmul.f32 v1, v4;
	v0 =	vmul.f32 v2, v0;
	_ =	sdelay $0x1  }
0x2fe: {  	v0 =	vmul.f32 v0, v1;
	_ =	sdelay $0x1  }
0x2ff: {  	[tilespmem:s10+$0x10] =	vst v0  }
0x300: {  	v0 =	vld [tilespmem:s31+$0x20];
	_ =	sdelay $0x4  }
0x301: {  	v61 =	vld [tilespmem:s1+$0x20]  }
0x302: {  	v16 =	vld [tilespmem:s0+$0x20]  }
0x303: {  	v21 =	vld [tilespmem:s9+$0x20]  }
0x304: {  	v56 =	vld.idx.msk [tilespmem:v0+s7+$0x0], $0xffff  }
0x305: {  	v57 =	vld.idx.msk [tilespmem:v0+s12+$0x0], $0xffff  }
0x306: {  	v58 =	vld.idx.msk [tilespmem:v0+s15+$0x0], $0xffff  }
0x307: {  	v60 =	vld.idx.msk [tilespmem:v0+s20+$0x0], $0xffff  }
0x308: {  	v62 =	vld.idx.msk [tilespmem:v0+s21+$0x0], $0xffff  }
0x309: {  	v59 =	vld.idx.msk [tilespmem:v0+s16+$0x0], $0xffff  }
0x30a: {  	v63 =	vld.idx.msk [tilespmem:v0+s22+$0x0], $0xffff  }
0x30b: {  	v17 =	vld.idx.msk [tilespmem:v0+s13+$0x0], $0xffff  }
0x30c: {  	v19 =	vshll.u32 v61, $0x10;
	v18 =	vld.idx.msk [tilespmem:v0+s17+$0x0], $0xffff;
	v1 =	vmul.f32 v61, v56  }
0x30d: {  	v5 =	vmul.f32 v61, v60;
	v7 =	vmul.f32 v19, v62  }
0x30e: {  	v26 =	vshll.u32 v21, $0x10;
	v20 =	vld.idx.msk [tilespmem:v0+s23+$0x0], $0xffff;
	v2 =	vmul.f32 v19, v57;
	v3 =	vmul.f32 v61, v58  }
0x30f: {  	v23 =	vld.idx.msk [tilespmem:v0+s14+$0x0], $0xffff;
	v4 =	vmul.f32 v19, v59;
	v22 =	vmul.f32 v16, v63;
	v5 =	vadd.f32 v7, v5  }
0x310: {  	v28 =	vadd.f32 $-5.120000000e+02, v21;
	v0 =	vld.idx.msk [tilespmem:v0+s19+$0x0], $0xffff;
	v24 =	vmul.f32 v16, v17;
	v1 =	vadd.f32 v2, v1  }
0x311: {  	v25 =	vmul.f32 v16, v18;
	v3 =	vadd.f32 v4, v3;
	v5 =	vadd.f32 v5, v22  }
0x312: {  	v2 =	vadd.f32 $-5.120000000e+02, v26;
	v1 =	vadd.f32 v1, v24  }
0x313: {  	v3 =	vadd.f32 v3, v25;
	v27 =	vadd.f32 v5, v20  }
0x314: {  	v1 =	vadd.f32 v1, v23  }
0x315: {  	v0 =	vadd.f32 v3, v0;
	v29 =	vmul.f32 v27, v28;
	v2 =	vmul.f32 v27, v2;
	_ =	sdelay $0x1  }
0x316: {  	v1 =	vsub.f32 v1, v29;
	v0 =	vsub.f32 v0, v2;
	_ =	sdelay $0x1  }
0x317: {  	v1 =	vmul.f32 v1, v1;
	v0 =	vmul.f32 v0, v0;
	_ =	sdelay $0x1  }
0x318: {  	v0 =	vadd.f32 v0, v1;
	_ =	sdelay $0x1  }
0x319: {  	v30 =	vmul.f32 v27, v27;
	v31 =	vshrl.u32 v0, $0x1;
	v32 =	vmul.f32 $5.000000000e-01, v0  }
0x31a: {  	v2 =	vsub.s32 $0x5F3759DF, v31  }
0x31b: {  	v4 =	vshrl.u32 v30, $0x1;
	v1 =	vmul.f32 $5.000000000e-01, v30;
	v33 =	vmul.f32 v2, v32  }
0x31c: {  	v4 =	vsub.s32 $0x5F3759DF, v4  }
0x31d: {  	v34 =	vmul.f32 v4, v1;
	v5 =	vmul.f32 v2, v33;
	_ =	sdelay $0x1  }
0x31e: {  	v6 =	vmul.f32 v4, v34;
	v5 =	vsub.f32 $1.500000000e+00, v5;
	_ =	sdelay $0x1  }
0x31f: {  	v35 =	vsub.f32 $1.500000000e+00, v6;
	v2 =	vmul.f32 v2, v5;
	_ =	sdelay $0x1  }
0x320: {  	v4 =	vmul.f32 v4, v35;
	v3 =	vmul.f32 v2, v32;
	_ =	sdelay $0x1  }
0x321: {  	v1 =	vmul.f32 v4, v1;
	v3 =	vmul.f32 v3, v2;
	_ =	sdelay $0x1  }
0x322: {  	v1 =	vmul.f32 v1, v4;
	v3 =	vsub.f32 $1.500000000e+00, v3;
	_ =	sdelay $0x1  }
0x323: {  	v1 =	vsub.f32 $1.500000000e+00, v1;
	v2 =	vmul.f32 v3, v2;
	_ =	sdelay $0x1  }
0x324: {  	v1 =	vmul.f32 v1, v4;
	v0 =	vmul.f32 v2, v0;
	_ =	sdelay $0x1  }
0x325: {  	v0 =	vmul.f32 v0, v1;
	_ =	sdelay $0x1  }
0x326: {  	[tilespmem:s10+$0x20] =	vst v0  }
0x327: {  	v0 =	vld [tilespmem:s31+$0x30];
	_ =	sdelay $0x4  }
0x328: {  	v41 =	vld [tilespmem:s1+$0x30]  }
0x329: {  	v44 =	vld [tilespmem:s0+$0x30]  }
0x32a: {  	v49 =	vld [tilespmem:s9+$0x30]  }
0x32b: {  	v36 =	vld.idx.msk [tilespmem:v0+s7+$0x0], $0xffff  }
0x32c: {  	v37 =	vld.idx.msk [tilespmem:v0+s12+$0x0], $0xffff  }
0x32d: {  	v38 =	vld.idx.msk [tilespmem:v0+s15+$0x0], $0xffff  }
0x32e: {  	v40 =	vld.idx.msk [tilespmem:v0+s20+$0x0], $0xffff  }
0x32f: {  	v42 =	vld.idx.msk [tilespmem:v0+s21+$0x0], $0xffff  }
0x330: {  	v39 =	vld.idx.msk [tilespmem:v0+s16+$0x0], $0xffff  }
0x331: {  	v43 =	vld.idx.msk [tilespmem:v0+s22+$0x0], $0xffff  }
0x332: {  	v45 =	vld.idx.msk [tilespmem:v0+s13+$0x0], $0xffff  }
0x333: {  	v47 =	vshll.u32 v41, $0x10;
	v46 =	vld.idx.msk [tilespmem:v0+s17+$0x0], $0xffff;
	v1 =	vmul.f32 v41, v36  }
0x334: {  	v5 =	vmul.f32 v41, v40;
	v7 =	vmul.f32 v47, v42  }
0x335: {  	v54 =	vshll.u32 v49, $0x10;
	v48 =	vld.idx.msk [tilespmem:v0+s23+$0x0], $0xffff;
	v2 =	vmul.f32 v47, v37;
	v3 =	vmul.f32 v41, v38  }
0x336: {  	v51 =	vld.idx.msk [tilespmem:v0+s14+$0x0], $0xffff;
	v4 =	vmul.f32 v47, v39;
	v50 =	vmul.f32 v44, v43;
	v5 =	vadd.f32 v7, v5  }
0x337: {  	v56 =	vadd.f32 $-5.120000000e+02, v49;
	v0 =	vld.idx.msk [tilespmem:v0+s19+$0x0], $0xffff;
	v52 =	vmul.f32 v44, v45;
	v1 =	vadd.f32 v2, v1  }
0x338: {  	v53 =	vmul.f32 v44, v46;
	v3 =	vadd.f32 v4, v3;
	v5 =	vadd.f32 v5, v50  }
0x339: {  	v2 =	vadd.f32 $-5.120000000e+02, v54;
	v1 =	vadd.f32 v1, v52  }
0x33a: {  	v3 =	vadd.f32 v3, v53;
	v55 =	vadd.f32 v5, v48  }
0x33b: {  	v1 =	vadd.f32 v1, v51  }
0x33c: {  	v0 =	vadd.f32 v3, v0;
	v57 =	vmul.f32 v55, v56;
	v2 =	vmul.f32 v55, v2;
	_ =	sdelay $0x1  }
0x33d: {  	v1 =	vsub.f32 v1, v57;
	v0 =	vsub.f32 v0, v2;
	_ =	sdelay $0x1  }
0x33e: {  	v1 =	vmul.f32 v1, v1;
	v0 =	vmul.f32 v0, v0;
	_ =	sdelay $0x1  }
0x33f: {  	v0 =	vadd.f32 v0, v1;
	_ =	sdelay $0x1  }
0x340: {  	v58 =	vmul.f32 v55, v55;
	v59 =	vshrl.u32 v0, $0x1;
	v60 =	vmul.f32 $5.000000000e-01, v0  }
0x341: {  	v2 =	vsub.s32 $0x5F3759DF, v59  }
0x342: {  	v4 =	vshrl.u32 v58, $0x1;
	v1 =	vmul.f32 $5.000000000e-01, v58;
	v61 =	vmul.f32 v2, v60  }
0x343: {  	v4 =	vsub.s32 $0x5F3759DF, v4  }
0x344: {  	v62 =	vmul.f32 v4, v1;
	v5 =	vmul.f32 v2, v61;
	_ =	sdelay $0x1  }
0x345: {  	v6 =	vmul.f32 v4, v62;
	v5 =	vsub.f32 $1.500000000e+00, v5;
	_ =	sdelay $0x1  }
0x346: {  	v63 =	vsub.f32 $1.500000000e+00, v6;
	v2 =	vmul.f32 v2, v5;
	_ =	sdelay $0x1  }
0x347: {  	v4 =	vmul.f32 v4, v63;
	v3 =	vmul.f32 v2, v60;
	_ =	sdelay $0x1  }
0x348: {  	v1 =	vmul.f32 v4, v1;
	v3 =	vmul.f32 v3, v2;
	_ =	sdelay $0x1  }
0x349: {  	v1 =	vmul.f32 v1, v4;
	v3 =	vsub.f32 $1.500000000e+00, v3;
	_ =	sdelay $0x1  }
0x34a: {  	s29 =	sadd.s32 $0x8, s29;
	v1 =	vsub.f32 $1.500000000e+00, v1;
	v2 =	vmul.f32 v3, v2  }
0x34b: {  	p1 =	slt.u32 s29, $0xC0  }
.Ltmp7:
0x34c: {  	v1 =	vmul.f32 v1, v4;
	v0 =	vmul.f32 v2, v0;
	(pc) =	sbr.rel @p1 .LBB2_8-.Ltmp7, $4  }
0x34d: {  	_ = 	snop  }
0x34e: {  	v0 =	vmul.f32 v0, v1  }
0x34f: {  	s31 =	sadd.s32 $0x80, s31;
	s1 =	sadd.s32 $0x80, s1  }
0x350: {  	s0 =	sadd.s32 $0x80, s0;
	s9 =	sadd.s32 $0x80, s9;
	[tilespmem:s10+$0x30] =	vst v0;
	s10 =	sadd.s32 $0x80, s10  }
0x351: {  	s0 =	smul.u32 $0x60, s25  }
0x352: {  	s1 =	rddreg [dreg:$0x1c]  }
0x353: {  	s0 =	sadd.s32 s1, s0  }
0x354: {  	s0 =	smul.u32 $0x190, s0;
	_ =	sdelay $0x1  }
0x355: {  	s31 =	simm.s32 $0xE980;
	s0 =	sadd.s32 s4, s0  }
0x356: {  	[hbm4b:s0+s7] =	stream.linear.scatter [tilespmem:s31], [sflag:$0x8], $0xC80, $0x38;
	[tilespmem:$0x1A2B0] =	vst v63  }
.LBB2_10:
0x357: {  	s29 =	sadd.s32 $0x2, s28  }
0x358: {  	p1 =	sgt.u32 s29, s18  }
.Ltmp8:
0x359: {  	_ = 	snop;
	(pc) =	sbr.rel @p1 .LBB2_14-.Ltmp8, $1  }
0x35a: {  	_ =	sdelay $0x3  }
0x35b: {  	s0 =	sadd.s32 $0x4, s28  }
0x35c: {  	p1 =	sgt.u32 s0, s18  }
0x35d: {  	s0 =	sshll.u32 @!p1 s0, $0x5  }
0x35e: {  	s0 =	sor.u32 @!p1 s11, s0  }
0x35f: {  	s0 =	smul.u32 @!p1 $0x190, s0;
	_ =	sdelay $0x1  }
0x360: {  	s9 =	simm.s32 @!p1 $0x0;
	s10 =	simm.s32 @!p1 $0xAB00;
	s1 =	sadd.s32 @!p1 s3, s0  }
0x361: {  	[tilespmem:s10], [sflag:$0x2] =	stream.linear.gather @!p1 [hbm4b:s1+s9], $0xC80, $0x38;
	[tilespmem:$0x1A2B0] =	vst v63  }
0x362: {  	s1 =	sadd.s32 @!p1 s2, s0;
	s10 =	simm.s32 @!p1 $0xB780  }
0x363: {  	[tilespmem:s10], [sflag:$0x2] =	stream.linear.gather @!p1 [hbm4b:s1+s9], $0xC80, $0x38;
	[tilespmem:$0x1A2B0] =	vst v63  }
0x364: {  	s0 =	sadd.s32 @!p1 s8, s0;
	s1 =	simm.s32 @!p1 $0xC400;
	s10 =	rddreg [dreg:$0x1d]  }
0x365: {  	[tilespmem:s1], [sflag:$0x2] =	stream.linear.gather @!p1 [hbm4b:s0+s9], $0xC80, $0x38;
	[tilespmem:$0x1A2B0] =	vst v63  }
0x366: {  	p1 =	sgt.u32 s28, s10  }
0x367: {  	s0 =	simm.s32 @!p1 $0x1  }
0x368: {  	_ =	swait.ge @!p1 [sflag:s0], $0xC80  }
0x369: {  	[sflag:s0] =	ssyncset.done @!p1 $0x0  }
0x36a: {  	[sflag:s0] =	ssyncadd.s32 @!p1 $0xFFFFF380  }
0x36b: {  	_ =	swait.ge @!p1 [sflag:s0], $0xC80  }
0x36c: {  	[sflag:s0] =	ssyncset.done @!p1 $0x0  }
0x36d: {  	[sflag:s0] =	ssyncadd.s32 @!p1 $0xFFFFF380  }
0x36e: {  	_ =	swait.ge @!p1 [sflag:s0], $0xC80  }
0x36f: {  	s1 =	simm.s32 @!p1 $0x6000;
	[sflag:s0] =	ssyncset.done @!p1 $0x0  }
0x370: {  	s9 =	simm.s32 @!p1 $0x8580;
	[sflag:s0] =	ssyncadd.s32 @!p1 $0xFFFFF380;
	s0 =	simm.s32 @!p1 $0xC80  }
0x371: {  	[tilespmem:s9], [sflag:$0x4] =	stream.indirect.gather @!p1 [spmem:s5], $0x1, s1, s0, $0xb8;
	[tilespmem:$0x1A2B0] =	vst v63  }
0x372: {  	s9 =	simm.s32 @!p1 $0x9200  }
0x373: {  	[tilespmem:s9], [sflag:$0x4] =	stream.indirect.gather @!p1 [spmem:s6], $0x1, s1, s0, $0xb8;
	[tilespmem:$0x1A2B0] =	vst v63  }
0x374: {  	_ =	swait.ge [sflag:s24], $0xC80  }
0x375: {  	[sflag:s24] =	ssyncset.done $0x0  }
0x376: {  	[sflag:s24] =	ssyncadd.s32 $0xFFFFF380  }
0x377: {  	_ =	swait.ge [sflag:s24], $0xC80  }
0x378: {  	p1 =	seq.s32 s25, $0x0;
	[sflag:s24] =	ssyncset.done $0x0  }
0x379: {  	s0 =	simm.s32 @!p1 $0x9;
	[sflag:s24] =	ssyncadd.s32 $0xFFFFF380  }
0x37a: {  	s31 =	simm.s32 $0x102C0;
	s28 =	simm.s32 $0xFFFFFFF8;
	_ =	swait.ge @!p1 [sflag:s0], $0xC80  }
0x37b: {  	s10 =	simm.s32 $0x134C0;
	s1 =	simm.s32 $0x11BC0;
	[sflag:s0] =	ssyncset.done @!p1 $0x0  }
0x37c: {  	s9 =	simm.s32 $0x10F40;
	[sflag:s0] =	ssyncadd.s32 @!p1 $0xFFFFF380;
	s0 =	simm.s32 $0x12840  }
.LBB2_12:
0x37d: {  	v0 =	vld [tilespmem:s31+$0xFFFFFFC0];
	_ =	sdelay $0x4  }
0x37e: {  	v6 =	vld [tilespmem:s1+$0xFFFFFFC0]  }
0x37f: {  	v9 =	vld [tilespmem:s0+$0xFFFFFFC0]  }
0x380: {  	v14 =	vld [tilespmem:s9+$0xFFFFFFC0]  }
0x381: {  	v1 =	vld.idx.msk [tilespmem:v0+s7+$0x0], $0xffff  }
0x382: {  	v2 =	vld.idx.msk [tilespmem:v0+s12+$0x0], $0xffff  }
0x383: {  	v3 =	vld.idx.msk [tilespmem:v0+s15+$0x0], $0xffff  }
0x384: {  	v4 =	vld.idx.msk [tilespmem:v0+s16+$0x0], $0xffff  }
0x385: {  	v5 =	vld.idx.msk [tilespmem:v0+s20+$0x0], $0xffff  }
0x386: {  	v7 =	vld.idx.msk [tilespmem:v0+s21+$0x0], $0xffff  }
0x387: {  	v8 =	vld.idx.msk [tilespmem:v0+s22+$0x0], $0xffff  }
0x388: {  	v10 =	vld.idx.msk [tilespmem:v0+s13+$0x0], $0xffff  }
0x389: {  	v11 =	vld.idx.msk [tilespmem:v0+s17+$0x0], $0xffff  }
0x38a: {  	v12 =	vshll.u32 v6, $0x10;
	v1 =	vmul.f32 v6, v1;
	v5 =	vmul.f32 v6, v5  }
0x38b: {  	v7 =	vmul.f32 v12, v7;
	v2 =	vmul.f32 v12, v2  }
0x38c: {  	v13 =	vld.idx.msk [tilespmem:v0+s23+$0x0], $0xffff;
	v3 =	vmul.f32 v6, v3;
	v4 =	vmul.f32 v12, v4  }
0x38d: {  	v63 =	vld.idx.msk [tilespmem:v0+s14+$0x0], $0xffff;
	v62 =	vmul.f32 v9, v8;
	v8 =	vmul.f32 v9, v10;
	v5 =	vadd.f32 v7, v5  }
0x38e: {  	v0 =	vld.idx.msk [tilespmem:v0+s19+$0x0], $0xffff;
	v9 =	vmul.f32 v9, v11;
	v12 =	vadd.f32 $-5.120000000e+02, v14;
	v1 =	vadd.f32 v2, v1  }
0x38f: {  	v10 =	vshll.u32 v14, $0x10;
	v3 =	vadd.f32 v4, v3;
	v5 =	vadd.f32 v5, v62  }
0x390: {  	v2 =	vadd.f32 $-5.120000000e+02, v10;
	v1 =	vadd.f32 v1, v8  }
0x391: {  	v3 =	vadd.f32 v3, v9;
	v11 =	vadd.f32 v5, v13  }
0x392: {  	v1 =	vadd.f32 v1, v63  }
0x393: {  	v0 =	vadd.f32 v3, v0;
	v13 =	vmul.f32 v11, v12;
	v2 =	vmul.f32 v11, v2;
	_ =	sdelay $0x1  }
0x394: {  	v1 =	vsub.f32 v1, v13;
	v0 =	vsub.f32 v0, v2;
	_ =	sdelay $0x1  }
0x395: {  	v1 =	vmul.f32 v1, v1;
	v0 =	vmul.f32 v0, v0;
	_ =	sdelay $0x1  }
0x396: {  	v0 =	vadd.f32 v0, v1;
	_ =	sdelay $0x1  }
0x397: {  	v14 =	vmul.f32 v11, v11;
	v15 =	vshrl.u32 v0, $0x1;
	v16 =	vmul.f32 $5.000000000e-01, v0  }
0x398: {  	v2 =	vsub.s32 $0x5F3759DF, v15  }
0x399: {  	v4 =	vshrl.u32 v14, $0x1;
	v1 =	vmul.f32 $5.000000000e-01, v14;
	v17 =	vmul.f32 v2, v16  }
0x39a: {  	v4 =	vsub.s32 $0x5F3759DF, v4  }
0x39b: {  	v18 =	vmul.f32 v4, v1;
	v5 =	vmul.f32 v2, v17;
	_ =	sdelay $0x1  }
0x39c: {  	v6 =	vmul.f32 v4, v18;
	v5 =	vsub.f32 $1.500000000e+00, v5;
	_ =	sdelay $0x1  }
0x39d: {  	v19 =	vsub.f32 $1.500000000e+00, v6;
	v2 =	vmul.f32 v2, v5;
	_ =	sdelay $0x1  }
0x39e: {  	v4 =	vmul.f32 v4, v19;
	v3 =	vmul.f32 v2, v16;
	_ =	sdelay $0x1  }
0x39f: {  	v1 =	vmul.f32 v4, v1;
	v3 =	vmul.f32 v3, v2;
	_ =	sdelay $0x1  }
0x3a0: {  	v1 =	vmul.f32 v1, v4;
	v3 =	vsub.f32 $1.500000000e+00, v3;
	_ =	sdelay $0x1  }
0x3a1: {  	v1 =	vsub.f32 $1.500000000e+00, v1;
	v2 =	vmul.f32 v3, v2;
	_ =	sdelay $0x1  }
0x3a2: {  	v1 =	vmul.f32 v1, v4;
	v0 =	vmul.f32 v2, v0;
	_ =	sdelay $0x1  }
0x3a3: {  	v0 =	vmul.f32 v0, v1;
	_ =	sdelay $0x1  }
0x3a4: {  	[tilespmem:s10+$0xFFFFFFC0] =	vst v0  }
0x3a5: {  	v0 =	vld [tilespmem:s31+$0xFFFFFFD0];
	_ =	sdelay $0x4  }
0x3a6: {  	v25 =	vld [tilespmem:s1+$0xFFFFFFD0]  }
0x3a7: {  	v28 =	vld [tilespmem:s0+$0xFFFFFFD0]  }
0x3a8: {  	v33 =	vld [tilespmem:s9+$0xFFFFFFD0]  }
0x3a9: {  	v20 =	vld.idx.msk [tilespmem:v0+s7+$0x0], $0xffff  }
0x3aa: {  	v21 =	vld.idx.msk [tilespmem:v0+s12+$0x0], $0xffff  }
0x3ab: {  	v22 =	vld.idx.msk [tilespmem:v0+s15+$0x0], $0xffff  }
0x3ac: {  	v24 =	vld.idx.msk [tilespmem:v0+s20+$0x0], $0xffff  }
0x3ad: {  	v26 =	vld.idx.msk [tilespmem:v0+s21+$0x0], $0xffff  }
0x3ae: {  	v23 =	vld.idx.msk [tilespmem:v0+s16+$0x0], $0xffff  }
0x3af: {  	v27 =	vld.idx.msk [tilespmem:v0+s22+$0x0], $0xffff  }
0x3b0: {  	v29 =	vld.idx.msk [tilespmem:v0+s13+$0x0], $0xffff  }
0x3b1: {  	v31 =	vshll.u32 v25, $0x10;
	v30 =	vld.idx.msk [tilespmem:v0+s17+$0x0], $0xffff;
	v1 =	vmul.f32 v25, v20  }
0x3b2: {  	v5 =	vmul.f32 v25, v24;
	v7 =	vmul.f32 v31, v26  }
0x3b3: {  	v38 =	vshll.u32 v33, $0x10;
	v32 =	vld.idx.msk [tilespmem:v0+s23+$0x0], $0xffff;
	v2 =	vmul.f32 v31, v21;
	v3 =	vmul.f32 v25, v22  }
0x3b4: {  	v35 =	vld.idx.msk [tilespmem:v0+s14+$0x0], $0xffff;
	v4 =	vmul.f32 v31, v23;
	v34 =	vmul.f32 v28, v27;
	v5 =	vadd.f32 v7, v5  }
0x3b5: {  	v40 =	vadd.f32 $-5.120000000e+02, v33;
	v0 =	vld.idx.msk [tilespmem:v0+s19+$0x0], $0xffff;
	v36 =	vmul.f32 v28, v29;
	v1 =	vadd.f32 v2, v1  }
0x3b6: {  	v37 =	vmul.f32 v28, v30;
	v3 =	vadd.f32 v4, v3;
	v5 =	vadd.f32 v5, v34  }
0x3b7: {  	v2 =	vadd.f32 $-5.120000000e+02, v38;
	v1 =	vadd.f32 v1, v36  }
0x3b8: {  	v3 =	vadd.f32 v3, v37;
	v39 =	vadd.f32 v5, v32  }
0x3b9: {  	v1 =	vadd.f32 v1, v35  }
0x3ba: {  	v0 =	vadd.f32 v3, v0;
	v41 =	vmul.f32 v39, v40;
	v2 =	vmul.f32 v39, v2;
	_ =	sdelay $0x1  }
0x3bb: {  	v1 =	vsub.f32 v1, v41;
	v0 =	vsub.f32 v0, v2;
	_ =	sdelay $0x1  }
0x3bc: {  	v1 =	vmul.f32 v1, v1;
	v0 =	vmul.f32 v0, v0;
	_ =	sdelay $0x1  }
0x3bd: {  	v0 =	vadd.f32 v0, v1;
	_ =	sdelay $0x1  }
0x3be: {  	v42 =	vmul.f32 v39, v39;
	v43 =	vshrl.u32 v0, $0x1;
	v44 =	vmul.f32 $5.000000000e-01, v0  }
0x3bf: {  	v2 =	vsub.s32 $0x5F3759DF, v43  }
0x3c0: {  	v4 =	vshrl.u32 v42, $0x1;
	v1 =	vmul.f32 $5.000000000e-01, v42;
	v45 =	vmul.f32 v2, v44  }
0x3c1: {  	v4 =	vsub.s32 $0x5F3759DF, v4  }
0x3c2: {  	v46 =	vmul.f32 v4, v1;
	v5 =	vmul.f32 v2, v45;
	_ =	sdelay $0x1  }
0x3c3: {  	v6 =	vmul.f32 v4, v46;
	v5 =	vsub.f32 $1.500000000e+00, v5;
	_ =	sdelay $0x1  }
0x3c4: {  	v47 =	vsub.f32 $1.500000000e+00, v6;
	v2 =	vmul.f32 v2, v5;
	_ =	sdelay $0x1  }
0x3c5: {  	v4 =	vmul.f32 v4, v47;
	v3 =	vmul.f32 v2, v44;
	_ =	sdelay $0x1  }
0x3c6: {  	v1 =	vmul.f32 v4, v1;
	v3 =	vmul.f32 v3, v2;
	_ =	sdelay $0x1  }
0x3c7: {  	v1 =	vmul.f32 v1, v4;
	v3 =	vsub.f32 $1.500000000e+00, v3;
	_ =	sdelay $0x1  }
0x3c8: {  	v1 =	vsub.f32 $1.500000000e+00, v1;
	v2 =	vmul.f32 v3, v2;
	_ =	sdelay $0x1  }
0x3c9: {  	v1 =	vmul.f32 v1, v4;
	v0 =	vmul.f32 v2, v0;
	_ =	sdelay $0x1  }
0x3ca: {  	v0 =	vmul.f32 v0, v1;
	_ =	sdelay $0x1  }
0x3cb: {  	[tilespmem:s10+$0xFFFFFFD0] =	vst v0  }
0x3cc: {  	v0 =	vld [tilespmem:s31+$0xFFFFFFE0];
	_ =	sdelay $0x4  }
0x3cd: {  	v53 =	vld [tilespmem:s1+$0xFFFFFFE0]  }
0x3ce: {  	v56 =	vld [tilespmem:s0+$0xFFFFFFE0]  }
0x3cf: {  	v61 =	vld [tilespmem:s9+$0xFFFFFFE0]  }
0x3d0: {  	v48 =	vld.idx.msk [tilespmem:v0+s7+$0x0], $0xffff  }
0x3d1: {  	v49 =	vld.idx.msk [tilespmem:v0+s12+$0x0], $0xffff  }
0x3d2: {  	v50 =	vld.idx.msk [tilespmem:v0+s15+$0x0], $0xffff  }
0x3d3: {  	v52 =	vld.idx.msk [tilespmem:v0+s20+$0x0], $0xffff  }
0x3d4: {  	v54 =	vld.idx.msk [tilespmem:v0+s21+$0x0], $0xffff  }
0x3d5: {  	v51 =	vld.idx.msk [tilespmem:v0+s16+$0x0], $0xffff  }
0x3d6: {  	v55 =	vld.idx.msk [tilespmem:v0+s22+$0x0], $0xffff  }
0x3d7: {  	v57 =	vld.idx.msk [tilespmem:v0+s13+$0x0], $0xffff  }
0x3d8: {  	v59 =	vshll.u32 v53, $0x10;
	v58 =	vld.idx.msk [tilespmem:v0+s17+$0x0], $0xffff;
	v1 =	vmul.f32 v53, v48  }
0x3d9: {  	v5 =	vmul.f32 v53, v52;
	v7 =	vmul.f32 v59, v54  }
0x3da: {  	v12 =	vshll.u32 v61, $0x10;
	v60 =	vld.idx.msk [tilespmem:v0+s23+$0x0], $0xffff;
	v2 =	vmul.f32 v59, v49;
	v3 =	vmul.f32 v53, v50  }
0x3db: {  	v63 =	vld.idx.msk [tilespmem:v0+s14+$0x0], $0xffff;
	v4 =	vmul.f32 v59, v51;
	v62 =	vmul.f32 v56, v55;
	v5 =	vadd.f32 v7, v5  }
0x3dc: {  	v14 =	vadd.f32 $-5.120000000e+02, v61;
	v0 =	vld.idx.msk [tilespmem:v0+s19+$0x0], $0xffff;
	v10 =	vmul.f32 v56, v57;
	v1 =	vadd.f32 v2, v1  }
0x3dd: {  	v11 =	vmul.f32 v56, v58;
	v3 =	vadd.f32 v4, v3;
	v5 =	vadd.f32 v5, v62  }
0x3de: {  	v2 =	vadd.f32 $-5.120000000e+02, v12;
	v1 =	vadd.f32 v1, v10  }
0x3df: {  	v3 =	vadd.f32 v3, v11;
	v13 =	vadd.f32 v5, v60  }
0x3e0: {  	v1 =	vadd.f32 v1, v63  }
0x3e1: {  	v0 =	vadd.f32 v3, v0;
	v15 =	vmul.f32 v13, v14;
	v2 =	vmul.f32 v13, v2;
	_ =	sdelay $0x1  }
0x3e2: {  	v1 =	vsub.f32 v1, v15;
	v0 =	vsub.f32 v0, v2;
	_ =	sdelay $0x1  }
0x3e3: {  	v1 =	vmul.f32 v1, v1;
	v0 =	vmul.f32 v0, v0;
	_ =	sdelay $0x1  }
0x3e4: {  	v0 =	vadd.f32 v0, v1;
	_ =	sdelay $0x1  }
0x3e5: {  	v16 =	vmul.f32 v13, v13;
	v17 =	vshrl.u32 v0, $0x1;
	v18 =	vmul.f32 $5.000000000e-01, v0  }
0x3e6: {  	v2 =	vsub.s32 $0x5F3759DF, v17  }
0x3e7: {  	v4 =	vshrl.u32 v16, $0x1;
	v1 =	vmul.f32 $5.000000000e-01, v16;
	v19 =	vmul.f32 v2, v18  }
0x3e8: {  	v4 =	vsub.s32 $0x5F3759DF, v4  }
0x3e9: {  	v20 =	vmul.f32 v4, v1;
	v5 =	vmul.f32 v2, v19;
	_ =	sdelay $0x1  }
0x3ea: {  	v6 =	vmul.f32 v4, v20;
	v5 =	vsub.f32 $1.500000000e+00, v5;
	_ =	sdelay $0x1  }
0x3eb: {  	v21 =	vsub.f32 $1.500000000e+00, v6;
	v2 =	vmul.f32 v2, v5;
	_ =	sdelay $0x1  }
0x3ec: {  	v4 =	vmul.f32 v4, v21;
	v3 =	vmul.f32 v2, v18;
	_ =	sdelay $0x1  }
0x3ed: {  	v1 =	vmul.f32 v4, v1;
	v3 =	vmul.f32 v3, v2;
	_ =	sdelay $0x1  }
0x3ee: {  	v1 =	vmul.f32 v1, v4;
	v3 =	vsub.f32 $1.500000000e+00, v3;
	_ =	sdelay $0x1  }
0x3ef: {  	v1 =	vsub.f32 $1.500000000e+00, v1;
	v2 =	vmul.f32 v3, v2;
	_ =	sdelay $0x1  }
0x3f0: {  	v1 =	vmul.f32 v1, v4;
	v0 =	vmul.f32 v2, v0;
	_ =	sdelay $0x1  }
0x3f1: {  	v0 =	vmul.f32 v0, v1;
	_ =	sdelay $0x1  }
0x3f2: {  	[tilespmem:s10+$0xFFFFFFE0] =	vst v0  }
0x3f3: {  	v0 =	vld [tilespmem:s31+$0xFFFFFFF0];
	_ =	sdelay $0x4  }
0x3f4: {  	v27 =	vld [tilespmem:s1+$0xFFFFFFF0]  }
0x3f5: {  	v30 =	vld [tilespmem:s0+$0xFFFFFFF0]  }
0x3f6: {  	v35 =	vld [tilespmem:s9+$0xFFFFFFF0]  }
0x3f7: {  	v22 =	vld.idx.msk [tilespmem:v0+s7+$0x0], $0xffff  }
0x3f8: {  	v23 =	vld.idx.msk [tilespmem:v0+s12+$0x0], $0xffff  }
0x3f9: {  	v24 =	vld.idx.msk [tilespmem:v0+s15+$0x0], $0xffff  }
0x3fa: {  	v26 =	vld.idx.msk [tilespmem:v0+s20+$0x0], $0xffff  }
0x3fb: {  	v28 =	vld.idx.msk [tilespmem:v0+s21+$0x0], $0xffff  }
0x3fc: {  	v25 =	vld.idx.msk [tilespmem:v0+s16+$0x0], $0xffff  }
0x3fd: {  	v29 =	vld.idx.msk [tilespmem:v0+s22+$0x0], $0xffff  }
0x3fe: {  	v31 =	vld.idx.msk [tilespmem:v0+s13+$0x0], $0xffff  }
0x3ff: {  	v33 =	vshll.u32 v27, $0x10;
	v32 =	vld.idx.msk [tilespmem:v0+s17+$0x0], $0xffff;
	v1 =	vmul.f32 v27, v22  }
0x400: {  	v5 =	vmul.f32 v27, v26;
	v7 =	vmul.f32 v33, v28  }
0x401: {  	v40 =	vshll.u32 v35, $0x10;
	v34 =	vld.idx.msk [tilespmem:v0+s23+$0x0], $0xffff;
	v2 =	vmul.f32 v33, v23;
	v3 =	vmul.f32 v27, v24  }
0x402: {  	v37 =	vld.idx.msk [tilespmem:v0+s14+$0x0], $0xffff;
	v4 =	vmul.f32 v33, v25;
	v36 =	vmul.f32 v30, v29;
	v5 =	vadd.f32 v7, v5  }
0x403: {  	v42 =	vadd.f32 $-5.120000000e+02, v35;
	v0 =	vld.idx.msk [tilespmem:v0+s19+$0x0], $0xffff;
	v38 =	vmul.f32 v30, v31;
	v1 =	vadd.f32 v2, v1  }
0x404: {  	v39 =	vmul.f32 v30, v32;
	v3 =	vadd.f32 v4, v3;
	v5 =	vadd.f32 v5, v36  }
0x405: {  	v2 =	vadd.f32 $-5.120000000e+02, v40;
	v1 =	vadd.f32 v1, v38  }
0x406: {  	v3 =	vadd.f32 v3, v39;
	v41 =	vadd.f32 v5, v34  }
0x407: {  	v1 =	vadd.f32 v1, v37  }
0x408: {  	v0 =	vadd.f32 v3, v0;
	v43 =	vmul.f32 v41, v42;
	v2 =	vmul.f32 v41, v2;
	_ =	sdelay $0x1  }
0x409: {  	v1 =	vsub.f32 v1, v43;
	v0 =	vsub.f32 v0, v2;
	_ =	sdelay $0x1  }
0x40a: {  	v1 =	vmul.f32 v1, v1;
	v0 =	vmul.f32 v0, v0;
	_ =	sdelay $0x1  }
0x40b: {  	v0 =	vadd.f32 v0, v1;
	_ =	sdelay $0x1  }
0x40c: {  	v44 =	vmul.f32 v41, v41;
	v45 =	vshrl.u32 v0, $0x1;
	v46 =	vmul.f32 $5.000000000e-01, v0  }
0x40d: {  	v2 =	vsub.s32 $0x5F3759DF, v45  }
0x40e: {  	v4 =	vshrl.u32 v44, $0x1;
	v1 =	vmul.f32 $5.000000000e-01, v44;
	v47 =	vmul.f32 v2, v46  }
0x40f: {  	v4 =	vsub.s32 $0x5F3759DF, v4  }
0x410: {  	v48 =	vmul.f32 v4, v1;
	v5 =	vmul.f32 v2, v47;
	_ =	sdelay $0x1  }
0x411: {  	v6 =	vmul.f32 v4, v48;
	v5 =	vsub.f32 $1.500000000e+00, v5;
	_ =	sdelay $0x1  }
0x412: {  	v49 =	vsub.f32 $1.500000000e+00, v6;
	v2 =	vmul.f32 v2, v5;
	_ =	sdelay $0x1  }
0x413: {  	v4 =	vmul.f32 v4, v49;
	v3 =	vmul.f32 v2, v46;
	_ =	sdelay $0x1  }
0x414: {  	v1 =	vmul.f32 v4, v1;
	v3 =	vmul.f32 v3, v2;
	_ =	sdelay $0x1  }
0x415: {  	v1 =	vmul.f32 v1, v4;
	v3 =	vsub.f32 $1.500000000e+00, v3;
	_ =	sdelay $0x1  }
0x416: {  	v1 =	vsub.f32 $1.500000000e+00, v1;
	v2 =	vmul.f32 v3, v2;
	_ =	sdelay $0x1  }
0x417: {  	v1 =	vmul.f32 v1, v4;
	v0 =	vmul.f32 v2, v0;
	_ =	sdelay $0x1  }
0x418: {  	v0 =	vmul.f32 v0, v1;
	_ =	sdelay $0x1  }
0x419: {  	[tilespmem:s10+$0xFFFFFFF0] =	vst v0  }
0x41a: {  	v0 =	vld [tilespmem:s31+$0x0];
	_ =	sdelay $0x4  }
0x41b: {  	v55 =	vld [tilespmem:s1+$0x0]  }
0x41c: {  	v58 =	vld [tilespmem:s0+$0x0]  }
0x41d: {  	v63 =	vld [tilespmem:s9+$0x0]  }
0x41e: {  	v50 =	vld.idx.msk [tilespmem:v0+s7+$0x0], $0xffff  }
0x41f: {  	v51 =	vld.idx.msk [tilespmem:v0+s12+$0x0], $0xffff  }
0x420: {  	v52 =	vld.idx.msk [tilespmem:v0+s15+$0x0], $0xffff  }
0x421: {  	v54 =	vld.idx.msk [tilespmem:v0+s20+$0x0], $0xffff  }
0x422: {  	v56 =	vld.idx.msk [tilespmem:v0+s21+$0x0], $0xffff  }
0x423: {  	v53 =	vld.idx.msk [tilespmem:v0+s16+$0x0], $0xffff  }
0x424: {  	v57 =	vld.idx.msk [tilespmem:v0+s22+$0x0], $0xffff  }
0x425: {  	v59 =	vld.idx.msk [tilespmem:v0+s13+$0x0], $0xffff  }
0x426: {  	v61 =	vshll.u32 v55, $0x10;
	v60 =	vld.idx.msk [tilespmem:v0+s17+$0x0], $0xffff;
	v1 =	vmul.f32 v55, v50  }
0x427: {  	v5 =	vmul.f32 v55, v54;
	v7 =	vmul.f32 v61, v56  }
0x428: {  	v18 =	vshll.u32 v63, $0x10;
	v62 =	vld.idx.msk [tilespmem:v0+s23+$0x0], $0xffff;
	v2 =	vmul.f32 v61, v51;
	v3 =	vmul.f32 v55, v52  }
0x429: {  	v15 =	vld.idx.msk [tilespmem:v0+s14+$0x0], $0xffff;
	v4 =	vmul.f32 v61, v53;
	v12 =	vmul.f32 v58, v57;
	v5 =	vadd.f32 v7, v5  }
0x42a: {  	v20 =	vadd.f32 $-5.120000000e+02, v63;
	v0 =	vld.idx.msk [tilespmem:v0+s19+$0x0], $0xffff;
	v16 =	vmul.f32 v58, v59;
	v1 =	vadd.f32 v2, v1  }
0x42b: {  	v17 =	vmul.f32 v58, v60;
	v3 =	vadd.f32 v4, v3;
	v5 =	vadd.f32 v5, v12  }
0x42c: {  	v2 =	vadd.f32 $-5.120000000e+02, v18;
	v1 =	vadd.f32 v1, v16  }
0x42d: {  	v3 =	vadd.f32 v3, v17;
	v19 =	vadd.f32 v5, v62  }
0x42e: {  	v1 =	vadd.f32 v1, v15  }
0x42f: {  	v0 =	vadd.f32 v3, v0;
	v21 =	vmul.f32 v19, v20;
	v2 =	vmul.f32 v19, v2;
	_ =	sdelay $0x1  }
0x430: {  	v1 =	vsub.f32 v1, v21;
	v0 =	vsub.f32 v0, v2;
	_ =	sdelay $0x1  }
0x431: {  	v1 =	vmul.f32 v1, v1;
	v0 =	vmul.f32 v0, v0;
	_ =	sdelay $0x1  }
0x432: {  	v0 =	vadd.f32 v0, v1;
	_ =	sdelay $0x1  }
0x433: {  	v22 =	vmul.f32 v19, v19;
	v23 =	vshrl.u32 v0, $0x1;
	v24 =	vmul.f32 $5.000000000e-01, v0  }
0x434: {  	v2 =	vsub.s32 $0x5F3759DF, v23  }
0x435: {  	v4 =	vshrl.u32 v22, $0x1;
	v1 =	vmul.f32 $5.000000000e-01, v22;
	v25 =	vmul.f32 v2, v24  }
0x436: {  	v4 =	vsub.s32 $0x5F3759DF, v4  }
0x437: {  	v26 =	vmul.f32 v4, v1;
	v5 =	vmul.f32 v2, v25;
	_ =	sdelay $0x1  }
0x438: {  	v6 =	vmul.f32 v4, v26;
	v5 =	vsub.f32 $1.500000000e+00, v5;
	_ =	sdelay $0x1  }
0x439: {  	v27 =	vsub.f32 $1.500000000e+00, v6;
	v2 =	vmul.f32 v2, v5;
	_ =	sdelay $0x1  }
0x43a: {  	v4 =	vmul.f32 v4, v27;
	v3 =	vmul.f32 v2, v24;
	_ =	sdelay $0x1  }
0x43b: {  	v1 =	vmul.f32 v4, v1;
	v3 =	vmul.f32 v3, v2;
	_ =	sdelay $0x1  }
0x43c: {  	v1 =	vmul.f32 v1, v4;
	v3 =	vsub.f32 $1.500000000e+00, v3;
	_ =	sdelay $0x1  }
0x43d: {  	v1 =	vsub.f32 $1.500000000e+00, v1;
	v2 =	vmul.f32 v3, v2;
	_ =	sdelay $0x1  }
0x43e: {  	v1 =	vmul.f32 v1, v4;
	v0 =	vmul.f32 v2, v0;
	_ =	sdelay $0x1  }
0x43f: {  	v0 =	vmul.f32 v0, v1;
	_ =	sdelay $0x1  }
0x440: {  	[tilespmem:s10+$0x0] =	vst v0  }
0x441: {  	v0 =	vld [tilespmem:s31+$0x10];
	_ =	sdelay $0x4  }
0x442: {  	v33 =	vld [tilespmem:s1+$0x10]  }
0x443: {  	v36 =	vld [tilespmem:s0+$0x10]  }
0x444: {  	v41 =	vld [tilespmem:s9+$0x10]  }
0x445: {  	v28 =	vld.idx.msk [tilespmem:v0+s7+$0x0], $0xffff  }
0x446: {  	v29 =	vld.idx.msk [tilespmem:v0+s12+$0x0], $0xffff  }
0x447: {  	v30 =	vld.idx.msk [tilespmem:v0+s15+$0x0], $0xffff  }
0x448: {  	v32 =	vld.idx.msk [tilespmem:v0+s20+$0x0], $0xffff  }
0x449: {  	v34 =	vld.idx.msk [tilespmem:v0+s21+$0x0], $0xffff  }
0x44a: {  	v31 =	vld.idx.msk [tilespmem:v0+s16+$0x0], $0xffff  }
0x44b: {  	v35 =	vld.idx.msk [tilespmem:v0+s22+$0x0], $0xffff  }
0x44c: {  	v37 =	vld.idx.msk [tilespmem:v0+s13+$0x0], $0xffff  }
0x44d: {  	v39 =	vshll.u32 v33, $0x10;
	v38 =	vld.idx.msk [tilespmem:v0+s17+$0x0], $0xffff;
	v1 =	vmul.f32 v33, v28  }
0x44e: {  	v5 =	vmul.f32 v33, v32;
	v7 =	vmul.f32 v39, v34  }
0x44f: {  	v46 =	vshll.u32 v41, $0x10;
	v40 =	vld.idx.msk [tilespmem:v0+s23+$0x0], $0xffff;
	v2 =	vmul.f32 v39, v29;
	v3 =	vmul.f32 v33, v30  }
0x450: {  	v43 =	vld.idx.msk [tilespmem:v0+s14+$0x0], $0xffff;
	v4 =	vmul.f32 v39, v31;
	v42 =	vmul.f32 v36, v35;
	v5 =	vadd.f32 v7, v5  }
0x451: {  	v48 =	vadd.f32 $-5.120000000e+02, v41;
	v0 =	vld.idx.msk [tilespmem:v0+s19+$0x0], $0xffff;
	v44 =	vmul.f32 v36, v37;
	v1 =	vadd.f32 v2, v1  }
0x452: {  	v45 =	vmul.f32 v36, v38;
	v3 =	vadd.f32 v4, v3;
	v5 =	vadd.f32 v5, v42  }
0x453: {  	v2 =	vadd.f32 $-5.120000000e+02, v46;
	v1 =	vadd.f32 v1, v44  }
0x454: {  	v3 =	vadd.f32 v3, v45;
	v47 =	vadd.f32 v5, v40  }
0x455: {  	v1 =	vadd.f32 v1, v43  }
0x456: {  	v0 =	vadd.f32 v3, v0;
	v49 =	vmul.f32 v47, v48;
	v2 =	vmul.f32 v47, v2;
	_ =	sdelay $0x1  }
0x457: {  	v1 =	vsub.f32 v1, v49;
	v0 =	vsub.f32 v0, v2;
	_ =	sdelay $0x1  }
0x458: {  	v1 =	vmul.f32 v1, v1;
	v0 =	vmul.f32 v0, v0;
	_ =	sdelay $0x1  }
0x459: {  	v0 =	vadd.f32 v0, v1;
	_ =	sdelay $0x1  }
0x45a: {  	v50 =	vmul.f32 v47, v47;
	v51 =	vshrl.u32 v0, $0x1;
	v52 =	vmul.f32 $5.000000000e-01, v0  }
0x45b: {  	v2 =	vsub.s32 $0x5F3759DF, v51  }
0x45c: {  	v4 =	vshrl.u32 v50, $0x1;
	v1 =	vmul.f32 $5.000000000e-01, v50;
	v53 =	vmul.f32 v2, v52  }
0x45d: {  	v4 =	vsub.s32 $0x5F3759DF, v4  }
0x45e: {  	v54 =	vmul.f32 v4, v1;
	v5 =	vmul.f32 v2, v53;
	_ =	sdelay $0x1  }
0x45f: {  	v6 =	vmul.f32 v4, v54;
	v5 =	vsub.f32 $1.500000000e+00, v5;
	_ =	sdelay $0x1  }
0x460: {  	v55 =	vsub.f32 $1.500000000e+00, v6;
	v2 =	vmul.f32 v2, v5;
	_ =	sdelay $0x1  }
0x461: {  	v4 =	vmul.f32 v4, v55;
	v3 =	vmul.f32 v2, v52;
	_ =	sdelay $0x1  }
0x462: {  	v1 =	vmul.f32 v4, v1;
	v3 =	vmul.f32 v3, v2;
	_ =	sdelay $0x1  }
0x463: {  	v1 =	vmul.f32 v1, v4;
	v3 =	vsub.f32 $1.500000000e+00, v3;
	_ =	sdelay $0x1  }
0x464: {  	v1 =	vsub.f32 $1.500000000e+00, v1;
	v2 =	vmul.f32 v3, v2;
	_ =	sdelay $0x1  }
0x465: {  	v1 =	vmul.f32 v1, v4;
	v0 =	vmul.f32 v2, v0;
	_ =	sdelay $0x1  }
0x466: {  	v0 =	vmul.f32 v0, v1;
	_ =	sdelay $0x1  }
0x467: {  	[tilespmem:s10+$0x10] =	vst v0  }
0x468: {  	v0 =	vld [tilespmem:s31+$0x20];
	_ =	sdelay $0x4  }
0x469: {  	v61 =	vld [tilespmem:s1+$0x20]  }
0x46a: {  	v16 =	vld [tilespmem:s0+$0x20]  }
0x46b: {  	v21 =	vld [tilespmem:s9+$0x20]  }
0x46c: {  	v56 =	vld.idx.msk [tilespmem:v0+s7+$0x0], $0xffff  }
0x46d: {  	v57 =	vld.idx.msk [tilespmem:v0+s12+$0x0], $0xffff  }
0x46e: {  	v58 =	vld.idx.msk [tilespmem:v0+s15+$0x0], $0xffff  }
0x46f: {  	v60 =	vld.idx.msk [tilespmem:v0+s20+$0x0], $0xffff  }
0x470: {  	v62 =	vld.idx.msk [tilespmem:v0+s21+$0x0], $0xffff  }
0x471: {  	v59 =	vld.idx.msk [tilespmem:v0+s16+$0x0], $0xffff  }
0x472: {  	v63 =	vld.idx.msk [tilespmem:v0+s22+$0x0], $0xffff  }
0x473: {  	v17 =	vld.idx.msk [tilespmem:v0+s13+$0x0], $0xffff  }
0x474: {  	v19 =	vshll.u32 v61, $0x10;
	v18 =	vld.idx.msk [tilespmem:v0+s17+$0x0], $0xffff;
	v1 =	vmul.f32 v61, v56  }
0x475: {  	v5 =	vmul.f32 v61, v60;
	v7 =	vmul.f32 v19, v62  }
0x476: {  	v26 =	vshll.u32 v21, $0x10;
	v20 =	vld.idx.msk [tilespmem:v0+s23+$0x0], $0xffff;
	v2 =	vmul.f32 v19, v57;
	v3 =	vmul.f32 v61, v58  }
0x477: {  	v23 =	vld.idx.msk [tilespmem:v0+s14+$0x0], $0xffff;
	v4 =	vmul.f32 v19, v59;
	v22 =	vmul.f32 v16, v63;
	v5 =	vadd.f32 v7, v5  }
0x478: {  	v28 =	vadd.f32 $-5.120000000e+02, v21;
	v0 =	vld.idx.msk [tilespmem:v0+s19+$0x0], $0xffff;
	v24 =	vmul.f32 v16, v17;
	v1 =	vadd.f32 v2, v1  }
0x479: {  	v25 =	vmul.f32 v16, v18;
	v3 =	vadd.f32 v4, v3;
	v5 =	vadd.f32 v5, v22  }
0x47a: {  	v2 =	vadd.f32 $-5.120000000e+02, v26;
	v1 =	vadd.f32 v1, v24  }
0x47b: {  	v3 =	vadd.f32 v3, v25;
	v27 =	vadd.f32 v5, v20  }
0x47c: {  	v1 =	vadd.f32 v1, v23  }
0x47d: {  	v0 =	vadd.f32 v3, v0;
	v29 =	vmul.f32 v27, v28;
	v2 =	vmul.f32 v27, v2;
	_ =	sdelay $0x1  }
0x47e: {  	v1 =	vsub.f32 v1, v29;
	v0 =	vsub.f32 v0, v2;
	_ =	sdelay $0x1  }
0x47f: {  	v1 =	vmul.f32 v1, v1;
	v0 =	vmul.f32 v0, v0;
	_ =	sdelay $0x1  }
0x480: {  	v0 =	vadd.f32 v0, v1;
	_ =	sdelay $0x1  }
0x481: {  	v30 =	vmul.f32 v27, v27;
	v31 =	vshrl.u32 v0, $0x1;
	v32 =	vmul.f32 $5.000000000e-01, v0  }
0x482: {  	v2 =	vsub.s32 $0x5F3759DF, v31  }
0x483: {  	v4 =	vshrl.u32 v30, $0x1;
	v1 =	vmul.f32 $5.000000000e-01, v30;
	v33 =	vmul.f32 v2, v32  }
0x484: {  	v4 =	vsub.s32 $0x5F3759DF, v4  }
0x485: {  	v34 =	vmul.f32 v4, v1;
	v5 =	vmul.f32 v2, v33;
	_ =	sdelay $0x1  }
0x486: {  	v6 =	vmul.f32 v4, v34;
	v5 =	vsub.f32 $1.500000000e+00, v5;
	_ =	sdelay $0x1  }
0x487: {  	v35 =	vsub.f32 $1.500000000e+00, v6;
	v2 =	vmul.f32 v2, v5;
	_ =	sdelay $0x1  }
0x488: {  	v4 =	vmul.f32 v4, v35;
	v3 =	vmul.f32 v2, v32;
	_ =	sdelay $0x1  }
0x489: {  	v1 =	vmul.f32 v4, v1;
	v3 =	vmul.f32 v3, v2;
	_ =	sdelay $0x1  }
0x48a: {  	v1 =	vmul.f32 v1, v4;
	v3 =	vsub.f32 $1.500000000e+00, v3;
	_ =	sdelay $0x1  }
0x48b: {  	v1 =	vsub.f32 $1.500000000e+00, v1;
	v2 =	vmul.f32 v3, v2;
	_ =	sdelay $0x1  }
0x48c: {  	v1 =	vmul.f32 v1, v4;
	v0 =	vmul.f32 v2, v0;
	_ =	sdelay $0x1  }
0x48d: {  	v0 =	vmul.f32 v0, v1;
	_ =	sdelay $0x1  }
0x48e: {  	[tilespmem:s10+$0x20] =	vst v0  }
0x48f: {  	v0 =	vld [tilespmem:s31+$0x30];
	_ =	sdelay $0x4  }
0x490: {  	v41 =	vld [tilespmem:s1+$0x30]  }
0x491: {  	v44 =	vld [tilespmem:s0+$0x30]  }
0x492: {  	v49 =	vld [tilespmem:s9+$0x30]  }
0x493: {  	v36 =	vld.idx.msk [tilespmem:v0+s7+$0x0], $0xffff  }
0x494: {  	v37 =	vld.idx.msk [tilespmem:v0+s12+$0x0], $0xffff  }
0x495: {  	v38 =	vld.idx.msk [tilespmem:v0+s15+$0x0], $0xffff  }
0x496: {  	v40 =	vld.idx.msk [tilespmem:v0+s20+$0x0], $0xffff  }
0x497: {  	v42 =	vld.idx.msk [tilespmem:v0+s21+$0x0], $0xffff  }
0x498: {  	v39 =	vld.idx.msk [tilespmem:v0+s16+$0x0], $0xffff  }
0x499: {  	v43 =	vld.idx.msk [tilespmem:v0+s22+$0x0], $0xffff  }
0x49a: {  	v45 =	vld.idx.msk [tilespmem:v0+s13+$0x0], $0xffff  }
0x49b: {  	v47 =	vshll.u32 v41, $0x10;
	v46 =	vld.idx.msk [tilespmem:v0+s17+$0x0], $0xffff;
	v1 =	vmul.f32 v41, v36  }
0x49c: {  	v5 =	vmul.f32 v41, v40;
	v7 =	vmul.f32 v47, v42  }
0x49d: {  	v54 =	vshll.u32 v49, $0x10;
	v48 =	vld.idx.msk [tilespmem:v0+s23+$0x0], $0xffff;
	v2 =	vmul.f32 v47, v37;
	v3 =	vmul.f32 v41, v38  }
0x49e: {  	v51 =	vld.idx.msk [tilespmem:v0+s14+$0x0], $0xffff;
	v4 =	vmul.f32 v47, v39;
	v50 =	vmul.f32 v44, v43;
	v5 =	vadd.f32 v7, v5  }
0x49f: {  	v56 =	vadd.f32 $-5.120000000e+02, v49;
	v0 =	vld.idx.msk [tilespmem:v0+s19+$0x0], $0xffff;
	v52 =	vmul.f32 v44, v45;
	v1 =	vadd.f32 v2, v1  }
0x4a0: {  	v53 =	vmul.f32 v44, v46;
	v3 =	vadd.f32 v4, v3;
	v5 =	vadd.f32 v5, v50  }
0x4a1: {  	v2 =	vadd.f32 $-5.120000000e+02, v54;
	v1 =	vadd.f32 v1, v52  }
0x4a2: {  	v3 =	vadd.f32 v3, v53;
	v55 =	vadd.f32 v5, v48  }
0x4a3: {  	v1 =	vadd.f32 v1, v51  }
0x4a4: {  	v0 =	vadd.f32 v3, v0;
	v57 =	vmul.f32 v55, v56;
	v2 =	vmul.f32 v55, v2;
	_ =	sdelay $0x1  }
0x4a5: {  	v1 =	vsub.f32 v1, v57;
	v0 =	vsub.f32 v0, v2;
	_ =	sdelay $0x1  }
0x4a6: {  	v1 =	vmul.f32 v1, v1;
	v0 =	vmul.f32 v0, v0;
	_ =	sdelay $0x1  }
0x4a7: {  	v0 =	vadd.f32 v0, v1;
	_ =	sdelay $0x1  }
0x4a8: {  	v58 =	vmul.f32 v55, v55;
	v59 =	vshrl.u32 v0, $0x1;
	v60 =	vmul.f32 $5.000000000e-01, v0  }
0x4a9: {  	v2 =	vsub.s32 $0x5F3759DF, v59  }
0x4aa: {  	v4 =	vshrl.u32 v58, $0x1;
	v1 =	vmul.f32 $5.000000000e-01, v58;
	v61 =	vmul.f32 v2, v60  }
0x4ab: {  	v4 =	vsub.s32 $0x5F3759DF, v4  }
0x4ac: {  	v62 =	vmul.f32 v4, v1;
	v5 =	vmul.f32 v2, v61;
	_ =	sdelay $0x1  }
0x4ad: {  	v6 =	vmul.f32 v4, v62;
	v5 =	vsub.f32 $1.500000000e+00, v5;
	_ =	sdelay $0x1  }
0x4ae: {  	v63 =	vsub.f32 $1.500000000e+00, v6;
	v2 =	vmul.f32 v2, v5;
	_ =	sdelay $0x1  }
0x4af: {  	v4 =	vmul.f32 v4, v63;
	v3 =	vmul.f32 v2, v60;
	_ =	sdelay $0x1  }
0x4b0: {  	v1 =	vmul.f32 v4, v1;
	v3 =	vmul.f32 v3, v2;
	_ =	sdelay $0x1  }
0x4b1: {  	v1 =	vmul.f32 v1, v4;
	v3 =	vsub.f32 $1.500000000e+00, v3;
	_ =	sdelay $0x1  }
0x4b2: {  	s28 =	sadd.s32 $0x8, s28;
	v1 =	vsub.f32 $1.500000000e+00, v1;
	v2 =	vmul.f32 v3, v2  }
0x4b3: {  	p1 =	slt.u32 s28, $0xC0  }
.Ltmp9:
0x4b4: {  	v1 =	vmul.f32 v1, v4;
	v0 =	vmul.f32 v2, v0;
	(pc) =	sbr.rel @p1 .LBB2_12-.Ltmp9, $4  }
0x4b5: {  	_ = 	snop  }
0x4b6: {  	v0 =	vmul.f32 v0, v1  }
0x4b7: {  	s31 =	sadd.s32 $0x80, s31;
	s1 =	sadd.s32 $0x80, s1  }
0x4b8: {  	s0 =	sadd.s32 $0x80, s0;
	s9 =	sadd.s32 $0x80, s9;
	[tilespmem:s10+$0x30] =	vst v0;
	s10 =	sadd.s32 $0x80, s10  }
0x4b9: {  	s0 =	sshll.u32 s29, $0x5  }
.Ltmp10:
0x4ba: {  	s0 =	sor.u32 s11, s0;
	(pc) =	sbr.rel .LBB2_14-.Ltmp10, $3  }
0x4bb: {  	s0 =	smul.u32 $0x190, s0;
	_ =	sdelay $0x1  }
0x4bc: {  	s1 =	simm.s32 $0x13480;
	s0 =	sadd.s32 s4, s0  }
0x4bd: {  	[hbm4b:s0+s7] =	stream.linear.scatter [tilespmem:s1], [sflag:$0x9], $0xC80, $0x38;
	[tilespmem:$0x1A2B0] =	vst v63  }
.LBB2_16:
0x4be: {  	_ =	sfence.sel $0x180000  }
0x4bf: {  	[bflag:$0x0] =	sbarrier.arrive $0xFFFF  }
0x4c0: {  	_ =	strace $0x90000047  }
0x4c1: {  	[bflag:$0x2] =	sbarrier.arrive $0xFFFF  }
0x4c2: {  	s0 =	rddreg [dreg:$0x6]  }
0x4c3: {  	s0 =	sadd.s32 @!p0 $0x100000, s0  }
0x4c4: {  	[sflag:s0] =	ssyncadd.tile.s32 @!p0 $0x1;
	_ =	shalt  }
.Lfunc_end2:
_tile_overlayer_lowered:
.L_overlay_start_2:
0x4c5: {  	(tag) =	ssettag $0x2  }
0x4c6: {  	s0 =	rddreg [dreg:$0x0];
	s2 =	stileid.u32  }
0x4c7: {  	s1 =	rddreg [dreg:$0x1];
	p0 =	sne.s32 s2, $0x0  }
0x4c8: {  	s3 =	rddreg [dreg:$0x2];
	[bflag:$0x3] =	sbarrier.arrive $0xFFFF;
	s2 =	simm.s32 @!p0 $0x1C0A  }
0x4c9: {  	[timem:s3], [sflag:s2] =	dma.local @!p0 [hbm:s0], s1  }
0x4ca: {  	s0 =	simm.s32 @!p0 $0xA  }
0x4cb: {  	_ =	swait.ge @!p0 [sflag:s0], s1  }
0x4cc: {  	s1 =	ssub.s32 @!p0 $0x0, s1;
	[sflag:s0] =	ssyncset.done @!p0 $0x0  }
0x4cd: {  	[sflag:s0] =	ssyncadd.s32 @!p0 s1  }
0x4ce: {  	[bflag:$0x3] =	sbarrier.arrive $0xFFFF  }
0x4cf: {  	_ =	shalt  }

</sc_bundles>
